<compile_context>
chip_gen: v7x
topology: tpu7x:2x2x1
jax: 0.10.2.dev20260603
libtpu: 0.0.44.dev20260713+nightly
codegen_flags: <defaults>
</compile_context>

<pallas_src>
import functools

import jax
import jax.numpy as jnp
from jax import lax
from jax.experimental import pallas as pl
from jax.experimental.pallas import tpu as pltpu
from jax.experimental.pallas import tpu_sc as plsc

_K = 128


def _mesh():
    return plsc.VectorSubcoreMesh(core_axis_name="c", subcore_axis_name="s")


def _row_split(n, ns):
    rpt = n // ns
    assert rpt * ns == n
    sz = -((rpt + 7) // -8) * 8
    assert ((ns - 1) * rpt // 8) * 8 + sz == n
    return rpt, sz


@functools.lru_cache(maxsize=None)
def _deg_call(n, cpw, nc, ns):
    nw = nc * ns
    rpt, sz = _row_split(n, ns)
    nb = 4
    assert cpw % nb == 0 and cpw > nb

    @functools.partial(
        pl.kernel,
        out_type=jax.ShapeDtypeStruct((nc, n, 16), jnp.float32),
        mesh=_mesh(),
        compiler_params=pltpu.CompilerParams(use_tc_tiling_on_sc=False),
        scratch_types=[
            pltpu.VMEM((cpw, _K), jnp.int32),
            pltpu.VMEM((_K, 16), jnp.float32),
            pltpu.VMEM_SHARED((n + _K, 16), jnp.float32),
        ] + [pltpu.SemaphoreType.DMA] * nb,
    )
    def deg_kernel(dst_hbm, ones_hbm, zeros_hbm, out_hbm,
                   idx_v, ones_v, acc_sh, *sems):
        c_ax = lax.axis_index("c")
        s_ax = lax.axis_index("s")
        w = c_ax * ns + s_ax
        start = pl.multiple_of(s_ax * rpt // 8 * 8, 8)
        pltpu.sync_copy(ones_hbm, ones_v)
        pltpu.sync_copy(dst_hbm.at[pl.ds(w * cpw, cpw)], idx_v)
        pltpu.sync_copy(zeros_hbm.at[pl.ds(start, sz)],
                        acc_sh.at[pl.ds(start, sz)])
        plsc.subcore_barrier()
        for b in range(nb):
            pltpu.async_copy(ones_v, acc_sh.at[idx_v.at[b]], sems[b],
                             add=True)

        def round_body(r, carry):
            for b in range(nb):
                c = nb + r * nb + b
                pltpu.make_async_copy(ones_v, acc_sh.at[idx_v.at[c - nb]],
                                      sems[b]).wait()
                pltpu.async_copy(ones_v, acc_sh.at[idx_v.at[c]], sems[b],
                                 add=True)
            return carry

        lax.fori_loop(0, cpw // nb - 1, round_body, jnp.int32(0))
        for b in range(nb):
            pltpu.make_async_copy(ones_v, acc_sh.at[idx_v.at[cpw - nb + b]],
                                  sems[b]).wait()
        plsc.subcore_barrier()
        pltpu.sync_copy(acc_sh.at[pl.ds(start, sz)],
                        out_hbm.at[c_ax, pl.ds(start, sz)])

    return deg_kernel


@functools.lru_cache(maxsize=None)
def _agg_call(n, h, cpt, nc, ns):
    rpt, sz = _row_split(n, ns)
    hh = h // nc
    assert hh * nc == h and (hh * 4) % 64 == 0
    nb = 10
    assert cpt % nb == 0 and cpt > nb

    @functools.partial(
        pl.kernel,
        out_type=jax.ShapeDtypeStruct((n, h), jnp.float32),
        mesh=_mesh(),
        compiler_params=pltpu.CompilerParams(use_tc_tiling_on_sc=False),
        scratch_types=[
            pltpu.VMEM((cpt, _K), jnp.int32),
            pltpu.VMEM((cpt, _K), jnp.int32),
        ] + [pltpu.VMEM((_K, hh), jnp.float32)] * nb + [
            pltpu.VMEM_SHARED((n + _K, hh), jnp.float32),
            pltpu.VMEM_SHARED((n, hh), jnp.float32),
        ] + [pltpu.SemaphoreType.DMA] * (2 * nb),
    )
    def agg_kernel(src_hbm, dst_hbm, s_hbm, out_hbm, *scr):
        idx_s, idx_d = scr[0], scr[1]
        rows = scr[2:2 + nb]
        acc_sh = scr[2 + nb]
        s_sh = scr[3 + nb]
        semg = scr[4 + nb:4 + 2 * nb]
        sems = scr[4 + 2 * nb:4 + 3 * nb]
        c_ax = lax.axis_index("c")
        s_ax = lax.axis_index("s")
        start = pl.multiple_of(s_ax * rpt // 8 * 8, 8)
        col = pl.multiple_of(c_ax * hh, 8)
        pltpu.sync_copy(src_hbm.at[pl.ds(s_ax * cpt, cpt)], idx_s)
        pltpu.sync_copy(dst_hbm.at[pl.ds(s_ax * cpt, cpt)], idx_d)
        pltpu.sync_copy(s_hbm.at[pl.ds(start, sz), pl.ds(col, hh)],
                        acc_sh.at[pl.ds(start, sz)])
        pltpu.sync_copy(s_hbm.at[pl.ds(start, sz), pl.ds(col, hh)],
                        s_sh.at[pl.ds(start, sz)])
        plsc.subcore_barrier()
        for b in range(nb):
            pltpu.async_copy(s_sh.at[idx_s.at[b]], rows[b], semg[b])

        def round_body(r, carry):
            base_c = r * nb
            descs = []
            for b in range(nb):
                c = base_c + b
                pltpu.make_async_copy(s_sh.at[idx_s.at[c]], rows[b],
                                      semg[b]).wait()
                descs.append(pltpu.async_copy(
                    rows[b], acc_sh.at[idx_d.at[c]], sems[b], add=True))
            for b in range(nb):
                cn = jnp.minimum(base_c + nb + b, cpt - 1)
                descs[b].wait()
                pltpu.async_copy(s_sh.at[idx_s.at[cn]], rows[b], semg[b])
            return carry

        lax.fori_loop(0, cpt // nb, round_body, jnp.int32(0))
        for b in range(nb):
            pltpu.make_async_copy(s_sh.at[idx_s.at[cpt - 1]], rows[b],
                                  semg[b]).wait()
        plsc.subcore_barrier()
        pltpu.sync_copy(acc_sh.at[pl.ds(start, sz)],
                        out_hbm.at[pl.ds(start, sz), pl.ds(col, hh)])

    return agg_kernel


def _dot(a, b):
    return jnp.dot(a, b, precision=jax.lax.Precision.DEFAULT,
                   preferred_element_type=jnp.float32)


def _dot_exact(a, b):
    return jnp.dot(a, b, precision=jax.lax.Precision.HIGHEST,
                   preferred_element_type=jnp.float32)


def _bn_norm(agg, g, be):
    m = jnp.mean(agg, axis=0, keepdims=True)
    v = jnp.mean((agg - m) ** 2, axis=0, keepdims=True)
    return (agg - m) / jnp.sqrt(v + 1e-5) * g + be


def _tc1_body(degp_ref, x_ref, w1_ref, dinv_ref, s1_ref):
    deg = 1.0 + degp_ref[0, :, 0:1] + degp_ref[1, :, 0:1]
    dinv = lax.rsqrt(deg)
    dinv_ref[...] = dinv
    s1_ref[...] = _dot(x_ref[...], w1_ref[...]) * dinv


def _tc2_body(t1_ref, s1_ref, dinv_ref, b1_ref, g1_ref, be1_ref, w2_ref,
              h1_ref, s2_ref):
    dinv = dinv_ref[...]
    agg = dinv * t1_ref[...] + b1_ref[...]
    h1 = jnp.maximum(_bn_norm(agg, g1_ref[...], be1_ref[...]), 0.0)
    h1_ref[...] = h1
    s2_ref[...] = _dot(h1, w2_ref[...]) * dinv


def _tc3_body(t2_ref, s2_ref, dinv_ref, b2_ref, g2_ref, be2_ref, h1_ref,
              w3_ref, s3_ref):
    dinv = dinv_ref[...]
    agg = dinv * t2_ref[...] + b2_ref[...]
    h2 = jnp.maximum(_bn_norm(agg, g2_ref[...], be2_ref[...]) + h1_ref[...],
                     0.0)
    s3_ref[...] = _dot(h2, w3_ref[...]) * dinv


def _tc4_body(t3_ref, s3_ref, dinv_ref, b3_ref, g3_ref, be3_ref, batch_ref,
              sigma_ref, wf1_ref, bf1_ref, wf2_ref, bf2_ref, wfc_ref, bfc_ref,
              out_ref):
    gdim, n = out_ref.shape[0], s3_ref.shape[0]
    hdim = s3_ref.shape[1]
    dinv = dinv_ref[...]
    agg = dinv * t3_ref[...] + b3_ref[...]
    h3 = jnp.maximum(_bn_norm(agg, g3_ref[...], be3_ref[...]), 0.0)
    oh = (lax.broadcasted_iota(jnp.int32, (gdim, n), 0)
          == batch_ref[...]).astype(jnp.float32)
    sums = _dot_exact(oh, h3)
    cnt = jnp.sum(oh, axis=1, keepdims=True)
    gemb = sums / jnp.maximum(cnt, 1.0)
    f = jnp.maximum(_dot(sigma_ref[...], wf1_ref[...]) + bf1_ref[...], 0.0)
    f = jnp.maximum(_dot(f, wf2_ref[...]) + bf2_ref[...], 0.0)
    out_ref[...] = (_dot(gemb, wfc_ref[0:hdim, :])
                    + _dot(f, wfc_ref[hdim:, :]) + bfc_ref[...])


def kernel(x, edge_index, batch, sigma, W1, b1, W2, b2, W3, b3,
           g1, be1, g2, be2, g3, be3, Wf1, bf1, Wf2, bf2, Wfc, bfc):
    n, d = x.shape
    h = W1.shape[1]
    g = sigma.shape[0]
    e = edge_index.shape[1]
    info = plsc.get_sparse_core_info()
    nc, ns = info.num_cores, info.num_subcores
    nw = nc * ns

    nchunks = -(-e // _K)
    cpw = -(-(-(-nchunks // nw)) // 8) * 8
    cpt = cpw * nc
    pad = cpw * nw * _K - e
    src2d = jnp.concatenate(
        [edge_index[0], jnp.zeros((pad,), jnp.int32)]).reshape(-1, _K)
    dst2d = jnp.concatenate(
        [edge_index[1],
         n + (jnp.arange(pad, dtype=jnp.int32) % _K)]).reshape(-1, _K)

    zeros16 = jnp.zeros((n, 16), jnp.float32)
    ones_k16 = jnp.ones((_K, 16), jnp.float32)

    degp = _deg_call(n, cpw, nc, ns)(dst2d, ones_k16, zeros16)

    f32 = jnp.float32
    dinv, s1 = pl.pallas_call(
        _tc1_body,
        out_shape=[jax.ShapeDtypeStruct((n, 1), f32),
                   jax.ShapeDtypeStruct((n, h), f32)],
    )(degp, x, W1)

    agg = _agg_call(n, h, cpt, nc, ns)
    t1 = agg(src2d, dst2d, s1)
    h1, s2 = pl.pallas_call(
        _tc2_body,
        out_shape=[jax.ShapeDtypeStruct((n, h), f32),
                   jax.ShapeDtypeStruct((n, h), f32)],
    )(t1, s1, dinv, b1, g1, be1, W2)

    t2 = agg(src2d, dst2d, s2)
    s3 = pl.pallas_call(
        _tc3_body,
        out_shape=jax.ShapeDtypeStruct((n, h), f32),
    )(t2, s2, dinv, b2, g2, be2, h1, W3)

    t3 = agg(src2d, dst2d, s3)
    out2d = pl.pallas_call(
        _tc4_body,
        out_shape=jax.ShapeDtypeStruct((g, 1), f32),
    )(t3, s3, dinv, b3, g3, be3, batch.reshape(1, n), sigma,
      Wf1, bf1, Wf2, bf2, Wfc, bfc)
    return out2d.reshape(g)

# --- scband reference (transcript-rebuilt; emitter-appended) ---
"""Pipeline reference for scband-fusion-model-11897059410618 (READ-ONLY COPY).

The authoritative reference and input builder live on the scoring server;
editing this copy changes nothing except your own understanding.
"""

import jax, jax.numpy as jnp
import numpy as np

N = 10000
E = 320000
D = 128
H = 64
SD = 128
G = 16


def setup_inputs(seed: int = 0) -> dict:
    key = jax.random.key(seed)
    ks = jax.random.split(key, 24)
    inp = {}
    inp['x'] = jax.random.normal(ks[0], (N, D), dtype=jnp.float32)
    inp['edge_index'] = jax.random.randint(ks[1], (2, E), 0, N, dtype=jnp.int32)
    inp['batch'] = jnp.sort(jax.random.randint(ks[2], (N,), 0, G, dtype=jnp.int32))
    inp['sigma'] = jax.random.normal(ks[3], (G, SD), dtype=jnp.float32)
    # GCN layer weights (stored as [in, out])
    inp['W1'] = 0.1 * jax.random.normal(ks[4], (D, H), dtype=jnp.float32)
    inp['b1'] = jnp.zeros((H,), dtype=jnp.float32)
    inp['W2'] = 0.1 * jax.random.normal(ks[5], (H, H), dtype=jnp.float32)
    inp['b2'] = jnp.zeros((H,), dtype=jnp.float32)
    inp['W3'] = 0.1 * jax.random.normal(ks[6], (H, H), dtype=jnp.float32)
    inp['b3'] = jnp.zeros((H,), dtype=jnp.float32)
    # BatchNorm affine params
    inp['g1'] = jnp.ones((H,), dtype=jnp.float32)
    inp['be1'] = jnp.zeros((H,), dtype=jnp.float32)
    inp['g2'] = jnp.ones((H,), dtype=jnp.float32)
    inp['be2'] = jnp.zeros((H,), dtype=jnp.float32)
    inp['g3'] = jnp.ones((H,), dtype=jnp.float32)
    inp['be3'] = jnp.zeros((H,), dtype=jnp.float32)
    # feed-forward branch
    inp['Wf1'] = 0.1 * jax.random.normal(ks[7], (SD, 2 * H), dtype=jnp.float32)
    inp['bf1'] = jnp.zeros((2 * H,), dtype=jnp.float32)
    inp['Wf2'] = 0.1 * jax.random.normal(ks[8], (2 * H, H), dtype=jnp.float32)
    inp['bf2'] = jnp.zeros((H,), dtype=jnp.float32)
    # fusion head
    inp['Wfc'] = 0.1 * jax.random.normal(ks[9], (2 * H, 1), dtype=jnp.float32)
    inp['bfc'] = jnp.zeros((1,), dtype=jnp.float32)
    return inp


def _bn(h, g, be):
    m = h.mean(axis=0)
    v = ((h - m) ** 2).mean(axis=0)
    return (h - m) / jnp.sqrt(v + 1e-5) * g + be


def reference(x, edge_index, batch, sigma, W1, b1, W2, b2, W3, b3, g1, be1, g2, be2, g3, be3, Wf1, bf1, Wf2, bf2, Wfc, bfc):
    n = x.shape[0]
    loop = jnp.arange(n, dtype=edge_index.dtype)
    src = jnp.concatenate([edge_index[0], loop])
    dst = jnp.concatenate([edge_index[1], loop])
    deg = jnp.zeros((n,), dtype=jnp.float32).at[dst].add(1.0)
    dinv = jax.lax.rsqrt(deg)
    norm = dinv[src] * dinv[dst]

    def conv(h, W, b):
        hw = h @ W
        msg = hw[src] * norm[:, None]
        agg = jnp.zeros_like(hw).at[dst].add(msg)
        return agg + b

    h = jax.nn.relu(_bn(conv(x, W1, b1), g1, be1))
    res = h
    h = conv(h, W2, b2)
    h = jax.nn.relu(_bn(h, g2, be2) + res)
    h = jax.nn.relu(_bn(conv(h, W3, b3), g3, be3))
    sums = jax.ops.segment_sum(h, batch, num_segments=G)
    cnt = jax.ops.segment_sum(jnp.ones((n, 1), dtype=jnp.float32), batch, num_segments=G)
    gemb = sums / jnp.clip(cnt, 1.0)
    f = jax.nn.relu(sigma @ Wf1 + bf1)
    f = jax.nn.relu(f @ Wf2 + bf2)
    fused = jnp.concatenate([gemb, f], axis=1)
    out = fused @ Wfc + bfc
    return out.squeeze()

if __name__ == "__main__":
    import jax
    _d = setup_inputs()
    print(jax.jit(kernel)(*tuple(_d.values())))

</pallas_src>

<mosaic_0001>
#map = affine_map<(d0, d1) -> (0, 0)>
#map1 = affine_map<(d0, d1) -> (0, 0, 0)>
module attributes {stable_mosaic.version = 14 : i64} {
  func.func @deg_kernel(%arg0: i32, %arg1: i32, %arg2: memref<2560x128xi32, #tpu.memory_space<hbm>>, %arg3: memref<128x16xf32, #tpu.memory_space<hbm>>, %arg4: memref<10000x16xf32, #tpu.memory_space<hbm>>, %arg5: memref<2x10000x16xf32, #tpu.memory_space<hbm>>, %arg6: memref<80x128xi32, #tpu.memory_space<vmem>>, %arg7: memref<128x16xf32, #tpu.memory_space<vmem>>, %arg8: memref<10128x16xf32, #tpu.memory_space<vmem_shared>>, %arg9: memref<!tpu.dma_semaphore, #tpu.memory_space<semaphore_mem>>, %arg10: memref<!tpu.dma_semaphore, #tpu.memory_space<semaphore_mem>>, %arg11: memref<!tpu.dma_semaphore, #tpu.memory_space<semaphore_mem>>, %arg12: memref<!tpu.dma_semaphore, #tpu.memory_space<semaphore_mem>>) attributes {dimension_semantics = [#tpu.dimension_semantics<core_parallel>, #tpu.dimension_semantics<subcore_parallel>], iteration_bounds = array<i64: 2, 16>, scalar_prefetch = 0 : i64, scratch_operands = 7 : i64, tpu.core_type = #tpu.core_type<sc_vector_subcore>, window_params = [{transform_indices = #map}, {transform_indices = #map}, {transform_indices = #map}, {transform_indices = #map1}]} {
    %mul3A = arith.constant 16 : i32
    %mul3A_0 = arith.muli %arg0, %mul3A : i32
    %add3A = arith.addi %mul3A_0, %arg1 : i32
    %mul3A_1 = arith.constant 625 : i32
    %mul3A_2 = arith.muli %arg1, %mul3A_1 : i32
    %jit3A = arith.constant 8 : i32
    %div3A = arith.divsi %mul3A_2, %jit3A : i32
    %sign3A = arith.constant 0 : i32
    %sign3A_3 = arith.cmpi sgt, %mul3A_2, %sign3A : i32
    %sign3A_4 = arith.extui %sign3A_3 : i1 to i32
    %sign3A_5 = arith.constant 0 : i32
    %sign3A_6 = arith.cmpi slt, %mul3A_2, %sign3A_5 : i32
    %sign3A_7 = arith.extui %sign3A_6 : i1 to i32
    %sign3A_8 = arith.subi %sign3A_4, %sign3A_7 : i32
    %sign3A_9 = arith.constant 0 : i32
    %sign3A_10 = arith.cmpi sgt, %jit3A, %sign3A_9 : i32
    %sign3A_11 = arith.extui %sign3A_10 : i1 to i32
    %sign3A_12 = arith.constant 0 : i32
    %sign3A_13 = arith.cmpi slt, %jit3A, %sign3A_12 : i32
    %sign3A_14 = arith.extui %sign3A_13 : i1 to i32
    %sign3A_15 = arith.subi %sign3A_11, %sign3A_14 : i32
    %ne3A = arith.cmpi ne, %sign3A_8, %sign3A_15 : i32
    %rem3A = arith.remsi %mul3A_2, %jit3A : i32
    %ne3A_16 = arith.constant 0 : i32
    %ne3A_17 = arith.cmpi ne, %rem3A, %ne3A_16 : i32
    %and3A = arith.andi %ne3A, %ne3A_17 : i1
    %sub3A = arith.constant 1 : i32
    %sub3A_18 = arith.subi %div3A, %sub3A : i32
    %select_n3A = arith.select %and3A, %sub3A_18, %div3A : i32
    %mul3A_19 = arith.constant 8 : i32
    %mul3A_20 = arith.muli %select_n3A, %mul3A_19 : i32
    %multiple_of3A = tpu.assume_multiple %mul3A_20, 8 : i32
    "tpu.region"() ({
      %run_scoped3A = tpu.sem_alloc : memref<!tpu.dma_semaphore, #tpu.memory_space<semaphore_mem>>
      tpu.enqueue_dma source(%arg3 : memref<128x16xf32, #tpu.memory_space<hbm>>) target(%arg7 : memref<128x16xf32, #tpu.memory_space<vmem>>) target_semaphore(%run_scoped3A : memref<!tpu.dma_semaphore, #tpu.memory_space<semaphore_mem>>)
      tpu.wait_dma2 semaphore(%run_scoped3A : memref<!tpu.dma_semaphore, #tpu.memory_space<semaphore_mem>>) src(%arg3 : memref<128x16xf32, #tpu.memory_space<hbm>>) dst(%arg7 : memref<128x16xf32, #tpu.memory_space<vmem>>)
      tpu.yield
    }) : () -> ()
    %mul3A_21 = arith.constant 80 : i32
    %mul3A_22 = arith.muli %add3A, %mul3A_21 : i32
    "tpu.region"() ({
      %run_scoped3A = tpu.sem_alloc : memref<!tpu.dma_semaphore, #tpu.memory_space<semaphore_mem>>
      %dma_start3A_83 = arith.constant 0 : i32
      %dma_start3A_84 = tpu.memref_slice %arg2[%mul3A_22, %dma_start3A_83] : memref<2560x128xi32, #tpu.memory_space<hbm>> -> memref<80x128xi32, #tpu.memory_space<hbm>>
      %dma_start3A_85 = arith.constant 0 : i32
      %dma_start3A_86 = tpu.memref_slice %arg2[%mul3A_22, %dma_start3A_85] : memref<2560x128xi32, #tpu.memory_space<hbm>> -> memref<80x128xi32, #tpu.memory_space<hbm>>
      tpu.enqueue_dma source(%dma_start3A_86 : memref<80x128xi32, #tpu.memory_space<hbm>>) target(%arg6 : memref<80x128xi32, #tpu.memory_space<vmem>>) target_semaphore(%run_scoped3A : memref<!tpu.dma_semaphore, #tpu.memory_space<semaphore_mem>>)
      %dma_wait3A_87 = arith.constant 0 : i32
      %dma_wait3A_88 = tpu.memref_slice %arg2[%mul3A_22, %dma_wait3A_87] : memref<2560x128xi32, #tpu.memory_space<hbm>> -> memref<80x128xi32, #tpu.memory_space<hbm>>
      %dma_wait3A_89 = arith.constant 0 : i32
      %dma_wait3A_90 = tpu.memref_slice %arg2[%mul3A_22, %dma_wait3A_89] : memref<2560x128xi32, #tpu.memory_space<hbm>> -> memref<80x128xi32, #tpu.memory_space<hbm>>
      tpu.wait_dma2 semaphore(%run_scoped3A : memref<!tpu.dma_semaphore, #tpu.memory_space<semaphore_mem>>) src(%dma_wait3A_90 : memref<80x128xi32, #tpu.memory_space<hbm>>) dst(%arg6 : memref<80x128xi32, #tpu.memory_space<vmem>>)
      tpu.yield
    }) : () -> ()
    "tpu.region"() ({
      %run_scoped3A = tpu.sem_alloc : memref<!tpu.dma_semaphore, #tpu.memory_space<semaphore_mem>>
      %dma_start3A_83 = arith.constant 0 : i32
      %dma_start3A_84 = tpu.memref_slice %arg8[%multiple_of3A, %dma_start3A_83] : memref<10128x16xf32, #tpu.memory_space<vmem_shared>> -> memref<632x16xf32, #tpu.memory_space<vmem_shared>>
      %dma_start3A_85 = arith.constant 0 : i32
      %dma_start3A_86 = tpu.memref_slice %arg4[%multiple_of3A, %dma_start3A_85] : memref<10000x16xf32, #tpu.memory_space<hbm>> -> memref<632x16xf32, #tpu.memory_space<hbm>>
      tpu.enqueue_dma source(%dma_start3A_86 : memref<632x16xf32, #tpu.memory_space<hbm>>) target(%dma_start3A_84 : memref<632x16xf32, #tpu.memory_space<vmem_shared>>) target_semaphore(%run_scoped3A : memref<!tpu.dma_semaphore, #tpu.memory_space<semaphore_mem>>)
      %dma_wait3A_87 = arith.constant 0 : i32
      %dma_wait3A_88 = tpu.memref_slice %arg8[%multiple_of3A, %dma_wait3A_87] : memref<10128x16xf32, #tpu.memory_space<vmem_shared>> -> memref<632x16xf32, #tpu.memory_space<vmem_shared>>
      %dma_wait3A_89 = arith.constant 0 : i32
      %dma_wait3A_90 = tpu.memref_slice %arg4[%multiple_of3A, %dma_wait3A_89] : memref<10000x16xf32, #tpu.memory_space<hbm>> -> memref<632x16xf32, #tpu.memory_space<hbm>>
      tpu.wait_dma2 semaphore(%run_scoped3A : memref<!tpu.dma_semaphore, #tpu.memory_space<semaphore_mem>>) src(%dma_wait3A_90 : memref<632x16xf32, #tpu.memory_space<hbm>>) dst(%dma_wait3A_88 : memref<632x16xf32, #tpu.memory_space<vmem_shared>>)
      tpu.yield
    }) : () -> ()
    %barrier3A = arith.constant 0 : index
    tpu.barrier barrier_id(%barrier3A)
    %dma_start3A = arith.constant 0 : i32
    %dma_start3A_23 = arith.constant 0 : i32
    %dma_start3A_24 = tpu.memref_slice %arg6[%dma_start3A, %dma_start3A_23] : memref<80x128xi32, #tpu.memory_space<vmem>> -> memref<1x128xi32, #tpu.memory_space<vmem>>
    %dma_start3A_25 = tpu.memref_squeeze %dma_start3A_24 : memref<1x128xi32, #tpu.memory_space<vmem>> -> memref<128xi32, #tpu.memory_space<vmem>>
    %dma_start3A_26 = arith.constant 0 : i32
    %dma_start3A_27 = arith.constant 0 : i32
    %dma_start3A_28 = tpu.memref_slice %arg8[%dma_start3A_26, %dma_start3A_27] : memref<10128x16xf32, #tpu.memory_space<vmem_shared>> -> memref<10128x16xf32, #tpu.memory_space<vmem_shared>>
    tpu.enqueue_indirect_dma source(%arg7 : memref<128x16xf32, #tpu.memory_space<vmem>>) target(%dma_start3A_28 : memref<10128x16xf32, #tpu.memory_space<vmem_shared>>) offsets(%dma_start3A_25 : memref<128xi32, #tpu.memory_space<vmem>>) semaphore(%arg9 : memref<!tpu.dma_semaphore, #tpu.memory_space<semaphore_mem>>) {add = true}
    %dma_start3A_29 = arith.constant 1 : i32
    %dma_start3A_30 = arith.constant 0 : i32
    %dma_start3A_31 = tpu.memref_slice %arg6[%dma_start3A_29, %dma_start3A_30] : memref<80x128xi32, #tpu.memory_space<vmem>> -> memref<1x128xi32, #tpu.memory_space<vmem>>
    %dma_start3A_32 = tpu.memref_squeeze %dma_start3A_31 : memref<1x128xi32, #tpu.memory_space<vmem>> -> memref<128xi32, #tpu.memory_space<vmem>>
    %dma_start3A_33 = arith.constant 0 : i32
    %dma_start3A_34 = arith.constant 0 : i32
    %dma_start3A_35 = tpu.memref_slice %arg8[%dma_start3A_33, %dma_start3A_34] : memref<10128x16xf32, #tpu.memory_space<vmem_shared>> -> memref<10128x16xf32, #tpu.memory_space<vmem_shared>>
    tpu.enqueue_indirect_dma source(%arg7 : memref<128x16xf32, #tpu.memory_space<vmem>>) target(%dma_start3A_35 : memref<10128x16xf32, #tpu.memory_space<vmem_shared>>) offsets(%dma_start3A_32 : memref<128xi32, #tpu.memory_space<vmem>>) semaphore(%arg10 : memref<!tpu.dma_semaphore, #tpu.memory_space<semaphore_mem>>) {add = true}
    %dma_start3A_36 = arith.constant 2 : i32
    %dma_start3A_37 = arith.constant 0 : i32
    %dma_start3A_38 = tpu.memref_slice %arg6[%dma_start3A_36, %dma_start3A_37] : memref<80x128xi32, #tpu.memory_space<vmem>> -> memref<1x128xi32, #tpu.memory_space<vmem>>
    %dma_start3A_39 = tpu.memref_squeeze %dma_start3A_38 : memref<1x128xi32, #tpu.memory_space<vmem>> -> memref<128xi32, #tpu.memory_space<vmem>>
    %dma_start3A_40 = arith.constant 0 : i32
    %dma_start3A_41 = arith.constant 0 : i32
    %dma_start3A_42 = tpu.memref_slice %arg8[%dma_start3A_40, %dma_start3A_41] : memref<10128x16xf32, #tpu.memory_space<vmem_shared>> -> memref<10128x16xf32, #tpu.memory_space<vmem_shared>>
    tpu.enqueue_indirect_dma source(%arg7 : memref<128x16xf32, #tpu.memory_space<vmem>>) target(%dma_start3A_42 : memref<10128x16xf32, #tpu.memory_space<vmem_shared>>) offsets(%dma_start3A_39 : memref<128xi32, #tpu.memory_space<vmem>>) semaphore(%arg11 : memref<!tpu.dma_semaphore, #tpu.memory_space<semaphore_mem>>) {add = true}
    %dma_start3A_43 = arith.constant 3 : i32
    %dma_start3A_44 = arith.constant 0 : i32
    %dma_start3A_45 = tpu.memref_slice %arg6[%dma_start3A_43, %dma_start3A_44] : memref<80x128xi32, #tpu.memory_space<vmem>> -> memref<1x128xi32, #tpu.memory_space<vmem>>
    %dma_start3A_46 = tpu.memref_squeeze %dma_start3A_45 : memref<1x128xi32, #tpu.memory_space<vmem>> -> memref<128xi32, #tpu.memory_space<vmem>>
    %dma_start3A_47 = arith.constant 0 : i32
    %dma_start3A_48 = arith.constant 0 : i32
    %dma_start3A_49 = tpu.memref_slice %arg8[%dma_start3A_47, %dma_start3A_48] : memref<10128x16xf32, #tpu.memory_space<vmem_shared>> -> memref<10128x16xf32, #tpu.memory_space<vmem_shared>>
    tpu.enqueue_indirect_dma source(%arg7 : memref<128x16xf32, #tpu.memory_space<vmem>>) target(%dma_start3A_49 : memref<10128x16xf32, #tpu.memory_space<vmem_shared>>) offsets(%dma_start3A_46 : memref<128xi32, #tpu.memory_space<vmem>>) semaphore(%arg12 : memref<!tpu.dma_semaphore, #tpu.memory_space<semaphore_mem>>) {add = true}
    %scan3A = arith.constant 0 : i32
    %scan3A_50 = arith.constant 0 : i32
    %scan3A_51 = arith.constant 19 : i32
    %scan3A_52 = arith.addi %scan3A_50, %scan3A_51 : i32
    %scan3A_53 = arith.constant 1 : i32
    scf.for %scan3A_83 = %scan3A_50 to %scan3A_52 step %scan3A_53  : i32 {
      %mul3A_84 = arith.constant 4 : i32
      %mul3A_85 = arith.muli %scan3A_83, %mul3A_84 : i32
      %add3A_86 = arith.constant 4 : i32
      %add3A_87 = arith.addi %add3A_86, %mul3A_85 : i32
      %add3A_88 = arith.constant 0 : i32
      %add3A_89 = arith.addi %add3A_87, %add3A_88 : i32
      %sub3A_90 = arith.constant 4 : i32
      %sub3A_91 = arith.subi %add3A_89, %sub3A_90 : i32
      %dma_wait3A_92 = arith.constant 0 : i32
      %dma_wait3A_93 = tpu.memref_slice %arg6[%sub3A_91, %dma_wait3A_92] : memref<80x128xi32, #tpu.memory_space<vmem>> -> memref<1x128xi32, #tpu.memory_space<vmem>>
      %dma_wait3A_94 = tpu.memref_squeeze %dma_wait3A_93 : memref<1x128xi32, #tpu.memory_space<vmem>> -> memref<128xi32, #tpu.memory_space<vmem>>
      %dma_wait3A_95 = arith.constant 0 : i32
      %dma_wait3A_96 = arith.constant 0 : i32
      %dma_wait3A_97 = tpu.memref_slice %arg8[%dma_wait3A_95, %dma_wait3A_96] : memref<10128x16xf32, #tpu.memory_space<vmem_shared>> -> memref<10128x16xf32, #tpu.memory_space<vmem_shared>>
      tpu.wait_indirect_dma semaphore(%arg9 : memref<!tpu.dma_semaphore, #tpu.memory_space<semaphore_mem>>) src(%arg7 : memref<128x16xf32, #tpu.memory_space<vmem>>) dst(%dma_wait3A_97 : memref<10128x16xf32, #tpu.memory_space<vmem_shared>>)
      %dma_start3A_98 = arith.constant 0 : i32
      %dma_start3A_99 = tpu.memref_slice %arg6[%add3A_89, %dma_start3A_98] : memref<80x128xi32, #tpu.memory_space<vmem>> -> memref<1x128xi32, #tpu.memory_space<vmem>>
      %dma_start3A_100 = tpu.memref_squeeze %dma_start3A_99 : memref<1x128xi32, #tpu.memory_space<vmem>> -> memref<128xi32, #tpu.memory_space<vmem>>
      %dma_start3A_101 = arith.constant 0 : i32
      %dma_start3A_102 = arith.constant 0 : i32
      %dma_start3A_103 = tpu.memref_slice %arg8[%dma_start3A_101, %dma_start3A_102] : memref<10128x16xf32, #tpu.memory_space<vmem_shared>> -> memref<10128x16xf32, #tpu.memory_space<vmem_shared>>
      tpu.enqueue_indirect_dma source(%arg7 : memref<128x16xf32, #tpu.memory_space<vmem>>) target(%dma_start3A_103 : memref<10128x16xf32, #tpu.memory_space<vmem_shared>>) offsets(%dma_start3A_100 : memref<128xi32, #tpu.memory_space<vmem>>) semaphore(%arg9 : memref<!tpu.dma_semaphore, #tpu.memory_space<semaphore_mem>>) {add = true}
      %mul3A_104 = arith.constant 4 : i32
      %mul3A_105 = arith.muli %scan3A_83, %mul3A_104 : i32
      %add3A_106 = arith.constant 4 : i32
      %add3A_107 = arith.addi %add3A_106, %mul3A_105 : i32
      %add3A_108 = arith.constant 1 : i32
      %add3A_109 = arith.addi %add3A_107, %add3A_108 : i32
      %sub3A_110 = arith.constant 4 : i32
      %sub3A_111 = arith.subi %add3A_109, %sub3A_110 : i32
      %dma_wait3A_112 = arith.constant 0 : i32
      %dma_wait3A_113 = tpu.memref_slice %arg6[%sub3A_111, %dma_wait3A_112] : memref<80x128xi32, #tpu.memory_space<vmem>> -> memref<1x128xi32, #tpu.memory_space<vmem>>
      %dma_wait3A_114 = tpu.memref_squeeze %dma_wait3A_113 : memref<1x128xi32, #tpu.memory_space<vmem>> -> memref<128xi32, #tpu.memory_space<vmem>>
      %dma_wait3A_115 = arith.constant 0 : i32
      %dma_wait3A_116 = arith.constant 0 : i32
      %dma_wait3A_117 = tpu.memref_slice %arg8[%dma_wait3A_115, %dma_wait3A_116] : memref<10128x16xf32, #tpu.memory_space<vmem_shared>> -> memref<10128x16xf32, #tpu.memory_space<vmem_shared>>
      tpu.wait_indirect_dma semaphore(%arg10 : memref<!tpu.dma_semaphore, #tpu.memory_space<semaphore_mem>>) src(%arg7 : memref<128x16xf32, #tpu.memory_space<vmem>>) dst(%dma_wait3A_117 : memref<10128x16xf32, #tpu.memory_space<vmem_shared>>)
      %dma_start3A_118 = arith.constant 0 : i32
      %dma_start3A_119 = tpu.memref_slice %arg6[%add3A_109, %dma_start3A_118] : memref<80x128xi32, #tpu.memory_space<vmem>> -> memref<1x128xi32, #tpu.memory_space<vmem>>
      %dma_start3A_120 = tpu.memref_squeeze %dma_start3A_119 : memref<1x128xi32, #tpu.memory_space<vmem>> -> memref<128xi32, #tpu.memory_space<vmem>>
      %dma_start3A_121 = arith.constant 0 : i32
      %dma_start3A_122 = arith.constant 0 : i32
      %dma_start3A_123 = tpu.memref_slice %arg8[%dma_start3A_121, %dma_start3A_122] : memref<10128x16xf32, #tpu.memory_space<vmem_shared>> -> memref<10128x16xf32, #tpu.memory_space<vmem_shared>>
      tpu.enqueue_indirect_dma source(%arg7 : memref<128x16xf32, #tpu.memory_space<vmem>>) target(%dma_start3A_123 : memref<10128x16xf32, #tpu.memory_space<vmem_shared>>) offsets(%dma_start3A_120 : memref<128xi32, #tpu.memory_space<vmem>>) semaphore(%arg10 : memref<!tpu.dma_semaphore, #tpu.memory_space<semaphore_mem>>) {add = true}
      %mul3A_124 = arith.constant 4 : i32
      %mul3A_125 = arith.muli %scan3A_83, %mul3A_124 : i32
      %add3A_126 = arith.constant 4 : i32
      %add3A_127 = arith.addi %add3A_126, %mul3A_125 : i32
      %add3A_128 = arith.constant 2 : i32
      %add3A_129 = arith.addi %add3A_127, %add3A_128 : i32
      %sub3A_130 = arith.constant 4 : i32
      %sub3A_131 = arith.subi %add3A_129, %sub3A_130 : i32
      %dma_wait3A_132 = arith.constant 0 : i32
      %dma_wait3A_133 = tpu.memref_slice %arg6[%sub3A_131, %dma_wait3A_132] : memref<80x128xi32, #tpu.memory_space<vmem>> -> memref<1x128xi32, #tpu.memory_space<vmem>>
      %dma_wait3A_134 = tpu.memref_squeeze %dma_wait3A_133 : memref<1x128xi32, #tpu.memory_space<vmem>> -> memref<128xi32, #tpu.memory_space<vmem>>
      %dma_wait3A_135 = arith.constant 0 : i32
      %dma_wait3A_136 = arith.constant 0 : i32
      %dma_wait3A_137 = tpu.memref_slice %arg8[%dma_wait3A_135, %dma_wait3A_136] : memref<10128x16xf32, #tpu.memory_space<vmem_shared>> -> memref<10128x16xf32, #tpu.memory_space<vmem_shared>>
      tpu.wait_indirect_dma semaphore(%arg11 : memref<!tpu.dma_semaphore, #tpu.memory_space<semaphore_mem>>) src(%arg7 : memref<128x16xf32, #tpu.memory_space<vmem>>) dst(%dma_wait3A_137 : memref<10128x16xf32, #tpu.memory_space<vmem_shared>>)
      %dma_start3A_138 = arith.constant 0 : i32
      %dma_start3A_139 = tpu.memref_slice %arg6[%add3A_129, %dma_start3A_138] : memref<80x128xi32, #tpu.memory_space<vmem>> -> memref<1x128xi32, #tpu.memory_space<vmem>>
      %dma_start3A_140 = tpu.memref_squeeze %dma_start3A_139 : memref<1x128xi32, #tpu.memory_space<vmem>> -> memref<128xi32, #tpu.memory_space<vmem>>
      %dma_start3A_141 = arith.constant 0 : i32
      %dma_start3A_142 = arith.constant 0 : i32
      %dma_start3A_143 = tpu.memref_slice %arg8[%dma_start3A_141, %dma_start3A_142] : memref<10128x16xf32, #tpu.memory_space<vmem_shared>> -> memref<10128x16xf32, #tpu.memory_space<vmem_shared>>
      tpu.enqueue_indirect_dma source(%arg7 : memref<128x16xf32, #tpu.memory_space<vmem>>) target(%dma_start3A_143 : memref<10128x16xf32, #tpu.memory_space<vmem_shared>>) offsets(%dma_start3A_140 : memref<128xi32, #tpu.memory_space<vmem>>) semaphore(%arg11 : memref<!tpu.dma_semaphore, #tpu.memory_space<semaphore_mem>>) {add = true}
      %mul3A_144 = arith.constant 4 : i32
      %mul3A_145 = arith.muli %scan3A_83, %mul3A_144 : i32
      %add3A_146 = arith.constant 4 : i32
      %add3A_147 = arith.addi %add3A_146, %mul3A_145 : i32
      %add3A_148 = arith.constant 3 : i32
      %add3A_149 = arith.addi %add3A_147, %add3A_148 : i32
      %sub3A_150 = arith.constant 4 : i32
      %sub3A_151 = arith.subi %add3A_149, %sub3A_150 : i32
      %dma_wait3A_152 = arith.constant 0 : i32
      %dma_wait3A_153 = tpu.memref_slice %arg6[%sub3A_151, %dma_wait3A_152] : memref<80x128xi32, #tpu.memory_space<vmem>> -> memref<1x128xi32, #tpu.memory_space<vmem>>
      %dma_wait3A_154 = tpu.memref_squeeze %dma_wait3A_153 : memref<1x128xi32, #tpu.memory_space<vmem>> -> memref<128xi32, #tpu.memory_space<vmem>>
      %dma_wait3A_155 = arith.constant 0 : i32
      %dma_wait3A_156 = arith.constant 0 : i32
      %dma_wait3A_157 = tpu.memref_slice %arg8[%dma_wait3A_155, %dma_wait3A_156] : memref<10128x16xf32, #tpu.memory_space<vmem_shared>> -> memref<10128x16xf32, #tpu.memory_space<vmem_shared>>
      tpu.wait_indirect_dma semaphore(%arg12 : memref<!tpu.dma_semaphore, #tpu.memory_space<semaphore_mem>>) src(%arg7 : memref<128x16xf32, #tpu.memory_space<vmem>>) dst(%dma_wait3A_157 : memref<10128x16xf32, #tpu.memory_space<vmem_shared>>)
      %dma_start3A_158 = arith.constant 0 : i32
      %dma_start3A_159 = tpu.memref_slice %arg6[%add3A_149, %dma_start3A_158] : memref<80x128xi32, #tpu.memory_space<vmem>> -> memref<1x128xi32, #tpu.memory_space<vmem>>
      %dma_start3A_160 = tpu.memref_squeeze %dma_start3A_159 : memref<1x128xi32, #tpu.memory_space<vmem>> -> memref<128xi32, #tpu.memory_space<vmem>>
      %dma_start3A_161 = arith.constant 0 : i32
      %dma_start3A_162 = arith.constant 0 : i32
      %dma_start3A_163 = tpu.memref_slice %arg8[%dma_start3A_161, %dma_start3A_162] : memref<10128x16xf32, #tpu.memory_space<vmem_shared>> -> memref<10128x16xf32, #tpu.memory_space<vmem_shared>>
      tpu.enqueue_indirect_dma source(%arg7 : memref<128x16xf32, #tpu.memory_space<vmem>>) target(%dma_start3A_163 : memref<10128x16xf32, #tpu.memory_space<vmem_shared>>) offsets(%dma_start3A_160 : memref<128xi32, #tpu.memory_space<vmem>>) semaphore(%arg12 : memref<!tpu.dma_semaphore, #tpu.memory_space<semaphore_mem>>) {add = true}
    }
    %scan3A_54 = arith.constant 19 : i32
    %dma_wait3A = arith.constant 76 : i32
    %dma_wait3A_55 = arith.constant 0 : i32
    %dma_wait3A_56 = tpu.memref_slice %arg6[%dma_wait3A, %dma_wait3A_55] : memref<80x128xi32, #tpu.memory_space<vmem>> -> memref<1x128xi32, #tpu.memory_space<vmem>>
    %dma_wait3A_57 = tpu.memref_squeeze %dma_wait3A_56 : memref<1x128xi32, #tpu.memory_space<vmem>> -> memref<128xi32, #tpu.memory_space<vmem>>
    %dma_wait3A_58 = arith.constant 0 : i32
    %dma_wait3A_59 = arith.constant 0 : i32
    %dma_wait3A_60 = tpu.memref_slice %arg8[%dma_wait3A_58, %dma_wait3A_59] : memref<10128x16xf32, #tpu.memory_space<vmem_shared>> -> memref<10128x16xf32, #tpu.memory_space<vmem_shared>>
    tpu.wait_indirect_dma semaphore(%arg9 : memref<!tpu.dma_semaphore, #tpu.memory_space<semaphore_mem>>) src(%arg7 : memref<128x16xf32, #tpu.memory_space<vmem>>) dst(%dma_wait3A_60 : memref<10128x16xf32, #tpu.memory_space<vmem_shared>>)
    %dma_wait3A_61 = arith.constant 77 : i32
    %dma_wait3A_62 = arith.constant 0 : i32
    %dma_wait3A_63 = tpu.memref_slice %arg6[%dma_wait3A_61, %dma_wait3A_62] : memref<80x128xi32, #tpu.memory_space<vmem>> -> memref<1x128xi32, #tpu.memory_space<vmem>>
    %dma_wait3A_64 = tpu.memref_squeeze %dma_wait3A_63 : memref<1x128xi32, #tpu.memory_space<vmem>> -> memref<128xi32, #tpu.memory_space<vmem>>
    %dma_wait3A_65 = arith.constant 0 : i32
    %dma_wait3A_66 = arith.constant 0 : i32
    %dma_wait3A_67 = tpu.memref_slice %arg8[%dma_wait3A_65, %dma_wait3A_66] : memref<10128x16xf32, #tpu.memory_space<vmem_shared>> -> memref<10128x16xf32, #tpu.memory_space<vmem_shared>>
    tpu.wait_indirect_dma semaphore(%arg10 : memref<!tpu.dma_semaphore, #tpu.memory_space<semaphore_mem>>) src(%arg7 : memref<128x16xf32, #tpu.memory_space<vmem>>) dst(%dma_wait3A_67 : memref<10128x16xf32, #tpu.memory_space<vmem_shared>>)
    %dma_wait3A_68 = arith.constant 78 : i32
    %dma_wait3A_69 = arith.constant 0 : i32
    %dma_wait3A_70 = tpu.memref_slice %arg6[%dma_wait3A_68, %dma_wait3A_69] : memref<80x128xi32, #tpu.memory_space<vmem>> -> memref<1x128xi32, #tpu.memory_space<vmem>>
    %dma_wait3A_71 = tpu.memref_squeeze %dma_wait3A_70 : memref<1x128xi32, #tpu.memory_space<vmem>> -> memref<128xi32, #tpu.memory_space<vmem>>
    %dma_wait3A_72 = arith.constant 0 : i32
    %dma_wait3A_73 = arith.constant 0 : i32
    %dma_wait3A_74 = tpu.memref_slice %arg8[%dma_wait3A_72, %dma_wait3A_73] : memref<10128x16xf32, #tpu.memory_space<vmem_shared>> -> memref<10128x16xf32, #tpu.memory_space<vmem_shared>>
    tpu.wait_indirect_dma semaphore(%arg11 : memref<!tpu.dma_semaphore, #tpu.memory_space<semaphore_mem>>) src(%arg7 : memref<128x16xf32, #tpu.memory_space<vmem>>) dst(%dma_wait3A_74 : memref<10128x16xf32, #tpu.memory_space<vmem_shared>>)
    %dma_wait3A_75 = arith.constant 79 : i32
    %dma_wait3A_76 = arith.constant 0 : i32
    %dma_wait3A_77 = tpu.memref_slice %arg6[%dma_wait3A_75, %dma_wait3A_76] : memref<80x128xi32, #tpu.memory_space<vmem>> -> memref<1x128xi32, #tpu.memory_space<vmem>>
    %dma_wait3A_78 = tpu.memref_squeeze %dma_wait3A_77 : memref<1x128xi32, #tpu.memory_space<vmem>> -> memref<128xi32, #tpu.memory_space<vmem>>
    %dma_wait3A_79 = arith.constant 0 : i32
    %dma_wait3A_80 = arith.constant 0 : i32
    %dma_wait3A_81 = tpu.memref_slice %arg8[%dma_wait3A_79, %dma_wait3A_80] : memref<10128x16xf32, #tpu.memory_space<vmem_shared>> -> memref<10128x16xf32, #tpu.memory_space<vmem_shared>>
    tpu.wait_indirect_dma semaphore(%arg12 : memref<!tpu.dma_semaphore, #tpu.memory_space<semaphore_mem>>) src(%arg7 : memref<128x16xf32, #tpu.memory_space<vmem>>) dst(%dma_wait3A_81 : memref<10128x16xf32, #tpu.memory_space<vmem_shared>>)
    %barrier3A_82 = arith.constant 0 : index
    tpu.barrier barrier_id(%barrier3A_82)
    "tpu.region"() ({
      %run_scoped3A = tpu.sem_alloc : memref<!tpu.dma_semaphore, #tpu.memory_space<semaphore_mem>>
      %dma_start3A_83 = arith.constant 0 : i32
      %dma_start3A_84 = tpu.memref_slice %arg5[%arg0, %multiple_of3A, %dma_start3A_83] : memref<2x10000x16xf32, #tpu.memory_space<hbm>> -> memref<1x632x16xf32, #tpu.memory_space<hbm>>
      %dma_start3A_85 = tpu.memref_squeeze %dma_start3A_84 : memref<1x632x16xf32, #tpu.memory_space<hbm>> -> memref<632x16xf32, #tpu.memory_space<hbm>>
      %dma_start3A_86 = arith.constant 0 : i32
      %dma_start3A_87 = tpu.memref_slice %arg8[%multiple_of3A, %dma_start3A_86] : memref<10128x16xf32, #tpu.memory_space<vmem_shared>> -> memref<632x16xf32, #tpu.memory_space<vmem_shared>>
      tpu.enqueue_dma source(%dma_start3A_87 : memref<632x16xf32, #tpu.memory_space<vmem_shared>>) target(%dma_start3A_85 : memref<632x16xf32, #tpu.memory_space<hbm>>) target_semaphore(%run_scoped3A : memref<!tpu.dma_semaphore, #tpu.memory_space<semaphore_mem>>)
      %dma_wait3A_88 = arith.constant 0 : i32
      %dma_wait3A_89 = tpu.memref_slice %arg5[%arg0, %multiple_of3A, %dma_wait3A_88] : memref<2x10000x16xf32, #tpu.memory_space<hbm>> -> memref<1x632x16xf32, #tpu.memory_space<hbm>>
      %dma_wait3A_90 = tpu.memref_squeeze %dma_wait3A_89 : memref<1x632x16xf32, #tpu.memory_space<hbm>> -> memref<632x16xf32, #tpu.memory_space<hbm>>
      %dma_wait3A_91 = arith.constant 0 : i32
      %dma_wait3A_92 = tpu.memref_slice %arg8[%multiple_of3A, %dma_wait3A_91] : memref<10128x16xf32, #tpu.memory_space<vmem_shared>> -> memref<632x16xf32, #tpu.memory_space<vmem_shared>>
      tpu.wait_dma2 semaphore(%run_scoped3A : memref<!tpu.dma_semaphore, #tpu.memory_space<semaphore_mem>>) src(%dma_wait3A_92 : memref<632x16xf32, #tpu.memory_space<vmem_shared>>) dst(%dma_wait3A_90 : memref<632x16xf32, #tpu.memory_space<hbm>>)
      tpu.yield
    }) : () -> ()
    return
  }
}

#map = affine_map<(d0, d1) -> (0, 0)>
module attributes {stable_mosaic.version = 14 : i64} {
  func.func @agg_kernel(%arg0: i32, %arg1: i32, %arg2: memref<2560x128xi32, #tpu.memory_space<hbm>>, %arg3: memref<2560x128xi32, #tpu.memory_space<hbm>>, %arg4: memref<10000x64xf32, #tpu.memory_space<hbm>>, %arg5: memref<10000x64xf32, #tpu.memory_space<hbm>>, %arg6: memref<160x128xi32, #tpu.memory_space<vmem>>, %arg7: memref<160x128xi32, #tpu.memory_space<vmem>>, %arg8: memref<128x32xf32, #tpu.memory_space<vmem>>, %arg9: memref<128x32xf32, #tpu.memory_space<vmem>>, %arg10: memref<128x32xf32, #tpu.memory_space<vmem>>, %arg11: memref<128x32xf32, #tpu.memory_space<vmem>>, %arg12: memref<128x32xf32, #tpu.memory_space<vmem>>, %arg13: memref<128x32xf32, #tpu.memory_space<vmem>>, %arg14: memref<128x32xf32, #tpu.memory_space<vmem>>, %arg15: memref<128x32xf32, #tpu.memory_space<vmem>>, %arg16: memref<128x32xf32, #tpu.memory_space<vmem>>, %arg17: memref<128x32xf32, #tpu.memory_space<vmem>>, %arg18: memref<10128x32xf32, #tpu.memory_space<vmem_shared>>, %arg19: memref<10000x32xf32, #tpu.memory_space<vmem_shared>>, %arg20: memref<!tpu.dma_semaphore, #tpu.memory_space<semaphore_mem>>, %arg21: memref<!tpu.dma_semaphore, #tpu.memory_space<semaphore_mem>>, %arg22: memref<!tpu.dma_semaphore, #tpu.memory_space<semaphore_mem>>, %arg23: memref<!tpu.dma_semaphore, #tpu.memory_space<semaphore_mem>>, %arg24: memref<!tpu.dma_semaphore, #tpu.memory_space<semaphore_mem>>, %arg25: memref<!tpu.dma_semaphore, #tpu.memory_space<semaphore_mem>>, %arg26: memref<!tpu.dma_semaphore, #tpu.memory_space<semaphore_mem>>, %arg27: memref<!tpu.dma_semaphore, #tpu.memory_space<semaphore_mem>>, %arg28: memref<!tpu.dma_semaphore, #tpu.memory_space<semaphore_mem>>, %arg29: memref<!tpu.dma_semaphore, #tpu.memory_space<semaphore_mem>>, %arg30: memref<!tpu.dma_semaphore, #tpu.memory_space<semaphore_mem>>, %arg31: memref<!tpu.dma_semaphore, #tpu.memory_space<semaphore_mem>>, %arg32: memref<!tpu.dma_semaphore, #tpu.memory_space<semaphore_mem>>, %arg33: memref<!tpu.dma_semaphore, #tpu.memory_space<semaphore_mem>>, %arg34: memref<!tpu.dma_semaphore, #tpu.memory_space<semaphore_mem>>, %arg35: memref<!tpu.dma_semaphore, #tpu.memory_space<semaphore_mem>>, %arg36: memref<!tpu.dma_semaphore, #tpu.memory_space<semaphore_mem>>, %arg37: memref<!tpu.dma_semaphore, #tpu.memory_space<semaphore_mem>>, %arg38: memref<!tpu.dma_semaphore, #tpu.memory_space<semaphore_mem>>, %arg39: memref<!tpu.dma_semaphore, #tpu.memory_space<semaphore_mem>>) attributes {dimension_semantics = [#tpu.dimension_semantics<core_parallel>, #tpu.dimension_semantics<subcore_parallel>], iteration_bounds = array<i64: 2, 16>, scalar_prefetch = 0 : i64, scratch_operands = 34 : i64, tpu.core_type = #tpu.core_type<sc_vector_subcore>, window_params = [{transform_indices = #map}, {transform_indices = #map}, {transform_indices = #map}, {transform_indices = #map}]} {
    %mul3A = arith.constant 625 : i32
    %mul3A_0 = arith.muli %arg1, %mul3A : i32
    %jit3A = arith.constant 8 : i32
    %div3A = arith.divsi %mul3A_0, %jit3A : i32
    %sign3A = arith.constant 0 : i32
    %sign3A_1 = arith.cmpi sgt, %mul3A_0, %sign3A : i32
    %sign3A_2 = arith.extui %sign3A_1 : i1 to i32
    %sign3A_3 = arith.constant 0 : i32
    %sign3A_4 = arith.cmpi slt, %mul3A_0, %sign3A_3 : i32
    %sign3A_5 = arith.extui %sign3A_4 : i1 to i32
    %sign3A_6 = arith.subi %sign3A_2, %sign3A_5 : i32
    %sign3A_7 = arith.constant 0 : i32
    %sign3A_8 = arith.cmpi sgt, %jit3A, %sign3A_7 : i32
    %sign3A_9 = arith.extui %sign3A_8 : i1 to i32
    %sign3A_10 = arith.constant 0 : i32
    %sign3A_11 = arith.cmpi slt, %jit3A, %sign3A_10 : i32
    %sign3A_12 = arith.extui %sign3A_11 : i1 to i32
    %sign3A_13 = arith.subi %sign3A_9, %sign3A_12 : i32
    %ne3A = arith.cmpi ne, %sign3A_6, %sign3A_13 : i32
    %rem3A = arith.remsi %mul3A_0, %jit3A : i32
    %ne3A_14 = arith.constant 0 : i32
    %ne3A_15 = arith.cmpi ne, %rem3A, %ne3A_14 : i32
    %and3A = arith.andi %ne3A, %ne3A_15 : i1
    %sub3A = arith.constant 1 : i32
    %sub3A_16 = arith.subi %div3A, %sub3A : i32
    %select_n3A = arith.select %and3A, %sub3A_16, %div3A : i32
    %mul3A_17 = arith.constant 8 : i32
    %mul3A_18 = arith.muli %select_n3A, %mul3A_17 : i32
    %multiple_of3A = tpu.assume_multiple %mul3A_18, 8 : i32
    %mul3A_19 = arith.constant 32 : i32
    %mul3A_20 = arith.muli %arg0, %mul3A_19 : i32
    %multiple_of3A_21 = tpu.assume_multiple %mul3A_20, 8 : i32
    %mul3A_22 = arith.constant 160 : i32
    %mul3A_23 = arith.muli %arg1, %mul3A_22 : i32
    "tpu.region"() ({
      %run_scoped3A = tpu.sem_alloc : memref<!tpu.dma_semaphore, #tpu.memory_space<semaphore_mem>>
      %dma_start3A_170 = arith.constant 0 : i32
      %dma_start3A_171 = tpu.memref_slice %arg2[%mul3A_23, %dma_start3A_170] : memref<2560x128xi32, #tpu.memory_space<hbm>> -> memref<160x128xi32, #tpu.memory_space<hbm>>
      %dma_start3A_172 = arith.constant 0 : i32
      %dma_start3A_173 = tpu.memref_slice %arg2[%mul3A_23, %dma_start3A_172] : memref<2560x128xi32, #tpu.memory_space<hbm>> -> memref<160x128xi32, #tpu.memory_space<hbm>>
      tpu.enqueue_dma source(%dma_start3A_173 : memref<160x128xi32, #tpu.memory_space<hbm>>) target(%arg6 : memref<160x128xi32, #tpu.memory_space<vmem>>) target_semaphore(%run_scoped3A : memref<!tpu.dma_semaphore, #tpu.memory_space<semaphore_mem>>)
      %dma_wait3A_174 = arith.constant 0 : i32
      %dma_wait3A_175 = tpu.memref_slice %arg2[%mul3A_23, %dma_wait3A_174] : memref<2560x128xi32, #tpu.memory_space<hbm>> -> memref<160x128xi32, #tpu.memory_space<hbm>>
      %dma_wait3A_176 = arith.constant 0 : i32
      %dma_wait3A_177 = tpu.memref_slice %arg2[%mul3A_23, %dma_wait3A_176] : memref<2560x128xi32, #tpu.memory_space<hbm>> -> memref<160x128xi32, #tpu.memory_space<hbm>>
      tpu.wait_dma2 semaphore(%run_scoped3A : memref<!tpu.dma_semaphore, #tpu.memory_space<semaphore_mem>>) src(%dma_wait3A_177 : memref<160x128xi32, #tpu.memory_space<hbm>>) dst(%arg6 : memref<160x128xi32, #tpu.memory_space<vmem>>)
      tpu.yield
    }) : () -> ()
    %mul3A_24 = arith.constant 160 : i32
    %mul3A_25 = arith.muli %arg1, %mul3A_24 : i32
    "tpu.region"() ({
      %run_scoped3A = tpu.sem_alloc : memref<!tpu.dma_semaphore, #tpu.memory_space<semaphore_mem>>
      %dma_start3A_170 = arith.constant 0 : i32
      %dma_start3A_171 = tpu.memref_slice %arg3[%mul3A_25, %dma_start3A_170] : memref<2560x128xi32, #tpu.memory_space<hbm>> -> memref<160x128xi32, #tpu.memory_space<hbm>>
      %dma_start3A_172 = arith.constant 0 : i32
      %dma_start3A_173 = tpu.memref_slice %arg3[%mul3A_25, %dma_start3A_172] : memref<2560x128xi32, #tpu.memory_space<hbm>> -> memref<160x128xi32, #tpu.memory_space<hbm>>
      tpu.enqueue_dma source(%dma_start3A_173 : memref<160x128xi32, #tpu.memory_space<hbm>>) target(%arg7 : memref<160x128xi32, #tpu.memory_space<vmem>>) target_semaphore(%run_scoped3A : memref<!tpu.dma_semaphore, #tpu.memory_space<semaphore_mem>>)
      %dma_wait3A_174 = arith.constant 0 : i32
      %dma_wait3A_175 = tpu.memref_slice %arg3[%mul3A_25, %dma_wait3A_174] : memref<2560x128xi32, #tpu.memory_space<hbm>> -> memref<160x128xi32, #tpu.memory_space<hbm>>
      %dma_wait3A_176 = arith.constant 0 : i32
      %dma_wait3A_177 = tpu.memref_slice %arg3[%mul3A_25, %dma_wait3A_176] : memref<2560x128xi32, #tpu.memory_space<hbm>> -> memref<160x128xi32, #tpu.memory_space<hbm>>
      tpu.wait_dma2 semaphore(%run_scoped3A : memref<!tpu.dma_semaphore, #tpu.memory_space<semaphore_mem>>) src(%dma_wait3A_177 : memref<160x128xi32, #tpu.memory_space<hbm>>) dst(%arg7 : memref<160x128xi32, #tpu.memory_space<vmem>>)
      tpu.yield
    }) : () -> ()
    "tpu.region"() ({
      %run_scoped3A = tpu.sem_alloc : memref<!tpu.dma_semaphore, #tpu.memory_space<semaphore_mem>>
      %dma_start3A_170 = arith.constant 0 : i32
      %dma_start3A_171 = tpu.memref_slice %arg18[%multiple_of3A, %dma_start3A_170] : memref<10128x32xf32, #tpu.memory_space<vmem_shared>> -> memref<632x32xf32, #tpu.memory_space<vmem_shared>>
      %dma_start3A_172 = tpu.memref_slice %arg4[%multiple_of3A, %multiple_of3A_21] : memref<10000x64xf32, #tpu.memory_space<hbm>> -> memref<632x32xf32, #tpu.memory_space<hbm>>
      tpu.enqueue_dma source(%dma_start3A_172 : memref<632x32xf32, #tpu.memory_space<hbm>>) target(%dma_start3A_171 : memref<632x32xf32, #tpu.memory_space<vmem_shared>>) target_semaphore(%run_scoped3A : memref<!tpu.dma_semaphore, #tpu.memory_space<semaphore_mem>>)
      %dma_wait3A_173 = arith.constant 0 : i32
      %dma_wait3A_174 = tpu.memref_slice %arg18[%multiple_of3A, %dma_wait3A_173] : memref<10128x32xf32, #tpu.memory_space<vmem_shared>> -> memref<632x32xf32, #tpu.memory_space<vmem_shared>>
      %dma_wait3A_175 = tpu.memref_slice %arg4[%multiple_of3A, %multiple_of3A_21] : memref<10000x64xf32, #tpu.memory_space<hbm>> -> memref<632x32xf32, #tpu.memory_space<hbm>>
      tpu.wait_dma2 semaphore(%run_scoped3A : memref<!tpu.dma_semaphore, #tpu.memory_space<semaphore_mem>>) src(%dma_wait3A_175 : memref<632x32xf32, #tpu.memory_space<hbm>>) dst(%dma_wait3A_174 : memref<632x32xf32, #tpu.memory_space<vmem_shared>>)
      tpu.yield
    }) : () -> ()
    "tpu.region"() ({
      %run_scoped3A = tpu.sem_alloc : memref<!tpu.dma_semaphore, #tpu.memory_space<semaphore_mem>>
      %dma_start3A_170 = arith.constant 0 : i32
      %dma_start3A_171 = tpu.memref_slice %arg19[%multiple_of3A, %dma_start3A_170] : memref<10000x32xf32, #tpu.memory_space<vmem_shared>> -> memref<632x32xf32, #tpu.memory_space<vmem_shared>>
      %dma_start3A_172 = tpu.memref_slice %arg4[%multiple_of3A, %multiple_of3A_21] : memref<10000x64xf32, #tpu.memory_space<hbm>> -> memref<632x32xf32, #tpu.memory_space<hbm>>
      tpu.enqueue_dma source(%dma_start3A_172 : memref<632x32xf32, #tpu.memory_space<hbm>>) target(%dma_start3A_171 : memref<632x32xf32, #tpu.memory_space<vmem_shared>>) target_semaphore(%run_scoped3A : memref<!tpu.dma_semaphore, #tpu.memory_space<semaphore_mem>>)
      %dma_wait3A_173 = arith.constant 0 : i32
      %dma_wait3A_174 = tpu.memref_slice %arg19[%multiple_of3A, %dma_wait3A_173] : memref<10000x32xf32, #tpu.memory_space<vmem_shared>> -> memref<632x32xf32, #tpu.memory_space<vmem_shared>>
      %dma_wait3A_175 = tpu.memref_slice %arg4[%multiple_of3A, %multiple_of3A_21] : memref<10000x64xf32, #tpu.memory_space<hbm>> -> memref<632x32xf32, #tpu.memory_space<hbm>>
      tpu.wait_dma2 semaphore(%run_scoped3A : memref<!tpu.dma_semaphore, #tpu.memory_space<semaphore_mem>>) src(%dma_wait3A_175 : memref<632x32xf32, #tpu.memory_space<hbm>>) dst(%dma_wait3A_174 : memref<632x32xf32, #tpu.memory_space<vmem_shared>>)
      tpu.yield
    }) : () -> ()
    %barrier3A = arith.constant 0 : index
    tpu.barrier barrier_id(%barrier3A)
    %dma_start3A = arith.constant 0 : i32
    %dma_start3A_26 = arith.constant 0 : i32
    %dma_start3A_27 = tpu.memref_slice %arg6[%dma_start3A, %dma_start3A_26] : memref<160x128xi32, #tpu.memory_space<vmem>> -> memref<1x128xi32, #tpu.memory_space<vmem>>
    %dma_start3A_28 = tpu.memref_squeeze %dma_start3A_27 : memref<1x128xi32, #tpu.memory_space<vmem>> -> memref<128xi32, #tpu.memory_space<vmem>>
    %dma_start3A_29 = arith.constant 0 : i32
    %dma_start3A_30 = arith.constant 0 : i32
    %dma_start3A_31 = tpu.memref_slice %arg19[%dma_start3A_29, %dma_start3A_30] : memref<10000x32xf32, #tpu.memory_space<vmem_shared>> -> memref<10000x32xf32, #tpu.memory_space<vmem_shared>>
    tpu.enqueue_indirect_dma source(%dma_start3A_31 : memref<10000x32xf32, #tpu.memory_space<vmem_shared>>) target(%arg8 : memref<128x32xf32, #tpu.memory_space<vmem>>) offsets(%dma_start3A_28 : memref<128xi32, #tpu.memory_space<vmem>>) semaphore(%arg20 : memref<!tpu.dma_semaphore, #tpu.memory_space<semaphore_mem>>)
    %dma_start3A_32 = arith.constant 1 : i32
    %dma_start3A_33 = arith.constant 0 : i32
    %dma_start3A_34 = tpu.memref_slice %arg6[%dma_start3A_32, %dma_start3A_33] : memref<160x128xi32, #tpu.memory_space<vmem>> -> memref<1x128xi32, #tpu.memory_space<vmem>>
    %dma_start3A_35 = tpu.memref_squeeze %dma_start3A_34 : memref<1x128xi32, #tpu.memory_space<vmem>> -> memref<128xi32, #tpu.memory_space<vmem>>
    %dma_start3A_36 = arith.constant 0 : i32
    %dma_start3A_37 = arith.constant 0 : i32
    %dma_start3A_38 = tpu.memref_slice %arg19[%dma_start3A_36, %dma_start3A_37] : memref<10000x32xf32, #tpu.memory_space<vmem_shared>> -> memref<10000x32xf32, #tpu.memory_space<vmem_shared>>
    tpu.enqueue_indirect_dma source(%dma_start3A_38 : memref<10000x32xf32, #tpu.memory_space<vmem_shared>>) target(%arg9 : memref<128x32xf32, #tpu.memory_space<vmem>>) offsets(%dma_start3A_35 : memref<128xi32, #tpu.memory_space<vmem>>) semaphore(%arg21 : memref<!tpu.dma_semaphore, #tpu.memory_space<semaphore_mem>>)
    %dma_start3A_39 = arith.constant 2 : i32
    %dma_start3A_40 = arith.constant 0 : i32
    %dma_start3A_41 = tpu.memref_slice %arg6[%dma_start3A_39, %dma_start3A_40] : memref<160x128xi32, #tpu.memory_space<vmem>> -> memref<1x128xi32, #tpu.memory_space<vmem>>
    %dma_start3A_42 = tpu.memref_squeeze %dma_start3A_41 : memref<1x128xi32, #tpu.memory_space<vmem>> -> memref<128xi32, #tpu.memory_space<vmem>>
    %dma_start3A_43 = arith.constant 0 : i32
    %dma_start3A_44 = arith.constant 0 : i32
    %dma_start3A_45 = tpu.memref_slice %arg19[%dma_start3A_43, %dma_start3A_44] : memref<10000x32xf32, #tpu.memory_space<vmem_shared>> -> memref<10000x32xf32, #tpu.memory_space<vmem_shared>>
    tpu.enqueue_indirect_dma source(%dma_start3A_45 : memref<10000x32xf32, #tpu.memory_space<vmem_shared>>) target(%arg10 : memref<128x32xf32, #tpu.memory_space<vmem>>) offsets(%dma_start3A_42 : memref<128xi32, #tpu.memory_space<vmem>>) semaphore(%arg22 : memref<!tpu.dma_semaphore, #tpu.memory_space<semaphore_mem>>)
    %dma_start3A_46 = arith.constant 3 : i32
    %dma_start3A_47 = arith.constant 0 : i32
    %dma_start3A_48 = tpu.memref_slice %arg6[%dma_start3A_46, %dma_start3A_47] : memref<160x128xi32, #tpu.memory_space<vmem>> -> memref<1x128xi32, #tpu.memory_space<vmem>>
    %dma_start3A_49 = tpu.memref_squeeze %dma_start3A_48 : memref<1x128xi32, #tpu.memory_space<vmem>> -> memref<128xi32, #tpu.memory_space<vmem>>
    %dma_start3A_50 = arith.constant 0 : i32
    %dma_start3A_51 = arith.constant 0 : i32
    %dma_start3A_52 = tpu.memref_slice %arg19[%dma_start3A_50, %dma_start3A_51] : memref<10000x32xf32, #tpu.memory_space<vmem_shared>> -> memref<10000x32xf32, #tpu.memory_space<vmem_shared>>
    tpu.enqueue_indirect_dma source(%dma_start3A_52 : memref<10000x32xf32, #tpu.memory_space<vmem_shared>>) target(%arg11 : memref<128x32xf32, #tpu.memory_space<vmem>>) offsets(%dma_start3A_49 : memref<128xi32, #tpu.memory_space<vmem>>) semaphore(%arg23 : memref<!tpu.dma_semaphore, #tpu.memory_space<semaphore_mem>>)
    %dma_start3A_53 = arith.constant 4 : i32
    %dma_start3A_54 = arith.constant 0 : i32
    %dma_start3A_55 = tpu.memref_slice %arg6[%dma_start3A_53, %dma_start3A_54] : memref<160x128xi32, #tpu.memory_space<vmem>> -> memref<1x128xi32, #tpu.memory_space<vmem>>
    %dma_start3A_56 = tpu.memref_squeeze %dma_start3A_55 : memref<1x128xi32, #tpu.memory_space<vmem>> -> memref<128xi32, #tpu.memory_space<vmem>>
    %dma_start3A_57 = arith.constant 0 : i32
    %dma_start3A_58 = arith.constant 0 : i32
    %dma_start3A_59 = tpu.memref_slice %arg19[%dma_start3A_57, %dma_start3A_58] : memref<10000x32xf32, #tpu.memory_space<vmem_shared>> -> memref<10000x32xf32, #tpu.memory_space<vmem_shared>>
    tpu.enqueue_indirect_dma source(%dma_start3A_59 : memref<10000x32xf32, #tpu.memory_space<vmem_shared>>) target(%arg12 : memref<128x32xf32, #tpu.memory_space<vmem>>) offsets(%dma_start3A_56 : memref<128xi32, #tpu.memory_space<vmem>>) semaphore(%arg24 : memref<!tpu.dma_semaphore, #tpu.memory_space<semaphore_mem>>)
    %dma_start3A_60 = arith.constant 5 : i32
    %dma_start3A_61 = arith.constant 0 : i32
    %dma_start3A_62 = tpu.memref_slice %arg6[%dma_start3A_60, %dma_start3A_61] : memref<160x128xi32, #tpu.memory_space<vmem>> -> memref<1x128xi32, #tpu.memory_space<vmem>>
    %dma_start3A_63 = tpu.memref_squeeze %dma_start3A_62 : memref<1x128xi32, #tpu.memory_space<vmem>> -> memref<128xi32, #tpu.memory_space<vmem>>
    %dma_start3A_64 = arith.constant 0 : i32
    %dma_start3A_65 = arith.constant 0 : i32
    %dma_start3A_66 = tpu.memref_slice %arg19[%dma_start3A_64, %dma_start3A_65] : memref<10000x32xf32, #tpu.memory_space<vmem_shared>> -> memref<10000x32xf32, #tpu.memory_space<vmem_shared>>
    tpu.enqueue_indirect_dma source(%dma_start3A_66 : memref<10000x32xf32, #tpu.memory_space<vmem_shared>>) target(%arg13 : memref<128x32xf32, #tpu.memory_space<vmem>>) offsets(%dma_start3A_63 : memref<128xi32, #tpu.memory_space<vmem>>) semaphore(%arg25 : memref<!tpu.dma_semaphore, #tpu.memory_space<semaphore_mem>>)
    %dma_start3A_67 = arith.constant 6 : i32
    %dma_start3A_68 = arith.constant 0 : i32
    %dma_start3A_69 = tpu.memref_slice %arg6[%dma_start3A_67, %dma_start3A_68] : memref<160x128xi32, #tpu.memory_space<vmem>> -> memref<1x128xi32, #tpu.memory_space<vmem>>
    %dma_start3A_70 = tpu.memref_squeeze %dma_start3A_69 : memref<1x128xi32, #tpu.memory_space<vmem>> -> memref<128xi32, #tpu.memory_space<vmem>>
    %dma_start3A_71 = arith.constant 0 : i32
    %dma_start3A_72 = arith.constant 0 : i32
    %dma_start3A_73 = tpu.memref_slice %arg19[%dma_start3A_71, %dma_start3A_72] : memref<10000x32xf32, #tpu.memory_space<vmem_shared>> -> memref<10000x32xf32, #tpu.memory_space<vmem_shared>>
    tpu.enqueue_indirect_dma source(%dma_start3A_73 : memref<10000x32xf32, #tpu.memory_space<vmem_shared>>) target(%arg14 : memref<128x32xf32, #tpu.memory_space<vmem>>) offsets(%dma_start3A_70 : memref<128xi32, #tpu.memory_space<vmem>>) semaphore(%arg26 : memref<!tpu.dma_semaphore, #tpu.memory_space<semaphore_mem>>)
    %dma_start3A_74 = arith.constant 7 : i32
    %dma_start3A_75 = arith.constant 0 : i32
    %dma_start3A_76 = tpu.memref_slice %arg6[%dma_start3A_74, %dma_start3A_75] : memref<160x128xi32, #tpu.memory_space<vmem>> -> memref<1x128xi32, #tpu.memory_space<vmem>>
    %dma_start3A_77 = tpu.memref_squeeze %dma_start3A_76 : memref<1x128xi32, #tpu.memory_space<vmem>> -> memref<128xi32, #tpu.memory_space<vmem>>
    %dma_start3A_78 = arith.constant 0 : i32
    %dma_start3A_79 = arith.constant 0 : i32
    %dma_start3A_80 = tpu.memref_slice %arg19[%dma_start3A_78, %dma_start3A_79] : memref<10000x32xf32, #tpu.memory_space<vmem_shared>> -> memref<10000x32xf32, #tpu.memory_space<vmem_shared>>
    tpu.enqueue_indirect_dma source(%dma_start3A_80 : memref<10000x32xf32, #tpu.memory_space<vmem_shared>>) target(%arg15 : memref<128x32xf32, #tpu.memory_space<vmem>>) offsets(%dma_start3A_77 : memref<128xi32, #tpu.memory_space<vmem>>) semaphore(%arg27 : memref<!tpu.dma_semaphore, #tpu.memory_space<semaphore_mem>>)
    %dma_start3A_81 = arith.constant 8 : i32
    %dma_start3A_82 = arith.constant 0 : i32
    %dma_start3A_83 = tpu.memref_slice %arg6[%dma_start3A_81, %dma_start3A_82] : memref<160x128xi32, #tpu.memory_space<vmem>> -> memref<1x128xi32, #tpu.memory_space<vmem>>
    %dma_start3A_84 = tpu.memref_squeeze %dma_start3A_83 : memref<1x128xi32, #tpu.memory_space<vmem>> -> memref<128xi32, #tpu.memory_space<vmem>>
    %dma_start3A_85 = arith.constant 0 : i32
    %dma_start3A_86 = arith.constant 0 : i32
    %dma_start3A_87 = tpu.memref_slice %arg19[%dma_start3A_85, %dma_start3A_86] : memref<10000x32xf32, #tpu.memory_space<vmem_shared>> -> memref<10000x32xf32, #tpu.memory_space<vmem_shared>>
    tpu.enqueue_indirect_dma source(%dma_start3A_87 : memref<10000x32xf32, #tpu.memory_space<vmem_shared>>) target(%arg16 : memref<128x32xf32, #tpu.memory_space<vmem>>) offsets(%dma_start3A_84 : memref<128xi32, #tpu.memory_space<vmem>>) semaphore(%arg28 : memref<!tpu.dma_semaphore, #tpu.memory_space<semaphore_mem>>)
    %dma_start3A_88 = arith.constant 9 : i32
    %dma_start3A_89 = arith.constant 0 : i32
    %dma_start3A_90 = tpu.memref_slice %arg6[%dma_start3A_88, %dma_start3A_89] : memref<160x128xi32, #tpu.memory_space<vmem>> -> memref<1x128xi32, #tpu.memory_space<vmem>>
    %dma_start3A_91 = tpu.memref_squeeze %dma_start3A_90 : memref<1x128xi32, #tpu.memory_space<vmem>> -> memref<128xi32, #tpu.memory_space<vmem>>
    %dma_start3A_92 = arith.constant 0 : i32
    %dma_start3A_93 = arith.constant 0 : i32
    %dma_start3A_94 = tpu.memref_slice %arg19[%dma_start3A_92, %dma_start3A_93] : memref<10000x32xf32, #tpu.memory_space<vmem_shared>> -> memref<10000x32xf32, #tpu.memory_space<vmem_shared>>
    tpu.enqueue_indirect_dma source(%dma_start3A_94 : memref<10000x32xf32, #tpu.memory_space<vmem_shared>>) target(%arg17 : memref<128x32xf32, #tpu.memory_space<vmem>>) offsets(%dma_start3A_91 : memref<128xi32, #tpu.memory_space<vmem>>) semaphore(%arg29 : memref<!tpu.dma_semaphore, #tpu.memory_space<semaphore_mem>>)
    %scan3A = arith.constant 0 : i32
    %scan3A_95 = arith.constant 0 : i32
    %scan3A_96 = arith.constant 16 : i32
    %scan3A_97 = arith.addi %scan3A_95, %scan3A_96 : i32
    %scan3A_98 = arith.constant 1 : i32
    scf.for %scan3A_170 = %scan3A_95 to %scan3A_97 step %scan3A_98  : i32 {
      %mul3A_171 = arith.constant 10 : i32
      %mul3A_172 = arith.muli %scan3A_170, %mul3A_171 : i32
      %add3A = arith.constant 0 : i32
      %add3A_173 = arith.addi %mul3A_172, %add3A : i32
      %dma_wait3A_174 = arith.constant 0 : i32
      %dma_wait3A_175 = tpu.memref_slice %arg6[%add3A_173, %dma_wait3A_174] : memref<160x128xi32, #tpu.memory_space<vmem>> -> memref<1x128xi32, #tpu.memory_space<vmem>>
      %dma_wait3A_176 = tpu.memref_squeeze %dma_wait3A_175 : memref<1x128xi32, #tpu.memory_space<vmem>> -> memref<128xi32, #tpu.memory_space<vmem>>
      %dma_wait3A_177 = arith.constant 0 : i32
      %dma_wait3A_178 = arith.constant 0 : i32
      %dma_wait3A_179 = tpu.memref_slice %arg19[%dma_wait3A_177, %dma_wait3A_178] : memref<10000x32xf32, #tpu.memory_space<vmem_shared>> -> memref<10000x32xf32, #tpu.memory_space<vmem_shared>>
      tpu.wait_indirect_dma semaphore(%arg20 : memref<!tpu.dma_semaphore, #tpu.memory_space<semaphore_mem>>) src(%dma_wait3A_179 : memref<10000x32xf32, #tpu.memory_space<vmem_shared>>) dst(%arg8 : memref<128x32xf32, #tpu.memory_space<vmem>>)
      %dma_start3A_180 = arith.constant 0 : i32
      %dma_start3A_181 = tpu.memref_slice %arg7[%add3A_173, %dma_start3A_180] : memref<160x128xi32, #tpu.memory_space<vmem>> -> memref<1x128xi32, #tpu.memory_space<vmem>>
      %dma_start3A_182 = tpu.memref_squeeze %dma_start3A_181 : memref<1x128xi32, #tpu.memory_space<vmem>> -> memref<128xi32, #tpu.memory_space<vmem>>
      %dma_start3A_183 = arith.constant 0 : i32
      %dma_start3A_184 = arith.constant 0 : i32
      %dma_start3A_185 = tpu.memref_slice %arg18[%dma_start3A_183, %dma_start3A_184] : memref<10128x32xf32, #tpu.memory_space<vmem_shared>> -> memref<10128x32xf32, #tpu.memory_space<vmem_shared>>
      tpu.enqueue_indirect_dma source(%arg8 : memref<128x32xf32, #tpu.memory_space<vmem>>) target(%dma_start3A_185 : memref<10128x32xf32, #tpu.memory_space<vmem_shared>>) offsets(%dma_start3A_182 : memref<128xi32, #tpu.memory_space<vmem>>) semaphore(%arg30 : memref<!tpu.dma_semaphore, #tpu.memory_space<semaphore_mem>>) {add = true}
      %add3A_186 = arith.constant 1 : i32
      %add3A_187 = arith.addi %mul3A_172, %add3A_186 : i32
      %dma_wait3A_188 = arith.constant 0 : i32
      %dma_wait3A_189 = tpu.memref_slice %arg6[%add3A_187, %dma_wait3A_188] : memref<160x128xi32, #tpu.memory_space<vmem>> -> memref<1x128xi32, #tpu.memory_space<vmem>>
      %dma_wait3A_190 = tpu.memref_squeeze %dma_wait3A_189 : memref<1x128xi32, #tpu.memory_space<vmem>> -> memref<128xi32, #tpu.memory_space<vmem>>
      %dma_wait3A_191 = arith.constant 0 : i32
      %dma_wait3A_192 = arith.constant 0 : i32
      %dma_wait3A_193 = tpu.memref_slice %arg19[%dma_wait3A_191, %dma_wait3A_192] : memref<10000x32xf32, #tpu.memory_space<vmem_shared>> -> memref<10000x32xf32, #tpu.memory_space<vmem_shared>>
      tpu.wait_indirect_dma semaphore(%arg21 : memref<!tpu.dma_semaphore, #tpu.memory_space<semaphore_mem>>) src(%dma_wait3A_193 : memref<10000x32xf32, #tpu.memory_space<vmem_shared>>) dst(%arg9 : memref<128x32xf32, #tpu.memory_space<vmem>>)
      %dma_start3A_194 = arith.constant 0 : i32
      %dma_start3A_195 = tpu.memref_slice %arg7[%add3A_187, %dma_start3A_194] : memref<160x128xi32, #tpu.memory_space<vmem>> -> memref<1x128xi32, #tpu.memory_space<vmem>>
      %dma_start3A_196 = tpu.memref_squeeze %dma_start3A_195 : memref<1x128xi32, #tpu.memory_space<vmem>> -> memref<128xi32, #tpu.memory_space<vmem>>
      %dma_start3A_197 = arith.constant 0 : i32
      %dma_start3A_198 = arith.constant 0 : i32
      %dma_start3A_199 = tpu.memref_slice %arg18[%dma_start3A_197, %dma_start3A_198] : memref<10128x32xf32, #tpu.memory_space<vmem_shared>> -> memref<10128x32xf32, #tpu.memory_space<vmem_shared>>
      tpu.enqueue_indirect_dma source(%arg9 : memref<128x32xf32, #tpu.memory_space<vmem>>) target(%dma_start3A_199 : memref<10128x32xf32, #tpu.memory_space<vmem_shared>>) offsets(%dma_start3A_196 : memref<128xi32, #tpu.memory_space<vmem>>) semaphore(%arg31 : memref<!tpu.dma_semaphore, #tpu.memory_space<semaphore_mem>>) {add = true}
      %add3A_200 = arith.constant 2 : i32
      %add3A_201 = arith.addi %mul3A_172, %add3A_200 : i32
      %dma_wait3A_202 = arith.constant 0 : i32
      %dma_wait3A_203 = tpu.memref_slice %arg6[%add3A_201, %dma_wait3A_202] : memref<160x128xi32, #tpu.memory_space<vmem>> -> memref<1x128xi32, #tpu.memory_space<vmem>>
      %dma_wait3A_204 = tpu.memref_squeeze %dma_wait3A_203 : memref<1x128xi32, #tpu.memory_space<vmem>> -> memref<128xi32, #tpu.memory_space<vmem>>
      %dma_wait3A_205 = arith.constant 0 : i32
      %dma_wait3A_206 = arith.constant 0 : i32
      %dma_wait3A_207 = tpu.memref_slice %arg19[%dma_wait3A_205, %dma_wait3A_206] : memref<10000x32xf32, #tpu.memory_space<vmem_shared>> -> memref<10000x32xf32, #tpu.memory_space<vmem_shared>>
      tpu.wait_indirect_dma semaphore(%arg22 : memref<!tpu.dma_semaphore, #tpu.memory_space<semaphore_mem>>) src(%dma_wait3A_207 : memref<10000x32xf32, #tpu.memory_space<vmem_shared>>) dst(%arg10 : memref<128x32xf32, #tpu.memory_space<vmem>>)
      %dma_start3A_208 = arith.constant 0 : i32
      %dma_start3A_209 = tpu.memref_slice %arg7[%add3A_201, %dma_start3A_208] : memref<160x128xi32, #tpu.memory_space<vmem>> -> memref<1x128xi32, #tpu.memory_space<vmem>>
      %dma_start3A_210 = tpu.memref_squeeze %dma_start3A_209 : memref<1x128xi32, #tpu.memory_space<vmem>> -> memref<128xi32, #tpu.memory_space<vmem>>
      %dma_start3A_211 = arith.constant 0 : i32
      %dma_start3A_212 = arith.constant 0 : i32
      %dma_start3A_213 = tpu.memref_slice %arg18[%dma_start3A_211, %dma_start3A_212] : memref<10128x32xf32, #tpu.memory_space<vmem_shared>> -> memref<10128x32xf32, #tpu.memory_space<vmem_shared>>
      tpu.enqueue_indirect_dma source(%arg10 : memref<128x32xf32, #tpu.memory_space<vmem>>) target(%dma_start3A_213 : memref<10128x32xf32, #tpu.memory_space<vmem_shared>>) offsets(%dma_start3A_210 : memref<128xi32, #tpu.memory_space<vmem>>) semaphore(%arg32 : memref<!tpu.dma_semaphore, #tpu.memory_space<semaphore_mem>>) {add = true}
      %add3A_214 = arith.constant 3 : i32
      %add3A_215 = arith.addi %mul3A_172, %add3A_214 : i32
      %dma_wait3A_216 = arith.constant 0 : i32
      %dma_wait3A_217 = tpu.memref_slice %arg6[%add3A_215, %dma_wait3A_216] : memref<160x128xi32, #tpu.memory_space<vmem>> -> memref<1x128xi32, #tpu.memory_space<vmem>>
      %dma_wait3A_218 = tpu.memref_squeeze %dma_wait3A_217 : memref<1x128xi32, #tpu.memory_space<vmem>> -> memref<128xi32, #tpu.memory_space<vmem>>
      %dma_wait3A_219 = arith.constant 0 : i32
      %dma_wait3A_220 = arith.constant 0 : i32
      %dma_wait3A_221 = tpu.memref_slice %arg19[%dma_wait3A_219, %dma_wait3A_220] : memref<10000x32xf32, #tpu.memory_space<vmem_shared>> -> memref<10000x32xf32, #tpu.memory_space<vmem_shared>>
      tpu.wait_indirect_dma semaphore(%arg23 : memref<!tpu.dma_semaphore, #tpu.memory_space<semaphore_mem>>) src(%dma_wait3A_221 : memref<10000x32xf32, #tpu.memory_space<vmem_shared>>) dst(%arg11 : memref<128x32xf32, #tpu.memory_space<vmem>>)
      %dma_start3A_222 = arith.constant 0 : i32
      %dma_start3A_223 = tpu.memref_slice %arg7[%add3A_215, %dma_start3A_222] : memref<160x128xi32, #tpu.memory_space<vmem>> -> memref<1x128xi32, #tpu.memory_space<vmem>>
      %dma_start3A_224 = tpu.memref_squeeze %dma_start3A_223 : memref<1x128xi32, #tpu.memory_space<vmem>> -> memref<128xi32, #tpu.memory_space<vmem>>
      %dma_start3A_225 = arith.constant 0 : i32
      %dma_start3A_226 = arith.constant 0 : i32
      %dma_start3A_227 = tpu.memref_slice %arg18[%dma_start3A_225, %dma_start3A_226] : memref<10128x32xf32, #tpu.memory_space<vmem_shared>> -> memref<10128x32xf32, #tpu.memory_space<vmem_shared>>
      tpu.enqueue_indirect_dma source(%arg11 : memref<128x32xf32, #tpu.memory_space<vmem>>) target(%dma_start3A_227 : memref<10128x32xf32, #tpu.memory_space<vmem_shared>>) offsets(%dma_start3A_224 : memref<128xi32, #tpu.memory_space<vmem>>) semaphore(%arg33 : memref<!tpu.dma_semaphore, #tpu.memory_space<semaphore_mem>>) {add = true}
      %add3A_228 = arith.constant 4 : i32
      %add3A_229 = arith.addi %mul3A_172, %add3A_228 : i32
      %dma_wait3A_230 = arith.constant 0 : i32
      %dma_wait3A_231 = tpu.memref_slice %arg6[%add3A_229, %dma_wait3A_230] : memref<160x128xi32, #tpu.memory_space<vmem>> -> memref<1x128xi32, #tpu.memory_space<vmem>>
      %dma_wait3A_232 = tpu.memref_squeeze %dma_wait3A_231 : memref<1x128xi32, #tpu.memory_space<vmem>> -> memref<128xi32, #tpu.memory_space<vmem>>
      %dma_wait3A_233 = arith.constant 0 : i32
      %dma_wait3A_234 = arith.constant 0 : i32
      %dma_wait3A_235 = tpu.memref_slice %arg19[%dma_wait3A_233, %dma_wait3A_234] : memref<10000x32xf32, #tpu.memory_space<vmem_shared>> -> memref<10000x32xf32, #tpu.memory_space<vmem_shared>>
      tpu.wait_indirect_dma semaphore(%arg24 : memref<!tpu.dma_semaphore, #tpu.memory_space<semaphore_mem>>) src(%dma_wait3A_235 : memref<10000x32xf32, #tpu.memory_space<vmem_shared>>) dst(%arg12 : memref<128x32xf32, #tpu.memory_space<vmem>>)
      %dma_start3A_236 = arith.constant 0 : i32
      %dma_start3A_237 = tpu.memref_slice %arg7[%add3A_229, %dma_start3A_236] : memref<160x128xi32, #tpu.memory_space<vmem>> -> memref<1x128xi32, #tpu.memory_space<vmem>>
      %dma_start3A_238 = tpu.memref_squeeze %dma_start3A_237 : memref<1x128xi32, #tpu.memory_space<vmem>> -> memref<128xi32, #tpu.memory_space<vmem>>
      %dma_start3A_239 = arith.constant 0 : i32
      %dma_start3A_240 = arith.constant 0 : i32
      %dma_start3A_241 = tpu.memref_slice %arg18[%dma_start3A_239, %dma_start3A_240] : memref<10128x32xf32, #tpu.memory_space<vmem_shared>> -> memref<10128x32xf32, #tpu.memory_space<vmem_shared>>
      tpu.enqueue_indirect_dma source(%arg12 : memref<128x32xf32, #tpu.memory_space<vmem>>) target(%dma_start3A_241 : memref<10128x32xf32, #tpu.memory_space<vmem_shared>>) offsets(%dma_start3A_238 : memref<128xi32, #tpu.memory_space<vmem>>) semaphore(%arg34 : memref<!tpu.dma_semaphore, #tpu.memory_space<semaphore_mem>>) {add = true}
      %add3A_242 = arith.constant 5 : i32
      %add3A_243 = arith.addi %mul3A_172, %add3A_242 : i32
      %dma_wait3A_244 = arith.constant 0 : i32
      %dma_wait3A_245 = tpu.memref_slice %arg6[%add3A_243, %dma_wait3A_244] : memref<160x128xi32, #tpu.memory_space<vmem>> -> memref<1x128xi32, #tpu.memory_space<vmem>>
      %dma_wait3A_246 = tpu.memref_squeeze %dma_wait3A_245 : memref<1x128xi32, #tpu.memory_space<vmem>> -> memref<128xi32, #tpu.memory_space<vmem>>
      %dma_wait3A_247 = arith.constant 0 : i32
      %dma_wait3A_248 = arith.constant 0 : i32
      %dma_wait3A_249 = tpu.memref_slice %arg19[%dma_wait3A_247, %dma_wait3A_248] : memref<10000x32xf32, #tpu.memory_space<vmem_shared>> -> memref<10000x32xf32, #tpu.memory_space<vmem_shared>>
      tpu.wait_indirect_dma semaphore(%arg25 : memref<!tpu.dma_semaphore, #tpu.memory_space<semaphore_mem>>) src(%dma_wait3A_249 : memref<10000x32xf32, #tpu.memory_space<vmem_shared>>) dst(%arg13 : memref<128x32xf32, #tpu.memory_space<vmem>>)
      %dma_start3A_250 = arith.constant 0 : i32
      %dma_start3A_251 = tpu.memref_slice %arg7[%add3A_243, %dma_start3A_250] : memref<160x128xi32, #tpu.memory_space<vmem>> -> memref<1x128xi32, #tpu.memory_space<vmem>>
      %dma_start3A_252 = tpu.memref_squeeze %dma_start3A_251 : memref<1x128xi32, #tpu.memory_space<vmem>> -> memref<128xi32, #tpu.memory_space<vmem>>
      %dma_start3A_253 = arith.constant 0 : i32
      %dma_start3A_254 = arith.constant 0 : i32
      %dma_start3A_255 = tpu.memref_slice %arg18[%dma_start3A_253, %dma_start3A_254] : memref<10128x32xf32, #tpu.memory_space<vmem_shared>> -> memref<10128x32xf32, #tpu.memory_space<vmem_shared>>
      tpu.enqueue_indirect_dma source(%arg13 : memref<128x32xf32, #tpu.memory_space<vmem>>) target(%dma_start3A_255 : memref<10128x32xf32, #tpu.memory_space<vmem_shared>>) offsets(%dma_start3A_252 : memref<128xi32, #tpu.memory_space<vmem>>) semaphore(%arg35 : memref<!tpu.dma_semaphore, #tpu.memory_space<semaphore_mem>>) {add = true}
      %add3A_256 = arith.constant 6 : i32
      %add3A_257 = arith.addi %mul3A_172, %add3A_256 : i32
      %dma_wait3A_258 = arith.constant 0 : i32
      %dma_wait3A_259 = tpu.memref_slice %arg6[%add3A_257, %dma_wait3A_258] : memref<160x128xi32, #tpu.memory_space<vmem>> -> memref<1x128xi32, #tpu.memory_space<vmem>>
      %dma_wait3A_260 = tpu.memref_squeeze %dma_wait3A_259 : memref<1x128xi32, #tpu.memory_space<vmem>> -> memref<128xi32, #tpu.memory_space<vmem>>
      %dma_wait3A_261 = arith.constant 0 : i32
      %dma_wait3A_262 = arith.constant 0 : i32
      %dma_wait3A_263 = tpu.memref_slice %arg19[%dma_wait3A_261, %dma_wait3A_262] : memref<10000x32xf32, #tpu.memory_space<vmem_shared>> -> memref<10000x32xf32, #tpu.memory_space<vmem_shared>>
      tpu.wait_indirect_dma semaphore(%arg26 : memref<!tpu.dma_semaphore, #tpu.memory_space<semaphore_mem>>) src(%dma_wait3A_263 : memref<10000x32xf32, #tpu.memory_space<vmem_shared>>) dst(%arg14 : memref<128x32xf32, #tpu.memory_space<vmem>>)
      %dma_start3A_264 = arith.constant 0 : i32
      %dma_start3A_265 = tpu.memref_slice %arg7[%add3A_257, %dma_start3A_264] : memref<160x128xi32, #tpu.memory_space<vmem>> -> memref<1x128xi32, #tpu.memory_space<vmem>>
      %dma_start3A_266 = tpu.memref_squeeze %dma_start3A_265 : memref<1x128xi32, #tpu.memory_space<vmem>> -> memref<128xi32, #tpu.memory_space<vmem>>
      %dma_start3A_267 = arith.constant 0 : i32
      %dma_start3A_268 = arith.constant 0 : i32
      %dma_start3A_269 = tpu.memref_slice %arg18[%dma_start3A_267, %dma_start3A_268] : memref<10128x32xf32, #tpu.memory_space<vmem_shared>> -> memref<10128x32xf32, #tpu.memory_space<vmem_shared>>
      tpu.enqueue_indirect_dma source(%arg14 : memref<128x32xf32, #tpu.memory_space<vmem>>) target(%dma_start3A_269 : memref<10128x32xf32, #tpu.memory_space<vmem_shared>>) offsets(%dma_start3A_266 : memref<128xi32, #tpu.memory_space<vmem>>) semaphore(%arg36 : memref<!tpu.dma_semaphore, #tpu.memory_space<semaphore_mem>>) {add = true}
      %add3A_270 = arith.constant 7 : i32
      %add3A_271 = arith.addi %mul3A_172, %add3A_270 : i32
      %dma_wait3A_272 = arith.constant 0 : i32
      %dma_wait3A_273 = tpu.memref_slice %arg6[%add3A_271, %dma_wait3A_272] : memref<160x128xi32, #tpu.memory_space<vmem>> -> memref<1x128xi32, #tpu.memory_space<vmem>>
      %dma_wait3A_274 = tpu.memref_squeeze %dma_wait3A_273 : memref<1x128xi32, #tpu.memory_space<vmem>> -> memref<128xi32, #tpu.memory_space<vmem>>
      %dma_wait3A_275 = arith.constant 0 : i32
      %dma_wait3A_276 = arith.constant 0 : i32
      %dma_wait3A_277 = tpu.memref_slice %arg19[%dma_wait3A_275, %dma_wait3A_276] : memref<10000x32xf32, #tpu.memory_space<vmem_shared>> -> memref<10000x32xf32, #tpu.memory_space<vmem_shared>>
      tpu.wait_indirect_dma semaphore(%arg27 : memref<!tpu.dma_semaphore, #tpu.memory_space<semaphore_mem>>) src(%dma_wait3A_277 : memref<10000x32xf32, #tpu.memory_space<vmem_shared>>) dst(%arg15 : memref<128x32xf32, #tpu.memory_space<vmem>>)
      %dma_start3A_278 = arith.constant 0 : i32
      %dma_start3A_279 = tpu.memref_slice %arg7[%add3A_271, %dma_start3A_278] : memref<160x128xi32, #tpu.memory_space<vmem>> -> memref<1x128xi32, #tpu.memory_space<vmem>>
      %dma_start3A_280 = tpu.memref_squeeze %dma_start3A_279 : memref<1x128xi32, #tpu.memory_space<vmem>> -> memref<128xi32, #tpu.memory_space<vmem>>
      %dma_start3A_281 = arith.constant 0 : i32
      %dma_start3A_282 = arith.constant 0 : i32
      %dma_start3A_283 = tpu.memref_slice %arg18[%dma_start3A_281, %dma_start3A_282] : memref<10128x32xf32, #tpu.memory_space<vmem_shared>> -> memref<10128x32xf32, #tpu.memory_space<vmem_shared>>
      tpu.enqueue_indirect_dma source(%arg15 : memref<128x32xf32, #tpu.memory_space<vmem>>) target(%dma_start3A_283 : memref<10128x32xf32, #tpu.memory_space<vmem_shared>>) offsets(%dma_start3A_280 : memref<128xi32, #tpu.memory_space<vmem>>) semaphore(%arg37 : memref<!tpu.dma_semaphore, #tpu.memory_space<semaphore_mem>>) {add = true}
      %add3A_284 = arith.constant 8 : i32
      %add3A_285 = arith.addi %mul3A_172, %add3A_284 : i32
      %dma_wait3A_286 = arith.constant 0 : i32
      %dma_wait3A_287 = tpu.memref_slice %arg6[%add3A_285, %dma_wait3A_286] : memref<160x128xi32, #tpu.memory_space<vmem>> -> memref<1x128xi32, #tpu.memory_space<vmem>>
      %dma_wait3A_288 = tpu.memref_squeeze %dma_wait3A_287 : memref<1x128xi32, #tpu.memory_space<vmem>> -> memref<128xi32, #tpu.memory_space<vmem>>
      %dma_wait3A_289 = arith.constant 0 : i32
      %dma_wait3A_290 = arith.constant 0 : i32
      %dma_wait3A_291 = tpu.memref_slice %arg19[%dma_wait3A_289, %dma_wait3A_290] : memref<10000x32xf32, #tpu.memory_space<vmem_shared>> -> memref<10000x32xf32, #tpu.memory_space<vmem_shared>>
      tpu.wait_indirect_dma semaphore(%arg28 : memref<!tpu.dma_semaphore, #tpu.memory_space<semaphore_mem>>) src(%dma_wait3A_291 : memref<10000x32xf32, #tpu.memory_space<vmem_shared>>) dst(%arg16 : memref<128x32xf32, #tpu.memory_space<vmem>>)
      %dma_start3A_292 = arith.constant 0 : i32
      %dma_start3A_293 = tpu.memref_slice %arg7[%add3A_285, %dma_start3A_292] : memref<160x128xi32, #tpu.memory_space<vmem>> -> memref<1x128xi32, #tpu.memory_space<vmem>>
      %dma_start3A_294 = tpu.memref_squeeze %dma_start3A_293 : memref<1x128xi32, #tpu.memory_space<vmem>> -> memref<128xi32, #tpu.memory_space<vmem>>
      %dma_start3A_295 = arith.constant 0 : i32
      %dma_start3A_296 = arith.constant 0 : i32
      %dma_start3A_297 = tpu.memref_slice %arg18[%dma_start3A_295, %dma_start3A_296] : memref<10128x32xf32, #tpu.memory_space<vmem_shared>> -> memref<10128x32xf32, #tpu.memory_space<vmem_shared>>
      tpu.enqueue_indirect_dma source(%arg16 : memref<128x32xf32, #tpu.memory_space<vmem>>) target(%dma_start3A_297 : memref<10128x32xf32, #tpu.memory_space<vmem_shared>>) offsets(%dma_start3A_294 : memref<128xi32, #tpu.memory_space<vmem>>) semaphore(%arg38 : memref<!tpu.dma_semaphore, #tpu.memory_space<semaphore_mem>>) {add = true}
      %add3A_298 = arith.constant 9 : i32
      %add3A_299 = arith.addi %mul3A_172, %add3A_298 : i32
      %dma_wait3A_300 = arith.constant 0 : i32
      %dma_wait3A_301 = tpu.memref_slice %arg6[%add3A_299, %dma_wait3A_300] : memref<160x128xi32, #tpu.memory_space<vmem>> -> memref<1x128xi32, #tpu.memory_space<vmem>>
      %dma_wait3A_302 = tpu.memref_squeeze %dma_wait3A_301 : memref<1x128xi32, #tpu.memory_space<vmem>> -> memref<128xi32, #tpu.memory_space<vmem>>
      %dma_wait3A_303 = arith.constant 0 : i32
      %dma_wait3A_304 = arith.constant 0 : i32
      %dma_wait3A_305 = tpu.memref_slice %arg19[%dma_wait3A_303, %dma_wait3A_304] : memref<10000x32xf32, #tpu.memory_space<vmem_shared>> -> memref<10000x32xf32, #tpu.memory_space<vmem_shared>>
      tpu.wait_indirect_dma semaphore(%arg29 : memref<!tpu.dma_semaphore, #tpu.memory_space<semaphore_mem>>) src(%dma_wait3A_305 : memref<10000x32xf32, #tpu.memory_space<vmem_shared>>) dst(%arg17 : memref<128x32xf32, #tpu.memory_space<vmem>>)
      %dma_start3A_306 = arith.constant 0 : i32
      %dma_start3A_307 = tpu.memref_slice %arg7[%add3A_299, %dma_start3A_306] : memref<160x128xi32, #tpu.memory_space<vmem>> -> memref<1x128xi32, #tpu.memory_space<vmem>>
      %dma_start3A_308 = tpu.memref_squeeze %dma_start3A_307 : memref<1x128xi32, #tpu.memory_space<vmem>> -> memref<128xi32, #tpu.memory_space<vmem>>
      %dma_start3A_309 = arith.constant 0 : i32
      %dma_start3A_310 = arith.constant 0 : i32
      %dma_start3A_311 = tpu.memref_slice %arg18[%dma_start3A_309, %dma_start3A_310] : memref<10128x32xf32, #tpu.memory_space<vmem_shared>> -> memref<10128x32xf32, #tpu.memory_space<vmem_shared>>
      tpu.enqueue_indirect_dma source(%arg17 : memref<128x32xf32, #tpu.memory_space<vmem>>) target(%dma_start3A_311 : memref<10128x32xf32, #tpu.memory_space<vmem_shared>>) offsets(%dma_start3A_308 : memref<128xi32, #tpu.memory_space<vmem>>) semaphore(%arg39 : memref<!tpu.dma_semaphore, #tpu.memory_space<semaphore_mem>>) {add = true}
      %add3A_312 = arith.constant 10 : i32
      %add3A_313 = arith.addi %mul3A_172, %add3A_312 : i32
      %add3A_314 = arith.constant 0 : i32
      %add3A_315 = arith.addi %add3A_313, %add3A_314 : i32
      %min3A = arith.constant 159 : i32
      %min3A_316 = arith.minsi %add3A_315, %min3A : i32
      %dma_wait3A_317 = arith.constant 0 : i32
      %dma_wait3A_318 = tpu.memref_slice %arg7[%add3A_173, %dma_wait3A_317] : memref<160x128xi32, #tpu.memory_space<vmem>> -> memref<1x128xi32, #tpu.memory_space<vmem>>
      %dma_wait3A_319 = tpu.memref_squeeze %dma_wait3A_318 : memref<1x128xi32, #tpu.memory_space<vmem>> -> memref<128xi32, #tpu.memory_space<vmem>>
      %dma_wait3A_320 = arith.constant 0 : i32
      %dma_wait3A_321 = arith.constant 0 : i32
      %dma_wait3A_322 = tpu.memref_slice %arg18[%dma_wait3A_320, %dma_wait3A_321] : memref<10128x32xf32, #tpu.memory_space<vmem_shared>> -> memref<10128x32xf32, #tpu.memory_space<vmem_shared>>
      tpu.wait_indirect_dma semaphore(%arg30 : memref<!tpu.dma_semaphore, #tpu.memory_space<semaphore_mem>>) src(%arg8 : memref<128x32xf32, #tpu.memory_space<vmem>>) dst(%dma_wait3A_322 : memref<10128x32xf32, #tpu.memory_space<vmem_shared>>)
      %dma_start3A_323 = arith.constant 0 : i32
      %dma_start3A_324 = tpu.memref_slice %arg6[%min3A_316, %dma_start3A_323] : memref<160x128xi32, #tpu.memory_space<vmem>> -> memref<1x128xi32, #tpu.memory_space<vmem>>
      %dma_start3A_325 = tpu.memref_squeeze %dma_start3A_324 : memref<1x128xi32, #tpu.memory_space<vmem>> -> memref<128xi32, #tpu.memory_space<vmem>>
      %dma_start3A_326 = arith.constant 0 : i32
      %dma_start3A_327 = arith.constant 0 : i32
      %dma_start3A_328 = tpu.memref_slice %arg19[%dma_start3A_326, %dma_start3A_327] : memref<10000x32xf32, #tpu.memory_space<vmem_shared>> -> memref<10000x32xf32, #tpu.memory_space<vmem_shared>>
      tpu.enqueue_indirect_dma source(%dma_start3A_328 : memref<10000x32xf32, #tpu.memory_space<vmem_shared>>) target(%arg8 : memref<128x32xf32, #tpu.memory_space<vmem>>) offsets(%dma_start3A_325 : memref<128xi32, #tpu.memory_space<vmem>>) semaphore(%arg20 : memref<!tpu.dma_semaphore, #tpu.memory_space<semaphore_mem>>)
      %add3A_329 = arith.constant 10 : i32
      %add3A_330 = arith.addi %mul3A_172, %add3A_329 : i32
      %add3A_331 = arith.constant 1 : i32
      %add3A_332 = arith.addi %add3A_330, %add3A_331 : i32
      %min3A_333 = arith.constant 159 : i32
      %min3A_334 = arith.minsi %add3A_332, %min3A_333 : i32
      %dma_wait3A_335 = arith.constant 0 : i32
      %dma_wait3A_336 = tpu.memref_slice %arg7[%add3A_187, %dma_wait3A_335] : memref<160x128xi32, #tpu.memory_space<vmem>> -> memref<1x128xi32, #tpu.memory_space<vmem>>
      %dma_wait3A_337 = tpu.memref_squeeze %dma_wait3A_336 : memref<1x128xi32, #tpu.memory_space<vmem>> -> memref<128xi32, #tpu.memory_space<vmem>>
      %dma_wait3A_338 = arith.constant 0 : i32
      %dma_wait3A_339 = arith.constant 0 : i32
      %dma_wait3A_340 = tpu.memref_slice %arg18[%dma_wait3A_338, %dma_wait3A_339] : memref<10128x32xf32, #tpu.memory_space<vmem_shared>> -> memref<10128x32xf32, #tpu.memory_space<vmem_shared>>
      tpu.wait_indirect_dma semaphore(%arg31 : memref<!tpu.dma_semaphore, #tpu.memory_space<semaphore_mem>>) src(%arg9 : memref<128x32xf32, #tpu.memory_space<vmem>>) dst(%dma_wait3A_340 : memref<10128x32xf32, #tpu.memory_space<vmem_shared>>)
      %dma_start3A_341 = arith.constant 0 : i32
      %dma_start3A_342 = tpu.memref_slice %arg6[%min3A_334, %dma_start3A_341] : memref<160x128xi32, #tpu.memory_space<vmem>> -> memref<1x128xi32, #tpu.memory_space<vmem>>
      %dma_start3A_343 = tpu.memref_squeeze %dma_start3A_342 : memref<1x128xi32, #tpu.memory_space<vmem>> -> memref<128xi32, #tpu.memory_space<vmem>>
      %dma_start3A_344 = arith.constant 0 : i32
      %dma_start3A_345 = arith.constant 0 : i32
      %dma_start3A_346 = tpu.memref_slice %arg19[%dma_start3A_344, %dma_start3A_345] : memref<10000x32xf32, #tpu.memory_space<vmem_shared>> -> memref<10000x32xf32, #tpu.memory_space<vmem_shared>>
      tpu.enqueue_indirect_dma source(%dma_start3A_346 : memref<10000x32xf32, #tpu.memory_space<vmem_shared>>) target(%arg9 : memref<128x32xf32, #tpu.memory_space<vmem>>) offsets(%dma_start3A_343 : memref<128xi32, #tpu.memory_space<vmem>>) semaphore(%arg21 : memref<!tpu.dma_semaphore, #tpu.memory_space<semaphore_mem>>)
      %add3A_347 = arith.constant 10 : i32
      %add3A_348 = arith.addi %mul3A_172, %add3A_347 : i32
      %add3A_349 = arith.constant 2 : i32
      %add3A_350 = arith.addi %add3A_348, %add3A_349 : i32
      %min3A_351 = arith.constant 159 : i32
      %min3A_352 = arith.minsi %add3A_350, %min3A_351 : i32
      %dma_wait3A_353 = arith.constant 0 : i32
      %dma_wait3A_354 = tpu.memref_slice %arg7[%add3A_201, %dma_wait3A_353] : memref<160x128xi32, #tpu.memory_space<vmem>> -> memref<1x128xi32, #tpu.memory_space<vmem>>
      %dma_wait3A_355 = tpu.memref_squeeze %dma_wait3A_354 : memref<1x128xi32, #tpu.memory_space<vmem>> -> memref<128xi32, #tpu.memory_space<vmem>>
      %dma_wait3A_356 = arith.constant 0 : i32
      %dma_wait3A_357 = arith.constant 0 : i32
      %dma_wait3A_358 = tpu.memref_slice %arg18[%dma_wait3A_356, %dma_wait3A_357] : memref<10128x32xf32, #tpu.memory_space<vmem_shared>> -> memref<10128x32xf32, #tpu.memory_space<vmem_shared>>
      tpu.wait_indirect_dma semaphore(%arg32 : memref<!tpu.dma_semaphore, #tpu.memory_space<semaphore_mem>>) src(%arg10 : memref<128x32xf32, #tpu.memory_space<vmem>>) dst(%dma_wait3A_358 : memref<10128x32xf32, #tpu.memory_space<vmem_shared>>)
      %dma_start3A_359 = arith.constant 0 : i32
      %dma_start3A_360 = tpu.memref_slice %arg6[%min3A_352, %dma_start3A_359] : memref<160x128xi32, #tpu.memory_space<vmem>> -> memref<1x128xi32, #tpu.memory_space<vmem>>
      %dma_start3A_361 = tpu.memref_squeeze %dma_start3A_360 : memref<1x128xi32, #tpu.memory_space<vmem>> -> memref<128xi32, #tpu.memory_space<vmem>>
      %dma_start3A_362 = arith.constant 0 : i32
      %dma_start3A_363 = arith.constant 0 : i32
      %dma_start3A_364 = tpu.memref_slice %arg19[%dma_start3A_362, %dma_start3A_363] : memref<10000x32xf32, #tpu.memory_space<vmem_shared>> -> memref<10000x32xf32, #tpu.memory_space<vmem_shared>>
      tpu.enqueue_indirect_dma source(%dma_start3A_364 : memref<10000x32xf32, #tpu.memory_space<vmem_shared>>) target(%arg10 : memref<128x32xf32, #tpu.memory_space<vmem>>) offsets(%dma_start3A_361 : memref<128xi32, #tpu.memory_space<vmem>>) semaphore(%arg22 : memref<!tpu.dma_semaphore, #tpu.memory_space<semaphore_mem>>)
      %add3A_365 = arith.constant 10 : i32
      %add3A_366 = arith.addi %mul3A_172, %add3A_365 : i32
      %add3A_367 = arith.constant 3 : i32
      %add3A_368 = arith.addi %add3A_366, %add3A_367 : i32
      %min3A_369 = arith.constant 159 : i32
      %min3A_370 = arith.minsi %add3A_368, %min3A_369 : i32
      %dma_wait3A_371 = arith.constant 0 : i32
      %dma_wait3A_372 = tpu.memref_slice %arg7[%add3A_215, %dma_wait3A_371] : memref<160x128xi32, #tpu.memory_space<vmem>> -> memref<1x128xi32, #tpu.memory_space<vmem>>
      %dma_wait3A_373 = tpu.memref_squeeze %dma_wait3A_372 : memref<1x128xi32, #tpu.memory_space<vmem>> -> memref<128xi32, #tpu.memory_space<vmem>>
      %dma_wait3A_374 = arith.constant 0 : i32
      %dma_wait3A_375 = arith.constant 0 : i32
      %dma_wait3A_376 = tpu.memref_slice %arg18[%dma_wait3A_374, %dma_wait3A_375] : memref<10128x32xf32, #tpu.memory_space<vmem_shared>> -> memref<10128x32xf32, #tpu.memory_space<vmem_shared>>
      tpu.wait_indirect_dma semaphore(%arg33 : memref<!tpu.dma_semaphore, #tpu.memory_space<semaphore_mem>>) src(%arg11 : memref<128x32xf32, #tpu.memory_space<vmem>>) dst(%dma_wait3A_376 : memref<10128x32xf32, #tpu.memory_space<vmem_shared>>)
      %dma_start3A_377 = arith.constant 0 : i32
      %dma_start3A_378 = tpu.memref_slice %arg6[%min3A_370, %dma_start3A_377] : memref<160x128xi32, #tpu.memory_space<vmem>> -> memref<1x128xi32, #tpu.memory_space<vmem>>
      %dma_start3A_379 = tpu.memref_squeeze %dma_start3A_378 : memref<1x128xi32, #tpu.memory_space<vmem>> -> memref<128xi32, #tpu.memory_space<vmem>>
      %dma_start3A_380 = arith.constant 0 : i32
      %dma_start3A_381 = arith.constant 0 : i32
      %dma_start3A_382 = tpu.memref_slice %arg19[%dma_start3A_380, %dma_start3A_381] : memref<10000x32xf32, #tpu.memory_space<vmem_shared>> -> memref<10000x32xf32, #tpu.memory_space<vmem_shared>>
      tpu.enqueue_indirect_dma source(%dma_start3A_382 : memref<10000x32xf32, #tpu.memory_space<vmem_shared>>) target(%arg11 : memref<128x32xf32, #tpu.memory_space<vmem>>) offsets(%dma_start3A_379 : memref<128xi32, #tpu.memory_space<vmem>>) semaphore(%arg23 : memref<!tpu.dma_semaphore, #tpu.memory_space<semaphore_mem>>)
      %add3A_383 = arith.constant 10 : i32
      %add3A_384 = arith.addi %mul3A_172, %add3A_383 : i32
      %add3A_385 = arith.constant 4 : i32
      %add3A_386 = arith.addi %add3A_384, %add3A_385 : i32
      %min3A_387 = arith.constant 159 : i32
      %min3A_388 = arith.minsi %add3A_386, %min3A_387 : i32
      %dma_wait3A_389 = arith.constant 0 : i32
      %dma_wait3A_390 = tpu.memref_slice %arg7[%add3A_229, %dma_wait3A_389] : memref<160x128xi32, #tpu.memory_space<vmem>> -> memref<1x128xi32, #tpu.memory_space<vmem>>
      %dma_wait3A_391 = tpu.memref_squeeze %dma_wait3A_390 : memref<1x128xi32, #tpu.memory_space<vmem>> -> memref<128xi32, #tpu.memory_space<vmem>>
      %dma_wait3A_392 = arith.constant 0 : i32
      %dma_wait3A_393 = arith.constant 0 : i32
      %dma_wait3A_394 = tpu.memref_slice %arg18[%dma_wait3A_392, %dma_wait3A_393] : memref<10128x32xf32, #tpu.memory_space<vmem_shared>> -> memref<10128x32xf32, #tpu.memory_space<vmem_shared>>
      tpu.wait_indirect_dma semaphore(%arg34 : memref<!tpu.dma_semaphore, #tpu.memory_space<semaphore_mem>>) src(%arg12 : memref<128x32xf32, #tpu.memory_space<vmem>>) dst(%dma_wait3A_394 : memref<10128x32xf32, #tpu.memory_space<vmem_shared>>)
      %dma_start3A_395 = arith.constant 0 : i32
      %dma_start3A_396 = tpu.memref_slice %arg6[%min3A_388, %dma_start3A_395] : memref<160x128xi32, #tpu.memory_space<vmem>> -> memref<1x128xi32, #tpu.memory_space<vmem>>
      %dma_start3A_397 = tpu.memref_squeeze %dma_start3A_396 : memref<1x128xi32, #tpu.memory_space<vmem>> -> memref<128xi32, #tpu.memory_space<vmem>>
      %dma_start3A_398 = arith.constant 0 : i32
      %dma_start3A_399 = arith.constant 0 : i32
      %dma_start3A_400 = tpu.memref_slice %arg19[%dma_start3A_398, %dma_start3A_399] : memref<10000x32xf32, #tpu.memory_space<vmem_shared>> -> memref<10000x32xf32, #tpu.memory_space<vmem_shared>>
      tpu.enqueue_indirect_dma source(%dma_start3A_400 : memref<10000x32xf32, #tpu.memory_space<vmem_shared>>) target(%arg12 : memref<128x32xf32, #tpu.memory_space<vmem>>) offsets(%dma_start3A_397 : memref<128xi32, #tpu.memory_space<vmem>>) semaphore(%arg24 : memref<!tpu.dma_semaphore, #tpu.memory_space<semaphore_mem>>)
      %add3A_401 = arith.constant 10 : i32
      %add3A_402 = arith.addi %mul3A_172, %add3A_401 : i32
      %add3A_403 = arith.constant 5 : i32
      %add3A_404 = arith.addi %add3A_402, %add3A_403 : i32
      %min3A_405 = arith.constant 159 : i32
      %min3A_406 = arith.minsi %add3A_404, %min3A_405 : i32
      %dma_wait3A_407 = arith.constant 0 : i32
      %dma_wait3A_408 = tpu.memref_slice %arg7[%add3A_243, %dma_wait3A_407] : memref<160x128xi32, #tpu.memory_space<vmem>> -> memref<1x128xi32, #tpu.memory_space<vmem>>
      %dma_wait3A_409 = tpu.memref_squeeze %dma_wait3A_408 : memref<1x128xi32, #tpu.memory_space<vmem>> -> memref<128xi32, #tpu.memory_space<vmem>>
      %dma_wait3A_410 = arith.constant 0 : i32
      %dma_wait3A_411 = arith.constant 0 : i32
      %dma_wait3A_412 = tpu.memref_slice %arg18[%dma_wait3A_410, %dma_wait3A_411] : memref<10128x32xf32, #tpu.memory_space<vmem_shared>> -> memref<10128x32xf32, #tpu.memory_space<vmem_shared>>
      tpu.wait_indirect_dma semaphore(%arg35 : memref<!tpu.dma_semaphore, #tpu.memory_space<semaphore_mem>>) src(%arg13 : memref<128x32xf32, #tpu.memory_space<vmem>>) dst(%dma_wait3A_412 : memref<10128x32xf32, #tpu.memory_space<vmem_shared>>)
      %dma_start3A_413 = arith.constant 0 : i32
      %dma_start3A_414 = tpu.memref_slice %arg6[%min3A_406, %dma_start3A_413] : memref<160x128xi32, #tpu.memory_space<vmem>> -> memref<1x128xi32, #tpu.memory_space<vmem>>
      %dma_start3A_415 = tpu.memref_squeeze %dma_start3A_414 : memref<1x128xi32, #tpu.memory_space<vmem>> -> memref<128xi32, #tpu.memory_space<vmem>>
      %dma_start3A_416 = arith.constant 0 : i32
      %dma_start3A_417 = arith.constant 0 : i32
      %dma_start3A_418 = tpu.memref_slice %arg19[%dma_start3A_416, %dma_start3A_417] : memref<10000x32xf32, #tpu.memory_space<vmem_shared>> -> memref<10000x32xf32, #tpu.memory_space<vmem_shared>>
      tpu.enqueue_indirect_dma source(%dma_start3A_418 : memref<10000x32xf32, #tpu.memory_space<vmem_shared>>) target(%arg13 : memref<128x32xf32, #tpu.memory_space<vmem>>) offsets(%dma_start3A_415 : memref<128xi32, #tpu.memory_space<vmem>>) semaphore(%arg25 : memref<!tpu.dma_semaphore, #tpu.memory_space<semaphore_mem>>)
      %add3A_419 = arith.constant 10 : i32
      %add3A_420 = arith.addi %mul3A_172, %add3A_419 : i32
      %add3A_421 = arith.constant 6 : i32
      %add3A_422 = arith.addi %add3A_420, %add3A_421 : i32
      %min3A_423 = arith.constant 159 : i32
      %min3A_424 = arith.minsi %add3A_422, %min3A_423 : i32
      %dma_wait3A_425 = arith.constant 0 : i32
      %dma_wait3A_426 = tpu.memref_slice %arg7[%add3A_257, %dma_wait3A_425] : memref<160x128xi32, #tpu.memory_space<vmem>> -> memref<1x128xi32, #tpu.memory_space<vmem>>
      %dma_wait3A_427 = tpu.memref_squeeze %dma_wait3A_426 : memref<1x128xi32, #tpu.memory_space<vmem>> -> memref<128xi32, #tpu.memory_space<vmem>>
      %dma_wait3A_428 = arith.constant 0 : i32
      %dma_wait3A_429 = arith.constant 0 : i32
      %dma_wait3A_430 = tpu.memref_slice %arg18[%dma_wait3A_428, %dma_wait3A_429] : memref<10128x32xf32, #tpu.memory_space<vmem_shared>> -> memref<10128x32xf32, #tpu.memory_space<vmem_shared>>
      tpu.wait_indirect_dma semaphore(%arg36 : memref<!tpu.dma_semaphore, #tpu.memory_space<semaphore_mem>>) src(%arg14 : memref<128x32xf32, #tpu.memory_space<vmem>>) dst(%dma_wait3A_430 : memref<10128x32xf32, #tpu.memory_space<vmem_shared>>)
      %dma_start3A_431 = arith.constant 0 : i32
      %dma_start3A_432 = tpu.memref_slice %arg6[%min3A_424, %dma_start3A_431] : memref<160x128xi32, #tpu.memory_space<vmem>> -> memref<1x128xi32, #tpu.memory_space<vmem>>
      %dma_start3A_433 = tpu.memref_squeeze %dma_start3A_432 : memref<1x128xi32, #tpu.memory_space<vmem>> -> memref<128xi32, #tpu.memory_space<vmem>>
      %dma_start3A_434 = arith.constant 0 : i32
      %dma_start3A_435 = arith.constant 0 : i32
      %dma_start3A_436 = tpu.memref_slice %arg19[%dma_start3A_434, %dma_start3A_435] : memref<10000x32xf32, #tpu.memory_space<vmem_shared>> -> memref<10000x32xf32, #tpu.memory_space<vmem_shared>>
      tpu.enqueue_indirect_dma source(%dma_start3A_436 : memref<10000x32xf32, #tpu.memory_space<vmem_shared>>) target(%arg14 : memref<128x32xf32, #tpu.memory_space<vmem>>) offsets(%dma_start3A_433 : memref<128xi32, #tpu.memory_space<vmem>>) semaphore(%arg26 : memref<!tpu.dma_semaphore, #tpu.memory_space<semaphore_mem>>)
      %add3A_437 = arith.constant 10 : i32
      %add3A_438 = arith.addi %mul3A_172, %add3A_437 : i32
      %add3A_439 = arith.constant 7 : i32
      %add3A_440 = arith.addi %add3A_438, %add3A_439 : i32
      %min3A_441 = arith.constant 159 : i32
      %min3A_442 = arith.minsi %add3A_440, %min3A_441 : i32
      %dma_wait3A_443 = arith.constant 0 : i32
      %dma_wait3A_444 = tpu.memref_slice %arg7[%add3A_271, %dma_wait3A_443] : memref<160x128xi32, #tpu.memory_space<vmem>> -> memref<1x128xi32, #tpu.memory_space<vmem>>
      %dma_wait3A_445 = tpu.memref_squeeze %dma_wait3A_444 : memref<1x128xi32, #tpu.memory_space<vmem>> -> memref<128xi32, #tpu.memory_space<vmem>>
      %dma_wait3A_446 = arith.constant 0 : i32
      %dma_wait3A_447 = arith.constant 0 : i32
      %dma_wait3A_448 = tpu.memref_slice %arg18[%dma_wait3A_446, %dma_wait3A_447] : memref<10128x32xf32, #tpu.memory_space<vmem_shared>> -> memref<10128x32xf32, #tpu.memory_space<vmem_shared>>
      tpu.wait_indirect_dma semaphore(%arg37 : memref<!tpu.dma_semaphore, #tpu.memory_space<semaphore_mem>>) src(%arg15 : memref<128x32xf32, #tpu.memory_space<vmem>>) dst(%dma_wait3A_448 : memref<10128x32xf32, #tpu.memory_space<vmem_shared>>)
      %dma_start3A_449 = arith.constant 0 : i32
      %dma_start3A_450 = tpu.memref_slice %arg6[%min3A_442, %dma_start3A_449] : memref<160x128xi32, #tpu.memory_space<vmem>> -> memref<1x128xi32, #tpu.memory_space<vmem>>
      %dma_start3A_451 = tpu.memref_squeeze %dma_start3A_450 : memref<1x128xi32, #tpu.memory_space<vmem>> -> memref<128xi32, #tpu.memory_space<vmem>>
      %dma_start3A_452 = arith.constant 0 : i32
      %dma_start3A_453 = arith.constant 0 : i32
      %dma_start3A_454 = tpu.memref_slice %arg19[%dma_start3A_452, %dma_start3A_453] : memref<10000x32xf32, #tpu.memory_space<vmem_shared>> -> memref<10000x32xf32, #tpu.memory_space<vmem_shared>>
      tpu.enqueue_indirect_dma source(%dma_start3A_454 : memref<10000x32xf32, #tpu.memory_space<vmem_shared>>) target(%arg15 : memref<128x32xf32, #tpu.memory_space<vmem>>) offsets(%dma_start3A_451 : memref<128xi32, #tpu.memory_space<vmem>>) semaphore(%arg27 : memref<!tpu.dma_semaphore, #tpu.memory_space<semaphore_mem>>)
      %add3A_455 = arith.constant 10 : i32
      %add3A_456 = arith.addi %mul3A_172, %add3A_455 : i32
      %add3A_457 = arith.constant 8 : i32
      %add3A_458 = arith.addi %add3A_456, %add3A_457 : i32
      %min3A_459 = arith.constant 159 : i32
      %min3A_460 = arith.minsi %add3A_458, %min3A_459 : i32
      %dma_wait3A_461 = arith.constant 0 : i32
      %dma_wait3A_462 = tpu.memref_slice %arg7[%add3A_285, %dma_wait3A_461] : memref<160x128xi32, #tpu.memory_space<vmem>> -> memref<1x128xi32, #tpu.memory_space<vmem>>
      %dma_wait3A_463 = tpu.memref_squeeze %dma_wait3A_462 : memref<1x128xi32, #tpu.memory_space<vmem>> -> memref<128xi32, #tpu.memory_space<vmem>>
      %dma_wait3A_464 = arith.constant 0 : i32
      %dma_wait3A_465 = arith.constant 0 : i32
      %dma_wait3A_466 = tpu.memref_slice %arg18[%dma_wait3A_464, %dma_wait3A_465] : memref<10128x32xf32, #tpu.memory_space<vmem_shared>> -> memref<10128x32xf32, #tpu.memory_space<vmem_shared>>
      tpu.wait_indirect_dma semaphore(%arg38 : memref<!tpu.dma_semaphore, #tpu.memory_space<semaphore_mem>>) src(%arg16 : memref<128x32xf32, #tpu.memory_space<vmem>>) dst(%dma_wait3A_466 : memref<10128x32xf32, #tpu.memory_space<vmem_shared>>)
      %dma_start3A_467 = arith.constant 0 : i32
      %dma_start3A_468 = tpu.memref_slice %arg6[%min3A_460, %dma_start3A_467] : memref<160x128xi32, #tpu.memory_space<vmem>> -> memref<1x128xi32, #tpu.memory_space<vmem>>
      %dma_start3A_469 = tpu.memref_squeeze %dma_start3A_468 : memref<1x128xi32, #tpu.memory_space<vmem>> -> memref<128xi32, #tpu.memory_space<vmem>>
      %dma_start3A_470 = arith.constant 0 : i32
      %dma_start3A_471 = arith.constant 0 : i32
      %dma_start3A_472 = tpu.memref_slice %arg19[%dma_start3A_470, %dma_start3A_471] : memref<10000x32xf32, #tpu.memory_space<vmem_shared>> -> memref<10000x32xf32, #tpu.memory_space<vmem_shared>>
      tpu.enqueue_indirect_dma source(%dma_start3A_472 : memref<10000x32xf32, #tpu.memory_space<vmem_shared>>) target(%arg16 : memref<128x32xf32, #tpu.memory_space<vmem>>) offsets(%dma_start3A_469 : memref<128xi32, #tpu.memory_space<vmem>>) semaphore(%arg28 : memref<!tpu.dma_semaphore, #tpu.memory_space<semaphore_mem>>)
      %add3A_473 = arith.constant 10 : i32
      %add3A_474 = arith.addi %mul3A_172, %add3A_473 : i32
      %add3A_475 = arith.constant 9 : i32
      %add3A_476 = arith.addi %add3A_474, %add3A_475 : i32
      %min3A_477 = arith.constant 159 : i32
      %min3A_478 = arith.minsi %add3A_476, %min3A_477 : i32
      %dma_wait3A_479 = arith.constant 0 : i32
      %dma_wait3A_480 = tpu.memref_slice %arg7[%add3A_299, %dma_wait3A_479] : memref<160x128xi32, #tpu.memory_space<vmem>> -> memref<1x128xi32, #tpu.memory_space<vmem>>
      %dma_wait3A_481 = tpu.memref_squeeze %dma_wait3A_480 : memref<1x128xi32, #tpu.memory_space<vmem>> -> memref<128xi32, #tpu.memory_space<vmem>>
      %dma_wait3A_482 = arith.constant 0 : i32
      %dma_wait3A_483 = arith.constant 0 : i32
      %dma_wait3A_484 = tpu.memref_slice %arg18[%dma_wait3A_482, %dma_wait3A_483] : memref<10128x32xf32, #tpu.memory_space<vmem_shared>> -> memref<10128x32xf32, #tpu.memory_space<vmem_shared>>
      tpu.wait_indirect_dma semaphore(%arg39 : memref<!tpu.dma_semaphore, #tpu.memory_space<semaphore_mem>>) src(%arg17 : memref<128x32xf32, #tpu.memory_space<vmem>>) dst(%dma_wait3A_484 : memref<10128x32xf32, #tpu.memory_space<vmem_shared>>)
      %dma_start3A_485 = arith.constant 0 : i32
      %dma_start3A_486 = tpu.memref_slice %arg6[%min3A_478, %dma_start3A_485] : memref<160x128xi32, #tpu.memory_space<vmem>> -> memref<1x128xi32, #tpu.memory_space<vmem>>
      %dma_start3A_487 = tpu.memref_squeeze %dma_start3A_486 : memref<1x128xi32, #tpu.memory_space<vmem>> -> memref<128xi32, #tpu.memory_space<vmem>>
      %dma_start3A_488 = arith.constant 0 : i32
      %dma_start3A_489 = arith.constant 0 : i32
      %dma_start3A_490 = tpu.memref_slice %arg19[%dma_start3A_488, %dma_start3A_489] : memref<10000x32xf32, #tpu.memory_space<vmem_shared>> -> memref<10000x32xf32, #tpu.memory_space<vmem_shared>>
      tpu.enqueue_indirect_dma source(%dma_start3A_490 : memref<10000x32xf32, #tpu.memory_space<vmem_shared>>) target(%arg17 : memref<128x32xf32, #tpu.memory_space<vmem>>) offsets(%dma_start3A_487 : memref<128xi32, #tpu.memory_space<vmem>>) semaphore(%arg29 : memref<!tpu.dma_semaphore, #tpu.memory_space<semaphore_mem>>)
    }
    %scan3A_99 = arith.constant 16 : i32
    %dma_wait3A = arith.constant 159 : i32
    %dma_wait3A_100 = arith.constant 0 : i32
    %dma_wait3A_101 = tpu.memref_slice %arg6[%dma_wait3A, %dma_wait3A_100] : memref<160x128xi32, #tpu.memory_space<vmem>> -> memref<1x128xi32, #tpu.memory_space<vmem>>
    %dma_wait3A_102 = tpu.memref_squeeze %dma_wait3A_101 : memref<1x128xi32, #tpu.memory_space<vmem>> -> memref<128xi32, #tpu.memory_space<vmem>>
    %dma_wait3A_103 = arith.constant 0 : i32
    %dma_wait3A_104 = arith.constant 0 : i32
    %dma_wait3A_105 = tpu.memref_slice %arg19[%dma_wait3A_103, %dma_wait3A_104] : memref<10000x32xf32, #tpu.memory_space<vmem_shared>> -> memref<10000x32xf32, #tpu.memory_space<vmem_shared>>
    tpu.wait_indirect_dma semaphore(%arg20 : memref<!tpu.dma_semaphore, #tpu.memory_space<semaphore_mem>>) src(%dma_wait3A_105 : memref<10000x32xf32, #tpu.memory_space<vmem_shared>>) dst(%arg8 : memref<128x32xf32, #tpu.memory_space<vmem>>)
    %dma_wait3A_106 = arith.constant 159 : i32
    %dma_wait3A_107 = arith.constant 0 : i32
    %dma_wait3A_108 = tpu.memref_slice %arg6[%dma_wait3A_106, %dma_wait3A_107] : memref<160x128xi32, #tpu.memory_space<vmem>> -> memref<1x128xi32, #tpu.memory_space<vmem>>
    %dma_wait3A_109 = tpu.memref_squeeze %dma_wait3A_108 : memref<1x128xi32, #tpu.memory_space<vmem>> -> memref<128xi32, #tpu.memory_space<vmem>>
    %dma_wait3A_110 = arith.constant 0 : i32
    %dma_wait3A_111 = arith.constant 0 : i32
    %dma_wait3A_112 = tpu.memref_slice %arg19[%dma_wait3A_110, %dma_wait3A_111] : memref<10000x32xf32, #tpu.memory_space<vmem_shared>> -> memref<10000x32xf32, #tpu.memory_space<vmem_shared>>
    tpu.wait_indirect_dma semaphore(%arg21 : memref<!tpu.dma_semaphore, #tpu.memory_space<semaphore_mem>>) src(%dma_wait3A_112 : memref<10000x32xf32, #tpu.memory_space<vmem_shared>>) dst(%arg9 : memref<128x32xf32, #tpu.memory_space<vmem>>)
    %dma_wait3A_113 = arith.constant 159 : i32
    %dma_wait3A_114 = arith.constant 0 : i32
    %dma_wait3A_115 = tpu.memref_slice %arg6[%dma_wait3A_113, %dma_wait3A_114] : memref<160x128xi32, #tpu.memory_space<vmem>> -> memref<1x128xi32, #tpu.memory_space<vmem>>
    %dma_wait3A_116 = tpu.memref_squeeze %dma_wait3A_115 : memref<1x128xi32, #tpu.memory_space<vmem>> -> memref<128xi32, #tpu.memory_space<vmem>>
    %dma_wait3A_117 = arith.constant 0 : i32
    %dma_wait3A_118 = arith.constant 0 : i32
    %dma_wait3A_119 = tpu.memref_slice %arg19[%dma_wait3A_117, %dma_wait3A_118] : memref<10000x32xf32, #tpu.memory_space<vmem_shared>> -> memref<10000x32xf32, #tpu.memory_space<vmem_shared>>
    tpu.wait_indirect_dma semaphore(%arg22 : memref<!tpu.dma_semaphore, #tpu.memory_space<semaphore_mem>>) src(%dma_wait3A_119 : memref<10000x32xf32, #tpu.memory_space<vmem_shared>>) dst(%arg10 : memref<128x32xf32, #tpu.memory_space<vmem>>)
    %dma_wait3A_120 = arith.constant 159 : i32
    %dma_wait3A_121 = arith.constant 0 : i32
    %dma_wait3A_122 = tpu.memref_slice %arg6[%dma_wait3A_120, %dma_wait3A_121] : memref<160x128xi32, #tpu.memory_space<vmem>> -> memref<1x128xi32, #tpu.memory_space<vmem>>
    %dma_wait3A_123 = tpu.memref_squeeze %dma_wait3A_122 : memref<1x128xi32, #tpu.memory_space<vmem>> -> memref<128xi32, #tpu.memory_space<vmem>>
    %dma_wait3A_124 = arith.constant 0 : i32
    %dma_wait3A_125 = arith.constant 0 : i32
    %dma_wait3A_126 = tpu.memref_slice %arg19[%dma_wait3A_124, %dma_wait3A_125] : memref<10000x32xf32, #tpu.memory_space<vmem_shared>> -> memref<10000x32xf32, #tpu.memory_space<vmem_shared>>
    tpu.wait_indirect_dma semaphore(%arg23 : memref<!tpu.dma_semaphore, #tpu.memory_space<semaphore_mem>>) src(%dma_wait3A_126 : memref<10000x32xf32, #tpu.memory_space<vmem_shared>>) dst(%arg11 : memref<128x32xf32, #tpu.memory_space<vmem>>)
    %dma_wait3A_127 = arith.constant 159 : i32
    %dma_wait3A_128 = arith.constant 0 : i32
    %dma_wait3A_129 = tpu.memref_slice %arg6[%dma_wait3A_127, %dma_wait3A_128] : memref<160x128xi32, #tpu.memory_space<vmem>> -> memref<1x128xi32, #tpu.memory_space<vmem>>
    %dma_wait3A_130 = tpu.memref_squeeze %dma_wait3A_129 : memref<1x128xi32, #tpu.memory_space<vmem>> -> memref<128xi32, #tpu.memory_space<vmem>>
    %dma_wait3A_131 = arith.constant 0 : i32
    %dma_wait3A_132 = arith.constant 0 : i32
    %dma_wait3A_133 = tpu.memref_slice %arg19[%dma_wait3A_131, %dma_wait3A_132] : memref<10000x32xf32, #tpu.memory_space<vmem_shared>> -> memref<10000x32xf32, #tpu.memory_space<vmem_shared>>
    tpu.wait_indirect_dma semaphore(%arg24 : memref<!tpu.dma_semaphore, #tpu.memory_space<semaphore_mem>>) src(%dma_wait3A_133 : memref<10000x32xf32, #tpu.memory_space<vmem_shared>>) dst(%arg12 : memref<128x32xf32, #tpu.memory_space<vmem>>)
    %dma_wait3A_134 = arith.constant 159 : i32
    %dma_wait3A_135 = arith.constant 0 : i32
    %dma_wait3A_136 = tpu.memref_slice %arg6[%dma_wait3A_134, %dma_wait3A_135] : memref<160x128xi32, #tpu.memory_space<vmem>> -> memref<1x128xi32, #tpu.memory_space<vmem>>
    %dma_wait3A_137 = tpu.memref_squeeze %dma_wait3A_136 : memref<1x128xi32, #tpu.memory_space<vmem>> -> memref<128xi32, #tpu.memory_space<vmem>>
    %dma_wait3A_138 = arith.constant 0 : i32
    %dma_wait3A_139 = arith.constant 0 : i32
    %dma_wait3A_140 = tpu.memref_slice %arg19[%dma_wait3A_138, %dma_wait3A_139] : memref<10000x32xf32, #tpu.memory_space<vmem_shared>> -> memref<10000x32xf32, #tpu.memory_space<vmem_shared>>
    tpu.wait_indirect_dma semaphore(%arg25 : memref<!tpu.dma_semaphore, #tpu.memory_space<semaphore_mem>>) src(%dma_wait3A_140 : memref<10000x32xf32, #tpu.memory_space<vmem_shared>>) dst(%arg13 : memref<128x32xf32, #tpu.memory_space<vmem>>)
    %dma_wait3A_141 = arith.constant 159 : i32
    %dma_wait3A_142 = arith.constant 0 : i32
    %dma_wait3A_143 = tpu.memref_slice %arg6[%dma_wait3A_141, %dma_wait3A_142] : memref<160x128xi32, #tpu.memory_space<vmem>> -> memref<1x128xi32, #tpu.memory_space<vmem>>
    %dma_wait3A_144 = tpu.memref_squeeze %dma_wait3A_143 : memref<1x128xi32, #tpu.memory_space<vmem>> -> memref<128xi32, #tpu.memory_space<vmem>>
    %dma_wait3A_145 = arith.constant 0 : i32
    %dma_wait3A_146 = arith.constant 0 : i32
    %dma_wait3A_147 = tpu.memref_slice %arg19[%dma_wait3A_145, %dma_wait3A_146] : memref<10000x32xf32, #tpu.memory_space<vmem_shared>> -> memref<10000x32xf32, #tpu.memory_space<vmem_shared>>
    tpu.wait_indirect_dma semaphore(%arg26 : memref<!tpu.dma_semaphore, #tpu.memory_space<semaphore_mem>>) src(%dma_wait3A_147 : memref<10000x32xf32, #tpu.memory_space<vmem_shared>>) dst(%arg14 : memref<128x32xf32, #tpu.memory_space<vmem>>)
    %dma_wait3A_148 = arith.constant 159 : i32
    %dma_wait3A_149 = arith.constant 0 : i32
    %dma_wait3A_150 = tpu.memref_slice %arg6[%dma_wait3A_148, %dma_wait3A_149] : memref<160x128xi32, #tpu.memory_space<vmem>> -> memref<1x128xi32, #tpu.memory_space<vmem>>
    %dma_wait3A_151 = tpu.memref_squeeze %dma_wait3A_150 : memref<1x128xi32, #tpu.memory_space<vmem>> -> memref<128xi32, #tpu.memory_space<vmem>>
    %dma_wait3A_152 = arith.constant 0 : i32
    %dma_wait3A_153 = arith.constant 0 : i32
    %dma_wait3A_154 = tpu.memref_slice %arg19[%dma_wait3A_152, %dma_wait3A_153] : memref<10000x32xf32, #tpu.memory_space<vmem_shared>> -> memref<10000x32xf32, #tpu.memory_space<vmem_shared>>
    tpu.wait_indirect_dma semaphore(%arg27 : memref<!tpu.dma_semaphore, #tpu.memory_space<semaphore_mem>>) src(%dma_wait3A_154 : memref<10000x32xf32, #tpu.memory_space<vmem_shared>>) dst(%arg15 : memref<128x32xf32, #tpu.memory_space<vmem>>)
    %dma_wait3A_155 = arith.constant 159 : i32
    %dma_wait3A_156 = arith.constant 0 : i32
    %dma_wait3A_157 = tpu.memref_slice %arg6[%dma_wait3A_155, %dma_wait3A_156] : memref<160x128xi32, #tpu.memory_space<vmem>> -> memref<1x128xi32, #tpu.memory_space<vmem>>
    %dma_wait3A_158 = tpu.memref_squeeze %dma_wait3A_157 : memref<1x128xi32, #tpu.memory_space<vmem>> -> memref<128xi32, #tpu.memory_space<vmem>>
    %dma_wait3A_159 = arith.constant 0 : i32
    %dma_wait3A_160 = arith.constant 0 : i32
    %dma_wait3A_161 = tpu.memref_slice %arg19[%dma_wait3A_159, %dma_wait3A_160] : memref<10000x32xf32, #tpu.memory_space<vmem_shared>> -> memref<10000x32xf32, #tpu.memory_space<vmem_shared>>
    tpu.wait_indirect_dma semaphore(%arg28 : memref<!tpu.dma_semaphore, #tpu.memory_space<semaphore_mem>>) src(%dma_wait3A_161 : memref<10000x32xf32, #tpu.memory_space<vmem_shared>>) dst(%arg16 : memref<128x32xf32, #tpu.memory_space<vmem>>)
    %dma_wait3A_162 = arith.constant 159 : i32
    %dma_wait3A_163 = arith.constant 0 : i32
    %dma_wait3A_164 = tpu.memref_slice %arg6[%dma_wait3A_162, %dma_wait3A_163] : memref<160x128xi32, #tpu.memory_space<vmem>> -> memref<1x128xi32, #tpu.memory_space<vmem>>
    %dma_wait3A_165 = tpu.memref_squeeze %dma_wait3A_164 : memref<1x128xi32, #tpu.memory_space<vmem>> -> memref<128xi32, #tpu.memory_space<vmem>>
    %dma_wait3A_166 = arith.constant 0 : i32
    %dma_wait3A_167 = arith.constant 0 : i32
    %dma_wait3A_168 = tpu.memref_slice %arg19[%dma_wait3A_166, %dma_wait3A_167] : memref<10000x32xf32, #tpu.memory_space<vmem_shared>> -> memref<10000x32xf32, #tpu.memory_space<vmem_shared>>
    tpu.wait_indirect_dma semaphore(%arg29 : memref<!tpu.dma_semaphore, #tpu.memory_space<semaphore_mem>>) src(%dma_wait3A_168 : memref<10000x32xf32, #tpu.memory_space<vmem_shared>>) dst(%arg17 : memref<128x32xf32, #tpu.memory_space<vmem>>)
    %barrier3A_169 = arith.constant 0 : index
    tpu.barrier barrier_id(%barrier3A_169)
    "tpu.region"() ({
      %run_scoped3A = tpu.sem_alloc : memref<!tpu.dma_semaphore, #tpu.memory_space<semaphore_mem>>
      %dma_start3A_170 = tpu.memref_slice %arg5[%multiple_of3A, %multiple_of3A_21] : memref<10000x64xf32, #tpu.memory_space<hbm>> -> memref<632x32xf32, #tpu.memory_space<hbm>>
      %dma_start3A_171 = arith.constant 0 : i32
      %dma_start3A_172 = tpu.memref_slice %arg18[%multiple_of3A, %dma_start3A_171] : memref<10128x32xf32, #tpu.memory_space<vmem_shared>> -> memref<632x32xf32, #tpu.memory_space<vmem_shared>>
      tpu.enqueue_dma source(%dma_start3A_172 : memref<632x32xf32, #tpu.memory_space<vmem_shared>>) target(%dma_start3A_170 : memref<632x32xf32, #tpu.memory_space<hbm>>) target_semaphore(%run_scoped3A : memref<!tpu.dma_semaphore, #tpu.memory_space<semaphore_mem>>)
      %dma_wait3A_173 = tpu.memref_slice %arg5[%multiple_of3A, %multiple_of3A_21] : memref<10000x64xf32, #tpu.memory_space<hbm>> -> memref<632x32xf32, #tpu.memory_space<hbm>>
      %dma_wait3A_174 = arith.constant 0 : i32
      %dma_wait3A_175 = tpu.memref_slice %arg18[%multiple_of3A, %dma_wait3A_174] : memref<10128x32xf32, #tpu.memory_space<vmem_shared>> -> memref<632x32xf32, #tpu.memory_space<vmem_shared>>
      tpu.wait_dma2 semaphore(%run_scoped3A : memref<!tpu.dma_semaphore, #tpu.memory_space<semaphore_mem>>) src(%dma_wait3A_175 : memref<632x32xf32, #tpu.memory_space<vmem_shared>>) dst(%dma_wait3A_173 : memref<632x32xf32, #tpu.memory_space<hbm>>)
      tpu.yield
    }) : () -> ()
    return
  }
}

#map = affine_map<(d0, d1) -> (0, 0)>
module attributes {stable_mosaic.version = 14 : i64} {
  func.func @agg_kernel(%arg0: i32, %arg1: i32, %arg2: memref<2560x128xi32, #tpu.memory_space<hbm>>, %arg3: memref<2560x128xi32, #tpu.memory_space<hbm>>, %arg4: memref<10000x64xf32, #tpu.memory_space<hbm>>, %arg5: memref<10000x64xf32, #tpu.memory_space<hbm>>, %arg6: memref<160x128xi32, #tpu.memory_space<vmem>>, %arg7: memref<160x128xi32, #tpu.memory_space<vmem>>, %arg8: memref<128x32xf32, #tpu.memory_space<vmem>>, %arg9: memref<128x32xf32, #tpu.memory_space<vmem>>, %arg10: memref<128x32xf32, #tpu.memory_space<vmem>>, %arg11: memref<128x32xf32, #tpu.memory_space<vmem>>, %arg12: memref<128x32xf32, #tpu.memory_space<vmem>>, %arg13: memref<128x32xf32, #tpu.memory_space<vmem>>, %arg14: memref<128x32xf32, #tpu.memory_space<vmem>>, %arg15: memref<128x32xf32, #tpu.memory_space<vmem>>, %arg16: memref<128x32xf32, #tpu.memory_space<vmem>>, %arg17: memref<128x32xf32, #tpu.memory_space<vmem>>, %arg18: memref<10128x32xf32, #tpu.memory_space<vmem_shared>>, %arg19: memref<10000x32xf32, #tpu.memory_space<vmem_shared>>, %arg20: memref<!tpu.dma_semaphore, #tpu.memory_space<semaphore_mem>>, %arg21: memref<!tpu.dma_semaphore, #tpu.memory_space<semaphore_mem>>, %arg22: memref<!tpu.dma_semaphore, #tpu.memory_space<semaphore_mem>>, %arg23: memref<!tpu.dma_semaphore, #tpu.memory_space<semaphore_mem>>, %arg24: memref<!tpu.dma_semaphore, #tpu.memory_space<semaphore_mem>>, %arg25: memref<!tpu.dma_semaphore, #tpu.memory_space<semaphore_mem>>, %arg26: memref<!tpu.dma_semaphore, #tpu.memory_space<semaphore_mem>>, %arg27: memref<!tpu.dma_semaphore, #tpu.memory_space<semaphore_mem>>, %arg28: memref<!tpu.dma_semaphore, #tpu.memory_space<semaphore_mem>>, %arg29: memref<!tpu.dma_semaphore, #tpu.memory_space<semaphore_mem>>, %arg30: memref<!tpu.dma_semaphore, #tpu.memory_space<semaphore_mem>>, %arg31: memref<!tpu.dma_semaphore, #tpu.memory_space<semaphore_mem>>, %arg32: memref<!tpu.dma_semaphore, #tpu.memory_space<semaphore_mem>>, %arg33: memref<!tpu.dma_semaphore, #tpu.memory_space<semaphore_mem>>, %arg34: memref<!tpu.dma_semaphore, #tpu.memory_space<semaphore_mem>>, %arg35: memref<!tpu.dma_semaphore, #tpu.memory_space<semaphore_mem>>, %arg36: memref<!tpu.dma_semaphore, #tpu.memory_space<semaphore_mem>>, %arg37: memref<!tpu.dma_semaphore, #tpu.memory_space<semaphore_mem>>, %arg38: memref<!tpu.dma_semaphore, #tpu.memory_space<semaphore_mem>>, %arg39: memref<!tpu.dma_semaphore, #tpu.memory_space<semaphore_mem>>) attributes {dimension_semantics = [#tpu.dimension_semantics<core_parallel>, #tpu.dimension_semantics<subcore_parallel>], iteration_bounds = array<i64: 2, 16>, scalar_prefetch = 0 : i64, scratch_operands = 34 : i64, tpu.core_type = #tpu.core_type<sc_vector_subcore>, window_params = [{transform_indices = #map}, {transform_indices = #map}, {transform_indices = #map}, {transform_indices = #map}]} {
    %mul3A = arith.constant 625 : i32
    %mul3A_0 = arith.muli %arg1, %mul3A : i32
    %jit3A = arith.constant 8 : i32
    %div3A = arith.divsi %mul3A_0, %jit3A : i32
    %sign3A = arith.constant 0 : i32
    %sign3A_1 = arith.cmpi sgt, %mul3A_0, %sign3A : i32
    %sign3A_2 = arith.extui %sign3A_1 : i1 to i32
    %sign3A_3 = arith.constant 0 : i32
    %sign3A_4 = arith.cmpi slt, %mul3A_0, %sign3A_3 : i32
    %sign3A_5 = arith.extui %sign3A_4 : i1 to i32
    %sign3A_6 = arith.subi %sign3A_2, %sign3A_5 : i32
    %sign3A_7 = arith.constant 0 : i32
    %sign3A_8 = arith.cmpi sgt, %jit3A, %sign3A_7 : i32
    %sign3A_9 = arith.extui %sign3A_8 : i1 to i32
    %sign3A_10 = arith.constant 0 : i32
    %sign3A_11 = arith.cmpi slt, %jit3A, %sign3A_10 : i32
    %sign3A_12 = arith.extui %sign3A_11 : i1 to i32
    %sign3A_13 = arith.subi %sign3A_9, %sign3A_12 : i32
    %ne3A = arith.cmpi ne, %sign3A_6, %sign3A_13 : i32
    %rem3A = arith.remsi %mul3A_0, %jit3A : i32
    %ne3A_14 = arith.constant 0 : i32
    %ne3A_15 = arith.cmpi ne, %rem3A, %ne3A_14 : i32
    %and3A = arith.andi %ne3A, %ne3A_15 : i1
    %sub3A = arith.constant 1 : i32
    %sub3A_16 = arith.subi %div3A, %sub3A : i32
    %select_n3A = arith.select %and3A, %sub3A_16, %div3A : i32
    %mul3A_17 = arith.constant 8 : i32
    %mul3A_18 = arith.muli %select_n3A, %mul3A_17 : i32
    %multiple_of3A = tpu.assume_multiple %mul3A_18, 8 : i32
    %mul3A_19 = arith.constant 32 : i32
    %mul3A_20 = arith.muli %arg0, %mul3A_19 : i32
    %multiple_of3A_21 = tpu.assume_multiple %mul3A_20, 8 : i32
    %mul3A_22 = arith.constant 160 : i32
    %mul3A_23 = arith.muli %arg1, %mul3A_22 : i32
    "tpu.region"() ({
      %run_scoped3A = tpu.sem_alloc : memref<!tpu.dma_semaphore, #tpu.memory_space<semaphore_mem>>
      %dma_start3A_170 = arith.constant 0 : i32
      %dma_start3A_171 = tpu.memref_slice %arg2[%mul3A_23, %dma_start3A_170] : memref<2560x128xi32, #tpu.memory_space<hbm>> -> memref<160x128xi32, #tpu.memory_space<hbm>>
      %dma_start3A_172 = arith.constant 0 : i32
      %dma_start3A_173 = tpu.memref_slice %arg2[%mul3A_23, %dma_start3A_172] : memref<2560x128xi32, #tpu.memory_space<hbm>> -> memref<160x128xi32, #tpu.memory_space<hbm>>
      tpu.enqueue_dma source(%dma_start3A_173 : memref<160x128xi32, #tpu.memory_space<hbm>>) target(%arg6 : memref<160x128xi32, #tpu.memory_space<vmem>>) target_semaphore(%run_scoped3A : memref<!tpu.dma_semaphore, #tpu.memory_space<semaphore_mem>>)
      %dma_wait3A_174 = arith.constant 0 : i32
      %dma_wait3A_175 = tpu.memref_slice %arg2[%mul3A_23, %dma_wait3A_174] : memref<2560x128xi32, #tpu.memory_space<hbm>> -> memref<160x128xi32, #tpu.memory_space<hbm>>
      %dma_wait3A_176 = arith.constant 0 : i32
      %dma_wait3A_177 = tpu.memref_slice %arg2[%mul3A_23, %dma_wait3A_176] : memref<2560x128xi32, #tpu.memory_space<hbm>> -> memref<160x128xi32, #tpu.memory_space<hbm>>
      tpu.wait_dma2 semaphore(%run_scoped3A : memref<!tpu.dma_semaphore, #tpu.memory_space<semaphore_mem>>) src(%dma_wait3A_177 : memref<160x128xi32, #tpu.memory_space<hbm>>) dst(%arg6 : memref<160x128xi32, #tpu.memory_space<vmem>>)
      tpu.yield
    }) : () -> ()
    %mul3A_24 = arith.constant 160 : i32
    %mul3A_25 = arith.muli %arg1, %mul3A_24 : i32
    "tpu.region"() ({
      %run_scoped3A = tpu.sem_alloc : memref<!tpu.dma_semaphore, #tpu.memory_space<semaphore_mem>>
      %dma_start3A_170 = arith.constant 0 : i32
      %dma_start3A_171 = tpu.memref_slice %arg3[%mul3A_25, %dma_start3A_170] : memref<2560x128xi32, #tpu.memory_space<hbm>> -> memref<160x128xi32, #tpu.memory_space<hbm>>
      %dma_start3A_172 = arith.constant 0 : i32
      %dma_start3A_173 = tpu.memref_slice %arg3[%mul3A_25, %dma_start3A_172] : memref<2560x128xi32, #tpu.memory_space<hbm>> -> memref<160x128xi32, #tpu.memory_space<hbm>>
      tpu.enqueue_dma source(%dma_start3A_173 : memref<160x128xi32, #tpu.memory_space<hbm>>) target(%arg7 : memref<160x128xi32, #tpu.memory_space<vmem>>) target_semaphore(%run_scoped3A : memref<!tpu.dma_semaphore, #tpu.memory_space<semaphore_mem>>)
      %dma_wait3A_174 = arith.constant 0 : i32
      %dma_wait3A_175 = tpu.memref_slice %arg3[%mul3A_25, %dma_wait3A_174] : memref<2560x128xi32, #tpu.memory_space<hbm>> -> memref<160x128xi32, #tpu.memory_space<hbm>>
      %dma_wait3A_176 = arith.constant 0 : i32
      %dma_wait3A_177 = tpu.memref_slice %arg3[%mul3A_25, %dma_wait3A_176] : memref<2560x128xi32, #tpu.memory_space<hbm>> -> memref<160x128xi32, #tpu.memory_space<hbm>>
      tpu.wait_dma2 semaphore(%run_scoped3A : memref<!tpu.dma_semaphore, #tpu.memory_space<semaphore_mem>>) src(%dma_wait3A_177 : memref<160x128xi32, #tpu.memory_space<hbm>>) dst(%arg7 : memref<160x128xi32, #tpu.memory_space<vmem>>)
      tpu.yield
    }) : () -> ()
    "tpu.region"() ({
      %run_scoped3A = tpu.sem_alloc : memref<!tpu.dma_semaphore, #tpu.memory_space<semaphore_mem>>
      %dma_start3A_170 = arith.constant 0 : i32
      %dma_start3A_171 = tpu.memref_slice %arg18[%multiple_of3A, %dma_start3A_170] : memref<10128x32xf32, #tpu.memory_space<vmem_shared>> -> memref<632x32xf32, #tpu.memory_space<vmem_shared>>
      %dma_start3A_172 = tpu.memref_slice %arg4[%multiple_of3A, %multiple_of3A_21] : memref<10000x64xf32, #tpu.memory_space<hbm>> -> memref<632x32xf32, #tpu.memory_space<hbm>>
      tpu.enqueue_dma source(%dma_start3A_172 : memref<632x32xf32, #tpu.memory_space<hbm>>) target(%dma_start3A_171 : memref<632x32xf32, #tpu.memory_space<vmem_shared>>) target_semaphore(%run_scoped3A : memref<!tpu.dma_semaphore, #tpu.memory_space<semaphore_mem>>)
      %dma_wait3A_173 = arith.constant 0 : i32
      %dma_wait3A_174 = tpu.memref_slice %arg18[%multiple_of3A, %dma_wait3A_173] : memref<10128x32xf32, #tpu.memory_space<vmem_shared>> -> memref<632x32xf32, #tpu.memory_space<vmem_shared>>
      %dma_wait3A_175 = tpu.memref_slice %arg4[%multiple_of3A, %multiple_of3A_21] : memref<10000x64xf32, #tpu.memory_space<hbm>> -> memref<632x32xf32, #tpu.memory_space<hbm>>
      tpu.wait_dma2 semaphore(%run_scoped3A : memref<!tpu.dma_semaphore, #tpu.memory_space<semaphore_mem>>) src(%dma_wait3A_175 : memref<632x32xf32, #tpu.memory_space<hbm>>) dst(%dma_wait3A_174 : memref<632x32xf32, #tpu.memory_space<vmem_shared>>)
      tpu.yield
    }) : () -> ()
    "tpu.region"() ({
      %run_scoped3A = tpu.sem_alloc : memref<!tpu.dma_semaphore, #tpu.memory_space<semaphore_mem>>
      %dma_start3A_170 = arith.constant 0 : i32
      %dma_start3A_171 = tpu.memref_slice %arg19[%multiple_of3A, %dma_start3A_170] : memref<10000x32xf32, #tpu.memory_space<vmem_shared>> -> memref<632x32xf32, #tpu.memory_space<vmem_shared>>
      %dma_start3A_172 = tpu.memref_slice %arg4[%multiple_of3A, %multiple_of3A_21] : memref<10000x64xf32, #tpu.memory_space<hbm>> -> memref<632x32xf32, #tpu.memory_space<hbm>>
      tpu.enqueue_dma source(%dma_start3A_172 : memref<632x32xf32, #tpu.memory_space<hbm>>) target(%dma_start3A_171 : memref<632x32xf32, #tpu.memory_space<vmem_shared>>) target_semaphore(%run_scoped3A : memref<!tpu.dma_semaphore, #tpu.memory_space<semaphore_mem>>)
      %dma_wait3A_173 = arith.constant 0 : i32
      %dma_wait3A_174 = tpu.memref_slice %arg19[%multiple_of3A, %dma_wait3A_173] : memref<10000x32xf32, #tpu.memory_space<vmem_shared>> -> memref<632x32xf32, #tpu.memory_space<vmem_shared>>
      %dma_wait3A_175 = tpu.memref_slice %arg4[%multiple_of3A, %multiple_of3A_21] : memref<10000x64xf32, #tpu.memory_space<hbm>> -> memref<632x32xf32, #tpu.memory_space<hbm>>
      tpu.wait_dma2 semaphore(%run_scoped3A : memref<!tpu.dma_semaphore, #tpu.memory_space<semaphore_mem>>) src(%dma_wait3A_175 : memref<632x32xf32, #tpu.memory_space<hbm>>) dst(%dma_wait3A_174 : memref<632x32xf32, #tpu.memory_space<vmem_shared>>)
      tpu.yield
    }) : () -> ()
    %barrier3A = arith.constant 0 : index
    tpu.barrier barrier_id(%barrier3A)
    %dma_start3A = arith.constant 0 : i32
    %dma_start3A_26 = arith.constant 0 : i32
    %dma_start3A_27 = tpu.memref_slice %arg6[%dma_start3A, %dma_start3A_26] : memref<160x128xi32, #tpu.memory_space<vmem>> -> memref<1x128xi32, #tpu.memory_space<vmem>>
    %dma_start3A_28 = tpu.memref_squeeze %dma_start3A_27 : memref<1x128xi32, #tpu.memory_space<vmem>> -> memref<128xi32, #tpu.memory_space<vmem>>
    %dma_start3A_29 = arith.constant 0 : i32
    %dma_start3A_30 = arith.constant 0 : i32
    %dma_start3A_31 = tpu.memref_slice %arg19[%dma_start3A_29, %dma_start3A_30] : memref<10000x32xf32, #tpu.memory_space<vmem_shared>> -> memref<10000x32xf32, #tpu.memory_space<vmem_shared>>
    tpu.enqueue_indirect_dma source(%dma_start3A_31 : memref<10000x32xf32, #tpu.memory_space<vmem_shared>>) target(%arg8 : memref<128x32xf32, #tpu.memory_space<vmem>>) offsets(%dma_start3A_28 : memref<128xi32, #tpu.memory_space<vmem>>) semaphore(%arg20 : memref<!tpu.dma_semaphore, #tpu.memory_space<semaphore_mem>>)
    %dma_start3A_32 = arith.constant 1 : i32
    %dma_start3A_33 = arith.constant 0 : i32
    %dma_start3A_34 = tpu.memref_slice %arg6[%dma_start3A_32, %dma_start3A_33] : memref<160x128xi32, #tpu.memory_space<vmem>> -> memref<1x128xi32, #tpu.memory_space<vmem>>
    %dma_start3A_35 = tpu.memref_squeeze %dma_start3A_34 : memref<1x128xi32, #tpu.memory_space<vmem>> -> memref<128xi32, #tpu.memory_space<vmem>>
    %dma_start3A_36 = arith.constant 0 : i32
    %dma_start3A_37 = arith.constant 0 : i32
    %dma_start3A_38 = tpu.memref_slice %arg19[%dma_start3A_36, %dma_start3A_37] : memref<10000x32xf32, #tpu.memory_space<vmem_shared>> -> memref<10000x32xf32, #tpu.memory_space<vmem_shared>>
    tpu.enqueue_indirect_dma source(%dma_start3A_38 : memref<10000x32xf32, #tpu.memory_space<vmem_shared>>) target(%arg9 : memref<128x32xf32, #tpu.memory_space<vmem>>) offsets(%dma_start3A_35 : memref<128xi32, #tpu.memory_space<vmem>>) semaphore(%arg21 : memref<!tpu.dma_semaphore, #tpu.memory_space<semaphore_mem>>)
    %dma_start3A_39 = arith.constant 2 : i32
    %dma_start3A_40 = arith.constant 0 : i32
    %dma_start3A_41 = tpu.memref_slice %arg6[%dma_start3A_39, %dma_start3A_40] : memref<160x128xi32, #tpu.memory_space<vmem>> -> memref<1x128xi32, #tpu.memory_space<vmem>>
    %dma_start3A_42 = tpu.memref_squeeze %dma_start3A_41 : memref<1x128xi32, #tpu.memory_space<vmem>> -> memref<128xi32, #tpu.memory_space<vmem>>
    %dma_start3A_43 = arith.constant 0 : i32
    %dma_start3A_44 = arith.constant 0 : i32
    %dma_start3A_45 = tpu.memref_slice %arg19[%dma_start3A_43, %dma_start3A_44] : memref<10000x32xf32, #tpu.memory_space<vmem_shared>> -> memref<10000x32xf32, #tpu.memory_space<vmem_shared>>
    tpu.enqueue_indirect_dma source(%dma_start3A_45 : memref<10000x32xf32, #tpu.memory_space<vmem_shared>>) target(%arg10 : memref<128x32xf32, #tpu.memory_space<vmem>>) offsets(%dma_start3A_42 : memref<128xi32, #tpu.memory_space<vmem>>) semaphore(%arg22 : memref<!tpu.dma_semaphore, #tpu.memory_space<semaphore_mem>>)
    %dma_start3A_46 = arith.constant 3 : i32
    %dma_start3A_47 = arith.constant 0 : i32
    %dma_start3A_48 = tpu.memref_slice %arg6[%dma_start3A_46, %dma_start3A_47] : memref<160x128xi32, #tpu.memory_space<vmem>> -> memref<1x128xi32, #tpu.memory_space<vmem>>
    %dma_start3A_49 = tpu.memref_squeeze %dma_start3A_48 : memref<1x128xi32, #tpu.memory_space<vmem>> -> memref<128xi32, #tpu.memory_space<vmem>>
    %dma_start3A_50 = arith.constant 0 : i32
    %dma_start3A_51 = arith.constant 0 : i32
    %dma_start3A_52 = tpu.memref_slice %arg19[%dma_start3A_50, %dma_start3A_51] : memref<10000x32xf32, #tpu.memory_space<vmem_shared>> -> memref<10000x32xf32, #tpu.memory_space<vmem_shared>>
    tpu.enqueue_indirect_dma source(%dma_start3A_52 : memref<10000x32xf32, #tpu.memory_space<vmem_shared>>) target(%arg11 : memref<128x32xf32, #tpu.memory_space<vmem>>) offsets(%dma_start3A_49 : memref<128xi32, #tpu.memory_space<vmem>>) semaphore(%arg23 : memref<!tpu.dma_semaphore, #tpu.memory_space<semaphore_mem>>)
    %dma_start3A_53 = arith.constant 4 : i32
    %dma_start3A_54 = arith.constant 0 : i32
    %dma_start3A_55 = tpu.memref_slice %arg6[%dma_start3A_53, %dma_start3A_54] : memref<160x128xi32, #tpu.memory_space<vmem>> -> memref<1x128xi32, #tpu.memory_space<vmem>>
    %dma_start3A_56 = tpu.memref_squeeze %dma_start3A_55 : memref<1x128xi32, #tpu.memory_space<vmem>> -> memref<128xi32, #tpu.memory_space<vmem>>
    %dma_start3A_57 = arith.constant 0 : i32
    %dma_start3A_58 = arith.constant 0 : i32
    %dma_start3A_59 = tpu.memref_slice %arg19[%dma_start3A_57, %dma_start3A_58] : memref<10000x32xf32, #tpu.memory_space<vmem_shared>> -> memref<10000x32xf32, #tpu.memory_space<vmem_shared>>
    tpu.enqueue_indirect_dma source(%dma_start3A_59 : memref<10000x32xf32, #tpu.memory_space<vmem_shared>>) target(%arg12 : memref<128x32xf32, #tpu.memory_space<vmem>>) offsets(%dma_start3A_56 : memref<128xi32, #tpu.memory_space<vmem>>) semaphore(%arg24 : memref<!tpu.dma_semaphore, #tpu.memory_space<semaphore_mem>>)
    %dma_start3A_60 = arith.constant 5 : i32
    %dma_start3A_61 = arith.constant 0 : i32
    %dma_start3A_62 = tpu.memref_slice %arg6[%dma_start3A_60, %dma_start3A_61] : memref<160x128xi32, #tpu.memory_space<vmem>> -> memref<1x128xi32, #tpu.memory_space<vmem>>
    %dma_start3A_63 = tpu.memref_squeeze %dma_start3A_62 : memref<1x128xi32, #tpu.memory_space<vmem>> -> memref<128xi32, #tpu.memory_space<vmem>>
    %dma_start3A_64 = arith.constant 0 : i32
    %dma_start3A_65 = arith.constant 0 : i32
    %dma_start3A_66 = tpu.memref_slice %arg19[%dma_start3A_64, %dma_start3A_65] : memref<10000x32xf32, #tpu.memory_space<vmem_shared>> -> memref<10000x32xf32, #tpu.memory_space<vmem_shared>>
    tpu.enqueue_indirect_dma source(%dma_start3A_66 : memref<10000x32xf32, #tpu.memory_space<vmem_shared>>) target(%arg13 : memref<128x32xf32, #tpu.memory_space<vmem>>) offsets(%dma_start3A_63 : memref<128xi32, #tpu.memory_space<vmem>>) semaphore(%arg25 : memref<!tpu.dma_semaphore, #tpu.memory_space<semaphore_mem>>)
    %dma_start3A_67 = arith.constant 6 : i32
    %dma_start3A_68 = arith.constant 0 : i32
    %dma_start3A_69 = tpu.memref_slice %arg6[%dma_start3A_67, %dma_start3A_68] : memref<160x128xi32, #tpu.memory_space<vmem>> -> memref<1x128xi32, #tpu.memory_space<vmem>>
    %dma_start3A_70 = tpu.memref_squeeze %dma_start3A_69 : memref<1x128xi32, #tpu.memory_space<vmem>> -> memref<128xi32, #tpu.memory_space<vmem>>
    %dma_start3A_71 = arith.constant 0 : i32
    %dma_start3A_72 = arith.constant 0 : i32
    %dma_start3A_73 = tpu.memref_slice %arg19[%dma_start3A_71, %dma_start3A_72] : memref<10000x32xf32, #tpu.memory_space<vmem_shared>> -> memref<10000x32xf32, #tpu.memory_space<vmem_shared>>
    tpu.enqueue_indirect_dma source(%dma_start3A_73 : memref<10000x32xf32, #tpu.memory_space<vmem_shared>>) target(%arg14 : memref<128x32xf32, #tpu.memory_space<vmem>>) offsets(%dma_start3A_70 : memref<128xi32, #tpu.memory_space<vmem>>) semaphore(%arg26 : memref<!tpu.dma_semaphore, #tpu.memory_space<semaphore_mem>>)
    %dma_start3A_74 = arith.constant 7 : i32
    %dma_start3A_75 = arith.constant 0 : i32
    %dma_start3A_76 = tpu.memref_slice %arg6[%dma_start3A_74, %dma_start3A_75] : memref<160x128xi32, #tpu.memory_space<vmem>> -> memref<1x128xi32, #tpu.memory_space<vmem>>
    %dma_start3A_77 = tpu.memref_squeeze %dma_start3A_76 : memref<1x128xi32, #tpu.memory_space<vmem>> -> memref<128xi32, #tpu.memory_space<vmem>>
    %dma_start3A_78 = arith.constant 0 : i32
    %dma_start3A_79 = arith.constant 0 : i32
    %dma_start3A_80 = tpu.memref_slice %arg19[%dma_start3A_78, %dma_start3A_79] : memref<10000x32xf32, #tpu.memory_space<vmem_shared>> -> memref<10000x32xf32, #tpu.memory_space<vmem_shared>>
    tpu.enqueue_indirect_dma source(%dma_start3A_80 : memref<10000x32xf32, #tpu.memory_space<vmem_shared>>) target(%arg15 : memref<128x32xf32, #tpu.memory_space<vmem>>) offsets(%dma_start3A_77 : memref<128xi32, #tpu.memory_space<vmem>>) semaphore(%arg27 : memref<!tpu.dma_semaphore, #tpu.memory_space<semaphore_mem>>)
    %dma_start3A_81 = arith.constant 8 : i32
    %dma_start3A_82 = arith.constant 0 : i32
    %dma_start3A_83 = tpu.memref_slice %arg6[%dma_start3A_81, %dma_start3A_82] : memref<160x128xi32, #tpu.memory_space<vmem>> -> memref<1x128xi32, #tpu.memory_space<vmem>>
    %dma_start3A_84 = tpu.memref_squeeze %dma_start3A_83 : memref<1x128xi32, #tpu.memory_space<vmem>> -> memref<128xi32, #tpu.memory_space<vmem>>
    %dma_start3A_85 = arith.constant 0 : i32
    %dma_start3A_86 = arith.constant 0 : i32
    %dma_start3A_87 = tpu.memref_slice %arg19[%dma_start3A_85, %dma_start3A_86] : memref<10000x32xf32, #tpu.memory_space<vmem_shared>> -> memref<10000x32xf32, #tpu.memory_space<vmem_shared>>
    tpu.enqueue_indirect_dma source(%dma_start3A_87 : memref<10000x32xf32, #tpu.memory_space<vmem_shared>>) target(%arg16 : memref<128x32xf32, #tpu.memory_space<vmem>>) offsets(%dma_start3A_84 : memref<128xi32, #tpu.memory_space<vmem>>) semaphore(%arg28 : memref<!tpu.dma_semaphore, #tpu.memory_space<semaphore_mem>>)
    %dma_start3A_88 = arith.constant 9 : i32
    %dma_start3A_89 = arith.constant 0 : i32
    %dma_start3A_90 = tpu.memref_slice %arg6[%dma_start3A_88, %dma_start3A_89] : memref<160x128xi32, #tpu.memory_space<vmem>> -> memref<1x128xi32, #tpu.memory_space<vmem>>
    %dma_start3A_91 = tpu.memref_squeeze %dma_start3A_90 : memref<1x128xi32, #tpu.memory_space<vmem>> -> memref<128xi32, #tpu.memory_space<vmem>>
    %dma_start3A_92 = arith.constant 0 : i32
    %dma_start3A_93 = arith.constant 0 : i32
    %dma_start3A_94 = tpu.memref_slice %arg19[%dma_start3A_92, %dma_start3A_93] : memref<10000x32xf32, #tpu.memory_space<vmem_shared>> -> memref<10000x32xf32, #tpu.memory_space<vmem_shared>>
    tpu.enqueue_indirect_dma source(%dma_start3A_94 : memref<10000x32xf32, #tpu.memory_space<vmem_shared>>) target(%arg17 : memref<128x32xf32, #tpu.memory_space<vmem>>) offsets(%dma_start3A_91 : memref<128xi32, #tpu.memory_space<vmem>>) semaphore(%arg29 : memref<!tpu.dma_semaphore, #tpu.memory_space<semaphore_mem>>)
    %scan3A = arith.constant 0 : i32
    %scan3A_95 = arith.constant 0 : i32
    %scan3A_96 = arith.constant 16 : i32
    %scan3A_97 = arith.addi %scan3A_95, %scan3A_96 : i32
    %scan3A_98 = arith.constant 1 : i32
    scf.for %scan3A_170 = %scan3A_95 to %scan3A_97 step %scan3A_98  : i32 {
      %mul3A_171 = arith.constant 10 : i32
      %mul3A_172 = arith.muli %scan3A_170, %mul3A_171 : i32
      %add3A = arith.constant 0 : i32
      %add3A_173 = arith.addi %mul3A_172, %add3A : i32
      %dma_wait3A_174 = arith.constant 0 : i32
      %dma_wait3A_175 = tpu.memref_slice %arg6[%add3A_173, %dma_wait3A_174] : memref<160x128xi32, #tpu.memory_space<vmem>> -> memref<1x128xi32, #tpu.memory_space<vmem>>
      %dma_wait3A_176 = tpu.memref_squeeze %dma_wait3A_175 : memref<1x128xi32, #tpu.memory_space<vmem>> -> memref<128xi32, #tpu.memory_space<vmem>>
      %dma_wait3A_177 = arith.constant 0 : i32
      %dma_wait3A_178 = arith.constant 0 : i32
      %dma_wait3A_179 = tpu.memref_slice %arg19[%dma_wait3A_177, %dma_wait3A_178] : memref<10000x32xf32, #tpu.memory_space<vmem_shared>> -> memref<10000x32xf32, #tpu.memory_space<vmem_shared>>
      tpu.wait_indirect_dma semaphore(%arg20 : memref<!tpu.dma_semaphore, #tpu.memory_space<semaphore_mem>>) src(%dma_wait3A_179 : memref<10000x32xf32, #tpu.memory_space<vmem_shared>>) dst(%arg8 : memref<128x32xf32, #tpu.memory_space<vmem>>)
      %dma_start3A_180 = arith.constant 0 : i32
      %dma_start3A_181 = tpu.memref_slice %arg7[%add3A_173, %dma_start3A_180] : memref<160x128xi32, #tpu.memory_space<vmem>> -> memref<1x128xi32, #tpu.memory_space<vmem>>
      %dma_start3A_182 = tpu.memref_squeeze %dma_start3A_181 : memref<1x128xi32, #tpu.memory_space<vmem>> -> memref<128xi32, #tpu.memory_space<vmem>>
      %dma_start3A_183 = arith.constant 0 : i32
      %dma_start3A_184 = arith.constant 0 : i32
      %dma_start3A_185 = tpu.memref_slice %arg18[%dma_start3A_183, %dma_start3A_184] : memref<10128x32xf32, #tpu.memory_space<vmem_shared>> -> memref<10128x32xf32, #tpu.memory_space<vmem_shared>>
      tpu.enqueue_indirect_dma source(%arg8 : memref<128x32xf32, #tpu.memory_space<vmem>>) target(%dma_start3A_185 : memref<10128x32xf32, #tpu.memory_space<vmem_shared>>) offsets(%dma_start3A_182 : memref<128xi32, #tpu.memory_space<vmem>>) semaphore(%arg30 : memref<!tpu.dma_semaphore, #tpu.memory_space<semaphore_mem>>) {add = true}
      %add3A_186 = arith.constant 1 : i32
      %add3A_187 = arith.addi %mul3A_172, %add3A_186 : i32
      %dma_wait3A_188 = arith.constant 0 : i32
      %dma_wait3A_189 = tpu.memref_slice %arg6[%add3A_187, %dma_wait3A_188] : memref<160x128xi32, #tpu.memory_space<vmem>> -> memref<1x128xi32, #tpu.memory_space<vmem>>
      %dma_wait3A_190 = tpu.memref_squeeze %dma_wait3A_189 : memref<1x128xi32, #tpu.memory_space<vmem>> -> memref<128xi32, #tpu.memory_space<vmem>>
      %dma_wait3A_191 = arith.constant 0 : i32
      %dma_wait3A_192 = arith.constant 0 : i32
      %dma_wait3A_193 = tpu.memref_slice %arg19[%dma_wait3A_191, %dma_wait3A_192] : memref<10000x32xf32, #tpu.memory_space<vmem_shared>> -> memref<10000x32xf32, #tpu.memory_space<vmem_shared>>
      tpu.wait_indirect_dma semaphore(%arg21 : memref<!tpu.dma_semaphore, #tpu.memory_space<semaphore_mem>>) src(%dma_wait3A_193 : memref<10000x32xf32, #tpu.memory_space<vmem_shared>>) dst(%arg9 : memref<128x32xf32, #tpu.memory_space<vmem>>)
      %dma_start3A_194 = arith.constant 0 : i32
      %dma_start3A_195 = tpu.memref_slice %arg7[%add3A_187, %dma_start3A_194] : memref<160x128xi32, #tpu.memory_space<vmem>> -> memref<1x128xi32, #tpu.memory_space<vmem>>
      %dma_start3A_196 = tpu.memref_squeeze %dma_start3A_195 : memref<1x128xi32, #tpu.memory_space<vmem>> -> memref<128xi32, #tpu.memory_space<vmem>>
      %dma_start3A_197 = arith.constant 0 : i32
      %dma_start3A_198 = arith.constant 0 : i32
      %dma_start3A_199 = tpu.memref_slice %arg18[%dma_start3A_197, %dma_start3A_198] : memref<10128x32xf32, #tpu.memory_space<vmem_shared>> -> memref<10128x32xf32, #tpu.memory_space<vmem_shared>>
      tpu.enqueue_indirect_dma source(%arg9 : memref<128x32xf32, #tpu.memory_space<vmem>>) target(%dma_start3A_199 : memref<10128x32xf32, #tpu.memory_space<vmem_shared>>) offsets(%dma_start3A_196 : memref<128xi32, #tpu.memory_space<vmem>>) semaphore(%arg31 : memref<!tpu.dma_semaphore, #tpu.memory_space<semaphore_mem>>) {add = true}
      %add3A_200 = arith.constant 2 : i32
      %add3A_201 = arith.addi %mul3A_172, %add3A_200 : i32
      %dma_wait3A_202 = arith.constant 0 : i32
      %dma_wait3A_203 = tpu.memref_slice %arg6[%add3A_201, %dma_wait3A_202] : memref<160x128xi32, #tpu.memory_space<vmem>> -> memref<1x128xi32, #tpu.memory_space<vmem>>
      %dma_wait3A_204 = tpu.memref_squeeze %dma_wait3A_203 : memref<1x128xi32, #tpu.memory_space<vmem>> -> memref<128xi32, #tpu.memory_space<vmem>>
      %dma_wait3A_205 = arith.constant 0 : i32
      %dma_wait3A_206 = arith.constant 0 : i32
      %dma_wait3A_207 = tpu.memref_slice %arg19[%dma_wait3A_205, %dma_wait3A_206] : memref<10000x32xf32, #tpu.memory_space<vmem_shared>> -> memref<10000x32xf32, #tpu.memory_space<vmem_shared>>
      tpu.wait_indirect_dma semaphore(%arg22 : memref<!tpu.dma_semaphore, #tpu.memory_space<semaphore_mem>>) src(%dma_wait3A_207 : memref<10000x32xf32, #tpu.memory_space<vmem_shared>>) dst(%arg10 : memref<128x32xf32, #tpu.memory_space<vmem>>)
      %dma_start3A_208 = arith.constant 0 : i32
      %dma_start3A_209 = tpu.memref_slice %arg7[%add3A_201, %dma_start3A_208] : memref<160x128xi32, #tpu.memory_space<vmem>> -> memref<1x128xi32, #tpu.memory_space<vmem>>
      %dma_start3A_210 = tpu.memref_squeeze %dma_start3A_209 : memref<1x128xi32, #tpu.memory_space<vmem>> -> memref<128xi32, #tpu.memory_space<vmem>>
      %dma_start3A_211 = arith.constant 0 : i32
      %dma_start3A_212 = arith.constant 0 : i32
      %dma_start3A_213 = tpu.memref_slice %arg18[%dma_start3A_211, %dma_start3A_212] : memref<10128x32xf32, #tpu.memory_space<vmem_shared>> -> memref<10128x32xf32, #tpu.memory_space<vmem_shared>>
      tpu.enqueue_indirect_dma source(%arg10 : memref<128x32xf32, #tpu.memory_space<vmem>>) target(%dma_start3A_213 : memref<10128x32xf32, #tpu.memory_space<vmem_shared>>) offsets(%dma_start3A_210 : memref<128xi32, #tpu.memory_space<vmem>>) semaphore(%arg32 : memref<!tpu.dma_semaphore, #tpu.memory_space<semaphore_mem>>) {add = true}
      %add3A_214 = arith.constant 3 : i32
      %add3A_215 = arith.addi %mul3A_172, %add3A_214 : i32
      %dma_wait3A_216 = arith.constant 0 : i32
      %dma_wait3A_217 = tpu.memref_slice %arg6[%add3A_215, %dma_wait3A_216] : memref<160x128xi32, #tpu.memory_space<vmem>> -> memref<1x128xi32, #tpu.memory_space<vmem>>
      %dma_wait3A_218 = tpu.memref_squeeze %dma_wait3A_217 : memref<1x128xi32, #tpu.memory_space<vmem>> -> memref<128xi32, #tpu.memory_space<vmem>>
      %dma_wait3A_219 = arith.constant 0 : i32
      %dma_wait3A_220 = arith.constant 0 : i32
      %dma_wait3A_221 = tpu.memref_slice %arg19[%dma_wait3A_219, %dma_wait3A_220] : memref<10000x32xf32, #tpu.memory_space<vmem_shared>> -> memref<10000x32xf32, #tpu.memory_space<vmem_shared>>
      tpu.wait_indirect_dma semaphore(%arg23 : memref<!tpu.dma_semaphore, #tpu.memory_space<semaphore_mem>>) src(%dma_wait3A_221 : memref<10000x32xf32, #tpu.memory_space<vmem_shared>>) dst(%arg11 : memref<128x32xf32, #tpu.memory_space<vmem>>)
      %dma_start3A_222 = arith.constant 0 : i32
      %dma_start3A_223 = tpu.memref_slice %arg7[%add3A_215, %dma_start3A_222] : memref<160x128xi32, #tpu.memory_space<vmem>> -> memref<1x128xi32, #tpu.memory_space<vmem>>
      %dma_start3A_224 = tpu.memref_squeeze %dma_start3A_223 : memref<1x128xi32, #tpu.memory_space<vmem>> -> memref<128xi32, #tpu.memory_space<vmem>>
      %dma_start3A_225 = arith.constant 0 : i32
      %dma_start3A_226 = arith.constant 0 : i32
      %dma_start3A_227 = tpu.memref_slice %arg18[%dma_start3A_225, %dma_start3A_226] : memref<10128x32xf32, #tpu.memory_space<vmem_shared>> -> memref<10128x32xf32, #tpu.memory_space<vmem_shared>>
      tpu.enqueue_indirect_dma source(%arg11 : memref<128x32xf32, #tpu.memory_space<vmem>>) target(%dma_start3A_227 : memref<10128x32xf32, #tpu.memory_space<vmem_shared>>) offsets(%dma_start3A_224 : memref<128xi32, #tpu.memory_space<vmem>>) semaphore(%arg33 : memref<!tpu.dma_semaphore, #tpu.memory_space<semaphore_mem>>) {add = true}
      %add3A_228 = arith.constant 4 : i32
      %add3A_229 = arith.addi %mul3A_172, %add3A_228 : i32
      %dma_wait3A_230 = arith.constant 0 : i32
      %dma_wait3A_231 = tpu.memref_slice %arg6[%add3A_229, %dma_wait3A_230] : memref<160x128xi32, #tpu.memory_space<vmem>> -> memref<1x128xi32, #tpu.memory_space<vmem>>
      %dma_wait3A_232 = tpu.memref_squeeze %dma_wait3A_231 : memref<1x128xi32, #tpu.memory_space<vmem>> -> memref<128xi32, #tpu.memory_space<vmem>>
      %dma_wait3A_233 = arith.constant 0 : i32
      %dma_wait3A_234 = arith.constant 0 : i32
      %dma_wait3A_235 = tpu.memref_slice %arg19[%dma_wait3A_233, %dma_wait3A_234] : memref<10000x32xf32, #tpu.memory_space<vmem_shared>> -> memref<10000x32xf32, #tpu.memory_space<vmem_shared>>
      tpu.wait_indirect_dma semaphore(%arg24 : memref<!tpu.dma_semaphore, #tpu.memory_space<semaphore_mem>>) src(%dma_wait3A_235 : memref<10000x32xf32, #tpu.memory_space<vmem_shared>>) dst(%arg12 : memref<128x32xf32, #tpu.memory_space<vmem>>)
      %dma_start3A_236 = arith.constant 0 : i32
      %dma_start3A_237 = tpu.memref_slice %arg7[%add3A_229, %dma_start3A_236] : memref<160x128xi32, #tpu.memory_space<vmem>> -> memref<1x128xi32, #tpu.memory_space<vmem>>
      %dma_start3A_238 = tpu.memref_squeeze %dma_start3A_237 : memref<1x128xi32, #tpu.memory_space<vmem>> -> memref<128xi32, #tpu.memory_space<vmem>>
      %dma_start3A_239 = arith.constant 0 : i32
      %dma_start3A_240 = arith.constant 0 : i32
      %dma_start3A_241 = tpu.memref_slice %arg18[%dma_start3A_239, %dma_start3A_240] : memref<10128x32xf32, #tpu.memory_space<vmem_shared>> -> memref<10128x32xf32, #tpu.memory_space<vmem_shared>>
      tpu.enqueue_indirect_dma source(%arg12 : memref<128x32xf32, #tpu.memory_space<vmem>>) target(%dma_start3A_241 : memref<10128x32xf32, #tpu.memory_space<vmem_shared>>) offsets(%dma_start3A_238 : memref<128xi32, #tpu.memory_space<vmem>>) semaphore(%arg34 : memref<!tpu.dma_semaphore, #tpu.memory_space<semaphore_mem>>) {add = true}
      %add3A_242 = arith.constant 5 : i32
      %add3A_243 = arith.addi %mul3A_172, %add3A_242 : i32
      %dma_wait3A_244 = arith.constant 0 : i32
      %dma_wait3A_245 = tpu.memref_slice %arg6[%add3A_243, %dma_wait3A_244] : memref<160x128xi32, #tpu.memory_space<vmem>> -> memref<1x128xi32, #tpu.memory_space<vmem>>
      %dma_wait3A_246 = tpu.memref_squeeze %dma_wait3A_245 : memref<1x128xi32, #tpu.memory_space<vmem>> -> memref<128xi32, #tpu.memory_space<vmem>>
      %dma_wait3A_247 = arith.constant 0 : i32
      %dma_wait3A_248 = arith.constant 0 : i32
      %dma_wait3A_249 = tpu.memref_slice %arg19[%dma_wait3A_247, %dma_wait3A_248] : memref<10000x32xf32, #tpu.memory_space<vmem_shared>> -> memref<10000x32xf32, #tpu.memory_space<vmem_shared>>
      tpu.wait_indirect_dma semaphore(%arg25 : memref<!tpu.dma_semaphore, #tpu.memory_space<semaphore_mem>>) src(%dma_wait3A_249 : memref<10000x32xf32, #tpu.memory_space<vmem_shared>>) dst(%arg13 : memref<128x32xf32, #tpu.memory_space<vmem>>)
      %dma_start3A_250 = arith.constant 0 : i32
      %dma_start3A_251 = tpu.memref_slice %arg7[%add3A_243, %dma_start3A_250] : memref<160x128xi32, #tpu.memory_space<vmem>> -> memref<1x128xi32, #tpu.memory_space<vmem>>
      %dma_start3A_252 = tpu.memref_squeeze %dma_start3A_251 : memref<1x128xi32, #tpu.memory_space<vmem>> -> memref<128xi32, #tpu.memory_space<vmem>>
      %dma_start3A_253 = arith.constant 0 : i32
      %dma_start3A_254 = arith.constant 0 : i32
      %dma_start3A_255 = tpu.memref_slice %arg18[%dma_start3A_253, %dma_start3A_254] : memref<10128x32xf32, #tpu.memory_space<vmem_shared>> -> memref<10128x32xf32, #tpu.memory_space<vmem_shared>>
      tpu.enqueue_indirect_dma source(%arg13 : memref<128x32xf32, #tpu.memory_space<vmem>>) target(%dma_start3A_255 : memref<10128x32xf32, #tpu.memory_space<vmem_shared>>) offsets(%dma_start3A_252 : memref<128xi32, #tpu.memory_space<vmem>>) semaphore(%arg35 : memref<!tpu.dma_semaphore, #tpu.memory_space<semaphore_mem>>) {add = true}
      %add3A_256 = arith.constant 6 : i32
      %add3A_257 = arith.addi %mul3A_172, %add3A_256 : i32
      %dma_wait3A_258 = arith.constant 0 : i32
      %dma_wait3A_259 = tpu.memref_slice %arg6[%add3A_257, %dma_wait3A_258] : memref<160x128xi32, #tpu.memory_space<vmem>> -> memref<1x128xi32, #tpu.memory_space<vmem>>
      %dma_wait3A_260 = tpu.memref_squeeze %dma_wait3A_259 : memref<1x128xi32, #tpu.memory_space<vmem>> -> memref<128xi32, #tpu.memory_space<vmem>>
      %dma_wait3A_261 = arith.constant 0 : i32
      %dma_wait3A_262 = arith.constant 0 : i32
      %dma_wait3A_263 = tpu.memref_slice %arg19[%dma_wait3A_261, %dma_wait3A_262] : memref<10000x32xf32, #tpu.memory_space<vmem_shared>> -> memref<10000x32xf32, #tpu.memory_space<vmem_shared>>
      tpu.wait_indirect_dma semaphore(%arg26 : memref<!tpu.dma_semaphore, #tpu.memory_space<semaphore_mem>>) src(%dma_wait3A_263 : memref<10000x32xf32, #tpu.memory_space<vmem_shared>>) dst(%arg14 : memref<128x32xf32, #tpu.memory_space<vmem>>)
      %dma_start3A_264 = arith.constant 0 : i32
      %dma_start3A_265 = tpu.memref_slice %arg7[%add3A_257, %dma_start3A_264] : memref<160x128xi32, #tpu.memory_space<vmem>> -> memref<1x128xi32, #tpu.memory_space<vmem>>
      %dma_start3A_266 = tpu.memref_squeeze %dma_start3A_265 : memref<1x128xi32, #tpu.memory_space<vmem>> -> memref<128xi32, #tpu.memory_space<vmem>>
      %dma_start3A_267 = arith.constant 0 : i32
      %dma_start3A_268 = arith.constant 0 : i32
      %dma_start3A_269 = tpu.memref_slice %arg18[%dma_start3A_267, %dma_start3A_268] : memref<10128x32xf32, #tpu.memory_space<vmem_shared>> -> memref<10128x32xf32, #tpu.memory_space<vmem_shared>>
      tpu.enqueue_indirect_dma source(%arg14 : memref<128x32xf32, #tpu.memory_space<vmem>>) target(%dma_start3A_269 : memref<10128x32xf32, #tpu.memory_space<vmem_shared>>) offsets(%dma_start3A_266 : memref<128xi32, #tpu.memory_space<vmem>>) semaphore(%arg36 : memref<!tpu.dma_semaphore, #tpu.memory_space<semaphore_mem>>) {add = true}
      %add3A_270 = arith.constant 7 : i32
      %add3A_271 = arith.addi %mul3A_172, %add3A_270 : i32
      %dma_wait3A_272 = arith.constant 0 : i32
      %dma_wait3A_273 = tpu.memref_slice %arg6[%add3A_271, %dma_wait3A_272] : memref<160x128xi32, #tpu.memory_space<vmem>> -> memref<1x128xi32, #tpu.memory_space<vmem>>
      %dma_wait3A_274 = tpu.memref_squeeze %dma_wait3A_273 : memref<1x128xi32, #tpu.memory_space<vmem>> -> memref<128xi32, #tpu.memory_space<vmem>>
      %dma_wait3A_275 = arith.constant 0 : i32
      %dma_wait3A_276 = arith.constant 0 : i32
      %dma_wait3A_277 = tpu.memref_slice %arg19[%dma_wait3A_275, %dma_wait3A_276] : memref<10000x32xf32, #tpu.memory_space<vmem_shared>> -> memref<10000x32xf32, #tpu.memory_space<vmem_shared>>
      tpu.wait_indirect_dma semaphore(%arg27 : memref<!tpu.dma_semaphore, #tpu.memory_space<semaphore_mem>>) src(%dma_wait3A_277 : memref<10000x32xf32, #tpu.memory_space<vmem_shared>>) dst(%arg15 : memref<128x32xf32, #tpu.memory_space<vmem>>)
      %dma_start3A_278 = arith.constant 0 : i32
      %dma_start3A_279 = tpu.memref_slice %arg7[%add3A_271, %dma_start3A_278] : memref<160x128xi32, #tpu.memory_space<vmem>> -> memref<1x128xi32, #tpu.memory_space<vmem>>
      %dma_start3A_280 = tpu.memref_squeeze %dma_start3A_279 : memref<1x128xi32, #tpu.memory_space<vmem>> -> memref<128xi32, #tpu.memory_space<vmem>>
      %dma_start3A_281 = arith.constant 0 : i32
      %dma_start3A_282 = arith.constant 0 : i32
      %dma_start3A_283 = tpu.memref_slice %arg18[%dma_start3A_281, %dma_start3A_282] : memref<10128x32xf32, #tpu.memory_space<vmem_shared>> -> memref<10128x32xf32, #tpu.memory_space<vmem_shared>>
      tpu.enqueue_indirect_dma source(%arg15 : memref<128x32xf32, #tpu.memory_space<vmem>>) target(%dma_start3A_283 : memref<10128x32xf32, #tpu.memory_space<vmem_shared>>) offsets(%dma_start3A_280 : memref<128xi32, #tpu.memory_space<vmem>>) semaphore(%arg37 : memref<!tpu.dma_semaphore, #tpu.memory_space<semaphore_mem>>) {add = true}
      %add3A_284 = arith.constant 8 : i32
      %add3A_285 = arith.addi %mul3A_172, %add3A_284 : i32
      %dma_wait3A_286 = arith.constant 0 : i32
      %dma_wait3A_287 = tpu.memref_slice %arg6[%add3A_285, %dma_wait3A_286] : memref<160x128xi32, #tpu.memory_space<vmem>> -> memref<1x128xi32, #tpu.memory_space<vmem>>
      %dma_wait3A_288 = tpu.memref_squeeze %dma_wait3A_287 : memref<1x128xi32, #tpu.memory_space<vmem>> -> memref<128xi32, #tpu.memory_space<vmem>>
      %dma_wait3A_289 = arith.constant 0 : i32
      %dma_wait3A_290 = arith.constant 0 : i32
      %dma_wait3A_291 = tpu.memref_slice %arg19[%dma_wait3A_289, %dma_wait3A_290] : memref<10000x32xf32, #tpu.memory_space<vmem_shared>> -> memref<10000x32xf32, #tpu.memory_space<vmem_shared>>
      tpu.wait_indirect_dma semaphore(%arg28 : memref<!tpu.dma_semaphore, #tpu.memory_space<semaphore_mem>>) src(%dma_wait3A_291 : memref<10000x32xf32, #tpu.memory_space<vmem_shared>>) dst(%arg16 : memref<128x32xf32, #tpu.memory_space<vmem>>)
      %dma_start3A_292 = arith.constant 0 : i32
      %dma_start3A_293 = tpu.memref_slice %arg7[%add3A_285, %dma_start3A_292] : memref<160x128xi32, #tpu.memory_space<vmem>> -> memref<1x128xi32, #tpu.memory_space<vmem>>
      %dma_start3A_294 = tpu.memref_squeeze %dma_start3A_293 : memref<1x128xi32, #tpu.memory_space<vmem>> -> memref<128xi32, #tpu.memory_space<vmem>>
      %dma_start3A_295 = arith.constant 0 : i32
      %dma_start3A_296 = arith.constant 0 : i32
      %dma_start3A_297 = tpu.memref_slice %arg18[%dma_start3A_295, %dma_start3A_296] : memref<10128x32xf32, #tpu.memory_space<vmem_shared>> -> memref<10128x32xf32, #tpu.memory_space<vmem_shared>>
      tpu.enqueue_indirect_dma source(%arg16 : memref<128x32xf32, #tpu.memory_space<vmem>>) target(%dma_start3A_297 : memref<10128x32xf32, #tpu.memory_space<vmem_shared>>) offsets(%dma_start3A_294 : memref<128xi32, #tpu.memory_space<vmem>>) semaphore(%arg38 : memref<!tpu.dma_semaphore, #tpu.memory_space<semaphore_mem>>) {add = true}
      %add3A_298 = arith.constant 9 : i32
      %add3A_299 = arith.addi %mul3A_172, %add3A_298 : i32
      %dma_wait3A_300 = arith.constant 0 : i32
      %dma_wait3A_301 = tpu.memref_slice %arg6[%add3A_299, %dma_wait3A_300] : memref<160x128xi32, #tpu.memory_space<vmem>> -> memref<1x128xi32, #tpu.memory_space<vmem>>
      %dma_wait3A_302 = tpu.memref_squeeze %dma_wait3A_301 : memref<1x128xi32, #tpu.memory_space<vmem>> -> memref<128xi32, #tpu.memory_space<vmem>>
      %dma_wait3A_303 = arith.constant 0 : i32
      %dma_wait3A_304 = arith.constant 0 : i32
      %dma_wait3A_305 = tpu.memref_slice %arg19[%dma_wait3A_303, %dma_wait3A_304] : memref<10000x32xf32, #tpu.memory_space<vmem_shared>> -> memref<10000x32xf32, #tpu.memory_space<vmem_shared>>
      tpu.wait_indirect_dma semaphore(%arg29 : memref<!tpu.dma_semaphore, #tpu.memory_space<semaphore_mem>>) src(%dma_wait3A_305 : memref<10000x32xf32, #tpu.memory_space<vmem_shared>>) dst(%arg17 : memref<128x32xf32, #tpu.memory_space<vmem>>)
      %dma_start3A_306 = arith.constant 0 : i32
      %dma_start3A_307 = tpu.memref_slice %arg7[%add3A_299, %dma_start3A_306] : memref<160x128xi32, #tpu.memory_space<vmem>> -> memref<1x128xi32, #tpu.memory_space<vmem>>
      %dma_start3A_308 = tpu.memref_squeeze %dma_start3A_307 : memref<1x128xi32, #tpu.memory_space<vmem>> -> memref<128xi32, #tpu.memory_space<vmem>>
      %dma_start3A_309 = arith.constant 0 : i32
      %dma_start3A_310 = arith.constant 0 : i32
      %dma_start3A_311 = tpu.memref_slice %arg18[%dma_start3A_309, %dma_start3A_310] : memref<10128x32xf32, #tpu.memory_space<vmem_shared>> -> memref<10128x32xf32, #tpu.memory_space<vmem_shared>>
      tpu.enqueue_indirect_dma source(%arg17 : memref<128x32xf32, #tpu.memory_space<vmem>>) target(%dma_start3A_311 : memref<10128x32xf32, #tpu.memory_space<vmem_shared>>) offsets(%dma_start3A_308 : memref<128xi32, #tpu.memory_space<vmem>>) semaphore(%arg39 : memref<!tpu.dma_semaphore, #tpu.memory_space<semaphore_mem>>) {add = true}
      %add3A_312 = arith.constant 10 : i32
      %add3A_313 = arith.addi %mul3A_172, %add3A_312 : i32
      %add3A_314 = arith.constant 0 : i32
      %add3A_315 = arith.addi %add3A_313, %add3A_314 : i32
      %min3A = arith.constant 159 : i32
      %min3A_316 = arith.minsi %add3A_315, %min3A : i32
      %dma_wait3A_317 = arith.constant 0 : i32
      %dma_wait3A_318 = tpu.memref_slice %arg7[%add3A_173, %dma_wait3A_317] : memref<160x128xi32, #tpu.memory_space<vmem>> -> memref<1x128xi32, #tpu.memory_space<vmem>>
      %dma_wait3A_319 = tpu.memref_squeeze %dma_wait3A_318 : memref<1x128xi32, #tpu.memory_space<vmem>> -> memref<128xi32, #tpu.memory_space<vmem>>
      %dma_wait3A_320 = arith.constant 0 : i32
      %dma_wait3A_321 = arith.constant 0 : i32
      %dma_wait3A_322 = tpu.memref_slice %arg18[%dma_wait3A_320, %dma_wait3A_321] : memref<10128x32xf32, #tpu.memory_space<vmem_shared>> -> memref<10128x32xf32, #tpu.memory_space<vmem_shared>>
      tpu.wait_indirect_dma semaphore(%arg30 : memref<!tpu.dma_semaphore, #tpu.memory_space<semaphore_mem>>) src(%arg8 : memref<128x32xf32, #tpu.memory_space<vmem>>) dst(%dma_wait3A_322 : memref<10128x32xf32, #tpu.memory_space<vmem_shared>>)
      %dma_start3A_323 = arith.constant 0 : i32
      %dma_start3A_324 = tpu.memref_slice %arg6[%min3A_316, %dma_start3A_323] : memref<160x128xi32, #tpu.memory_space<vmem>> -> memref<1x128xi32, #tpu.memory_space<vmem>>
      %dma_start3A_325 = tpu.memref_squeeze %dma_start3A_324 : memref<1x128xi32, #tpu.memory_space<vmem>> -> memref<128xi32, #tpu.memory_space<vmem>>
      %dma_start3A_326 = arith.constant 0 : i32
      %dma_start3A_327 = arith.constant 0 : i32
      %dma_start3A_328 = tpu.memref_slice %arg19[%dma_start3A_326, %dma_start3A_327] : memref<10000x32xf32, #tpu.memory_space<vmem_shared>> -> memref<10000x32xf32, #tpu.memory_space<vmem_shared>>
      tpu.enqueue_indirect_dma source(%dma_start3A_328 : memref<10000x32xf32, #tpu.memory_space<vmem_shared>>) target(%arg8 : memref<128x32xf32, #tpu.memory_space<vmem>>) offsets(%dma_start3A_325 : memref<128xi32, #tpu.memory_space<vmem>>) semaphore(%arg20 : memref<!tpu.dma_semaphore, #tpu.memory_space<semaphore_mem>>)
      %add3A_329 = arith.constant 10 : i32
      %add3A_330 = arith.addi %mul3A_172, %add3A_329 : i32
      %add3A_331 = arith.constant 1 : i32
      %add3A_332 = arith.addi %add3A_330, %add3A_331 : i32
      %min3A_333 = arith.constant 159 : i32
      %min3A_334 = arith.minsi %add3A_332, %min3A_333 : i32
      %dma_wait3A_335 = arith.constant 0 : i32
      %dma_wait3A_336 = tpu.memref_slice %arg7[%add3A_187, %dma_wait3A_335] : memref<160x128xi32, #tpu.memory_space<vmem>> -> memref<1x128xi32, #tpu.memory_space<vmem>>
      %dma_wait3A_337 = tpu.memref_squeeze %dma_wait3A_336 : memref<1x128xi32, #tpu.memory_space<vmem>> -> memref<128xi32, #tpu.memory_space<vmem>>
      %dma_wait3A_338 = arith.constant 0 : i32
      %dma_wait3A_339 = arith.constant 0 : i32
      %dma_wait3A_340 = tpu.memref_slice %arg18[%dma_wait3A_338, %dma_wait3A_339] : memref<10128x32xf32, #tpu.memory_space<vmem_shared>> -> memref<10128x32xf32, #tpu.memory_space<vmem_shared>>
      tpu.wait_indirect_dma semaphore(%arg31 : memref<!tpu.dma_semaphore, #tpu.memory_space<semaphore_mem>>) src(%arg9 : memref<128x32xf32, #tpu.memory_space<vmem>>) dst(%dma_wait3A_340 : memref<10128x32xf32, #tpu.memory_space<vmem_shared>>)
      %dma_start3A_341 = arith.constant 0 : i32
      %dma_start3A_342 = tpu.memref_slice %arg6[%min3A_334, %dma_start3A_341] : memref<160x128xi32, #tpu.memory_space<vmem>> -> memref<1x128xi32, #tpu.memory_space<vmem>>
      %dma_start3A_343 = tpu.memref_squeeze %dma_start3A_342 : memref<1x128xi32, #tpu.memory_space<vmem>> -> memref<128xi32, #tpu.memory_space<vmem>>
      %dma_start3A_344 = arith.constant 0 : i32
      %dma_start3A_345 = arith.constant 0 : i32
      %dma_start3A_346 = tpu.memref_slice %arg19[%dma_start3A_344, %dma_start3A_345] : memref<10000x32xf32, #tpu.memory_space<vmem_shared>> -> memref<10000x32xf32, #tpu.memory_space<vmem_shared>>
      tpu.enqueue_indirect_dma source(%dma_start3A_346 : memref<10000x32xf32, #tpu.memory_space<vmem_shared>>) target(%arg9 : memref<128x32xf32, #tpu.memory_space<vmem>>) offsets(%dma_start3A_343 : memref<128xi32, #tpu.memory_space<vmem>>) semaphore(%arg21 : memref<!tpu.dma_semaphore, #tpu.memory_space<semaphore_mem>>)
      %add3A_347 = arith.constant 10 : i32
      %add3A_348 = arith.addi %mul3A_172, %add3A_347 : i32
      %add3A_349 = arith.constant 2 : i32
      %add3A_350 = arith.addi %add3A_348, %add3A_349 : i32
      %min3A_351 = arith.constant 159 : i32
      %min3A_352 = arith.minsi %add3A_350, %min3A_351 : i32
      %dma_wait3A_353 = arith.constant 0 : i32
      %dma_wait3A_354 = tpu.memref_slice %arg7[%add3A_201, %dma_wait3A_353] : memref<160x128xi32, #tpu.memory_space<vmem>> -> memref<1x128xi32, #tpu.memory_space<vmem>>
      %dma_wait3A_355 = tpu.memref_squeeze %dma_wait3A_354 : memref<1x128xi32, #tpu.memory_space<vmem>> -> memref<128xi32, #tpu.memory_space<vmem>>
      %dma_wait3A_356 = arith.constant 0 : i32
      %dma_wait3A_357 = arith.constant 0 : i32
      %dma_wait3A_358 = tpu.memref_slice %arg18[%dma_wait3A_356, %dma_wait3A_357] : memref<10128x32xf32, #tpu.memory_space<vmem_shared>> -> memref<10128x32xf32, #tpu.memory_space<vmem_shared>>
      tpu.wait_indirect_dma semaphore(%arg32 : memref<!tpu.dma_semaphore, #tpu.memory_space<semaphore_mem>>) src(%arg10 : memref<128x32xf32, #tpu.memory_space<vmem>>) dst(%dma_wait3A_358 : memref<10128x32xf32, #tpu.memory_space<vmem_shared>>)
      %dma_start3A_359 = arith.constant 0 : i32
      %dma_start3A_360 = tpu.memref_slice %arg6[%min3A_352, %dma_start3A_359] : memref<160x128xi32, #tpu.memory_space<vmem>> -> memref<1x128xi32, #tpu.memory_space<vmem>>
      %dma_start3A_361 = tpu.memref_squeeze %dma_start3A_360 : memref<1x128xi32, #tpu.memory_space<vmem>> -> memref<128xi32, #tpu.memory_space<vmem>>
      %dma_start3A_362 = arith.constant 0 : i32
      %dma_start3A_363 = arith.constant 0 : i32
      %dma_start3A_364 = tpu.memref_slice %arg19[%dma_start3A_362, %dma_start3A_363] : memref<10000x32xf32, #tpu.memory_space<vmem_shared>> -> memref<10000x32xf32, #tpu.memory_space<vmem_shared>>
      tpu.enqueue_indirect_dma source(%dma_start3A_364 : memref<10000x32xf32, #tpu.memory_space<vmem_shared>>) target(%arg10 : memref<128x32xf32, #tpu.memory_space<vmem>>) offsets(%dma_start3A_361 : memref<128xi32, #tpu.memory_space<vmem>>) semaphore(%arg22 : memref<!tpu.dma_semaphore, #tpu.memory_space<semaphore_mem>>)
      %add3A_365 = arith.constant 10 : i32
      %add3A_366 = arith.addi %mul3A_172, %add3A_365 : i32
      %add3A_367 = arith.constant 3 : i32
      %add3A_368 = arith.addi %add3A_366, %add3A_367 : i32
      %min3A_369 = arith.constant 159 : i32
      %min3A_370 = arith.minsi %add3A_368, %min3A_369 : i32
      %dma_wait3A_371 = arith.constant 0 : i32
      %dma_wait3A_372 = tpu.memref_slice %arg7[%add3A_215, %dma_wait3A_371] : memref<160x128xi32, #tpu.memory_space<vmem>> -> memref<1x128xi32, #tpu.memory_space<vmem>>
      %dma_wait3A_373 = tpu.memref_squeeze %dma_wait3A_372 : memref<1x128xi32, #tpu.memory_space<vmem>> -> memref<128xi32, #tpu.memory_space<vmem>>
      %dma_wait3A_374 = arith.constant 0 : i32
      %dma_wait3A_375 = arith.constant 0 : i32
      %dma_wait3A_376 = tpu.memref_slice %arg18[%dma_wait3A_374, %dma_wait3A_375] : memref<10128x32xf32, #tpu.memory_space<vmem_shared>> -> memref<10128x32xf32, #tpu.memory_space<vmem_shared>>
      tpu.wait_indirect_dma semaphore(%arg33 : memref<!tpu.dma_semaphore, #tpu.memory_space<semaphore_mem>>) src(%arg11 : memref<128x32xf32, #tpu.memory_space<vmem>>) dst(%dma_wait3A_376 : memref<10128x32xf32, #tpu.memory_space<vmem_shared>>)
      %dma_start3A_377 = arith.constant 0 : i32
      %dma_start3A_378 = tpu.memref_slice %arg6[%min3A_370, %dma_start3A_377] : memref<160x128xi32, #tpu.memory_space<vmem>> -> memref<1x128xi32, #tpu.memory_space<vmem>>
      %dma_start3A_379 = tpu.memref_squeeze %dma_start3A_378 : memref<1x128xi32, #tpu.memory_space<vmem>> -> memref<128xi32, #tpu.memory_space<vmem>>
      %dma_start3A_380 = arith.constant 0 : i32
      %dma_start3A_381 = arith.constant 0 : i32
      %dma_start3A_382 = tpu.memref_slice %arg19[%dma_start3A_380, %dma_start3A_381] : memref<10000x32xf32, #tpu.memory_space<vmem_shared>> -> memref<10000x32xf32, #tpu.memory_space<vmem_shared>>
      tpu.enqueue_indirect_dma source(%dma_start3A_382 : memref<10000x32xf32, #tpu.memory_space<vmem_shared>>) target(%arg11 : memref<128x32xf32, #tpu.memory_space<vmem>>) offsets(%dma_start3A_379 : memref<128xi32, #tpu.memory_space<vmem>>) semaphore(%arg23 : memref<!tpu.dma_semaphore, #tpu.memory_space<semaphore_mem>>)
      %add3A_383 = arith.constant 10 : i32
      %add3A_384 = arith.addi %mul3A_172, %add3A_383 : i32
      %add3A_385 = arith.constant 4 : i32
      %add3A_386 = arith.addi %add3A_384, %add3A_385 : i32
      %min3A_387 = arith.constant 159 : i32
      %min3A_388 = arith.minsi %add3A_386, %min3A_387 : i32
      %dma_wait3A_389 = arith.constant 0 : i32
      %dma_wait3A_390 = tpu.memref_slice %arg7[%add3A_229, %dma_wait3A_389] : memref<160x128xi32, #tpu.memory_space<vmem>> -> memref<1x128xi32, #tpu.memory_space<vmem>>
      %dma_wait3A_391 = tpu.memref_squeeze %dma_wait3A_390 : memref<1x128xi32, #tpu.memory_space<vmem>> -> memref<128xi32, #tpu.memory_space<vmem>>
      %dma_wait3A_392 = arith.constant 0 : i32
      %dma_wait3A_393 = arith.constant 0 : i32
      %dma_wait3A_394 = tpu.memref_slice %arg18[%dma_wait3A_392, %dma_wait3A_393] : memref<10128x32xf32, #tpu.memory_space<vmem_shared>> -> memref<10128x32xf32, #tpu.memory_space<vmem_shared>>
      tpu.wait_indirect_dma semaphore(%arg34 : memref<!tpu.dma_semaphore, #tpu.memory_space<semaphore_mem>>) src(%arg12 : memref<128x32xf32, #tpu.memory_space<vmem>>) dst(%dma_wait3A_394 : memref<10128x32xf32, #tpu.memory_space<vmem_shared>>)
      %dma_start3A_395 = arith.constant 0 : i32
      %dma_start3A_396 = tpu.memref_slice %arg6[%min3A_388, %dma_start3A_395] : memref<160x128xi32, #tpu.memory_space<vmem>> -> memref<1x128xi32, #tpu.memory_space<vmem>>
      %dma_start3A_397 = tpu.memref_squeeze %dma_start3A_396 : memref<1x128xi32, #tpu.memory_space<vmem>> -> memref<128xi32, #tpu.memory_space<vmem>>
      %dma_start3A_398 = arith.constant 0 : i32
      %dma_start3A_399 = arith.constant 0 : i32
      %dma_start3A_400 = tpu.memref_slice %arg19[%dma_start3A_398, %dma_start3A_399] : memref<10000x32xf32, #tpu.memory_space<vmem_shared>> -> memref<10000x32xf32, #tpu.memory_space<vmem_shared>>
      tpu.enqueue_indirect_dma source(%dma_start3A_400 : memref<10000x32xf32, #tpu.memory_space<vmem_shared>>) target(%arg12 : memref<128x32xf32, #tpu.memory_space<vmem>>) offsets(%dma_start3A_397 : memref<128xi32, #tpu.memory_space<vmem>>) semaphore(%arg24 : memref<!tpu.dma_semaphore, #tpu.memory_space<semaphore_mem>>)
      %add3A_401 = arith.constant 10 : i32
      %add3A_402 = arith.addi %mul3A_172, %add3A_401 : i32
      %add3A_403 = arith.constant 5 : i32
      %add3A_404 = arith.addi %add3A_402, %add3A_403 : i32
      %min3A_405 = arith.constant 159 : i32
      %min3A_406 = arith.minsi %add3A_404, %min3A_405 : i32
      %dma_wait3A_407 = arith.constant 0 : i32
      %dma_wait3A_408 = tpu.memref_slice %arg7[%add3A_243, %dma_wait3A_407] : memref<160x128xi32, #tpu.memory_space<vmem>> -> memref<1x128xi32, #tpu.memory_space<vmem>>
      %dma_wait3A_409 = tpu.memref_squeeze %dma_wait3A_408 : memref<1x128xi32, #tpu.memory_space<vmem>> -> memref<128xi32, #tpu.memory_space<vmem>>
      %dma_wait3A_410 = arith.constant 0 : i32
      %dma_wait3A_411 = arith.constant 0 : i32
      %dma_wait3A_412 = tpu.memref_slice %arg18[%dma_wait3A_410, %dma_wait3A_411] : memref<10128x32xf32, #tpu.memory_space<vmem_shared>> -> memref<10128x32xf32, #tpu.memory_space<vmem_shared>>
      tpu.wait_indirect_dma semaphore(%arg35 : memref<!tpu.dma_semaphore, #tpu.memory_space<semaphore_mem>>) src(%arg13 : memref<128x32xf32, #tpu.memory_space<vmem>>) dst(%dma_wait3A_412 : memref<10128x32xf32, #tpu.memory_space<vmem_shared>>)
      %dma_start3A_413 = arith.constant 0 : i32
      %dma_start3A_414 = tpu.memref_slice %arg6[%min3A_406, %dma_start3A_413] : memref<160x128xi32, #tpu.memory_space<vmem>> -> memref<1x128xi32, #tpu.memory_space<vmem>>
      %dma_start3A_415 = tpu.memref_squeeze %dma_start3A_414 : memref<1x128xi32, #tpu.memory_space<vmem>> -> memref<128xi32, #tpu.memory_space<vmem>>
      %dma_start3A_416 = arith.constant 0 : i32
      %dma_start3A_417 = arith.constant 0 : i32
      %dma_start3A_418 = tpu.memref_slice %arg19[%dma_start3A_416, %dma_start3A_417] : memref<10000x32xf32, #tpu.memory_space<vmem_shared>> -> memref<10000x32xf32, #tpu.memory_space<vmem_shared>>
      tpu.enqueue_indirect_dma source(%dma_start3A_418 : memref<10000x32xf32, #tpu.memory_space<vmem_shared>>) target(%arg13 : memref<128x32xf32, #tpu.memory_space<vmem>>) offsets(%dma_start3A_415 : memref<128xi32, #tpu.memory_space<vmem>>) semaphore(%arg25 : memref<!tpu.dma_semaphore, #tpu.memory_space<semaphore_mem>>)
      %add3A_419 = arith.constant 10 : i32
      %add3A_420 = arith.addi %mul3A_172, %add3A_419 : i32
      %add3A_421 = arith.constant 6 : i32
      %add3A_422 = arith.addi %add3A_420, %add3A_421 : i32
      %min3A_423 = arith.constant 159 : i32
      %min3A_424 = arith.minsi %add3A_422, %min3A_423 : i32
      %dma_wait3A_425 = arith.constant 0 : i32
      %dma_wait3A_426 = tpu.memref_slice %arg7[%add3A_257, %dma_wait3A_425] : memref<160x128xi32, #tpu.memory_space<vmem>> -> memref<1x128xi32, #tpu.memory_space<vmem>>
      %dma_wait3A_427 = tpu.memref_squeeze %dma_wait3A_426 : memref<1x128xi32, #tpu.memory_space<vmem>> -> memref<128xi32, #tpu.memory_space<vmem>>
      %dma_wait3A_428 = arith.constant 0 : i32
      %dma_wait3A_429 = arith.constant 0 : i32
      %dma_wait3A_430 = tpu.memref_slice %arg18[%dma_wait3A_428, %dma_wait3A_429] : memref<10128x32xf32, #tpu.memory_space<vmem_shared>> -> memref<10128x32xf32, #tpu.memory_space<vmem_shared>>
      tpu.wait_indirect_dma semaphore(%arg36 : memref<!tpu.dma_semaphore, #tpu.memory_space<semaphore_mem>>) src(%arg14 : memref<128x32xf32, #tpu.memory_space<vmem>>) dst(%dma_wait3A_430 : memref<10128x32xf32, #tpu.memory_space<vmem_shared>>)
      %dma_start3A_431 = arith.constant 0 : i32
      %dma_start3A_432 = tpu.memref_slice %arg6[%min3A_424, %dma_start3A_431] : memref<160x128xi32, #tpu.memory_space<vmem>> -> memref<1x128xi32, #tpu.memory_space<vmem>>
      %dma_start3A_433 = tpu.memref_squeeze %dma_start3A_432 : memref<1x128xi32, #tpu.memory_space<vmem>> -> memref<128xi32, #tpu.memory_space<vmem>>
      %dma_start3A_434 = arith.constant 0 : i32
      %dma_start3A_435 = arith.constant 0 : i32
      %dma_start3A_436 = tpu.memref_slice %arg19[%dma_start3A_434, %dma_start3A_435] : memref<10000x32xf32, #tpu.memory_space<vmem_shared>> -> memref<10000x32xf32, #tpu.memory_space<vmem_shared>>
      tpu.enqueue_indirect_dma source(%dma_start3A_436 : memref<10000x32xf32, #tpu.memory_space<vmem_shared>>) target(%arg14 : memref<128x32xf32, #tpu.memory_space<vmem>>) offsets(%dma_start3A_433 : memref<128xi32, #tpu.memory_space<vmem>>) semaphore(%arg26 : memref<!tpu.dma_semaphore, #tpu.memory_space<semaphore_mem>>)
      %add3A_437 = arith.constant 10 : i32
      %add3A_438 = arith.addi %mul3A_172, %add3A_437 : i32
      %add3A_439 = arith.constant 7 : i32
      %add3A_440 = arith.addi %add3A_438, %add3A_439 : i32
      %min3A_441 = arith.constant 159 : i32
      %min3A_442 = arith.minsi %add3A_440, %min3A_441 : i32
      %dma_wait3A_443 = arith.constant 0 : i32
      %dma_wait3A_444 = tpu.memref_slice %arg7[%add3A_271, %dma_wait3A_443] : memref<160x128xi32, #tpu.memory_space<vmem>> -> memref<1x128xi32, #tpu.memory_space<vmem>>
      %dma_wait3A_445 = tpu.memref_squeeze %dma_wait3A_444 : memref<1x128xi32, #tpu.memory_space<vmem>> -> memref<128xi32, #tpu.memory_space<vmem>>
      %dma_wait3A_446 = arith.constant 0 : i32
      %dma_wait3A_447 = arith.constant 0 : i32
      %dma_wait3A_448 = tpu.memref_slice %arg18[%dma_wait3A_446, %dma_wait3A_447] : memref<10128x32xf32, #tpu.memory_space<vmem_shared>> -> memref<10128x32xf32, #tpu.memory_space<vmem_shared>>
      tpu.wait_indirect_dma semaphore(%arg37 : memref<!tpu.dma_semaphore, #tpu.memory_space<semaphore_mem>>) src(%arg15 : memref<128x32xf32, #tpu.memory_space<vmem>>) dst(%dma_wait3A_448 : memref<10128x32xf32, #tpu.memory_space<vmem_shared>>)
      %dma_start3A_449 = arith.constant 0 : i32
      %dma_start3A_450 = tpu.memref_slice %arg6[%min3A_442, %dma_start3A_449] : memref<160x128xi32, #tpu.memory_space<vmem>> -> memref<1x128xi32, #tpu.memory_space<vmem>>
      %dma_start3A_451 = tpu.memref_squeeze %dma_start3A_450 : memref<1x128xi32, #tpu.memory_space<vmem>> -> memref<128xi32, #tpu.memory_space<vmem>>
      %dma_start3A_452 = arith.constant 0 : i32
      %dma_start3A_453 = arith.constant 0 : i32
      %dma_start3A_454 = tpu.memref_slice %arg19[%dma_start3A_452, %dma_start3A_453] : memref<10000x32xf32, #tpu.memory_space<vmem_shared>> -> memref<10000x32xf32, #tpu.memory_space<vmem_shared>>
      tpu.enqueue_indirect_dma source(%dma_start3A_454 : memref<10000x32xf32, #tpu.memory_space<vmem_shared>>) target(%arg15 : memref<128x32xf32, #tpu.memory_space<vmem>>) offsets(%dma_start3A_451 : memref<128xi32, #tpu.memory_space<vmem>>) semaphore(%arg27 : memref<!tpu.dma_semaphore, #tpu.memory_space<semaphore_mem>>)
      %add3A_455 = arith.constant 10 : i32
      %add3A_456 = arith.addi %mul3A_172, %add3A_455 : i32
      %add3A_457 = arith.constant 8 : i32
      %add3A_458 = arith.addi %add3A_456, %add3A_457 : i32
      %min3A_459 = arith.constant 159 : i32
      %min3A_460 = arith.minsi %add3A_458, %min3A_459 : i32
      %dma_wait3A_461 = arith.constant 0 : i32
      %dma_wait3A_462 = tpu.memref_slice %arg7[%add3A_285, %dma_wait3A_461] : memref<160x128xi32, #tpu.memory_space<vmem>> -> memref<1x128xi32, #tpu.memory_space<vmem>>
      %dma_wait3A_463 = tpu.memref_squeeze %dma_wait3A_462 : memref<1x128xi32, #tpu.memory_space<vmem>> -> memref<128xi32, #tpu.memory_space<vmem>>
      %dma_wait3A_464 = arith.constant 0 : i32
      %dma_wait3A_465 = arith.constant 0 : i32
      %dma_wait3A_466 = tpu.memref_slice %arg18[%dma_wait3A_464, %dma_wait3A_465] : memref<10128x32xf32, #tpu.memory_space<vmem_shared>> -> memref<10128x32xf32, #tpu.memory_space<vmem_shared>>
      tpu.wait_indirect_dma semaphore(%arg38 : memref<!tpu.dma_semaphore, #tpu.memory_space<semaphore_mem>>) src(%arg16 : memref<128x32xf32, #tpu.memory_space<vmem>>) dst(%dma_wait3A_466 : memref<10128x32xf32, #tpu.memory_space<vmem_shared>>)
      %dma_start3A_467 = arith.constant 0 : i32
      %dma_start3A_468 = tpu.memref_slice %arg6[%min3A_460, %dma_start3A_467] : memref<160x128xi32, #tpu.memory_space<vmem>> -> memref<1x128xi32, #tpu.memory_space<vmem>>
      %dma_start3A_469 = tpu.memref_squeeze %dma_start3A_468 : memref<1x128xi32, #tpu.memory_space<vmem>> -> memref<128xi32, #tpu.memory_space<vmem>>
      %dma_start3A_470 = arith.constant 0 : i32
      %dma_start3A_471 = arith.constant 0 : i32
      %dma_start3A_472 = tpu.memref_slice %arg19[%dma_start3A_470, %dma_start3A_471] : memref<10000x32xf32, #tpu.memory_space<vmem_shared>> -> memref<10000x32xf32, #tpu.memory_space<vmem_shared>>
      tpu.enqueue_indirect_dma source(%dma_start3A_472 : memref<10000x32xf32, #tpu.memory_space<vmem_shared>>) target(%arg16 : memref<128x32xf32, #tpu.memory_space<vmem>>) offsets(%dma_start3A_469 : memref<128xi32, #tpu.memory_space<vmem>>) semaphore(%arg28 : memref<!tpu.dma_semaphore, #tpu.memory_space<semaphore_mem>>)
      %add3A_473 = arith.constant 10 : i32
      %add3A_474 = arith.addi %mul3A_172, %add3A_473 : i32
      %add3A_475 = arith.constant 9 : i32
      %add3A_476 = arith.addi %add3A_474, %add3A_475 : i32
      %min3A_477 = arith.constant 159 : i32
      %min3A_478 = arith.minsi %add3A_476, %min3A_477 : i32
      %dma_wait3A_479 = arith.constant 0 : i32
      %dma_wait3A_480 = tpu.memref_slice %arg7[%add3A_299, %dma_wait3A_479] : memref<160x128xi32, #tpu.memory_space<vmem>> -> memref<1x128xi32, #tpu.memory_space<vmem>>
      %dma_wait3A_481 = tpu.memref_squeeze %dma_wait3A_480 : memref<1x128xi32, #tpu.memory_space<vmem>> -> memref<128xi32, #tpu.memory_space<vmem>>
      %dma_wait3A_482 = arith.constant 0 : i32
      %dma_wait3A_483 = arith.constant 0 : i32
      %dma_wait3A_484 = tpu.memref_slice %arg18[%dma_wait3A_482, %dma_wait3A_483] : memref<10128x32xf32, #tpu.memory_space<vmem_shared>> -> memref<10128x32xf32, #tpu.memory_space<vmem_shared>>
      tpu.wait_indirect_dma semaphore(%arg39 : memref<!tpu.dma_semaphore, #tpu.memory_space<semaphore_mem>>) src(%arg17 : memref<128x32xf32, #tpu.memory_space<vmem>>) dst(%dma_wait3A_484 : memref<10128x32xf32, #tpu.memory_space<vmem_shared>>)
      %dma_start3A_485 = arith.constant 0 : i32
      %dma_start3A_486 = tpu.memref_slice %arg6[%min3A_478, %dma_start3A_485] : memref<160x128xi32, #tpu.memory_space<vmem>> -> memref<1x128xi32, #tpu.memory_space<vmem>>
      %dma_start3A_487 = tpu.memref_squeeze %dma_start3A_486 : memref<1x128xi32, #tpu.memory_space<vmem>> -> memref<128xi32, #tpu.memory_space<vmem>>
      %dma_start3A_488 = arith.constant 0 : i32
      %dma_start3A_489 = arith.constant 0 : i32
      %dma_start3A_490 = tpu.memref_slice %arg19[%dma_start3A_488, %dma_start3A_489] : memref<10000x32xf32, #tpu.memory_space<vmem_shared>> -> memref<10000x32xf32, #tpu.memory_space<vmem_shared>>
      tpu.enqueue_indirect_dma source(%dma_start3A_490 : memref<10000x32xf32, #tpu.memory_space<vmem_shared>>) target(%arg17 : memref<128x32xf32, #tpu.memory_space<vmem>>) offsets(%dma_start3A_487 : memref<128xi32, #tpu.memory_space<vmem>>) semaphore(%arg29 : memref<!tpu.dma_semaphore, #tpu.memory_space<semaphore_mem>>)
    }
    %scan3A_99 = arith.constant 16 : i32
    %dma_wait3A = arith.constant 159 : i32
    %dma_wait3A_100 = arith.constant 0 : i32
    %dma_wait3A_101 = tpu.memref_slice %arg6[%dma_wait3A, %dma_wait3A_100] : memref<160x128xi32, #tpu.memory_space<vmem>> -> memref<1x128xi32, #tpu.memory_space<vmem>>
    %dma_wait3A_102 = tpu.memref_squeeze %dma_wait3A_101 : memref<1x128xi32, #tpu.memory_space<vmem>> -> memref<128xi32, #tpu.memory_space<vmem>>
    %dma_wait3A_103 = arith.constant 0 : i32
    %dma_wait3A_104 = arith.constant 0 : i32
    %dma_wait3A_105 = tpu.memref_slice %arg19[%dma_wait3A_103, %dma_wait3A_104] : memref<10000x32xf32, #tpu.memory_space<vmem_shared>> -> memref<10000x32xf32, #tpu.memory_space<vmem_shared>>
    tpu.wait_indirect_dma semaphore(%arg20 : memref<!tpu.dma_semaphore, #tpu.memory_space<semaphore_mem>>) src(%dma_wait3A_105 : memref<10000x32xf32, #tpu.memory_space<vmem_shared>>) dst(%arg8 : memref<128x32xf32, #tpu.memory_space<vmem>>)
    %dma_wait3A_106 = arith.constant 159 : i32
    %dma_wait3A_107 = arith.constant 0 : i32
    %dma_wait3A_108 = tpu.memref_slice %arg6[%dma_wait3A_106, %dma_wait3A_107] : memref<160x128xi32, #tpu.memory_space<vmem>> -> memref<1x128xi32, #tpu.memory_space<vmem>>
    %dma_wait3A_109 = tpu.memref_squeeze %dma_wait3A_108 : memref<1x128xi32, #tpu.memory_space<vmem>> -> memref<128xi32, #tpu.memory_space<vmem>>
    %dma_wait3A_110 = arith.constant 0 : i32
    %dma_wait3A_111 = arith.constant 0 : i32
    %dma_wait3A_112 = tpu.memref_slice %arg19[%dma_wait3A_110, %dma_wait3A_111] : memref<10000x32xf32, #tpu.memory_space<vmem_shared>> -> memref<10000x32xf32, #tpu.memory_space<vmem_shared>>
    tpu.wait_indirect_dma semaphore(%arg21 : memref<!tpu.dma_semaphore, #tpu.memory_space<semaphore_mem>>) src(%dma_wait3A_112 : memref<10000x32xf32, #tpu.memory_space<vmem_shared>>) dst(%arg9 : memref<128x32xf32, #tpu.memory_space<vmem>>)
    %dma_wait3A_113 = arith.constant 159 : i32
    %dma_wait3A_114 = arith.constant 0 : i32
    %dma_wait3A_115 = tpu.memref_slice %arg6[%dma_wait3A_113, %dma_wait3A_114] : memref<160x128xi32, #tpu.memory_space<vmem>> -> memref<1x128xi32, #tpu.memory_space<vmem>>
    %dma_wait3A_116 = tpu.memref_squeeze %dma_wait3A_115 : memref<1x128xi32, #tpu.memory_space<vmem>> -> memref<128xi32, #tpu.memory_space<vmem>>
    %dma_wait3A_117 = arith.constant 0 : i32
    %dma_wait3A_118 = arith.constant 0 : i32
    %dma_wait3A_119 = tpu.memref_slice %arg19[%dma_wait3A_117, %dma_wait3A_118] : memref<10000x32xf32, #tpu.memory_space<vmem_shared>> -> memref<10000x32xf32, #tpu.memory_space<vmem_shared>>
    tpu.wait_indirect_dma semaphore(%arg22 : memref<!tpu.dma_semaphore, #tpu.memory_space<semaphore_mem>>) src(%dma_wait3A_119 : memref<10000x32xf32, #tpu.memory_space<vmem_shared>>) dst(%arg10 : memref<128x32xf32, #tpu.memory_space<vmem>>)
    %dma_wait3A_120 = arith.constant 159 : i32
    %dma_wait3A_121 = arith.constant 0 : i32
    %dma_wait3A_122 = tpu.memref_slice %arg6[%dma_wait3A_120, %dma_wait3A_121] : memref<160x128xi32, #tpu.memory_space<vmem>> -> memref<1x128xi32, #tpu.memory_space<vmem>>
    %dma_wait3A_123 = tpu.memref_squeeze %dma_wait3A_122 : memref<1x128xi32, #tpu.memory_space<vmem>> -> memref<128xi32, #tpu.memory_space<vmem>>
    %dma_wait3A_124 = arith.constant 0 : i32
    %dma_wait3A_125 = arith.constant 0 : i32
    %dma_wait3A_126 = tpu.memref_slice %arg19[%dma_wait3A_124, %dma_wait3A_125] : memref<10000x32xf32, #tpu.memory_space<vmem_shared>> -> memref<10000x32xf32, #tpu.memory_space<vmem_shared>>
    tpu.wait_indirect_dma semaphore(%arg23 : memref<!tpu.dma_semaphore, #tpu.memory_space<semaphore_mem>>) src(%dma_wait3A_126 : memref<10000x32xf32, #tpu.memory_space<vmem_shared>>) dst(%arg11 : memref<128x32xf32, #tpu.memory_space<vmem>>)
    %dma_wait3A_127 = arith.constant 159 : i32
    %dma_wait3A_128 = arith.constant 0 : i32
    %dma_wait3A_129 = tpu.memref_slice %arg6[%dma_wait3A_127, %dma_wait3A_128] : memref<160x128xi32, #tpu.memory_space<vmem>> -> memref<1x128xi32, #tpu.memory_space<vmem>>
    %dma_wait3A_130 = tpu.memref_squeeze %dma_wait3A_129 : memref<1x128xi32, #tpu.memory_space<vmem>> -> memref<128xi32, #tpu.memory_space<vmem>>
    %dma_wait3A_131 = arith.constant 0 : i32
    %dma_wait3A_132 = arith.constant 0 : i32
    %dma_wait3A_133 = tpu.memref_slice %arg19[%dma_wait3A_131, %dma_wait3A_132] : memref<10000x32xf32, #tpu.memory_space<vmem_shared>> -> memref<10000x32xf32, #tpu.memory_space<vmem_shared>>
    tpu.wait_indirect_dma semaphore(%arg24 : memref<!tpu.dma_semaphore, #tpu.memory_space<semaphore_mem>>) src(%dma_wait3A_133 : memref<10000x32xf32, #tpu.memory_space<vmem_shared>>) dst(%arg12 : memref<128x32xf32, #tpu.memory_space<vmem>>)
    %dma_wait3A_134 = arith.constant 159 : i32
    %dma_wait3A_135 = arith.constant 0 : i32
    %dma_wait3A_136 = tpu.memref_slice %arg6[%dma_wait3A_134, %dma_wait3A_135] : memref<160x128xi32, #tpu.memory_space<vmem>> -> memref<1x128xi32, #tpu.memory_space<vmem>>
    %dma_wait3A_137 = tpu.memref_squeeze %dma_wait3A_136 : memref<1x128xi32, #tpu.memory_space<vmem>> -> memref<128xi32, #tpu.memory_space<vmem>>
    %dma_wait3A_138 = arith.constant 0 : i32
    %dma_wait3A_139 = arith.constant 0 : i32
    %dma_wait3A_140 = tpu.memref_slice %arg19[%dma_wait3A_138, %dma_wait3A_139] : memref<10000x32xf32, #tpu.memory_space<vmem_shared>> -> memref<10000x32xf32, #tpu.memory_space<vmem_shared>>
    tpu.wait_indirect_dma semaphore(%arg25 : memref<!tpu.dma_semaphore, #tpu.memory_space<semaphore_mem>>) src(%dma_wait3A_140 : memref<10000x32xf32, #tpu.memory_space<vmem_shared>>) dst(%arg13 : memref<128x32xf32, #tpu.memory_space<vmem>>)
    %dma_wait3A_141 = arith.constant 159 : i32
    %dma_wait3A_142 = arith.constant 0 : i32
    %dma_wait3A_143 = tpu.memref_slice %arg6[%dma_wait3A_141, %dma_wait3A_142] : memref<160x128xi32, #tpu.memory_space<vmem>> -> memref<1x128xi32, #tpu.memory_space<vmem>>
    %dma_wait3A_144 = tpu.memref_squeeze %dma_wait3A_143 : memref<1x128xi32, #tpu.memory_space<vmem>> -> memref<128xi32, #tpu.memory_space<vmem>>
    %dma_wait3A_145 = arith.constant 0 : i32
    %dma_wait3A_146 = arith.constant 0 : i32
    %dma_wait3A_147 = tpu.memref_slice %arg19[%dma_wait3A_145, %dma_wait3A_146] : memref<10000x32xf32, #tpu.memory_space<vmem_shared>> -> memref<10000x32xf32, #tpu.memory_space<vmem_shared>>
    tpu.wait_indirect_dma semaphore(%arg26 : memref<!tpu.dma_semaphore, #tpu.memory_space<semaphore_mem>>) src(%dma_wait3A_147 : memref<10000x32xf32, #tpu.memory_space<vmem_shared>>) dst(%arg14 : memref<128x32xf32, #tpu.memory_space<vmem>>)
    %dma_wait3A_148 = arith.constant 159 : i32
    %dma_wait3A_149 = arith.constant 0 : i32
    %dma_wait3A_150 = tpu.memref_slice %arg6[%dma_wait3A_148, %dma_wait3A_149] : memref<160x128xi32, #tpu.memory_space<vmem>> -> memref<1x128xi32, #tpu.memory_space<vmem>>
    %dma_wait3A_151 = tpu.memref_squeeze %dma_wait3A_150 : memref<1x128xi32, #tpu.memory_space<vmem>> -> memref<128xi32, #tpu.memory_space<vmem>>
    %dma_wait3A_152 = arith.constant 0 : i32
    %dma_wait3A_153 = arith.constant 0 : i32
    %dma_wait3A_154 = tpu.memref_slice %arg19[%dma_wait3A_152, %dma_wait3A_153] : memref<10000x32xf32, #tpu.memory_space<vmem_shared>> -> memref<10000x32xf32, #tpu.memory_space<vmem_shared>>
    tpu.wait_indirect_dma semaphore(%arg27 : memref<!tpu.dma_semaphore, #tpu.memory_space<semaphore_mem>>) src(%dma_wait3A_154 : memref<10000x32xf32, #tpu.memory_space<vmem_shared>>) dst(%arg15 : memref<128x32xf32, #tpu.memory_space<vmem>>)
    %dma_wait3A_155 = arith.constant 159 : i32
    %dma_wait3A_156 = arith.constant 0 : i32
    %dma_wait3A_157 = tpu.memref_slice %arg6[%dma_wait3A_155, %dma_wait3A_156] : memref<160x128xi32, #tpu.memory_space<vmem>> -> memref<1x128xi32, #tpu.memory_space<vmem>>
    %dma_wait3A_158 = tpu.memref_squeeze %dma_wait3A_157 : memref<1x128xi32, #tpu.memory_space<vmem>> -> memref<128xi32, #tpu.memory_space<vmem>>
    %dma_wait3A_159 = arith.constant 0 : i32
    %dma_wait3A_160 = arith.constant 0 : i32
    %dma_wait3A_161 = tpu.memref_slice %arg19[%dma_wait3A_159, %dma_wait3A_160] : memref<10000x32xf32, #tpu.memory_space<vmem_shared>> -> memref<10000x32xf32, #tpu.memory_space<vmem_shared>>
    tpu.wait_indirect_dma semaphore(%arg28 : memref<!tpu.dma_semaphore, #tpu.memory_space<semaphore_mem>>) src(%dma_wait3A_161 : memref<10000x32xf32, #tpu.memory_space<vmem_shared>>) dst(%arg16 : memref<128x32xf32, #tpu.memory_space<vmem>>)
    %dma_wait3A_162 = arith.constant 159 : i32
    %dma_wait3A_163 = arith.constant 0 : i32
    %dma_wait3A_164 = tpu.memref_slice %arg6[%dma_wait3A_162, %dma_wait3A_163] : memref<160x128xi32, #tpu.memory_space<vmem>> -> memref<1x128xi32, #tpu.memory_space<vmem>>
    %dma_wait3A_165 = tpu.memref_squeeze %dma_wait3A_164 : memref<1x128xi32, #tpu.memory_space<vmem>> -> memref<128xi32, #tpu.memory_space<vmem>>
    %dma_wait3A_166 = arith.constant 0 : i32
    %dma_wait3A_167 = arith.constant 0 : i32
    %dma_wait3A_168 = tpu.memref_slice %arg19[%dma_wait3A_166, %dma_wait3A_167] : memref<10000x32xf32, #tpu.memory_space<vmem_shared>> -> memref<10000x32xf32, #tpu.memory_space<vmem_shared>>
    tpu.wait_indirect_dma semaphore(%arg29 : memref<!tpu.dma_semaphore, #tpu.memory_space<semaphore_mem>>) src(%dma_wait3A_168 : memref<10000x32xf32, #tpu.memory_space<vmem_shared>>) dst(%arg17 : memref<128x32xf32, #tpu.memory_space<vmem>>)
    %barrier3A_169 = arith.constant 0 : index
    tpu.barrier barrier_id(%barrier3A_169)
    "tpu.region"() ({
      %run_scoped3A = tpu.sem_alloc : memref<!tpu.dma_semaphore, #tpu.memory_space<semaphore_mem>>
      %dma_start3A_170 = tpu.memref_slice %arg5[%multiple_of3A, %multiple_of3A_21] : memref<10000x64xf32, #tpu.memory_space<hbm>> -> memref<632x32xf32, #tpu.memory_space<hbm>>
      %dma_start3A_171 = arith.constant 0 : i32
      %dma_start3A_172 = tpu.memref_slice %arg18[%multiple_of3A, %dma_start3A_171] : memref<10128x32xf32, #tpu.memory_space<vmem_shared>> -> memref<632x32xf32, #tpu.memory_space<vmem_shared>>
      tpu.enqueue_dma source(%dma_start3A_172 : memref<632x32xf32, #tpu.memory_space<vmem_shared>>) target(%dma_start3A_170 : memref<632x32xf32, #tpu.memory_space<hbm>>) target_semaphore(%run_scoped3A : memref<!tpu.dma_semaphore, #tpu.memory_space<semaphore_mem>>)
      %dma_wait3A_173 = tpu.memref_slice %arg5[%multiple_of3A, %multiple_of3A_21] : memref<10000x64xf32, #tpu.memory_space<hbm>> -> memref<632x32xf32, #tpu.memory_space<hbm>>
      %dma_wait3A_174 = arith.constant 0 : i32
      %dma_wait3A_175 = tpu.memref_slice %arg18[%multiple_of3A, %dma_wait3A_174] : memref<10128x32xf32, #tpu.memory_space<vmem_shared>> -> memref<632x32xf32, #tpu.memory_space<vmem_shared>>
      tpu.wait_dma2 semaphore(%run_scoped3A : memref<!tpu.dma_semaphore, #tpu.memory_space<semaphore_mem>>) src(%dma_wait3A_175 : memref<632x32xf32, #tpu.memory_space<vmem_shared>>) dst(%dma_wait3A_173 : memref<632x32xf32, #tpu.memory_space<hbm>>)
      tpu.yield
    }) : () -> ()
    return
  }
}

#map = affine_map<(d0, d1) -> (0, 0)>
module attributes {stable_mosaic.version = 14 : i64} {
  func.func @agg_kernel(%arg0: i32, %arg1: i32, %arg2: memref<2560x128xi32, #tpu.memory_space<hbm>>, %arg3: memref<2560x128xi32, #tpu.memory_space<hbm>>, %arg4: memref<10000x64xf32, #tpu.memory_space<hbm>>, %arg5: memref<10000x64xf32, #tpu.memory_space<hbm>>, %arg6: memref<160x128xi32, #tpu.memory_space<vmem>>, %arg7: memref<160x128xi32, #tpu.memory_space<vmem>>, %arg8: memref<128x32xf32, #tpu.memory_space<vmem>>, %arg9: memref<128x32xf32, #tpu.memory_space<vmem>>, %arg10: memref<128x32xf32, #tpu.memory_space<vmem>>, %arg11: memref<128x32xf32, #tpu.memory_space<vmem>>, %arg12: memref<128x32xf32, #tpu.memory_space<vmem>>, %arg13: memref<128x32xf32, #tpu.memory_space<vmem>>, %arg14: memref<128x32xf32, #tpu.memory_space<vmem>>, %arg15: memref<128x32xf32, #tpu.memory_space<vmem>>, %arg16: memref<128x32xf32, #tpu.memory_space<vmem>>, %arg17: memref<128x32xf32, #tpu.memory_space<vmem>>, %arg18: memref<10128x32xf32, #tpu.memory_space<vmem_shared>>, %arg19: memref<10000x32xf32, #tpu.memory_space<vmem_shared>>, %arg20: memref<!tpu.dma_semaphore, #tpu.memory_space<semaphore_mem>>, %arg21: memref<!tpu.dma_semaphore, #tpu.memory_space<semaphore_mem>>, %arg22: memref<!tpu.dma_semaphore, #tpu.memory_space<semaphore_mem>>, %arg23: memref<!tpu.dma_semaphore, #tpu.memory_space<semaphore_mem>>, %arg24: memref<!tpu.dma_semaphore, #tpu.memory_space<semaphore_mem>>, %arg25: memref<!tpu.dma_semaphore, #tpu.memory_space<semaphore_mem>>, %arg26: memref<!tpu.dma_semaphore, #tpu.memory_space<semaphore_mem>>, %arg27: memref<!tpu.dma_semaphore, #tpu.memory_space<semaphore_mem>>, %arg28: memref<!tpu.dma_semaphore, #tpu.memory_space<semaphore_mem>>, %arg29: memref<!tpu.dma_semaphore, #tpu.memory_space<semaphore_mem>>, %arg30: memref<!tpu.dma_semaphore, #tpu.memory_space<semaphore_mem>>, %arg31: memref<!tpu.dma_semaphore, #tpu.memory_space<semaphore_mem>>, %arg32: memref<!tpu.dma_semaphore, #tpu.memory_space<semaphore_mem>>, %arg33: memref<!tpu.dma_semaphore, #tpu.memory_space<semaphore_mem>>, %arg34: memref<!tpu.dma_semaphore, #tpu.memory_space<semaphore_mem>>, %arg35: memref<!tpu.dma_semaphore, #tpu.memory_space<semaphore_mem>>, %arg36: memref<!tpu.dma_semaphore, #tpu.memory_space<semaphore_mem>>, %arg37: memref<!tpu.dma_semaphore, #tpu.memory_space<semaphore_mem>>, %arg38: memref<!tpu.dma_semaphore, #tpu.memory_space<semaphore_mem>>, %arg39: memref<!tpu.dma_semaphore, #tpu.memory_space<semaphore_mem>>) attributes {dimension_semantics = [#tpu.dimension_semantics<core_parallel>, #tpu.dimension_semantics<subcore_parallel>], iteration_bounds = array<i64: 2, 16>, scalar_prefetch = 0 : i64, scratch_operands = 34 : i64, tpu.core_type = #tpu.core_type<sc_vector_subcore>, window_params = [{transform_indices = #map}, {transform_indices = #map}, {transform_indices = #map}, {transform_indices = #map}]} {
    %mul3A = arith.constant 625 : i32
    %mul3A_0 = arith.muli %arg1, %mul3A : i32
    %jit3A = arith.constant 8 : i32
    %div3A = arith.divsi %mul3A_0, %jit3A : i32
    %sign3A = arith.constant 0 : i32
    %sign3A_1 = arith.cmpi sgt, %mul3A_0, %sign3A : i32
    %sign3A_2 = arith.extui %sign3A_1 : i1 to i32
    %sign3A_3 = arith.constant 0 : i32
    %sign3A_4 = arith.cmpi slt, %mul3A_0, %sign3A_3 : i32
    %sign3A_5 = arith.extui %sign3A_4 : i1 to i32
    %sign3A_6 = arith.subi %sign3A_2, %sign3A_5 : i32
    %sign3A_7 = arith.constant 0 : i32
    %sign3A_8 = arith.cmpi sgt, %jit3A, %sign3A_7 : i32
    %sign3A_9 = arith.extui %sign3A_8 : i1 to i32
    %sign3A_10 = arith.constant 0 : i32
    %sign3A_11 = arith.cmpi slt, %jit3A, %sign3A_10 : i32
    %sign3A_12 = arith.extui %sign3A_11 : i1 to i32
    %sign3A_13 = arith.subi %sign3A_9, %sign3A_12 : i32
    %ne3A = arith.cmpi ne, %sign3A_6, %sign3A_13 : i32
    %rem3A = arith.remsi %mul3A_0, %jit3A : i32
    %ne3A_14 = arith.constant 0 : i32
    %ne3A_15 = arith.cmpi ne, %rem3A, %ne3A_14 : i32
    %and3A = arith.andi %ne3A, %ne3A_15 : i1
    %sub3A = arith.constant 1 : i32
    %sub3A_16 = arith.subi %div3A, %sub3A : i32
    %select_n3A = arith.select %and3A, %sub3A_16, %div3A : i32
    %mul3A_17 = arith.constant 8 : i32
    %mul3A_18 = arith.muli %select_n3A, %mul3A_17 : i32
    %multiple_of3A = tpu.assume_multiple %mul3A_18, 8 : i32
    %mul3A_19 = arith.constant 32 : i32
    %mul3A_20 = arith.muli %arg0, %mul3A_19 : i32
    %multiple_of3A_21 = tpu.assume_multiple %mul3A_20, 8 : i32
    %mul3A_22 = arith.constant 160 : i32
    %mul3A_23 = arith.muli %arg1, %mul3A_22 : i32
    "tpu.region"() ({
      %run_scoped3A = tpu.sem_alloc : memref<!tpu.dma_semaphore, #tpu.memory_space<semaphore_mem>>
      %dma_start3A_170 = arith.constant 0 : i32
      %dma_start3A_171 = tpu.memref_slice %arg2[%mul3A_23, %dma_start3A_170] : memref<2560x128xi32, #tpu.memory_space<hbm>> -> memref<160x128xi32, #tpu.memory_space<hbm>>
      %dma_start3A_172 = arith.constant 0 : i32
      %dma_start3A_173 = tpu.memref_slice %arg2[%mul3A_23, %dma_start3A_172] : memref<2560x128xi32, #tpu.memory_space<hbm>> -> memref<160x128xi32, #tpu.memory_space<hbm>>
      tpu.enqueue_dma source(%dma_start3A_173 : memref<160x128xi32, #tpu.memory_space<hbm>>) target(%arg6 : memref<160x128xi32, #tpu.memory_space<vmem>>) target_semaphore(%run_scoped3A : memref<!tpu.dma_semaphore, #tpu.memory_space<semaphore_mem>>)
      %dma_wait3A_174 = arith.constant 0 : i32
      %dma_wait3A_175 = tpu.memref_slice %arg2[%mul3A_23, %dma_wait3A_174] : memref<2560x128xi32, #tpu.memory_space<hbm>> -> memref<160x128xi32, #tpu.memory_space<hbm>>
      %dma_wait3A_176 = arith.constant 0 : i32
      %dma_wait3A_177 = tpu.memref_slice %arg2[%mul3A_23, %dma_wait3A_176] : memref<2560x128xi32, #tpu.memory_space<hbm>> -> memref<160x128xi32, #tpu.memory_space<hbm>>
      tpu.wait_dma2 semaphore(%run_scoped3A : memref<!tpu.dma_semaphore, #tpu.memory_space<semaphore_mem>>) src(%dma_wait3A_177 : memref<160x128xi32, #tpu.memory_space<hbm>>) dst(%arg6 : memref<160x128xi32, #tpu.memory_space<vmem>>)
      tpu.yield
    }) : () -> ()
    %mul3A_24 = arith.constant 160 : i32
    %mul3A_25 = arith.muli %arg1, %mul3A_24 : i32
    "tpu.region"() ({
      %run_scoped3A = tpu.sem_alloc : memref<!tpu.dma_semaphore, #tpu.memory_space<semaphore_mem>>
      %dma_start3A_170 = arith.constant 0 : i32
      %dma_start3A_171 = tpu.memref_slice %arg3[%mul3A_25, %dma_start3A_170] : memref<2560x128xi32, #tpu.memory_space<hbm>> -> memref<160x128xi32, #tpu.memory_space<hbm>>
      %dma_start3A_172 = arith.constant 0 : i32
      %dma_start3A_173 = tpu.memref_slice %arg3[%mul3A_25, %dma_start3A_172] : memref<2560x128xi32, #tpu.memory_space<hbm>> -> memref<160x128xi32, #tpu.memory_space<hbm>>
      tpu.enqueue_dma source(%dma_start3A_173 : memref<160x128xi32, #tpu.memory_space<hbm>>) target(%arg7 : memref<160x128xi32, #tpu.memory_space<vmem>>) target_semaphore(%run_scoped3A : memref<!tpu.dma_semaphore, #tpu.memory_space<semaphore_mem>>)
      %dma_wait3A_174 = arith.constant 0 : i32
      %dma_wait3A_175 = tpu.memref_slice %arg3[%mul3A_25, %dma_wait3A_174] : memref<2560x128xi32, #tpu.memory_space<hbm>> -> memref<160x128xi32, #tpu.memory_space<hbm>>
      %dma_wait3A_176 = arith.constant 0 : i32
      %dma_wait3A_177 = tpu.memref_slice %arg3[%mul3A_25, %dma_wait3A_176] : memref<2560x128xi32, #tpu.memory_space<hbm>> -> memref<160x128xi32, #tpu.memory_space<hbm>>
      tpu.wait_dma2 semaphore(%run_scoped3A : memref<!tpu.dma_semaphore, #tpu.memory_space<semaphore_mem>>) src(%dma_wait3A_177 : memref<160x128xi32, #tpu.memory_space<hbm>>) dst(%arg7 : memref<160x128xi32, #tpu.memory_space<vmem>>)
      tpu.yield
    }) : () -> ()
    "tpu.region"() ({
      %run_scoped3A = tpu.sem_alloc : memref<!tpu.dma_semaphore, #tpu.memory_space<semaphore_mem>>
      %dma_start3A_170 = arith.constant 0 : i32
      %dma_start3A_171 = tpu.memref_slice %arg18[%multiple_of3A, %dma_start3A_170] : memref<10128x32xf32, #tpu.memory_space<vmem_shared>> -> memref<632x32xf32, #tpu.memory_space<vmem_shared>>
      %dma_start3A_172 = tpu.memref_slice %arg4[%multiple_of3A, %multiple_of3A_21] : memref<10000x64xf32, #tpu.memory_space<hbm>> -> memref<632x32xf32, #tpu.memory_space<hbm>>
      tpu.enqueue_dma source(%dma_start3A_172 : memref<632x32xf32, #tpu.memory_space<hbm>>) target(%dma_start3A_171 : memref<632x32xf32, #tpu.memory_space<vmem_shared>>) target_semaphore(%run_scoped3A : memref<!tpu.dma_semaphore, #tpu.memory_space<semaphore_mem>>)
      %dma_wait3A_173 = arith.constant 0 : i32
      %dma_wait3A_174 = tpu.memref_slice %arg18[%multiple_of3A, %dma_wait3A_173] : memref<10128x32xf32, #tpu.memory_space<vmem_shared>> -> memref<632x32xf32, #tpu.memory_space<vmem_shared>>
      %dma_wait3A_175 = tpu.memref_slice %arg4[%multiple_of3A, %multiple_of3A_21] : memref<10000x64xf32, #tpu.memory_space<hbm>> -> memref<632x32xf32, #tpu.memory_space<hbm>>
      tpu.wait_dma2 semaphore(%run_scoped3A : memref<!tpu.dma_semaphore, #tpu.memory_space<semaphore_mem>>) src(%dma_wait3A_175 : memref<632x32xf32, #tpu.memory_space<hbm>>) dst(%dma_wait3A_174 : memref<632x32xf32, #tpu.memory_space<vmem_shared>>)
      tpu.yield
    }) : () -> ()
    "tpu.region"() ({
      %run_scoped3A = tpu.sem_alloc : memref<!tpu.dma_semaphore, #tpu.memory_space<semaphore_mem>>
      %dma_start3A_170 = arith.constant 0 : i32
      %dma_start3A_171 = tpu.memref_slice %arg19[%multiple_of3A, %dma_start3A_170] : memref<10000x32xf32, #tpu.memory_space<vmem_shared>> -> memref<632x32xf32, #tpu.memory_space<vmem_shared>>
      %dma_start3A_172 = tpu.memref_slice %arg4[%multiple_of3A, %multiple_of3A_21] : memref<10000x64xf32, #tpu.memory_space<hbm>> -> memref<632x32xf32, #tpu.memory_space<hbm>>
      tpu.enqueue_dma source(%dma_start3A_172 : memref<632x32xf32, #tpu.memory_space<hbm>>) target(%dma_start3A_171 : memref<632x32xf32, #tpu.memory_space<vmem_shared>>) target_semaphore(%run_scoped3A : memref<!tpu.dma_semaphore, #tpu.memory_space<semaphore_mem>>)
      %dma_wait3A_173 = arith.constant 0 : i32
      %dma_wait3A_174 = tpu.memref_slice %arg19[%multiple_of3A, %dma_wait3A_173] : memref<10000x32xf32, #tpu.memory_space<vmem_shared>> -> memref<632x32xf32, #tpu.memory_space<vmem_shared>>
      %dma_wait3A_175 = tpu.memref_slice %arg4[%multiple_of3A, %multiple_of3A_21] : memref<10000x64xf32, #tpu.memory_space<hbm>> -> memref<632x32xf32, #tpu.memory_space<hbm>>
      tpu.wait_dma2 semaphore(%run_scoped3A : memref<!tpu.dma_semaphore, #tpu.memory_space<semaphore_mem>>) src(%dma_wait3A_175 : memref<632x32xf32, #tpu.memory_space<hbm>>) dst(%dma_wait3A_174 : memref<632x32xf32, #tpu.memory_space<vmem_shared>>)
      tpu.yield
    }) : () -> ()
    %barrier3A = arith.constant 0 : index
    tpu.barrier barrier_id(%barrier3A)
    %dma_start3A = arith.constant 0 : i32
    %dma_start3A_26 = arith.constant 0 : i32
    %dma_start3A_27 = tpu.memref_slice %arg6[%dma_start3A, %dma_start3A_26] : memref<160x128xi32, #tpu.memory_space<vmem>> -> memref<1x128xi32, #tpu.memory_space<vmem>>
    %dma_start3A_28 = tpu.memref_squeeze %dma_start3A_27 : memref<1x128xi32, #tpu.memory_space<vmem>> -> memref<128xi32, #tpu.memory_space<vmem>>
    %dma_start3A_29 = arith.constant 0 : i32
    %dma_start3A_30 = arith.constant 0 : i32
    %dma_start3A_31 = tpu.memref_slice %arg19[%dma_start3A_29, %dma_start3A_30] : memref<10000x32xf32, #tpu.memory_space<vmem_shared>> -> memref<10000x32xf32, #tpu.memory_space<vmem_shared>>
    tpu.enqueue_indirect_dma source(%dma_start3A_31 : memref<10000x32xf32, #tpu.memory_space<vmem_shared>>) target(%arg8 : memref<128x32xf32, #tpu.memory_space<vmem>>) offsets(%dma_start3A_28 : memref<128xi32, #tpu.memory_space<vmem>>) semaphore(%arg20 : memref<!tpu.dma_semaphore, #tpu.memory_space<semaphore_mem>>)
    %dma_start3A_32 = arith.constant 1 : i32
    %dma_start3A_33 = arith.constant 0 : i32
    %dma_start3A_34 = tpu.memref_slice %arg6[%dma_start3A_32, %dma_start3A_33] : memref<160x128xi32, #tpu.memory_space<vmem>> -> memref<1x128xi32, #tpu.memory_space<vmem>>
    %dma_start3A_35 = tpu.memref_squeeze %dma_start3A_34 : memref<1x128xi32, #tpu.memory_space<vmem>> -> memref<128xi32, #tpu.memory_space<vmem>>
    %dma_start3A_36 = arith.constant 0 : i32
    %dma_start3A_37 = arith.constant 0 : i32
    %dma_start3A_38 = tpu.memref_slice %arg19[%dma_start3A_36, %dma_start3A_37] : memref<10000x32xf32, #tpu.memory_space<vmem_shared>> -> memref<10000x32xf32, #tpu.memory_space<vmem_shared>>
    tpu.enqueue_indirect_dma source(%dma_start3A_38 : memref<10000x32xf32, #tpu.memory_space<vmem_shared>>) target(%arg9 : memref<128x32xf32, #tpu.memory_space<vmem>>) offsets(%dma_start3A_35 : memref<128xi32, #tpu.memory_space<vmem>>) semaphore(%arg21 : memref<!tpu.dma_semaphore, #tpu.memory_space<semaphore_mem>>)
    %dma_start3A_39 = arith.constant 2 : i32
    %dma_start3A_40 = arith.constant 0 : i32
    %dma_start3A_41 = tpu.memref_slice %arg6[%dma_start3A_39, %dma_start3A_40] : memref<160x128xi32, #tpu.memory_space<vmem>> -> memref<1x128xi32, #tpu.memory_space<vmem>>
    %dma_start3A_42 = tpu.memref_squeeze %dma_start3A_41 : memref<1x128xi32, #tpu.memory_space<vmem>> -> memref<128xi32, #tpu.memory_space<vmem>>
    %dma_start3A_43 = arith.constant 0 : i32
    %dma_start3A_44 = arith.constant 0 : i32
    %dma_start3A_45 = tpu.memref_slice %arg19[%dma_start3A_43, %dma_start3A_44] : memref<10000x32xf32, #tpu.memory_space<vmem_shared>> -> memref<10000x32xf32, #tpu.memory_space<vmem_shared>>
    tpu.enqueue_indirect_dma source(%dma_start3A_45 : memref<10000x32xf32, #tpu.memory_space<vmem_shared>>) target(%arg10 : memref<128x32xf32, #tpu.memory_space<vmem>>) offsets(%dma_start3A_42 : memref<128xi32, #tpu.memory_space<vmem>>) semaphore(%arg22 : memref<!tpu.dma_semaphore, #tpu.memory_space<semaphore_mem>>)
    %dma_start3A_46 = arith.constant 3 : i32
    %dma_start3A_47 = arith.constant 0 : i32
    %dma_start3A_48 = tpu.memref_slice %arg6[%dma_start3A_46, %dma_start3A_47] : memref<160x128xi32, #tpu.memory_space<vmem>> -> memref<1x128xi32, #tpu.memory_space<vmem>>
    %dma_start3A_49 = tpu.memref_squeeze %dma_start3A_48 : memref<1x128xi32, #tpu.memory_space<vmem>> -> memref<128xi32, #tpu.memory_space<vmem>>
    %dma_start3A_50 = arith.constant 0 : i32
    %dma_start3A_51 = arith.constant 0 : i32
    %dma_start3A_52 = tpu.memref_slice %arg19[%dma_start3A_50, %dma_start3A_51] : memref<10000x32xf32, #tpu.memory_space<vmem_shared>> -> memref<10000x32xf32, #tpu.memory_space<vmem_shared>>
    tpu.enqueue_indirect_dma source(%dma_start3A_52 : memref<10000x32xf32, #tpu.memory_space<vmem_shared>>) target(%arg11 : memref<128x32xf32, #tpu.memory_space<vmem>>) offsets(%dma_start3A_49 : memref<128xi32, #tpu.memory_space<vmem>>) semaphore(%arg23 : memref<!tpu.dma_semaphore, #tpu.memory_space<semaphore_mem>>)
    %dma_start3A_53 = arith.constant 4 : i32
    %dma_start3A_54 = arith.constant 0 : i32
    %dma_start3A_55 = tpu.memref_slice %arg6[%dma_start3A_53, %dma_start3A_54] : memref<160x128xi32, #tpu.memory_space<vmem>> -> memref<1x128xi32, #tpu.memory_space<vmem>>
    %dma_start3A_56 = tpu.memref_squeeze %dma_start3A_55 : memref<1x128xi32, #tpu.memory_space<vmem>> -> memref<128xi32, #tpu.memory_space<vmem>>
    %dma_start3A_57 = arith.constant 0 : i32
    %dma_start3A_58 = arith.constant 0 : i32
    %dma_start3A_59 = tpu.memref_slice %arg19[%dma_start3A_57, %dma_start3A_58] : memref<10000x32xf32, #tpu.memory_space<vmem_shared>> -> memref<10000x32xf32, #tpu.memory_space<vmem_shared>>
    tpu.enqueue_indirect_dma source(%dma_start3A_59 : memref<10000x32xf32, #tpu.memory_space<vmem_shared>>) target(%arg12 : memref<128x32xf32, #tpu.memory_space<vmem>>) offsets(%dma_start3A_56 : memref<128xi32, #tpu.memory_space<vmem>>) semaphore(%arg24 : memref<!tpu.dma_semaphore, #tpu.memory_space<semaphore_mem>>)
    %dma_start3A_60 = arith.constant 5 : i32
    %dma_start3A_61 = arith.constant 0 : i32
    %dma_start3A_62 = tpu.memref_slice %arg6[%dma_start3A_60, %dma_start3A_61] : memref<160x128xi32, #tpu.memory_space<vmem>> -> memref<1x128xi32, #tpu.memory_space<vmem>>
    %dma_start3A_63 = tpu.memref_squeeze %dma_start3A_62 : memref<1x128xi32, #tpu.memory_space<vmem>> -> memref<128xi32, #tpu.memory_space<vmem>>
    %dma_start3A_64 = arith.constant 0 : i32
    %dma_start3A_65 = arith.constant 0 : i32
    %dma_start3A_66 = tpu.memref_slice %arg19[%dma_start3A_64, %dma_start3A_65] : memref<10000x32xf32, #tpu.memory_space<vmem_shared>> -> memref<10000x32xf32, #tpu.memory_space<vmem_shared>>
    tpu.enqueue_indirect_dma source(%dma_start3A_66 : memref<10000x32xf32, #tpu.memory_space<vmem_shared>>) target(%arg13 : memref<128x32xf32, #tpu.memory_space<vmem>>) offsets(%dma_start3A_63 : memref<128xi32, #tpu.memory_space<vmem>>) semaphore(%arg25 : memref<!tpu.dma_semaphore, #tpu.memory_space<semaphore_mem>>)
    %dma_start3A_67 = arith.constant 6 : i32
    %dma_start3A_68 = arith.constant 0 : i32
    %dma_start3A_69 = tpu.memref_slice %arg6[%dma_start3A_67, %dma_start3A_68] : memref<160x128xi32, #tpu.memory_space<vmem>> -> memref<1x128xi32, #tpu.memory_space<vmem>>
    %dma_start3A_70 = tpu.memref_squeeze %dma_start3A_69 : memref<1x128xi32, #tpu.memory_space<vmem>> -> memref<128xi32, #tpu.memory_space<vmem>>
    %dma_start3A_71 = arith.constant 0 : i32
    %dma_start3A_72 = arith.constant 0 : i32
    %dma_start3A_73 = tpu.memref_slice %arg19[%dma_start3A_71, %dma_start3A_72] : memref<10000x32xf32, #tpu.memory_space<vmem_shared>> -> memref<10000x32xf32, #tpu.memory_space<vmem_shared>>
    tpu.enqueue_indirect_dma source(%dma_start3A_73 : memref<10000x32xf32, #tpu.memory_space<vmem_shared>>) target(%arg14 : memref<128x32xf32, #tpu.memory_space<vmem>>) offsets(%dma_start3A_70 : memref<128xi32, #tpu.memory_space<vmem>>) semaphore(%arg26 : memref<!tpu.dma_semaphore, #tpu.memory_space<semaphore_mem>>)
    %dma_start3A_74 = arith.constant 7 : i32
    %dma_start3A_75 = arith.constant 0 : i32
    %dma_start3A_76 = tpu.memref_slice %arg6[%dma_start3A_74, %dma_start3A_75] : memref<160x128xi32, #tpu.memory_space<vmem>> -> memref<1x128xi32, #tpu.memory_space<vmem>>
    %dma_start3A_77 = tpu.memref_squeeze %dma_start3A_76 : memref<1x128xi32, #tpu.memory_space<vmem>> -> memref<128xi32, #tpu.memory_space<vmem>>
    %dma_start3A_78 = arith.constant 0 : i32
    %dma_start3A_79 = arith.constant 0 : i32
    %dma_start3A_80 = tpu.memref_slice %arg19[%dma_start3A_78, %dma_start3A_79] : memref<10000x32xf32, #tpu.memory_space<vmem_shared>> -> memref<10000x32xf32, #tpu.memory_space<vmem_shared>>
    tpu.enqueue_indirect_dma source(%dma_start3A_80 : memref<10000x32xf32, #tpu.memory_space<vmem_shared>>) target(%arg15 : memref<128x32xf32, #tpu.memory_space<vmem>>) offsets(%dma_start3A_77 : memref<128xi32, #tpu.memory_space<vmem>>) semaphore(%arg27 : memref<!tpu.dma_semaphore, #tpu.memory_space<semaphore_mem>>)
    %dma_start3A_81 = arith.constant 8 : i32
    %dma_start3A_82 = arith.constant 0 : i32
    %dma_start3A_83 = tpu.memref_slice %arg6[%dma_start3A_81, %dma_start3A_82] : memref<160x128xi32, #tpu.memory_space<vmem>> -> memref<1x128xi32, #tpu.memory_space<vmem>>
    %dma_start3A_84 = tpu.memref_squeeze %dma_start3A_83 : memref<1x128xi32, #tpu.memory_space<vmem>> -> memref<128xi32, #tpu.memory_space<vmem>>
    %dma_start3A_85 = arith.constant 0 : i32
    %dma_start3A_86 = arith.constant 0 : i32
    %dma_start3A_87 = tpu.memref_slice %arg19[%dma_start3A_85, %dma_start3A_86] : memref<10000x32xf32, #tpu.memory_space<vmem_shared>> -> memref<10000x32xf32, #tpu.memory_space<vmem_shared>>
    tpu.enqueue_indirect_dma source(%dma_start3A_87 : memref<10000x32xf32, #tpu.memory_space<vmem_shared>>) target(%arg16 : memref<128x32xf32, #tpu.memory_space<vmem>>) offsets(%dma_start3A_84 : memref<128xi32, #tpu.memory_space<vmem>>) semaphore(%arg28 : memref<!tpu.dma_semaphore, #tpu.memory_space<semaphore_mem>>)
    %dma_start3A_88 = arith.constant 9 : i32
    %dma_start3A_89 = arith.constant 0 : i32
    %dma_start3A_90 = tpu.memref_slice %arg6[%dma_start3A_88, %dma_start3A_89] : memref<160x128xi32, #tpu.memory_space<vmem>> -> memref<1x128xi32, #tpu.memory_space<vmem>>
    %dma_start3A_91 = tpu.memref_squeeze %dma_start3A_90 : memref<1x128xi32, #tpu.memory_space<vmem>> -> memref<128xi32, #tpu.memory_space<vmem>>
    %dma_start3A_92 = arith.constant 0 : i32
    %dma_start3A_93 = arith.constant 0 : i32
    %dma_start3A_94 = tpu.memref_slice %arg19[%dma_start3A_92, %dma_start3A_93] : memref<10000x32xf32, #tpu.memory_space<vmem_shared>> -> memref<10000x32xf32, #tpu.memory_space<vmem_shared>>
    tpu.enqueue_indirect_dma source(%dma_start3A_94 : memref<10000x32xf32, #tpu.memory_space<vmem_shared>>) target(%arg17 : memref<128x32xf32, #tpu.memory_space<vmem>>) offsets(%dma_start3A_91 : memref<128xi32, #tpu.memory_space<vmem>>) semaphore(%arg29 : memref<!tpu.dma_semaphore, #tpu.memory_space<semaphore_mem>>)
    %scan3A = arith.constant 0 : i32
    %scan3A_95 = arith.constant 0 : i32
    %scan3A_96 = arith.constant 16 : i32
    %scan3A_97 = arith.addi %scan3A_95, %scan3A_96 : i32
    %scan3A_98 = arith.constant 1 : i32
    scf.for %scan3A_170 = %scan3A_95 to %scan3A_97 step %scan3A_98  : i32 {
      %mul3A_171 = arith.constant 10 : i32
      %mul3A_172 = arith.muli %scan3A_170, %mul3A_171 : i32
      %add3A = arith.constant 0 : i32
      %add3A_173 = arith.addi %mul3A_172, %add3A : i32
      %dma_wait3A_174 = arith.constant 0 : i32
      %dma_wait3A_175 = tpu.memref_slice %arg6[%add3A_173, %dma_wait3A_174] : memref<160x128xi32, #tpu.memory_space<vmem>> -> memref<1x128xi32, #tpu.memory_space<vmem>>
      %dma_wait3A_176 = tpu.memref_squeeze %dma_wait3A_175 : memref<1x128xi32, #tpu.memory_space<vmem>> -> memref<128xi32, #tpu.memory_space<vmem>>
      %dma_wait3A_177 = arith.constant 0 : i32
      %dma_wait3A_178 = arith.constant 0 : i32
      %dma_wait3A_179 = tpu.memref_slice %arg19[%dma_wait3A_177, %dma_wait3A_178] : memref<10000x32xf32, #tpu.memory_space<vmem_shared>> -> memref<10000x32xf32, #tpu.memory_space<vmem_shared>>
      tpu.wait_indirect_dma semaphore(%arg20 : memref<!tpu.dma_semaphore, #tpu.memory_space<semaphore_mem>>) src(%dma_wait3A_179 : memref<10000x32xf32, #tpu.memory_space<vmem_shared>>) dst(%arg8 : memref<128x32xf32, #tpu.memory_space<vmem>>)
      %dma_start3A_180 = arith.constant 0 : i32
      %dma_start3A_181 = tpu.memref_slice %arg7[%add3A_173, %dma_start3A_180] : memref<160x128xi32, #tpu.memory_space<vmem>> -> memref<1x128xi32, #tpu.memory_space<vmem>>
      %dma_start3A_182 = tpu.memref_squeeze %dma_start3A_181 : memref<1x128xi32, #tpu.memory_space<vmem>> -> memref<128xi32, #tpu.memory_space<vmem>>
      %dma_start3A_183 = arith.constant 0 : i32
      %dma_start3A_184 = arith.constant 0 : i32
      %dma_start3A_185 = tpu.memref_slice %arg18[%dma_start3A_183, %dma_start3A_184] : memref<10128x32xf32, #tpu.memory_space<vmem_shared>> -> memref<10128x32xf32, #tpu.memory_space<vmem_shared>>
      tpu.enqueue_indirect_dma source(%arg8 : memref<128x32xf32, #tpu.memory_space<vmem>>) target(%dma_start3A_185 : memref<10128x32xf32, #tpu.memory_space<vmem_shared>>) offsets(%dma_start3A_182 : memref<128xi32, #tpu.memory_space<vmem>>) semaphore(%arg30 : memref<!tpu.dma_semaphore, #tpu.memory_space<semaphore_mem>>) {add = true}
      %add3A_186 = arith.constant 1 : i32
      %add3A_187 = arith.addi %mul3A_172, %add3A_186 : i32
      %dma_wait3A_188 = arith.constant 0 : i32
      %dma_wait3A_189 = tpu.memref_slice %arg6[%add3A_187, %dma_wait3A_188] : memref<160x128xi32, #tpu.memory_space<vmem>> -> memref<1x128xi32, #tpu.memory_space<vmem>>
      %dma_wait3A_190 = tpu.memref_squeeze %dma_wait3A_189 : memref<1x128xi32, #tpu.memory_space<vmem>> -> memref<128xi32, #tpu.memory_space<vmem>>
      %dma_wait3A_191 = arith.constant 0 : i32
      %dma_wait3A_192 = arith.constant 0 : i32
      %dma_wait3A_193 = tpu.memref_slice %arg19[%dma_wait3A_191, %dma_wait3A_192] : memref<10000x32xf32, #tpu.memory_space<vmem_shared>> -> memref<10000x32xf32, #tpu.memory_space<vmem_shared>>
      tpu.wait_indirect_dma semaphore(%arg21 : memref<!tpu.dma_semaphore, #tpu.memory_space<semaphore_mem>>) src(%dma_wait3A_193 : memref<10000x32xf32, #tpu.memory_space<vmem_shared>>) dst(%arg9 : memref<128x32xf32, #tpu.memory_space<vmem>>)
      %dma_start3A_194 = arith.constant 0 : i32
      %dma_start3A_195 = tpu.memref_slice %arg7[%add3A_187, %dma_start3A_194] : memref<160x128xi32, #tpu.memory_space<vmem>> -> memref<1x128xi32, #tpu.memory_space<vmem>>
      %dma_start3A_196 = tpu.memref_squeeze %dma_start3A_195 : memref<1x128xi32, #tpu.memory_space<vmem>> -> memref<128xi32, #tpu.memory_space<vmem>>
      %dma_start3A_197 = arith.constant 0 : i32
      %dma_start3A_198 = arith.constant 0 : i32
      %dma_start3A_199 = tpu.memref_slice %arg18[%dma_start3A_197, %dma_start3A_198] : memref<10128x32xf32, #tpu.memory_space<vmem_shared>> -> memref<10128x32xf32, #tpu.memory_space<vmem_shared>>
      tpu.enqueue_indirect_dma source(%arg9 : memref<128x32xf32, #tpu.memory_space<vmem>>) target(%dma_start3A_199 : memref<10128x32xf32, #tpu.memory_space<vmem_shared>>) offsets(%dma_start3A_196 : memref<128xi32, #tpu.memory_space<vmem>>) semaphore(%arg31 : memref<!tpu.dma_semaphore, #tpu.memory_space<semaphore_mem>>) {add = true}
      %add3A_200 = arith.constant 2 : i32
      %add3A_201 = arith.addi %mul3A_172, %add3A_200 : i32
      %dma_wait3A_202 = arith.constant 0 : i32
      %dma_wait3A_203 = tpu.memref_slice %arg6[%add3A_201, %dma_wait3A_202] : memref<160x128xi32, #tpu.memory_space<vmem>> -> memref<1x128xi32, #tpu.memory_space<vmem>>
      %dma_wait3A_204 = tpu.memref_squeeze %dma_wait3A_203 : memref<1x128xi32, #tpu.memory_space<vmem>> -> memref<128xi32, #tpu.memory_space<vmem>>
      %dma_wait3A_205 = arith.constant 0 : i32
      %dma_wait3A_206 = arith.constant 0 : i32
      %dma_wait3A_207 = tpu.memref_slice %arg19[%dma_wait3A_205, %dma_wait3A_206] : memref<10000x32xf32, #tpu.memory_space<vmem_shared>> -> memref<10000x32xf32, #tpu.memory_space<vmem_shared>>
      tpu.wait_indirect_dma semaphore(%arg22 : memref<!tpu.dma_semaphore, #tpu.memory_space<semaphore_mem>>) src(%dma_wait3A_207 : memref<10000x32xf32, #tpu.memory_space<vmem_shared>>) dst(%arg10 : memref<128x32xf32, #tpu.memory_space<vmem>>)
      %dma_start3A_208 = arith.constant 0 : i32
      %dma_start3A_209 = tpu.memref_slice %arg7[%add3A_201, %dma_start3A_208] : memref<160x128xi32, #tpu.memory_space<vmem>> -> memref<1x128xi32, #tpu.memory_space<vmem>>
      %dma_start3A_210 = tpu.memref_squeeze %dma_start3A_209 : memref<1x128xi32, #tpu.memory_space<vmem>> -> memref<128xi32, #tpu.memory_space<vmem>>
      %dma_start3A_211 = arith.constant 0 : i32
      %dma_start3A_212 = arith.constant 0 : i32
      %dma_start3A_213 = tpu.memref_slice %arg18[%dma_start3A_211, %dma_start3A_212] : memref<10128x32xf32, #tpu.memory_space<vmem_shared>> -> memref<10128x32xf32, #tpu.memory_space<vmem_shared>>
      tpu.enqueue_indirect_dma source(%arg10 : memref<128x32xf32, #tpu.memory_space<vmem>>) target(%dma_start3A_213 : memref<10128x32xf32, #tpu.memory_space<vmem_shared>>) offsets(%dma_start3A_210 : memref<128xi32, #tpu.memory_space<vmem>>) semaphore(%arg32 : memref<!tpu.dma_semaphore, #tpu.memory_space<semaphore_mem>>) {add = true}
      %add3A_214 = arith.constant 3 : i32
      %add3A_215 = arith.addi %mul3A_172, %add3A_214 : i32
      %dma_wait3A_216 = arith.constant 0 : i32
      %dma_wait3A_217 = tpu.memref_slice %arg6[%add3A_215, %dma_wait3A_216] : memref<160x128xi32, #tpu.memory_space<vmem>> -> memref<1x128xi32, #tpu.memory_space<vmem>>
      %dma_wait3A_218 = tpu.memref_squeeze %dma_wait3A_217 : memref<1x128xi32, #tpu.memory_space<vmem>> -> memref<128xi32, #tpu.memory_space<vmem>>
      %dma_wait3A_219 = arith.constant 0 : i32
      %dma_wait3A_220 = arith.constant 0 : i32
      %dma_wait3A_221 = tpu.memref_slice %arg19[%dma_wait3A_219, %dma_wait3A_220] : memref<10000x32xf32, #tpu.memory_space<vmem_shared>> -> memref<10000x32xf32, #tpu.memory_space<vmem_shared>>
      tpu.wait_indirect_dma semaphore(%arg23 : memref<!tpu.dma_semaphore, #tpu.memory_space<semaphore_mem>>) src(%dma_wait3A_221 : memref<10000x32xf32, #tpu.memory_space<vmem_shared>>) dst(%arg11 : memref<128x32xf32, #tpu.memory_space<vmem>>)
      %dma_start3A_222 = arith.constant 0 : i32
      %dma_start3A_223 = tpu.memref_slice %arg7[%add3A_215, %dma_start3A_222] : memref<160x128xi32, #tpu.memory_space<vmem>> -> memref<1x128xi32, #tpu.memory_space<vmem>>
      %dma_start3A_224 = tpu.memref_squeeze %dma_start3A_223 : memref<1x128xi32, #tpu.memory_space<vmem>> -> memref<128xi32, #tpu.memory_space<vmem>>
      %dma_start3A_225 = arith.constant 0 : i32
      %dma_start3A_226 = arith.constant 0 : i32
      %dma_start3A_227 = tpu.memref_slice %arg18[%dma_start3A_225, %dma_start3A_226] : memref<10128x32xf32, #tpu.memory_space<vmem_shared>> -> memref<10128x32xf32, #tpu.memory_space<vmem_shared>>
      tpu.enqueue_indirect_dma source(%arg11 : memref<128x32xf32, #tpu.memory_space<vmem>>) target(%dma_start3A_227 : memref<10128x32xf32, #tpu.memory_space<vmem_shared>>) offsets(%dma_start3A_224 : memref<128xi32, #tpu.memory_space<vmem>>) semaphore(%arg33 : memref<!tpu.dma_semaphore, #tpu.memory_space<semaphore_mem>>) {add = true}
      %add3A_228 = arith.constant 4 : i32
      %add3A_229 = arith.addi %mul3A_172, %add3A_228 : i32
      %dma_wait3A_230 = arith.constant 0 : i32
      %dma_wait3A_231 = tpu.memref_slice %arg6[%add3A_229, %dma_wait3A_230] : memref<160x128xi32, #tpu.memory_space<vmem>> -> memref<1x128xi32, #tpu.memory_space<vmem>>
      %dma_wait3A_232 = tpu.memref_squeeze %dma_wait3A_231 : memref<1x128xi32, #tpu.memory_space<vmem>> -> memref<128xi32, #tpu.memory_space<vmem>>
      %dma_wait3A_233 = arith.constant 0 : i32
      %dma_wait3A_234 = arith.constant 0 : i32
      %dma_wait3A_235 = tpu.memref_slice %arg19[%dma_wait3A_233, %dma_wait3A_234] : memref<10000x32xf32, #tpu.memory_space<vmem_shared>> -> memref<10000x32xf32, #tpu.memory_space<vmem_shared>>
      tpu.wait_indirect_dma semaphore(%arg24 : memref<!tpu.dma_semaphore, #tpu.memory_space<semaphore_mem>>) src(%dma_wait3A_235 : memref<10000x32xf32, #tpu.memory_space<vmem_shared>>) dst(%arg12 : memref<128x32xf32, #tpu.memory_space<vmem>>)
      %dma_start3A_236 = arith.constant 0 : i32
      %dma_start3A_237 = tpu.memref_slice %arg7[%add3A_229, %dma_start3A_236] : memref<160x128xi32, #tpu.memory_space<vmem>> -> memref<1x128xi32, #tpu.memory_space<vmem>>
      %dma_start3A_238 = tpu.memref_squeeze %dma_start3A_237 : memref<1x128xi32, #tpu.memory_space<vmem>> -> memref<128xi32, #tpu.memory_space<vmem>>
      %dma_start3A_239 = arith.constant 0 : i32
      %dma_start3A_240 = arith.constant 0 : i32
      %dma_start3A_241 = tpu.memref_slice %arg18[%dma_start3A_239, %dma_start3A_240] : memref<10128x32xf32, #tpu.memory_space<vmem_shared>> -> memref<10128x32xf32, #tpu.memory_space<vmem_shared>>
      tpu.enqueue_indirect_dma source(%arg12 : memref<128x32xf32, #tpu.memory_space<vmem>>) target(%dma_start3A_241 : memref<10128x32xf32, #tpu.memory_space<vmem_shared>>) offsets(%dma_start3A_238 : memref<128xi32, #tpu.memory_space<vmem>>) semaphore(%arg34 : memref<!tpu.dma_semaphore, #tpu.memory_space<semaphore_mem>>) {add = true}
      %add3A_242 = arith.constant 5 : i32
      %add3A_243 = arith.addi %mul3A_172, %add3A_242 : i32
      %dma_wait3A_244 = arith.constant 0 : i32
      %dma_wait3A_245 = tpu.memref_slice %arg6[%add3A_243, %dma_wait3A_244] : memref<160x128xi32, #tpu.memory_space<vmem>> -> memref<1x128xi32, #tpu.memory_space<vmem>>
      %dma_wait3A_246 = tpu.memref_squeeze %dma_wait3A_245 : memref<1x128xi32, #tpu.memory_space<vmem>> -> memref<128xi32, #tpu.memory_space<vmem>>
      %dma_wait3A_247 = arith.constant 0 : i32
      %dma_wait3A_248 = arith.constant 0 : i32
      %dma_wait3A_249 = tpu.memref_slice %arg19[%dma_wait3A_247, %dma_wait3A_248] : memref<10000x32xf32, #tpu.memory_space<vmem_shared>> -> memref<10000x32xf32, #tpu.memory_space<vmem_shared>>
      tpu.wait_indirect_dma semaphore(%arg25 : memref<!tpu.dma_semaphore, #tpu.memory_space<semaphore_mem>>) src(%dma_wait3A_249 : memref<10000x32xf32, #tpu.memory_space<vmem_shared>>) dst(%arg13 : memref<128x32xf32, #tpu.memory_space<vmem>>)
      %dma_start3A_250 = arith.constant 0 : i32
      %dma_start3A_251 = tpu.memref_slice %arg7[%add3A_243, %dma_start3A_250] : memref<160x128xi32, #tpu.memory_space<vmem>> -> memref<1x128xi32, #tpu.memory_space<vmem>>
      %dma_start3A_252 = tpu.memref_squeeze %dma_start3A_251 : memref<1x128xi32, #tpu.memory_space<vmem>> -> memref<128xi32, #tpu.memory_space<vmem>>
      %dma_start3A_253 = arith.constant 0 : i32
      %dma_start3A_254 = arith.constant 0 : i32
      %dma_start3A_255 = tpu.memref_slice %arg18[%dma_start3A_253, %dma_start3A_254] : memref<10128x32xf32, #tpu.memory_space<vmem_shared>> -> memref<10128x32xf32, #tpu.memory_space<vmem_shared>>
      tpu.enqueue_indirect_dma source(%arg13 : memref<128x32xf32, #tpu.memory_space<vmem>>) target(%dma_start3A_255 : memref<10128x32xf32, #tpu.memory_space<vmem_shared>>) offsets(%dma_start3A_252 : memref<128xi32, #tpu.memory_space<vmem>>) semaphore(%arg35 : memref<!tpu.dma_semaphore, #tpu.memory_space<semaphore_mem>>) {add = true}
      %add3A_256 = arith.constant 6 : i32
      %add3A_257 = arith.addi %mul3A_172, %add3A_256 : i32
      %dma_wait3A_258 = arith.constant 0 : i32
      %dma_wait3A_259 = tpu.memref_slice %arg6[%add3A_257, %dma_wait3A_258] : memref<160x128xi32, #tpu.memory_space<vmem>> -> memref<1x128xi32, #tpu.memory_space<vmem>>
      %dma_wait3A_260 = tpu.memref_squeeze %dma_wait3A_259 : memref<1x128xi32, #tpu.memory_space<vmem>> -> memref<128xi32, #tpu.memory_space<vmem>>
      %dma_wait3A_261 = arith.constant 0 : i32
      %dma_wait3A_262 = arith.constant 0 : i32
      %dma_wait3A_263 = tpu.memref_slice %arg19[%dma_wait3A_261, %dma_wait3A_262] : memref<10000x32xf32, #tpu.memory_space<vmem_shared>> -> memref<10000x32xf32, #tpu.memory_space<vmem_shared>>
      tpu.wait_indirect_dma semaphore(%arg26 : memref<!tpu.dma_semaphore, #tpu.memory_space<semaphore_mem>>) src(%dma_wait3A_263 : memref<10000x32xf32, #tpu.memory_space<vmem_shared>>) dst(%arg14 : memref<128x32xf32, #tpu.memory_space<vmem>>)
      %dma_start3A_264 = arith.constant 0 : i32
      %dma_start3A_265 = tpu.memref_slice %arg7[%add3A_257, %dma_start3A_264] : memref<160x128xi32, #tpu.memory_space<vmem>> -> memref<1x128xi32, #tpu.memory_space<vmem>>
      %dma_start3A_266 = tpu.memref_squeeze %dma_start3A_265 : memref<1x128xi32, #tpu.memory_space<vmem>> -> memref<128xi32, #tpu.memory_space<vmem>>
      %dma_start3A_267 = arith.constant 0 : i32
      %dma_start3A_268 = arith.constant 0 : i32
      %dma_start3A_269 = tpu.memref_slice %arg18[%dma_start3A_267, %dma_start3A_268] : memref<10128x32xf32, #tpu.memory_space<vmem_shared>> -> memref<10128x32xf32, #tpu.memory_space<vmem_shared>>
      tpu.enqueue_indirect_dma source(%arg14 : memref<128x32xf32, #tpu.memory_space<vmem>>) target(%dma_start3A_269 : memref<10128x32xf32, #tpu.memory_space<vmem_shared>>) offsets(%dma_start3A_266 : memref<128xi32, #tpu.memory_space<vmem>>) semaphore(%arg36 : memref<!tpu.dma_semaphore, #tpu.memory_space<semaphore_mem>>) {add = true}
      %add3A_270 = arith.constant 7 : i32
      %add3A_271 = arith.addi %mul3A_172, %add3A_270 : i32
      %dma_wait3A_272 = arith.constant 0 : i32
      %dma_wait3A_273 = tpu.memref_slice %arg6[%add3A_271, %dma_wait3A_272] : memref<160x128xi32, #tpu.memory_space<vmem>> -> memref<1x128xi32, #tpu.memory_space<vmem>>
      %dma_wait3A_274 = tpu.memref_squeeze %dma_wait3A_273 : memref<1x128xi32, #tpu.memory_space<vmem>> -> memref<128xi32, #tpu.memory_space<vmem>>
      %dma_wait3A_275 = arith.constant 0 : i32
      %dma_wait3A_276 = arith.constant 0 : i32
      %dma_wait3A_277 = tpu.memref_slice %arg19[%dma_wait3A_275, %dma_wait3A_276] : memref<10000x32xf32, #tpu.memory_space<vmem_shared>> -> memref<10000x32xf32, #tpu.memory_space<vmem_shared>>
      tpu.wait_indirect_dma semaphore(%arg27 : memref<!tpu.dma_semaphore, #tpu.memory_space<semaphore_mem>>) src(%dma_wait3A_277 : memref<10000x32xf32, #tpu.memory_space<vmem_shared>>) dst(%arg15 : memref<128x32xf32, #tpu.memory_space<vmem>>)
      %dma_start3A_278 = arith.constant 0 : i32
      %dma_start3A_279 = tpu.memref_slice %arg7[%add3A_271, %dma_start3A_278] : memref<160x128xi32, #tpu.memory_space<vmem>> -> memref<1x128xi32, #tpu.memory_space<vmem>>
      %dma_start3A_280 = tpu.memref_squeeze %dma_start3A_279 : memref<1x128xi32, #tpu.memory_space<vmem>> -> memref<128xi32, #tpu.memory_space<vmem>>
      %dma_start3A_281 = arith.constant 0 : i32
      %dma_start3A_282 = arith.constant 0 : i32
      %dma_start3A_283 = tpu.memref_slice %arg18[%dma_start3A_281, %dma_start3A_282] : memref<10128x32xf32, #tpu.memory_space<vmem_shared>> -> memref<10128x32xf32, #tpu.memory_space<vmem_shared>>
      tpu.enqueue_indirect_dma source(%arg15 : memref<128x32xf32, #tpu.memory_space<vmem>>) target(%dma_start3A_283 : memref<10128x32xf32, #tpu.memory_space<vmem_shared>>) offsets(%dma_start3A_280 : memref<128xi32, #tpu.memory_space<vmem>>) semaphore(%arg37 : memref<!tpu.dma_semaphore, #tpu.memory_space<semaphore_mem>>) {add = true}
      %add3A_284 = arith.constant 8 : i32
      %add3A_285 = arith.addi %mul3A_172, %add3A_284 : i32
      %dma_wait3A_286 = arith.constant 0 : i32
      %dma_wait3A_287 = tpu.memref_slice %arg6[%add3A_285, %dma_wait3A_286] : memref<160x128xi32, #tpu.memory_space<vmem>> -> memref<1x128xi32, #tpu.memory_space<vmem>>
      %dma_wait3A_288 = tpu.memref_squeeze %dma_wait3A_287 : memref<1x128xi32, #tpu.memory_space<vmem>> -> memref<128xi32, #tpu.memory_space<vmem>>
      %dma_wait3A_289 = arith.constant 0 : i32
      %dma_wait3A_290 = arith.constant 0 : i32
      %dma_wait3A_291 = tpu.memref_slice %arg19[%dma_wait3A_289, %dma_wait3A_290] : memref<10000x32xf32, #tpu.memory_space<vmem_shared>> -> memref<10000x32xf32, #tpu.memory_space<vmem_shared>>
      tpu.wait_indirect_dma semaphore(%arg28 : memref<!tpu.dma_semaphore, #tpu.memory_space<semaphore_mem>>) src(%dma_wait3A_291 : memref<10000x32xf32, #tpu.memory_space<vmem_shared>>) dst(%arg16 : memref<128x32xf32, #tpu.memory_space<vmem>>)
      %dma_start3A_292 = arith.constant 0 : i32
      %dma_start3A_293 = tpu.memref_slice %arg7[%add3A_285, %dma_start3A_292] : memref<160x128xi32, #tpu.memory_space<vmem>> -> memref<1x128xi32, #tpu.memory_space<vmem>>
      %dma_start3A_294 = tpu.memref_squeeze %dma_start3A_293 : memref<1x128xi32, #tpu.memory_space<vmem>> -> memref<128xi32, #tpu.memory_space<vmem>>
      %dma_start3A_295 = arith.constant 0 : i32
      %dma_start3A_296 = arith.constant 0 : i32
      %dma_start3A_297 = tpu.memref_slice %arg18[%dma_start3A_295, %dma_start3A_296] : memref<10128x32xf32, #tpu.memory_space<vmem_shared>> -> memref<10128x32xf32, #tpu.memory_space<vmem_shared>>
      tpu.enqueue_indirect_dma source(%arg16 : memref<128x32xf32, #tpu.memory_space<vmem>>) target(%dma_start3A_297 : memref<10128x32xf32, #tpu.memory_space<vmem_shared>>) offsets(%dma_start3A_294 : memref<128xi32, #tpu.memory_space<vmem>>) semaphore(%arg38 : memref<!tpu.dma_semaphore, #tpu.memory_space<semaphore_mem>>) {add = true}
      %add3A_298 = arith.constant 9 : i32
      %add3A_299 = arith.addi %mul3A_172, %add3A_298 : i32
      %dma_wait3A_300 = arith.constant 0 : i32
      %dma_wait3A_301 = tpu.memref_slice %arg6[%add3A_299, %dma_wait3A_300] : memref<160x128xi32, #tpu.memory_space<vmem>> -> memref<1x128xi32, #tpu.memory_space<vmem>>
      %dma_wait3A_302 = tpu.memref_squeeze %dma_wait3A_301 : memref<1x128xi32, #tpu.memory_space<vmem>> -> memref<128xi32, #tpu.memory_space<vmem>>
      %dma_wait3A_303 = arith.constant 0 : i32
      %dma_wait3A_304 = arith.constant 0 : i32
      %dma_wait3A_305 = tpu.memref_slice %arg19[%dma_wait3A_303, %dma_wait3A_304] : memref<10000x32xf32, #tpu.memory_space<vmem_shared>> -> memref<10000x32xf32, #tpu.memory_space<vmem_shared>>
      tpu.wait_indirect_dma semaphore(%arg29 : memref<!tpu.dma_semaphore, #tpu.memory_space<semaphore_mem>>) src(%dma_wait3A_305 : memref<10000x32xf32, #tpu.memory_space<vmem_shared>>) dst(%arg17 : memref<128x32xf32, #tpu.memory_space<vmem>>)
      %dma_start3A_306 = arith.constant 0 : i32
      %dma_start3A_307 = tpu.memref_slice %arg7[%add3A_299, %dma_start3A_306] : memref<160x128xi32, #tpu.memory_space<vmem>> -> memref<1x128xi32, #tpu.memory_space<vmem>>
      %dma_start3A_308 = tpu.memref_squeeze %dma_start3A_307 : memref<1x128xi32, #tpu.memory_space<vmem>> -> memref<128xi32, #tpu.memory_space<vmem>>
      %dma_start3A_309 = arith.constant 0 : i32
      %dma_start3A_310 = arith.constant 0 : i32
      %dma_start3A_311 = tpu.memref_slice %arg18[%dma_start3A_309, %dma_start3A_310] : memref<10128x32xf32, #tpu.memory_space<vmem_shared>> -> memref<10128x32xf32, #tpu.memory_space<vmem_shared>>
      tpu.enqueue_indirect_dma source(%arg17 : memref<128x32xf32, #tpu.memory_space<vmem>>) target(%dma_start3A_311 : memref<10128x32xf32, #tpu.memory_space<vmem_shared>>) offsets(%dma_start3A_308 : memref<128xi32, #tpu.memory_space<vmem>>) semaphore(%arg39 : memref<!tpu.dma_semaphore, #tpu.memory_space<semaphore_mem>>) {add = true}
      %add3A_312 = arith.constant 10 : i32
      %add3A_313 = arith.addi %mul3A_172, %add3A_312 : i32
      %add3A_314 = arith.constant 0 : i32
      %add3A_315 = arith.addi %add3A_313, %add3A_314 : i32
      %min3A = arith.constant 159 : i32
      %min3A_316 = arith.minsi %add3A_315, %min3A : i32
      %dma_wait3A_317 = arith.constant 0 : i32
      %dma_wait3A_318 = tpu.memref_slice %arg7[%add3A_173, %dma_wait3A_317] : memref<160x128xi32, #tpu.memory_space<vmem>> -> memref<1x128xi32, #tpu.memory_space<vmem>>
      %dma_wait3A_319 = tpu.memref_squeeze %dma_wait3A_318 : memref<1x128xi32, #tpu.memory_space<vmem>> -> memref<128xi32, #tpu.memory_space<vmem>>
      %dma_wait3A_320 = arith.constant 0 : i32
      %dma_wait3A_321 = arith.constant 0 : i32
      %dma_wait3A_322 = tpu.memref_slice %arg18[%dma_wait3A_320, %dma_wait3A_321] : memref<10128x32xf32, #tpu.memory_space<vmem_shared>> -> memref<10128x32xf32, #tpu.memory_space<vmem_shared>>
      tpu.wait_indirect_dma semaphore(%arg30 : memref<!tpu.dma_semaphore, #tpu.memory_space<semaphore_mem>>) src(%arg8 : memref<128x32xf32, #tpu.memory_space<vmem>>) dst(%dma_wait3A_322 : memref<10128x32xf32, #tpu.memory_space<vmem_shared>>)
      %dma_start3A_323 = arith.constant 0 : i32
      %dma_start3A_324 = tpu.memref_slice %arg6[%min3A_316, %dma_start3A_323] : memref<160x128xi32, #tpu.memory_space<vmem>> -> memref<1x128xi32, #tpu.memory_space<vmem>>
      %dma_start3A_325 = tpu.memref_squeeze %dma_start3A_324 : memref<1x128xi32, #tpu.memory_space<vmem>> -> memref<128xi32, #tpu.memory_space<vmem>>
      %dma_start3A_326 = arith.constant 0 : i32
      %dma_start3A_327 = arith.constant 0 : i32
      %dma_start3A_328 = tpu.memref_slice %arg19[%dma_start3A_326, %dma_start3A_327] : memref<10000x32xf32, #tpu.memory_space<vmem_shared>> -> memref<10000x32xf32, #tpu.memory_space<vmem_shared>>
      tpu.enqueue_indirect_dma source(%dma_start3A_328 : memref<10000x32xf32, #tpu.memory_space<vmem_shared>>) target(%arg8 : memref<128x32xf32, #tpu.memory_space<vmem>>) offsets(%dma_start3A_325 : memref<128xi32, #tpu.memory_space<vmem>>) semaphore(%arg20 : memref<!tpu.dma_semaphore, #tpu.memory_space<semaphore_mem>>)
      %add3A_329 = arith.constant 10 : i32
      %add3A_330 = arith.addi %mul3A_172, %add3A_329 : i32
      %add3A_331 = arith.constant 1 : i32
      %add3A_332 = arith.addi %add3A_330, %add3A_331 : i32
      %min3A_333 = arith.constant 159 : i32
      %min3A_334 = arith.minsi %add3A_332, %min3A_333 : i32
      %dma_wait3A_335 = arith.constant 0 : i32
      %dma_wait3A_336 = tpu.memref_slice %arg7[%add3A_187, %dma_wait3A_335] : memref<160x128xi32, #tpu.memory_space<vmem>> -> memref<1x128xi32, #tpu.memory_space<vmem>>
      %dma_wait3A_337 = tpu.memref_squeeze %dma_wait3A_336 : memref<1x128xi32, #tpu.memory_space<vmem>> -> memref<128xi32, #tpu.memory_space<vmem>>
      %dma_wait3A_338 = arith.constant 0 : i32
      %dma_wait3A_339 = arith.constant 0 : i32
      %dma_wait3A_340 = tpu.memref_slice %arg18[%dma_wait3A_338, %dma_wait3A_339] : memref<10128x32xf32, #tpu.memory_space<vmem_shared>> -> memref<10128x32xf32, #tpu.memory_space<vmem_shared>>
      tpu.wait_indirect_dma semaphore(%arg31 : memref<!tpu.dma_semaphore, #tpu.memory_space<semaphore_mem>>) src(%arg9 : memref<128x32xf32, #tpu.memory_space<vmem>>) dst(%dma_wait3A_340 : memref<10128x32xf32, #tpu.memory_space<vmem_shared>>)
      %dma_start3A_341 = arith.constant 0 : i32
      %dma_start3A_342 = tpu.memref_slice %arg6[%min3A_334, %dma_start3A_341] : memref<160x128xi32, #tpu.memory_space<vmem>> -> memref<1x128xi32, #tpu.memory_space<vmem>>
      %dma_start3A_343 = tpu.memref_squeeze %dma_start3A_342 : memref<1x128xi32, #tpu.memory_space<vmem>> -> memref<128xi32, #tpu.memory_space<vmem>>
      %dma_start3A_344 = arith.constant 0 : i32
      %dma_start3A_345 = arith.constant 0 : i32
      %dma_start3A_346 = tpu.memref_slice %arg19[%dma_start3A_344, %dma_start3A_345] : memref<10000x32xf32, #tpu.memory_space<vmem_shared>> -> memref<10000x32xf32, #tpu.memory_space<vmem_shared>>
      tpu.enqueue_indirect_dma source(%dma_start3A_346 : memref<10000x32xf32, #tpu.memory_space<vmem_shared>>) target(%arg9 : memref<128x32xf32, #tpu.memory_space<vmem>>) offsets(%dma_start3A_343 : memref<128xi32, #tpu.memory_space<vmem>>) semaphore(%arg21 : memref<!tpu.dma_semaphore, #tpu.memory_space<semaphore_mem>>)
      %add3A_347 = arith.constant 10 : i32
      %add3A_348 = arith.addi %mul3A_172, %add3A_347 : i32
      %add3A_349 = arith.constant 2 : i32
      %add3A_350 = arith.addi %add3A_348, %add3A_349 : i32
      %min3A_351 = arith.constant 159 : i32
      %min3A_352 = arith.minsi %add3A_350, %min3A_351 : i32
      %dma_wait3A_353 = arith.constant 0 : i32
      %dma_wait3A_354 = tpu.memref_slice %arg7[%add3A_201, %dma_wait3A_353] : memref<160x128xi32, #tpu.memory_space<vmem>> -> memref<1x128xi32, #tpu.memory_space<vmem>>
      %dma_wait3A_355 = tpu.memref_squeeze %dma_wait3A_354 : memref<1x128xi32, #tpu.memory_space<vmem>> -> memref<128xi32, #tpu.memory_space<vmem>>
      %dma_wait3A_356 = arith.constant 0 : i32
      %dma_wait3A_357 = arith.constant 0 : i32
      %dma_wait3A_358 = tpu.memref_slice %arg18[%dma_wait3A_356, %dma_wait3A_357] : memref<10128x32xf32, #tpu.memory_space<vmem_shared>> -> memref<10128x32xf32, #tpu.memory_space<vmem_shared>>
      tpu.wait_indirect_dma semaphore(%arg32 : memref<!tpu.dma_semaphore, #tpu.memory_space<semaphore_mem>>) src(%arg10 : memref<128x32xf32, #tpu.memory_space<vmem>>) dst(%dma_wait3A_358 : memref<10128x32xf32, #tpu.memory_space<vmem_shared>>)
      %dma_start3A_359 = arith.constant 0 : i32
      %dma_start3A_360 = tpu.memref_slice %arg6[%min3A_352, %dma_start3A_359] : memref<160x128xi32, #tpu.memory_space<vmem>> -> memref<1x128xi32, #tpu.memory_space<vmem>>
      %dma_start3A_361 = tpu.memref_squeeze %dma_start3A_360 : memref<1x128xi32, #tpu.memory_space<vmem>> -> memref<128xi32, #tpu.memory_space<vmem>>
      %dma_start3A_362 = arith.constant 0 : i32
      %dma_start3A_363 = arith.constant 0 : i32
      %dma_start3A_364 = tpu.memref_slice %arg19[%dma_start3A_362, %dma_start3A_363] : memref<10000x32xf32, #tpu.memory_space<vmem_shared>> -> memref<10000x32xf32, #tpu.memory_space<vmem_shared>>
      tpu.enqueue_indirect_dma source(%dma_start3A_364 : memref<10000x32xf32, #tpu.memory_space<vmem_shared>>) target(%arg10 : memref<128x32xf32, #tpu.memory_space<vmem>>) offsets(%dma_start3A_361 : memref<128xi32, #tpu.memory_space<vmem>>) semaphore(%arg22 : memref<!tpu.dma_semaphore, #tpu.memory_space<semaphore_mem>>)
      %add3A_365 = arith.constant 10 : i32
      %add3A_366 = arith.addi %mul3A_172, %add3A_365 : i32
      %add3A_367 = arith.constant 3 : i32
      %add3A_368 = arith.addi %add3A_366, %add3A_367 : i32
      %min3A_369 = arith.constant 159 : i32
      %min3A_370 = arith.minsi %add3A_368, %min3A_369 : i32
      %dma_wait3A_371 = arith.constant 0 : i32
      %dma_wait3A_372 = tpu.memref_slice %arg7[%add3A_215, %dma_wait3A_371] : memref<160x128xi32, #tpu.memory_space<vmem>> -> memref<1x128xi32, #tpu.memory_space<vmem>>
      %dma_wait3A_373 = tpu.memref_squeeze %dma_wait3A_372 : memref<1x128xi32, #tpu.memory_space<vmem>> -> memref<128xi32, #tpu.memory_space<vmem>>
      %dma_wait3A_374 = arith.constant 0 : i32
      %dma_wait3A_375 = arith.constant 0 : i32
      %dma_wait3A_376 = tpu.memref_slice %arg18[%dma_wait3A_374, %dma_wait3A_375] : memref<10128x32xf32, #tpu.memory_space<vmem_shared>> -> memref<10128x32xf32, #tpu.memory_space<vmem_shared>>
      tpu.wait_indirect_dma semaphore(%arg33 : memref<!tpu.dma_semaphore, #tpu.memory_space<semaphore_mem>>) src(%arg11 : memref<128x32xf32, #tpu.memory_space<vmem>>) dst(%dma_wait3A_376 : memref<10128x32xf32, #tpu.memory_space<vmem_shared>>)
      %dma_start3A_377 = arith.constant 0 : i32
      %dma_start3A_378 = tpu.memref_slice %arg6[%min3A_370, %dma_start3A_377] : memref<160x128xi32, #tpu.memory_space<vmem>> -> memref<1x128xi32, #tpu.memory_space<vmem>>
      %dma_start3A_379 = tpu.memref_squeeze %dma_start3A_378 : memref<1x128xi32, #tpu.memory_space<vmem>> -> memref<128xi32, #tpu.memory_space<vmem>>
      %dma_start3A_380 = arith.constant 0 : i32
      %dma_start3A_381 = arith.constant 0 : i32
      %dma_start3A_382 = tpu.memref_slice %arg19[%dma_start3A_380, %dma_start3A_381] : memref<10000x32xf32, #tpu.memory_space<vmem_shared>> -> memref<10000x32xf32, #tpu.memory_space<vmem_shared>>
      tpu.enqueue_indirect_dma source(%dma_start3A_382 : memref<10000x32xf32, #tpu.memory_space<vmem_shared>>) target(%arg11 : memref<128x32xf32, #tpu.memory_space<vmem>>) offsets(%dma_start3A_379 : memref<128xi32, #tpu.memory_space<vmem>>) semaphore(%arg23 : memref<!tpu.dma_semaphore, #tpu.memory_space<semaphore_mem>>)
      %add3A_383 = arith.constant 10 : i32
      %add3A_384 = arith.addi %mul3A_172, %add3A_383 : i32
      %add3A_385 = arith.constant 4 : i32
      %add3A_386 = arith.addi %add3A_384, %add3A_385 : i32
      %min3A_387 = arith.constant 159 : i32
      %min3A_388 = arith.minsi %add3A_386, %min3A_387 : i32
      %dma_wait3A_389 = arith.constant 0 : i32
      %dma_wait3A_390 = tpu.memref_slice %arg7[%add3A_229, %dma_wait3A_389] : memref<160x128xi32, #tpu.memory_space<vmem>> -> memref<1x128xi32, #tpu.memory_space<vmem>>
      %dma_wait3A_391 = tpu.memref_squeeze %dma_wait3A_390 : memref<1x128xi32, #tpu.memory_space<vmem>> -> memref<128xi32, #tpu.memory_space<vmem>>
      %dma_wait3A_392 = arith.constant 0 : i32
      %dma_wait3A_393 = arith.constant 0 : i32
      %dma_wait3A_394 = tpu.memref_slice %arg18[%dma_wait3A_392, %dma_wait3A_393] : memref<10128x32xf32, #tpu.memory_space<vmem_shared>> -> memref<10128x32xf32, #tpu.memory_space<vmem_shared>>
      tpu.wait_indirect_dma semaphore(%arg34 : memref<!tpu.dma_semaphore, #tpu.memory_space<semaphore_mem>>) src(%arg12 : memref<128x32xf32, #tpu.memory_space<vmem>>) dst(%dma_wait3A_394 : memref<10128x32xf32, #tpu.memory_space<vmem_shared>>)
      %dma_start3A_395 = arith.constant 0 : i32
      %dma_start3A_396 = tpu.memref_slice %arg6[%min3A_388, %dma_start3A_395] : memref<160x128xi32, #tpu.memory_space<vmem>> -> memref<1x128xi32, #tpu.memory_space<vmem>>
      %dma_start3A_397 = tpu.memref_squeeze %dma_start3A_396 : memref<1x128xi32, #tpu.memory_space<vmem>> -> memref<128xi32, #tpu.memory_space<vmem>>
      %dma_start3A_398 = arith.constant 0 : i32
      %dma_start3A_399 = arith.constant 0 : i32
      %dma_start3A_400 = tpu.memref_slice %arg19[%dma_start3A_398, %dma_start3A_399] : memref<10000x32xf32, #tpu.memory_space<vmem_shared>> -> memref<10000x32xf32, #tpu.memory_space<vmem_shared>>
      tpu.enqueue_indirect_dma source(%dma_start3A_400 : memref<10000x32xf32, #tpu.memory_space<vmem_shared>>) target(%arg12 : memref<128x32xf32, #tpu.memory_space<vmem>>) offsets(%dma_start3A_397 : memref<128xi32, #tpu.memory_space<vmem>>) semaphore(%arg24 : memref<!tpu.dma_semaphore, #tpu.memory_space<semaphore_mem>>)
      %add3A_401 = arith.constant 10 : i32
      %add3A_402 = arith.addi %mul3A_172, %add3A_401 : i32
      %add3A_403 = arith.constant 5 : i32
      %add3A_404 = arith.addi %add3A_402, %add3A_403 : i32
      %min3A_405 = arith.constant 159 : i32
      %min3A_406 = arith.minsi %add3A_404, %min3A_405 : i32
      %dma_wait3A_407 = arith.constant 0 : i32
      %dma_wait3A_408 = tpu.memref_slice %arg7[%add3A_243, %dma_wait3A_407] : memref<160x128xi32, #tpu.memory_space<vmem>> -> memref<1x128xi32, #tpu.memory_space<vmem>>
      %dma_wait3A_409 = tpu.memref_squeeze %dma_wait3A_408 : memref<1x128xi32, #tpu.memory_space<vmem>> -> memref<128xi32, #tpu.memory_space<vmem>>
      %dma_wait3A_410 = arith.constant 0 : i32
      %dma_wait3A_411 = arith.constant 0 : i32
      %dma_wait3A_412 = tpu.memref_slice %arg18[%dma_wait3A_410, %dma_wait3A_411] : memref<10128x32xf32, #tpu.memory_space<vmem_shared>> -> memref<10128x32xf32, #tpu.memory_space<vmem_shared>>
      tpu.wait_indirect_dma semaphore(%arg35 : memref<!tpu.dma_semaphore, #tpu.memory_space<semaphore_mem>>) src(%arg13 : memref<128x32xf32, #tpu.memory_space<vmem>>) dst(%dma_wait3A_412 : memref<10128x32xf32, #tpu.memory_space<vmem_shared>>)
      %dma_start3A_413 = arith.constant 0 : i32
      %dma_start3A_414 = tpu.memref_slice %arg6[%min3A_406, %dma_start3A_413] : memref<160x128xi32, #tpu.memory_space<vmem>> -> memref<1x128xi32, #tpu.memory_space<vmem>>
      %dma_start3A_415 = tpu.memref_squeeze %dma_start3A_414 : memref<1x128xi32, #tpu.memory_space<vmem>> -> memref<128xi32, #tpu.memory_space<vmem>>
      %dma_start3A_416 = arith.constant 0 : i32
      %dma_start3A_417 = arith.constant 0 : i32
      %dma_start3A_418 = tpu.memref_slice %arg19[%dma_start3A_416, %dma_start3A_417] : memref<10000x32xf32, #tpu.memory_space<vmem_shared>> -> memref<10000x32xf32, #tpu.memory_space<vmem_shared>>
      tpu.enqueue_indirect_dma source(%dma_start3A_418 : memref<10000x32xf32, #tpu.memory_space<vmem_shared>>) target(%arg13 : memref<128x32xf32, #tpu.memory_space<vmem>>) offsets(%dma_start3A_415 : memref<128xi32, #tpu.memory_space<vmem>>) semaphore(%arg25 : memref<!tpu.dma_semaphore, #tpu.memory_space<semaphore_mem>>)
      %add3A_419 = arith.constant 10 : i32
      %add3A_420 = arith.addi %mul3A_172, %add3A_419 : i32
      %add3A_421 = arith.constant 6 : i32
      %add3A_422 = arith.addi %add3A_420, %add3A_421 : i32
      %min3A_423 = arith.constant 159 : i32
      %min3A_424 = arith.minsi %add3A_422, %min3A_423 : i32
      %dma_wait3A_425 = arith.constant 0 : i32
      %dma_wait3A_426 = tpu.memref_slice %arg7[%add3A_257, %dma_wait3A_425] : memref<160x128xi32, #tpu.memory_space<vmem>> -> memref<1x128xi32, #tpu.memory_space<vmem>>
      %dma_wait3A_427 = tpu.memref_squeeze %dma_wait3A_426 : memref<1x128xi32, #tpu.memory_space<vmem>> -> memref<128xi32, #tpu.memory_space<vmem>>
      %dma_wait3A_428 = arith.constant 0 : i32
      %dma_wait3A_429 = arith.constant 0 : i32
      %dma_wait3A_430 = tpu.memref_slice %arg18[%dma_wait3A_428, %dma_wait3A_429] : memref<10128x32xf32, #tpu.memory_space<vmem_shared>> -> memref<10128x32xf32, #tpu.memory_space<vmem_shared>>
      tpu.wait_indirect_dma semaphore(%arg36 : memref<!tpu.dma_semaphore, #tpu.memory_space<semaphore_mem>>) src(%arg14 : memref<128x32xf32, #tpu.memory_space<vmem>>) dst(%dma_wait3A_430 : memref<10128x32xf32, #tpu.memory_space<vmem_shared>>)
      %dma_start3A_431 = arith.constant 0 : i32
      %dma_start3A_432 = tpu.memref_slice %arg6[%min3A_424, %dma_start3A_431] : memref<160x128xi32, #tpu.memory_space<vmem>> -> memref<1x128xi32, #tpu.memory_space<vmem>>
      %dma_start3A_433 = tpu.memref_squeeze %dma_start3A_432 : memref<1x128xi32, #tpu.memory_space<vmem>> -> memref<128xi32, #tpu.memory_space<vmem>>
      %dma_start3A_434 = arith.constant 0 : i32
      %dma_start3A_435 = arith.constant 0 : i32
      %dma_start3A_436 = tpu.memref_slice %arg19[%dma_start3A_434, %dma_start3A_435] : memref<10000x32xf32, #tpu.memory_space<vmem_shared>> -> memref<10000x32xf32, #tpu.memory_space<vmem_shared>>
      tpu.enqueue_indirect_dma source(%dma_start3A_436 : memref<10000x32xf32, #tpu.memory_space<vmem_shared>>) target(%arg14 : memref<128x32xf32, #tpu.memory_space<vmem>>) offsets(%dma_start3A_433 : memref<128xi32, #tpu.memory_space<vmem>>) semaphore(%arg26 : memref<!tpu.dma_semaphore, #tpu.memory_space<semaphore_mem>>)
      %add3A_437 = arith.constant 10 : i32
      %add3A_438 = arith.addi %mul3A_172, %add3A_437 : i32
      %add3A_439 = arith.constant 7 : i32
      %add3A_440 = arith.addi %add3A_438, %add3A_439 : i32
      %min3A_441 = arith.constant 159 : i32
      %min3A_442 = arith.minsi %add3A_440, %min3A_441 : i32
      %dma_wait3A_443 = arith.constant 0 : i32
      %dma_wait3A_444 = tpu.memref_slice %arg7[%add3A_271, %dma_wait3A_443] : memref<160x128xi32, #tpu.memory_space<vmem>> -> memref<1x128xi32, #tpu.memory_space<vmem>>
      %dma_wait3A_445 = tpu.memref_squeeze %dma_wait3A_444 : memref<1x128xi32, #tpu.memory_space<vmem>> -> memref<128xi32, #tpu.memory_space<vmem>>
      %dma_wait3A_446 = arith.constant 0 : i32
      %dma_wait3A_447 = arith.constant 0 : i32
      %dma_wait3A_448 = tpu.memref_slice %arg18[%dma_wait3A_446, %dma_wait3A_447] : memref<10128x32xf32, #tpu.memory_space<vmem_shared>> -> memref<10128x32xf32, #tpu.memory_space<vmem_shared>>
      tpu.wait_indirect_dma semaphore(%arg37 : memref<!tpu.dma_semaphore, #tpu.memory_space<semaphore_mem>>) src(%arg15 : memref<128x32xf32, #tpu.memory_space<vmem>>) dst(%dma_wait3A_448 : memref<10128x32xf32, #tpu.memory_space<vmem_shared>>)
      %dma_start3A_449 = arith.constant 0 : i32
      %dma_start3A_450 = tpu.memref_slice %arg6[%min3A_442, %dma_start3A_449] : memref<160x128xi32, #tpu.memory_space<vmem>> -> memref<1x128xi32, #tpu.memory_space<vmem>>
      %dma_start3A_451 = tpu.memref_squeeze %dma_start3A_450 : memref<1x128xi32, #tpu.memory_space<vmem>> -> memref<128xi32, #tpu.memory_space<vmem>>
      %dma_start3A_452 = arith.constant 0 : i32
      %dma_start3A_453 = arith.constant 0 : i32
      %dma_start3A_454 = tpu.memref_slice %arg19[%dma_start3A_452, %dma_start3A_453] : memref<10000x32xf32, #tpu.memory_space<vmem_shared>> -> memref<10000x32xf32, #tpu.memory_space<vmem_shared>>
      tpu.enqueue_indirect_dma source(%dma_start3A_454 : memref<10000x32xf32, #tpu.memory_space<vmem_shared>>) target(%arg15 : memref<128x32xf32, #tpu.memory_space<vmem>>) offsets(%dma_start3A_451 : memref<128xi32, #tpu.memory_space<vmem>>) semaphore(%arg27 : memref<!tpu.dma_semaphore, #tpu.memory_space<semaphore_mem>>)
      %add3A_455 = arith.constant 10 : i32
      %add3A_456 = arith.addi %mul3A_172, %add3A_455 : i32
      %add3A_457 = arith.constant 8 : i32
      %add3A_458 = arith.addi %add3A_456, %add3A_457 : i32
      %min3A_459 = arith.constant 159 : i32
      %min3A_460 = arith.minsi %add3A_458, %min3A_459 : i32
      %dma_wait3A_461 = arith.constant 0 : i32
      %dma_wait3A_462 = tpu.memref_slice %arg7[%add3A_285, %dma_wait3A_461] : memref<160x128xi32, #tpu.memory_space<vmem>> -> memref<1x128xi32, #tpu.memory_space<vmem>>
      %dma_wait3A_463 = tpu.memref_squeeze %dma_wait3A_462 : memref<1x128xi32, #tpu.memory_space<vmem>> -> memref<128xi32, #tpu.memory_space<vmem>>
      %dma_wait3A_464 = arith.constant 0 : i32
      %dma_wait3A_465 = arith.constant 0 : i32
      %dma_wait3A_466 = tpu.memref_slice %arg18[%dma_wait3A_464, %dma_wait3A_465] : memref<10128x32xf32, #tpu.memory_space<vmem_shared>> -> memref<10128x32xf32, #tpu.memory_space<vmem_shared>>
      tpu.wait_indirect_dma semaphore(%arg38 : memref<!tpu.dma_semaphore, #tpu.memory_space<semaphore_mem>>) src(%arg16 : memref<128x32xf32, #tpu.memory_space<vmem>>) dst(%dma_wait3A_466 : memref<10128x32xf32, #tpu.memory_space<vmem_shared>>)
      %dma_start3A_467 = arith.constant 0 : i32
      %dma_start3A_468 = tpu.memref_slice %arg6[%min3A_460, %dma_start3A_467] : memref<160x128xi32, #tpu.memory_space<vmem>> -> memref<1x128xi32, #tpu.memory_space<vmem>>
      %dma_start3A_469 = tpu.memref_squeeze %dma_start3A_468 : memref<1x128xi32, #tpu.memory_space<vmem>> -> memref<128xi32, #tpu.memory_space<vmem>>
      %dma_start3A_470 = arith.constant 0 : i32
      %dma_start3A_471 = arith.constant 0 : i32
      %dma_start3A_472 = tpu.memref_slice %arg19[%dma_start3A_470, %dma_start3A_471] : memref<10000x32xf32, #tpu.memory_space<vmem_shared>> -> memref<10000x32xf32, #tpu.memory_space<vmem_shared>>
      tpu.enqueue_indirect_dma source(%dma_start3A_472 : memref<10000x32xf32, #tpu.memory_space<vmem_shared>>) target(%arg16 : memref<128x32xf32, #tpu.memory_space<vmem>>) offsets(%dma_start3A_469 : memref<128xi32, #tpu.memory_space<vmem>>) semaphore(%arg28 : memref<!tpu.dma_semaphore, #tpu.memory_space<semaphore_mem>>)
      %add3A_473 = arith.constant 10 : i32
      %add3A_474 = arith.addi %mul3A_172, %add3A_473 : i32
      %add3A_475 = arith.constant 9 : i32
      %add3A_476 = arith.addi %add3A_474, %add3A_475 : i32
      %min3A_477 = arith.constant 159 : i32
      %min3A_478 = arith.minsi %add3A_476, %min3A_477 : i32
      %dma_wait3A_479 = arith.constant 0 : i32
      %dma_wait3A_480 = tpu.memref_slice %arg7[%add3A_299, %dma_wait3A_479] : memref<160x128xi32, #tpu.memory_space<vmem>> -> memref<1x128xi32, #tpu.memory_space<vmem>>
      %dma_wait3A_481 = tpu.memref_squeeze %dma_wait3A_480 : memref<1x128xi32, #tpu.memory_space<vmem>> -> memref<128xi32, #tpu.memory_space<vmem>>
      %dma_wait3A_482 = arith.constant 0 : i32
      %dma_wait3A_483 = arith.constant 0 : i32
      %dma_wait3A_484 = tpu.memref_slice %arg18[%dma_wait3A_482, %dma_wait3A_483] : memref<10128x32xf32, #tpu.memory_space<vmem_shared>> -> memref<10128x32xf32, #tpu.memory_space<vmem_shared>>
      tpu.wait_indirect_dma semaphore(%arg39 : memref<!tpu.dma_semaphore, #tpu.memory_space<semaphore_mem>>) src(%arg17 : memref<128x32xf32, #tpu.memory_space<vmem>>) dst(%dma_wait3A_484 : memref<10128x32xf32, #tpu.memory_space<vmem_shared>>)
      %dma_start3A_485 = arith.constant 0 : i32
      %dma_start3A_486 = tpu.memref_slice %arg6[%min3A_478, %dma_start3A_485] : memref<160x128xi32, #tpu.memory_space<vmem>> -> memref<1x128xi32, #tpu.memory_space<vmem>>
      %dma_start3A_487 = tpu.memref_squeeze %dma_start3A_486 : memref<1x128xi32, #tpu.memory_space<vmem>> -> memref<128xi32, #tpu.memory_space<vmem>>
      %dma_start3A_488 = arith.constant 0 : i32
      %dma_start3A_489 = arith.constant 0 : i32
      %dma_start3A_490 = tpu.memref_slice %arg19[%dma_start3A_488, %dma_start3A_489] : memref<10000x32xf32, #tpu.memory_space<vmem_shared>> -> memref<10000x32xf32, #tpu.memory_space<vmem_shared>>
      tpu.enqueue_indirect_dma source(%dma_start3A_490 : memref<10000x32xf32, #tpu.memory_space<vmem_shared>>) target(%arg17 : memref<128x32xf32, #tpu.memory_space<vmem>>) offsets(%dma_start3A_487 : memref<128xi32, #tpu.memory_space<vmem>>) semaphore(%arg29 : memref<!tpu.dma_semaphore, #tpu.memory_space<semaphore_mem>>)
    }
    %scan3A_99 = arith.constant 16 : i32
    %dma_wait3A = arith.constant 159 : i32
    %dma_wait3A_100 = arith.constant 0 : i32
    %dma_wait3A_101 = tpu.memref_slice %arg6[%dma_wait3A, %dma_wait3A_100] : memref<160x128xi32, #tpu.memory_space<vmem>> -> memref<1x128xi32, #tpu.memory_space<vmem>>
    %dma_wait3A_102 = tpu.memref_squeeze %dma_wait3A_101 : memref<1x128xi32, #tpu.memory_space<vmem>> -> memref<128xi32, #tpu.memory_space<vmem>>
    %dma_wait3A_103 = arith.constant 0 : i32
    %dma_wait3A_104 = arith.constant 0 : i32
    %dma_wait3A_105 = tpu.memref_slice %arg19[%dma_wait3A_103, %dma_wait3A_104] : memref<10000x32xf32, #tpu.memory_space<vmem_shared>> -> memref<10000x32xf32, #tpu.memory_space<vmem_shared>>
    tpu.wait_indirect_dma semaphore(%arg20 : memref<!tpu.dma_semaphore, #tpu.memory_space<semaphore_mem>>) src(%dma_wait3A_105 : memref<10000x32xf32, #tpu.memory_space<vmem_shared>>) dst(%arg8 : memref<128x32xf32, #tpu.memory_space<vmem>>)
    %dma_wait3A_106 = arith.constant 159 : i32
    %dma_wait3A_107 = arith.constant 0 : i32
    %dma_wait3A_108 = tpu.memref_slice %arg6[%dma_wait3A_106, %dma_wait3A_107] : memref<160x128xi32, #tpu.memory_space<vmem>> -> memref<1x128xi32, #tpu.memory_space<vmem>>
    %dma_wait3A_109 = tpu.memref_squeeze %dma_wait3A_108 : memref<1x128xi32, #tpu.memory_space<vmem>> -> memref<128xi32, #tpu.memory_space<vmem>>
    %dma_wait3A_110 = arith.constant 0 : i32
    %dma_wait3A_111 = arith.constant 0 : i32
    %dma_wait3A_112 = tpu.memref_slice %arg19[%dma_wait3A_110, %dma_wait3A_111] : memref<10000x32xf32, #tpu.memory_space<vmem_shared>> -> memref<10000x32xf32, #tpu.memory_space<vmem_shared>>
    tpu.wait_indirect_dma semaphore(%arg21 : memref<!tpu.dma_semaphore, #tpu.memory_space<semaphore_mem>>) src(%dma_wait3A_112 : memref<10000x32xf32, #tpu.memory_space<vmem_shared>>) dst(%arg9 : memref<128x32xf32, #tpu.memory_space<vmem>>)
    %dma_wait3A_113 = arith.constant 159 : i32
    %dma_wait3A_114 = arith.constant 0 : i32
    %dma_wait3A_115 = tpu.memref_slice %arg6[%dma_wait3A_113, %dma_wait3A_114] : memref<160x128xi32, #tpu.memory_space<vmem>> -> memref<1x128xi32, #tpu.memory_space<vmem>>
    %dma_wait3A_116 = tpu.memref_squeeze %dma_wait3A_115 : memref<1x128xi32, #tpu.memory_space<vmem>> -> memref<128xi32, #tpu.memory_space<vmem>>
    %dma_wait3A_117 = arith.constant 0 : i32
    %dma_wait3A_118 = arith.constant 0 : i32
    %dma_wait3A_119 = tpu.memref_slice %arg19[%dma_wait3A_117, %dma_wait3A_118] : memref<10000x32xf32, #tpu.memory_space<vmem_shared>> -> memref<10000x32xf32, #tpu.memory_space<vmem_shared>>
    tpu.wait_indirect_dma semaphore(%arg22 : memref<!tpu.dma_semaphore, #tpu.memory_space<semaphore_mem>>) src(%dma_wait3A_119 : memref<10000x32xf32, #tpu.memory_space<vmem_shared>>) dst(%arg10 : memref<128x32xf32, #tpu.memory_space<vmem>>)
    %dma_wait3A_120 = arith.constant 159 : i32
    %dma_wait3A_121 = arith.constant 0 : i32
    %dma_wait3A_122 = tpu.memref_slice %arg6[%dma_wait3A_120, %dma_wait3A_121] : memref<160x128xi32, #tpu.memory_space<vmem>> -> memref<1x128xi32, #tpu.memory_space<vmem>>
    %dma_wait3A_123 = tpu.memref_squeeze %dma_wait3A_122 : memref<1x128xi32, #tpu.memory_space<vmem>> -> memref<128xi32, #tpu.memory_space<vmem>>
    %dma_wait3A_124 = arith.constant 0 : i32
    %dma_wait3A_125 = arith.constant 0 : i32
    %dma_wait3A_126 = tpu.memref_slice %arg19[%dma_wait3A_124, %dma_wait3A_125] : memref<10000x32xf32, #tpu.memory_space<vmem_shared>> -> memref<10000x32xf32, #tpu.memory_space<vmem_shared>>
    tpu.wait_indirect_dma semaphore(%arg23 : memref<!tpu.dma_semaphore, #tpu.memory_space<semaphore_mem>>) src(%dma_wait3A_126 : memref<10000x32xf32, #tpu.memory_space<vmem_shared>>) dst(%arg11 : memref<128x32xf32, #tpu.memory_space<vmem>>)
    %dma_wait3A_127 = arith.constant 159 : i32
    %dma_wait3A_128 = arith.constant 0 : i32
    %dma_wait3A_129 = tpu.memref_slice %arg6[%dma_wait3A_127, %dma_wait3A_128] : memref<160x128xi32, #tpu.memory_space<vmem>> -> memref<1x128xi32, #tpu.memory_space<vmem>>
    %dma_wait3A_130 = tpu.memref_squeeze %dma_wait3A_129 : memref<1x128xi32, #tpu.memory_space<vmem>> -> memref<128xi32, #tpu.memory_space<vmem>>
    %dma_wait3A_131 = arith.constant 0 : i32
    %dma_wait3A_132 = arith.constant 0 : i32
    %dma_wait3A_133 = tpu.memref_slice %arg19[%dma_wait3A_131, %dma_wait3A_132] : memref<10000x32xf32, #tpu.memory_space<vmem_shared>> -> memref<10000x32xf32, #tpu.memory_space<vmem_shared>>
    tpu.wait_indirect_dma semaphore(%arg24 : memref<!tpu.dma_semaphore, #tpu.memory_space<semaphore_mem>>) src(%dma_wait3A_133 : memref<10000x32xf32, #tpu.memory_space<vmem_shared>>) dst(%arg12 : memref<128x32xf32, #tpu.memory_space<vmem>>)
    %dma_wait3A_134 = arith.constant 159 : i32
    %dma_wait3A_135 = arith.constant 0 : i32
    %dma_wait3A_136 = tpu.memref_slice %arg6[%dma_wait3A_134, %dma_wait3A_135] : memref<160x128xi32, #tpu.memory_space<vmem>> -> memref<1x128xi32, #tpu.memory_space<vmem>>
    %dma_wait3A_137 = tpu.memref_squeeze %dma_wait3A_136 : memref<1x128xi32, #tpu.memory_space<vmem>> -> memref<128xi32, #tpu.memory_space<vmem>>
    %dma_wait3A_138 = arith.constant 0 : i32
    %dma_wait3A_139 = arith.constant 0 : i32
    %dma_wait3A_140 = tpu.memref_slice %arg19[%dma_wait3A_138, %dma_wait3A_139] : memref<10000x32xf32, #tpu.memory_space<vmem_shared>> -> memref<10000x32xf32, #tpu.memory_space<vmem_shared>>
    tpu.wait_indirect_dma semaphore(%arg25 : memref<!tpu.dma_semaphore, #tpu.memory_space<semaphore_mem>>) src(%dma_wait3A_140 : memref<10000x32xf32, #tpu.memory_space<vmem_shared>>) dst(%arg13 : memref<128x32xf32, #tpu.memory_space<vmem>>)
    %dma_wait3A_141 = arith.constant 159 : i32
    %dma_wait3A_142 = arith.constant 0 : i32
    %dma_wait3A_143 = tpu.memref_slice %arg6[%dma_wait3A_141, %dma_wait3A_142] : memref<160x128xi32, #tpu.memory_space<vmem>> -> memref<1x128xi32, #tpu.memory_space<vmem>>
    %dma_wait3A_144 = tpu.memref_squeeze %dma_wait3A_143 : memref<1x128xi32, #tpu.memory_space<vmem>> -> memref<128xi32, #tpu.memory_space<vmem>>
    %dma_wait3A_145 = arith.constant 0 : i32
    %dma_wait3A_146 = arith.constant 0 : i32
    %dma_wait3A_147 = tpu.memref_slice %arg19[%dma_wait3A_145, %dma_wait3A_146] : memref<10000x32xf32, #tpu.memory_space<vmem_shared>> -> memref<10000x32xf32, #tpu.memory_space<vmem_shared>>
    tpu.wait_indirect_dma semaphore(%arg26 : memref<!tpu.dma_semaphore, #tpu.memory_space<semaphore_mem>>) src(%dma_wait3A_147 : memref<10000x32xf32, #tpu.memory_space<vmem_shared>>) dst(%arg14 : memref<128x32xf32, #tpu.memory_space<vmem>>)
    %dma_wait3A_148 = arith.constant 159 : i32
    %dma_wait3A_149 = arith.constant 0 : i32
    %dma_wait3A_150 = tpu.memref_slice %arg6[%dma_wait3A_148, %dma_wait3A_149] : memref<160x128xi32, #tpu.memory_space<vmem>> -> memref<1x128xi32, #tpu.memory_space<vmem>>
    %dma_wait3A_151 = tpu.memref_squeeze %dma_wait3A_150 : memref<1x128xi32, #tpu.memory_space<vmem>> -> memref<128xi32, #tpu.memory_space<vmem>>
    %dma_wait3A_152 = arith.constant 0 : i32
    %dma_wait3A_153 = arith.constant 0 : i32
    %dma_wait3A_154 = tpu.memref_slice %arg19[%dma_wait3A_152, %dma_wait3A_153] : memref<10000x32xf32, #tpu.memory_space<vmem_shared>> -> memref<10000x32xf32, #tpu.memory_space<vmem_shared>>
    tpu.wait_indirect_dma semaphore(%arg27 : memref<!tpu.dma_semaphore, #tpu.memory_space<semaphore_mem>>) src(%dma_wait3A_154 : memref<10000x32xf32, #tpu.memory_space<vmem_shared>>) dst(%arg15 : memref<128x32xf32, #tpu.memory_space<vmem>>)
    %dma_wait3A_155 = arith.constant 159 : i32
    %dma_wait3A_156 = arith.constant 0 : i32
    %dma_wait3A_157 = tpu.memref_slice %arg6[%dma_wait3A_155, %dma_wait3A_156] : memref<160x128xi32, #tpu.memory_space<vmem>> -> memref<1x128xi32, #tpu.memory_space<vmem>>
    %dma_wait3A_158 = tpu.memref_squeeze %dma_wait3A_157 : memref<1x128xi32, #tpu.memory_space<vmem>> -> memref<128xi32, #tpu.memory_space<vmem>>
    %dma_wait3A_159 = arith.constant 0 : i32
    %dma_wait3A_160 = arith.constant 0 : i32
    %dma_wait3A_161 = tpu.memref_slice %arg19[%dma_wait3A_159, %dma_wait3A_160] : memref<10000x32xf32, #tpu.memory_space<vmem_shared>> -> memref<10000x32xf32, #tpu.memory_space<vmem_shared>>
    tpu.wait_indirect_dma semaphore(%arg28 : memref<!tpu.dma_semaphore, #tpu.memory_space<semaphore_mem>>) src(%dma_wait3A_161 : memref<10000x32xf32, #tpu.memory_space<vmem_shared>>) dst(%arg16 : memref<128x32xf32, #tpu.memory_space<vmem>>)
    %dma_wait3A_162 = arith.constant 159 : i32
    %dma_wait3A_163 = arith.constant 0 : i32
    %dma_wait3A_164 = tpu.memref_slice %arg6[%dma_wait3A_162, %dma_wait3A_163] : memref<160x128xi32, #tpu.memory_space<vmem>> -> memref<1x128xi32, #tpu.memory_space<vmem>>
    %dma_wait3A_165 = tpu.memref_squeeze %dma_wait3A_164 : memref<1x128xi32, #tpu.memory_space<vmem>> -> memref<128xi32, #tpu.memory_space<vmem>>
    %dma_wait3A_166 = arith.constant 0 : i32
    %dma_wait3A_167 = arith.constant 0 : i32
    %dma_wait3A_168 = tpu.memref_slice %arg19[%dma_wait3A_166, %dma_wait3A_167] : memref<10000x32xf32, #tpu.memory_space<vmem_shared>> -> memref<10000x32xf32, #tpu.memory_space<vmem_shared>>
    tpu.wait_indirect_dma semaphore(%arg29 : memref<!tpu.dma_semaphore, #tpu.memory_space<semaphore_mem>>) src(%dma_wait3A_168 : memref<10000x32xf32, #tpu.memory_space<vmem_shared>>) dst(%arg17 : memref<128x32xf32, #tpu.memory_space<vmem>>)
    %barrier3A_169 = arith.constant 0 : index
    tpu.barrier barrier_id(%barrier3A_169)
    "tpu.region"() ({
      %run_scoped3A = tpu.sem_alloc : memref<!tpu.dma_semaphore, #tpu.memory_space<semaphore_mem>>
      %dma_start3A_170 = tpu.memref_slice %arg5[%multiple_of3A, %multiple_of3A_21] : memref<10000x64xf32, #tpu.memory_space<hbm>> -> memref<632x32xf32, #tpu.memory_space<hbm>>
      %dma_start3A_171 = arith.constant 0 : i32
      %dma_start3A_172 = tpu.memref_slice %arg18[%multiple_of3A, %dma_start3A_171] : memref<10128x32xf32, #tpu.memory_space<vmem_shared>> -> memref<632x32xf32, #tpu.memory_space<vmem_shared>>
      tpu.enqueue_dma source(%dma_start3A_172 : memref<632x32xf32, #tpu.memory_space<vmem_shared>>) target(%dma_start3A_170 : memref<632x32xf32, #tpu.memory_space<hbm>>) target_semaphore(%run_scoped3A : memref<!tpu.dma_semaphore, #tpu.memory_space<semaphore_mem>>)
      %dma_wait3A_173 = tpu.memref_slice %arg5[%multiple_of3A, %multiple_of3A_21] : memref<10000x64xf32, #tpu.memory_space<hbm>> -> memref<632x32xf32, #tpu.memory_space<hbm>>
      %dma_wait3A_174 = arith.constant 0 : i32
      %dma_wait3A_175 = tpu.memref_slice %arg18[%multiple_of3A, %dma_wait3A_174] : memref<10128x32xf32, #tpu.memory_space<vmem_shared>> -> memref<632x32xf32, #tpu.memory_space<vmem_shared>>
      tpu.wait_dma2 semaphore(%run_scoped3A : memref<!tpu.dma_semaphore, #tpu.memory_space<semaphore_mem>>) src(%dma_wait3A_175 : memref<632x32xf32, #tpu.memory_space<vmem_shared>>) dst(%dma_wait3A_173 : memref<632x32xf32, #tpu.memory_space<hbm>>)
      tpu.yield
    }) : () -> ()
    return
  }
}

module attributes {stable_mosaic.version = 14 : i64} {
  func.func @_tc1_body(%arg0: memref<2x10000x16xf32, #tpu.memory_space<vmem>>, %arg1: memref<10000x128xf32, #tpu.memory_space<vmem>>, %arg2: memref<128x64xf32, #tpu.memory_space<vmem>>, %arg3: memref<10000x1xf32, #tpu.memory_space<vmem>>, %arg4: memref<10000x64xf32, #tpu.memory_space<vmem>>) attributes {dimension_semantics = [], scalar_prefetch = 0 : i64, scratch_operands = 0 : i64, tpu.core_type = #tpu.core_type<tc>} {
    %get3A = arith.constant 0 : index
    %get3A_0 = arith.constant 0 : index
    %get3A_1 = arith.constant 0 : index
    %get3A_2 = vector.load %arg0[%get3A, %get3A_0, %get3A_1] : memref<2x10000x16xf32, #tpu.memory_space<vmem>>, vector<1x10000x1xf32>
    %get3A_3 = vector.shape_cast %get3A_2 : vector<1x10000x1xf32> to vector<10000x1xf32>
    %add3A = arith.constant 1.000000e+00 : f32
    %add3A_4 = vector.broadcast %add3A : f32 to vector<10000x1xf32>
    %add3A_5 = arith.addf %add3A_4, %get3A_3 : vector<10000x1xf32>
    %get3A_6 = arith.constant 1 : index
    %get3A_7 = arith.constant 0 : index
    %get3A_8 = arith.constant 0 : index
    %get3A_9 = vector.load %arg0[%get3A_6, %get3A_7, %get3A_8] : memref<2x10000x16xf32, #tpu.memory_space<vmem>>, vector<1x10000x1xf32>
    %get3A_10 = vector.shape_cast %get3A_9 : vector<1x10000x1xf32> to vector<10000x1xf32>
    %add3A_11 = arith.addf %add3A_5, %get3A_10 : vector<10000x1xf32>
    %rsqrt3A = math.rsqrt %add3A_11 : vector<10000x1xf32>
    %swap3A = arith.constant 0 : index
    %swap3A_12 = arith.constant 0 : index
    %swap3A_13 = vector.load %arg3[%swap3A, %swap3A_12] : memref<10000x1xf32, #tpu.memory_space<vmem>>, vector<10000x1xf32>
    tpu.vector_store %arg3[%swap3A, %swap3A_12], %rsqrt3A {strides = array<i32>} : memref<10000x1xf32, #tpu.memory_space<vmem>>, vector<10000x1xf32>,
    %get3A_14 = arith.constant 0 : index
    %get3A_15 = arith.constant 0 : index
    %get3A_16 = vector.load %arg1[%get3A_14, %get3A_15] : memref<10000x128xf32, #tpu.memory_space<vmem>>, vector<10000x128xf32>
    %get3A_17 = arith.constant 0 : index
    %get3A_18 = arith.constant 0 : index
    %get3A_19 = vector.load %arg2[%get3A_17, %get3A_18] : memref<128x64xf32, #tpu.memory_space<vmem>>, vector<128x64xf32>
    %dot_general3A = arith.constant dense<0.000000e+00> : vector<10000x64xf32>
    %dot_general3A_20 = tpu.matmul %get3A_16, %get3A_19, %dot_general3A {dimension_numbers = #tpu.dot_dimension_numbers<[1], [0], [0], [1], [0, 0, 1, 1], [], []>, transpose_lhs_hint = false} : vector<10000x128xf32>, vector<128x64xf32>, vector<10000x64xf32> -> vector<10000x64xf32>
    %mul3A = vector.broadcast %rsqrt3A : vector<10000x1xf32> to vector<10000x64xf32>
    %mul3A_21 = arith.mulf %dot_general3A_20, %mul3A : vector<10000x64xf32>
    %swap3A_22 = arith.constant 0 : index
    %swap3A_23 = arith.constant 0 : index
    %swap3A_24 = vector.load %arg4[%swap3A_22, %swap3A_23] : memref<10000x64xf32, #tpu.memory_space<vmem>>, vector<10000x64xf32>
    tpu.vector_store %arg4[%swap3A_22, %swap3A_23], %mul3A_21 {strides = array<i32>} : memref<10000x64xf32, #tpu.memory_space<vmem>>, vector<10000x64xf32>,
    return
  }
}

module attributes {stable_mosaic.version = 14 : i64} {
  func.func @_tc2_body(%arg0: memref<10000x64xf32, #tpu.memory_space<vmem>>, %arg1: memref<10000x64xf32, #tpu.memory_space<vmem>>, %arg2: memref<10000x1xf32, #tpu.memory_space<vmem>>, %arg3: memref<64xf32, #tpu.memory_space<vmem>>, %arg4: memref<64xf32, #tpu.memory_space<vmem>>, %arg5: memref<64xf32, #tpu.memory_space<vmem>>, %arg6: memref<64x64xf32, #tpu.memory_space<vmem>>, %arg7: memref<10000x64xf32, #tpu.memory_space<vmem>>, %arg8: memref<10000x64xf32, #tpu.memory_space<vmem>>) attributes {dimension_semantics = [], scalar_prefetch = 0 : i64, scratch_operands = 0 : i64, tpu.core_type = #tpu.core_type<tc>} {
    %get3A = arith.constant 0 : index
    %get3A_0 = arith.constant 0 : index
    %get3A_1 = vector.load %arg2[%get3A, %get3A_0] : memref<10000x1xf32, #tpu.memory_space<vmem>>, vector<10000x1xf32>
    %get3A_2 = arith.constant 0 : index
    %get3A_3 = arith.constant 0 : index
    %get3A_4 = vector.load %arg0[%get3A_2, %get3A_3] : memref<10000x64xf32, #tpu.memory_space<vmem>>, vector<10000x64xf32>
    %mul3A = vector.broadcast %get3A_1 : vector<10000x1xf32> to vector<10000x64xf32>
    %mul3A_5 = arith.mulf %mul3A, %get3A_4 : vector<10000x64xf32>
    %get3A_6 = arith.constant 0 : index
    %get3A_7 = vector.load %arg3[%get3A_6] : memref<64xf32, #tpu.memory_space<vmem>>, vector<64xf32>
    %broadcast_in_dim3A = vector.shape_cast %get3A_7 : vector<64xf32> to vector<1x64xf32>
    %add3A = vector.broadcast %broadcast_in_dim3A : vector<1x64xf32> to vector<10000x64xf32>
    %add3A_8 = arith.addf %mul3A_5, %add3A : vector<10000x64xf32>
    %get3A_9 = arith.constant 0 : index
    %get3A_10 = vector.load %arg4[%get3A_9] : memref<64xf32, #tpu.memory_space<vmem>>, vector<64xf32>
    %get3A_11 = arith.constant 0 : index
    %get3A_12 = vector.load %arg5[%get3A_11] : memref<64xf32, #tpu.memory_space<vmem>>, vector<64xf32>
    %reduce_sum3A = arith.constant dense<0.000000e+00> : vector<64xf32>
    %reduce_sum3A_13 = vector.multi_reduction <add>, %add3A_8, %reduce_sum3A [0] : vector<10000x64xf32> to vector<64xf32>
    %broadcast_in_dim3A_14 = vector.shape_cast %reduce_sum3A_13 : vector<64xf32> to vector<1x64xf32>
    %div3A = arith.constant 1.000000e+04 : f32
    %div3A_15 = vector.broadcast %div3A : f32 to vector<1x64xf32>
    %div3A_16 = arith.divf %broadcast_in_dim3A_14, %div3A_15 : vector<1x64xf32>
    %sub3A = vector.broadcast %div3A_16 : vector<1x64xf32> to vector<10000x64xf32>
    %sub3A_17 = arith.subf %add3A_8, %sub3A : vector<10000x64xf32>
    %integer_pow3A = arith.mulf %sub3A_17, %sub3A_17 : vector<10000x64xf32>
    %reduce_sum3A_18 = arith.constant dense<0.000000e+00> : vector<64xf32>
    %reduce_sum3A_19 = vector.multi_reduction <add>, %integer_pow3A, %reduce_sum3A_18 [0] : vector<10000x64xf32> to vector<64xf32>
    %broadcast_in_dim3A_20 = vector.shape_cast %reduce_sum3A_19 : vector<64xf32> to vector<1x64xf32>
    %div3A_21 = arith.constant 1.000000e+04 : f32
    %div3A_22 = vector.broadcast %div3A_21 : f32 to vector<1x64xf32>
    %div3A_23 = arith.divf %broadcast_in_dim3A_20, %div3A_22 : vector<1x64xf32>
    %sub3A_24 = vector.broadcast %div3A_16 : vector<1x64xf32> to vector<10000x64xf32>
    %sub3A_25 = arith.subf %add3A_8, %sub3A_24 : vector<10000x64xf32>
    %add3A_26 = arith.constant 9.99999974E-6 : f32
    %add3A_27 = vector.broadcast %add3A_26 : f32 to vector<1x64xf32>
    %add3A_28 = arith.addf %div3A_23, %add3A_27 : vector<1x64xf32>
    %sqrt3A = math.sqrt %add3A_28 : vector<1x64xf32>
    %div3A_29 = vector.broadcast %sqrt3A : vector<1x64xf32> to vector<10000x64xf32>
    %div3A_30 = arith.divf %sub3A_25, %div3A_29 : vector<10000x64xf32>
    %broadcast_in_dim3A_31 = vector.shape_cast %get3A_10 : vector<64xf32> to vector<1x64xf32>
    %mul3A_32 = vector.broadcast %broadcast_in_dim3A_31 : vector<1x64xf32> to vector<10000x64xf32>
    %mul3A_33 = arith.mulf %div3A_30, %mul3A_32 : vector<10000x64xf32>
    %broadcast_in_dim3A_34 = vector.shape_cast %get3A_12 : vector<64xf32> to vector<1x64xf32>
    %add3A_35 = vector.broadcast %broadcast_in_dim3A_34 : vector<1x64xf32> to vector<10000x64xf32>
    %add3A_36 = arith.addf %mul3A_33, %add3A_35 : vector<10000x64xf32>
    %max3A = arith.constant 0.000000e+00 : f32
    %max3A_37 = vector.broadcast %max3A : f32 to vector<10000x64xf32>
    %max3A_38 = arith.maximumf %add3A_36, %max3A_37 : vector<10000x64xf32>
    %swap3A = arith.constant 0 : index
    %swap3A_39 = arith.constant 0 : index
    %swap3A_40 = vector.load %arg7[%swap3A, %swap3A_39] : memref<10000x64xf32, #tpu.memory_space<vmem>>, vector<10000x64xf32>
    tpu.vector_store %arg7[%swap3A, %swap3A_39], %max3A_38 {strides = array<i32>} : memref<10000x64xf32, #tpu.memory_space<vmem>>, vector<10000x64xf32>,
    %get3A_41 = arith.constant 0 : index
    %get3A_42 = arith.constant 0 : index
    %get3A_43 = vector.load %arg6[%get3A_41, %get3A_42] : memref<64x64xf32, #tpu.memory_space<vmem>>, vector<64x64xf32>
    %dot_general3A = arith.constant dense<0.000000e+00> : vector<10000x64xf32>
    %dot_general3A_44 = tpu.matmul %max3A_38, %get3A_43, %dot_general3A {dimension_numbers = #tpu.dot_dimension_numbers<[1], [0], [0], [1], [0, 0, 1, 1], [], []>, transpose_lhs_hint = false} : vector<10000x64xf32>, vector<64x64xf32>, vector<10000x64xf32> -> vector<10000x64xf32>
    %mul3A_45 = vector.broadcast %get3A_1 : vector<10000x1xf32> to vector<10000x64xf32>
    %mul3A_46 = arith.mulf %dot_general3A_44, %mul3A_45 : vector<10000x64xf32>
    %swap3A_47 = arith.constant 0 : index
    %swap3A_48 = arith.constant 0 : index
    %swap3A_49 = vector.load %arg8[%swap3A_47, %swap3A_48] : memref<10000x64xf32, #tpu.memory_space<vmem>>, vector<10000x64xf32>
    tpu.vector_store %arg8[%swap3A_47, %swap3A_48], %mul3A_46 {strides = array<i32>} : memref<10000x64xf32, #tpu.memory_space<vmem>>, vector<10000x64xf32>,
    return
  }
}

module attributes {stable_mosaic.version = 14 : i64} {
  func.func @_tc3_body(%arg0: memref<10000x64xf32, #tpu.memory_space<vmem>>, %arg1: memref<10000x64xf32, #tpu.memory_space<vmem>>, %arg2: memref<10000x1xf32, #tpu.memory_space<vmem>>, %arg3: memref<64xf32, #tpu.memory_space<vmem>>, %arg4: memref<64xf32, #tpu.memory_space<vmem>>, %arg5: memref<64xf32, #tpu.memory_space<vmem>>, %arg6: memref<10000x64xf32, #tpu.memory_space<vmem>>, %arg7: memref<64x64xf32, #tpu.memory_space<vmem>>, %arg8: memref<10000x64xf32, #tpu.memory_space<vmem>>) attributes {dimension_semantics = [], scalar_prefetch = 0 : i64, scratch_operands = 0 : i64, tpu.core_type = #tpu.core_type<tc>} {
    %get3A = arith.constant 0 : index
    %get3A_0 = arith.constant 0 : index
    %get3A_1 = vector.load %arg2[%get3A, %get3A_0] : memref<10000x1xf32, #tpu.memory_space<vmem>>, vector<10000x1xf32>
    %get3A_2 = arith.constant 0 : index
    %get3A_3 = arith.constant 0 : index
    %get3A_4 = vector.load %arg0[%get3A_2, %get3A_3] : memref<10000x64xf32, #tpu.memory_space<vmem>>, vector<10000x64xf32>
    %mul3A = vector.broadcast %get3A_1 : vector<10000x1xf32> to vector<10000x64xf32>
    %mul3A_5 = arith.mulf %mul3A, %get3A_4 : vector<10000x64xf32>
    %get3A_6 = arith.constant 0 : index
    %get3A_7 = vector.load %arg3[%get3A_6] : memref<64xf32, #tpu.memory_space<vmem>>, vector<64xf32>
    %broadcast_in_dim3A = vector.shape_cast %get3A_7 : vector<64xf32> to vector<1x64xf32>
    %add3A = vector.broadcast %broadcast_in_dim3A : vector<1x64xf32> to vector<10000x64xf32>
    %add3A_8 = arith.addf %mul3A_5, %add3A : vector<10000x64xf32>
    %get3A_9 = arith.constant 0 : index
    %get3A_10 = vector.load %arg4[%get3A_9] : memref<64xf32, #tpu.memory_space<vmem>>, vector<64xf32>
    %get3A_11 = arith.constant 0 : index
    %get3A_12 = vector.load %arg5[%get3A_11] : memref<64xf32, #tpu.memory_space<vmem>>, vector<64xf32>
    %reduce_sum3A = arith.constant dense<0.000000e+00> : vector<64xf32>
    %reduce_sum3A_13 = vector.multi_reduction <add>, %add3A_8, %reduce_sum3A [0] : vector<10000x64xf32> to vector<64xf32>
    %broadcast_in_dim3A_14 = vector.shape_cast %reduce_sum3A_13 : vector<64xf32> to vector<1x64xf32>
    %div3A = arith.constant 1.000000e+04 : f32
    %div3A_15 = vector.broadcast %div3A : f32 to vector<1x64xf32>
    %div3A_16 = arith.divf %broadcast_in_dim3A_14, %div3A_15 : vector<1x64xf32>
    %sub3A = vector.broadcast %div3A_16 : vector<1x64xf32> to vector<10000x64xf32>
    %sub3A_17 = arith.subf %add3A_8, %sub3A : vector<10000x64xf32>
    %integer_pow3A = arith.mulf %sub3A_17, %sub3A_17 : vector<10000x64xf32>
    %reduce_sum3A_18 = arith.constant dense<0.000000e+00> : vector<64xf32>
    %reduce_sum3A_19 = vector.multi_reduction <add>, %integer_pow3A, %reduce_sum3A_18 [0] : vector<10000x64xf32> to vector<64xf32>
    %broadcast_in_dim3A_20 = vector.shape_cast %reduce_sum3A_19 : vector<64xf32> to vector<1x64xf32>
    %div3A_21 = arith.constant 1.000000e+04 : f32
    %div3A_22 = vector.broadcast %div3A_21 : f32 to vector<1x64xf32>
    %div3A_23 = arith.divf %broadcast_in_dim3A_20, %div3A_22 : vector<1x64xf32>
    %sub3A_24 = vector.broadcast %div3A_16 : vector<1x64xf32> to vector<10000x64xf32>
    %sub3A_25 = arith.subf %add3A_8, %sub3A_24 : vector<10000x64xf32>
    %add3A_26 = arith.constant 9.99999974E-6 : f32
    %add3A_27 = vector.broadcast %add3A_26 : f32 to vector<1x64xf32>
    %add3A_28 = arith.addf %div3A_23, %add3A_27 : vector<1x64xf32>
    %sqrt3A = math.sqrt %add3A_28 : vector<1x64xf32>
    %div3A_29 = vector.broadcast %sqrt3A : vector<1x64xf32> to vector<10000x64xf32>
    %div3A_30 = arith.divf %sub3A_25, %div3A_29 : vector<10000x64xf32>
    %broadcast_in_dim3A_31 = vector.shape_cast %get3A_10 : vector<64xf32> to vector<1x64xf32>
    %mul3A_32 = vector.broadcast %broadcast_in_dim3A_31 : vector<1x64xf32> to vector<10000x64xf32>
    %mul3A_33 = arith.mulf %div3A_30, %mul3A_32 : vector<10000x64xf32>
    %broadcast_in_dim3A_34 = vector.shape_cast %get3A_12 : vector<64xf32> to vector<1x64xf32>
    %add3A_35 = vector.broadcast %broadcast_in_dim3A_34 : vector<1x64xf32> to vector<10000x64xf32>
    %add3A_36 = arith.addf %mul3A_33, %add3A_35 : vector<10000x64xf32>
    %get3A_37 = arith.constant 0 : index
    %get3A_38 = arith.constant 0 : index
    %get3A_39 = vector.load %arg6[%get3A_37, %get3A_38] : memref<10000x64xf32, #tpu.memory_space<vmem>>, vector<10000x64xf32>
    %add3A_40 = arith.addf %add3A_36, %get3A_39 : vector<10000x64xf32>
    %max3A = arith.constant 0.000000e+00 : f32
    %max3A_41 = vector.broadcast %max3A : f32 to vector<10000x64xf32>
    %max3A_42 = arith.maximumf %add3A_40, %max3A_41 : vector<10000x64xf32>
    %get3A_43 = arith.constant 0 : index
    %get3A_44 = arith.constant 0 : index
    %get3A_45 = vector.load %arg7[%get3A_43, %get3A_44] : memref<64x64xf32, #tpu.memory_space<vmem>>, vector<64x64xf32>
    %dot_general3A = arith.constant dense<0.000000e+00> : vector<10000x64xf32>
    %dot_general3A_46 = tpu.matmul %max3A_42, %get3A_45, %dot_general3A {dimension_numbers = #tpu.dot_dimension_numbers<[1], [0], [0], [1], [0, 0, 1, 1], [], []>, transpose_lhs_hint = false} : vector<10000x64xf32>, vector<64x64xf32>, vector<10000x64xf32> -> vector<10000x64xf32>
    %mul3A_47 = vector.broadcast %get3A_1 : vector<10000x1xf32> to vector<10000x64xf32>
    %mul3A_48 = arith.mulf %dot_general3A_46, %mul3A_47 : vector<10000x64xf32>
    %swap3A = arith.constant 0 : index
    %swap3A_49 = arith.constant 0 : index
    %swap3A_50 = vector.load %arg8[%swap3A, %swap3A_49] : memref<10000x64xf32, #tpu.memory_space<vmem>>, vector<10000x64xf32>
    tpu.vector_store %arg8[%swap3A, %swap3A_49], %mul3A_48 {strides = array<i32>} : memref<10000x64xf32, #tpu.memory_space<vmem>>, vector<10000x64xf32>,
    return
  }
}

module attributes {stable_mosaic.version = 14 : i64} {
  func.func @_tc4_body(%arg0: memref<10000x64xf32, #tpu.memory_space<vmem>>, %arg1: memref<10000x64xf32, #tpu.memory_space<vmem>>, %arg2: memref<10000x1xf32, #tpu.memory_space<vmem>>, %arg3: memref<64xf32, #tpu.memory_space<vmem>>, %arg4: memref<64xf32, #tpu.memory_space<vmem>>, %arg5: memref<64xf32, #tpu.memory_space<vmem>>, %arg6: memref<1x10000xi32, #tpu.memory_space<vmem>>, %arg7: memref<16x128xf32, #tpu.memory_space<vmem>>, %arg8: memref<128x128xf32, #tpu.memory_space<vmem>>, %arg9: memref<128xf32, #tpu.memory_space<vmem>>, %arg10: memref<128x64xf32, #tpu.memory_space<vmem>>, %arg11: memref<64xf32, #tpu.memory_space<vmem>>, %arg12: memref<128x1xf32, #tpu.memory_space<vmem>>, %arg13: memref<1xf32, #tpu.memory_space<vmem>>, %arg14: memref<16x1xf32, #tpu.memory_space<vmem>>) attributes {dimension_semantics = [], scalar_prefetch = 0 : i64, scratch_operands = 0 : i64, tpu.core_type = #tpu.core_type<tc>} {
    %get3A = arith.constant 0 : index
    %get3A_0 = arith.constant 0 : index
    %get3A_1 = vector.load %arg2[%get3A, %get3A_0] : memref<10000x1xf32, #tpu.memory_space<vmem>>, vector<10000x1xf32>
    %get3A_2 = arith.constant 0 : index
    %get3A_3 = arith.constant 0 : index
    %get3A_4 = vector.load %arg0[%get3A_2, %get3A_3] : memref<10000x64xf32, #tpu.memory_space<vmem>>, vector<10000x64xf32>
    %mul3A = vector.broadcast %get3A_1 : vector<10000x1xf32> to vector<10000x64xf32>
    %mul3A_5 = arith.mulf %mul3A, %get3A_4 : vector<10000x64xf32>
    %get3A_6 = arith.constant 0 : index
    %get3A_7 = vector.load %arg3[%get3A_6] : memref<64xf32, #tpu.memory_space<vmem>>, vector<64xf32>
    %broadcast_in_dim3A = vector.shape_cast %get3A_7 : vector<64xf32> to vector<1x64xf32>
    %add3A = vector.broadcast %broadcast_in_dim3A : vector<1x64xf32> to vector<10000x64xf32>
    %add3A_8 = arith.addf %mul3A_5, %add3A : vector<10000x64xf32>
    %get3A_9 = arith.constant 0 : index
    %get3A_10 = vector.load %arg4[%get3A_9] : memref<64xf32, #tpu.memory_space<vmem>>, vector<64xf32>
    %get3A_11 = arith.constant 0 : index
    %get3A_12 = vector.load %arg5[%get3A_11] : memref<64xf32, #tpu.memory_space<vmem>>, vector<64xf32>
    %reduce_sum3A = arith.constant dense<0.000000e+00> : vector<64xf32>
    %reduce_sum3A_13 = vector.multi_reduction <add>, %add3A_8, %reduce_sum3A [0] : vector<10000x64xf32> to vector<64xf32>
    %broadcast_in_dim3A_14 = vector.shape_cast %reduce_sum3A_13 : vector<64xf32> to vector<1x64xf32>
    %div3A = arith.constant 1.000000e+04 : f32
    %div3A_15 = vector.broadcast %div3A : f32 to vector<1x64xf32>
    %div3A_16 = arith.divf %broadcast_in_dim3A_14, %div3A_15 : vector<1x64xf32>
    %sub3A = vector.broadcast %div3A_16 : vector<1x64xf32> to vector<10000x64xf32>
    %sub3A_17 = arith.subf %add3A_8, %sub3A : vector<10000x64xf32>
    %integer_pow3A = arith.mulf %sub3A_17, %sub3A_17 : vector<10000x64xf32>
    %reduce_sum3A_18 = arith.constant dense<0.000000e+00> : vector<64xf32>
    %reduce_sum3A_19 = vector.multi_reduction <add>, %integer_pow3A, %reduce_sum3A_18 [0] : vector<10000x64xf32> to vector<64xf32>
    %broadcast_in_dim3A_20 = vector.shape_cast %reduce_sum3A_19 : vector<64xf32> to vector<1x64xf32>
    %div3A_21 = arith.constant 1.000000e+04 : f32
    %div3A_22 = vector.broadcast %div3A_21 : f32 to vector<1x64xf32>
    %div3A_23 = arith.divf %broadcast_in_dim3A_20, %div3A_22 : vector<1x64xf32>
    %sub3A_24 = vector.broadcast %div3A_16 : vector<1x64xf32> to vector<10000x64xf32>
    %sub3A_25 = arith.subf %add3A_8, %sub3A_24 : vector<10000x64xf32>
    %add3A_26 = arith.constant 9.99999974E-6 : f32
    %add3A_27 = vector.broadcast %add3A_26 : f32 to vector<1x64xf32>
    %add3A_28 = arith.addf %div3A_23, %add3A_27 : vector<1x64xf32>
    %sqrt3A = math.sqrt %add3A_28 : vector<1x64xf32>
    %div3A_29 = vector.broadcast %sqrt3A : vector<1x64xf32> to vector<10000x64xf32>
    %div3A_30 = arith.divf %sub3A_25, %div3A_29 : vector<10000x64xf32>
    %broadcast_in_dim3A_31 = vector.shape_cast %get3A_10 : vector<64xf32> to vector<1x64xf32>
    %mul3A_32 = vector.broadcast %broadcast_in_dim3A_31 : vector<1x64xf32> to vector<10000x64xf32>
    %mul3A_33 = arith.mulf %div3A_30, %mul3A_32 : vector<10000x64xf32>
    %broadcast_in_dim3A_34 = vector.shape_cast %get3A_12 : vector<64xf32> to vector<1x64xf32>
    %add3A_35 = vector.broadcast %broadcast_in_dim3A_34 : vector<1x64xf32> to vector<10000x64xf32>
    %add3A_36 = arith.addf %mul3A_33, %add3A_35 : vector<10000x64xf32>
    %max3A = arith.constant 0.000000e+00 : f32
    %max3A_37 = vector.broadcast %max3A : f32 to vector<10000x64xf32>
    %max3A_38 = arith.maximumf %add3A_36, %max3A_37 : vector<10000x64xf32>
    %iota3A = tpu.iota {dimensions = array<i32: 0>} : vector<16x10000xi32>
    %get3A_39 = arith.constant 0 : index
    %get3A_40 = arith.constant 0 : index
    %get3A_41 = vector.load %arg6[%get3A_39, %get3A_40] : memref<1x10000xi32, #tpu.memory_space<vmem>>, vector<1x10000xi32>
    %eq3A = vector.broadcast %get3A_41 : vector<1x10000xi32> to vector<16x10000xi32>
    %eq3A_42 = arith.cmpi eq, %iota3A, %eq3A : vector<16x10000xi32>
    %convert_element_type3A = arith.extui %eq3A_42 : vector<16x10000xi1> to vector<16x10000xi32>
    %convert_element_type3A_43 = arith.sitofp %convert_element_type3A : vector<16x10000xi32> to vector<16x10000xf32>
    %dot_general3A = arith.constant dense<0.000000e+00> : vector<16x64xf32>
    %dot_general3A_44 = tpu.matmul %convert_element_type3A_43, %max3A_38, %dot_general3A {dimension_numbers = #tpu.dot_dimension_numbers<[1], [0], [0], [1], [0, 0, 1, 1], [], []>, precision = #tpu.contract_precision<fp32>, transpose_lhs_hint = false} : vector<16x10000xf32>, vector<10000x64xf32>, vector<16x64xf32> -> vector<16x64xf32>
    %reduce_sum3A_45 = arith.constant dense<0.000000e+00> : vector<16xf32>
    %reduce_sum3A_46 = vector.multi_reduction <add>, %convert_element_type3A_43, %reduce_sum3A_45 [1] : vector<16x10000xf32> to vector<16xf32>
    %broadcast_in_dim3A_47 = vector.shape_cast %reduce_sum3A_46 : vector<16xf32> to vector<16x1xf32>
    %max3A_48 = arith.constant 1.000000e+00 : f32
    %max3A_49 = vector.broadcast %max3A_48 : f32 to vector<16x1xf32>
    %max3A_50 = arith.maximumf %broadcast_in_dim3A_47, %max3A_49 : vector<16x1xf32>
    %div3A_51 = vector.broadcast %max3A_50 : vector<16x1xf32> to vector<16x64xf32>
    %div3A_52 = arith.divf %dot_general3A_44, %div3A_51 : vector<16x64xf32>
    %get3A_53 = arith.constant 0 : index
    %get3A_54 = arith.constant 0 : index
    %get3A_55 = vector.load %arg7[%get3A_53, %get3A_54] : memref<16x128xf32, #tpu.memory_space<vmem>>, vector<16x128xf32>
    %get3A_56 = arith.constant 0 : index
    %get3A_57 = arith.constant 0 : index
    %get3A_58 = vector.load %arg8[%get3A_56, %get3A_57] : memref<128x128xf32, #tpu.memory_space<vmem>>, vector<128x128xf32>
    %dot_general3A_59 = arith.constant dense<0.000000e+00> : vector<16x128xf32>
    %dot_general3A_60 = tpu.matmul %get3A_55, %get3A_58, %dot_general3A_59 {dimension_numbers = #tpu.dot_dimension_numbers<[1], [0], [0], [1], [0, 0, 1, 1], [], []>, transpose_lhs_hint = false} : vector<16x128xf32>, vector<128x128xf32>, vector<16x128xf32> -> vector<16x128xf32>
    %get3A_61 = arith.constant 0 : index
    %get3A_62 = vector.load %arg9[%get3A_61] : memref<128xf32, #tpu.memory_space<vmem>>, vector<128xf32>
    %broadcast_in_dim3A_63 = vector.shape_cast %get3A_62 : vector<128xf32> to vector<1x128xf32>
    %add3A_64 = vector.broadcast %broadcast_in_dim3A_63 : vector<1x128xf32> to vector<16x128xf32>
    %add3A_65 = arith.addf %dot_general3A_60, %add3A_64 : vector<16x128xf32>
    %max3A_66 = arith.constant 0.000000e+00 : f32
    %max3A_67 = vector.broadcast %max3A_66 : f32 to vector<16x128xf32>
    %max3A_68 = arith.maximumf %add3A_65, %max3A_67 : vector<16x128xf32>
    %get3A_69 = arith.constant 0 : index
    %get3A_70 = arith.constant 0 : index
    %get3A_71 = vector.load %arg10[%get3A_69, %get3A_70] : memref<128x64xf32, #tpu.memory_space<vmem>>, vector<128x64xf32>
    %dot_general3A_72 = arith.constant dense<0.000000e+00> : vector<16x64xf32>
    %dot_general3A_73 = tpu.matmul %max3A_68, %get3A_71, %dot_general3A_72 {dimension_numbers = #tpu.dot_dimension_numbers<[1], [0], [0], [1], [0, 0, 1, 1], [], []>, transpose_lhs_hint = false} : vector<16x128xf32>, vector<128x64xf32>, vector<16x64xf32> -> vector<16x64xf32>
    %get3A_74 = arith.constant 0 : index
    %get3A_75 = vector.load %arg11[%get3A_74] : memref<64xf32, #tpu.memory_space<vmem>>, vector<64xf32>
    %broadcast_in_dim3A_76 = vector.shape_cast %get3A_75 : vector<64xf32> to vector<1x64xf32>
    %add3A_77 = vector.broadcast %broadcast_in_dim3A_76 : vector<1x64xf32> to vector<16x64xf32>
    %add3A_78 = arith.addf %dot_general3A_73, %add3A_77 : vector<16x64xf32>
    %max3A_79 = arith.constant 0.000000e+00 : f32
    %max3A_80 = vector.broadcast %max3A_79 : f32 to vector<16x64xf32>
    %max3A_81 = arith.maximumf %add3A_78, %max3A_80 : vector<16x64xf32>
    %get3A_82 = arith.constant 0 : index
    %get3A_83 = arith.constant 0 : index
    %get3A_84 = vector.load %arg12[%get3A_82, %get3A_83] : memref<128x1xf32, #tpu.memory_space<vmem>>, vector<64x1xf32>
    %dot_general3A_85 = arith.constant dense<0.000000e+00> : vector<16x1xf32>
    %dot_general3A_86 = tpu.matmul %div3A_52, %get3A_84, %dot_general3A_85 {dimension_numbers = #tpu.dot_dimension_numbers<[1], [0], [0], [1], [0, 0, 1, 1], [], []>, transpose_lhs_hint = false} : vector<16x64xf32>, vector<64x1xf32>, vector<16x1xf32> -> vector<16x1xf32>
    %get3A_87 = arith.constant 64 : index
    %get3A_88 = arith.constant 0 : index
    %get3A_89 = vector.load %arg12[%get3A_87, %get3A_88] : memref<128x1xf32, #tpu.memory_space<vmem>>, vector<64x1xf32>
    %dot_general3A_90 = arith.constant dense<0.000000e+00> : vector<16x1xf32>
    %dot_general3A_91 = tpu.matmul %max3A_81, %get3A_89, %dot_general3A_90 {dimension_numbers = #tpu.dot_dimension_numbers<[1], [0], [0], [1], [0, 0, 1, 1], [], []>, transpose_lhs_hint = false} : vector<16x64xf32>, vector<64x1xf32>, vector<16x1xf32> -> vector<16x1xf32>
    %add3A_92 = arith.addf %dot_general3A_86, %dot_general3A_91 : vector<16x1xf32>
    %get3A_93 = arith.constant 0 : index
    %get3A_94 = vector.load %arg13[%get3A_93] : memref<1xf32, #tpu.memory_space<vmem>>, vector<1xf32>
    %broadcast_in_dim3A_95 = vector.shape_cast %get3A_94 : vector<1xf32> to vector<1x1xf32>
    %add3A_96 = vector.broadcast %broadcast_in_dim3A_95 : vector<1x1xf32> to vector<16x1xf32>
    %add3A_97 = arith.addf %add3A_92, %add3A_96 : vector<16x1xf32>
    %swap3A = arith.constant 0 : index
    %swap3A_98 = arith.constant 0 : index
    %swap3A_99 = vector.load %arg14[%swap3A, %swap3A_98] : memref<16x1xf32, #tpu.memory_space<vmem>>, vector<16x1xf32>
    tpu.vector_store %arg14[%swap3A, %swap3A_98], %add3A_97 {strides = array<i32>} : memref<16x1xf32, #tpu.memory_space<vmem>>, vector<16x1xf32>,
    return
  }
}

</mosaic_0001>

<sc_bundles>
// kernel: kernel.10.cloned.1.call-start
scs
__scs_entry_jumppad:
0x0: {  	(pc) =	sbr.rel $0x88, $3  }
0x1: {  	(tag) =	ssettag $0x0;
	lr =	simm.s32 $0x1  }
0x2: {  	[smem:$0x3F8B] =	sst lr;
	_ =	strace $0xD0000000  }
0x3: {  	_ = 	snop  }
0x4: {  	_ = 	snop  }
0x5: {  	_ = 	snop  }
0x6: {  	_ = 	snop  }
0x7: {  	_ = 	snop  }
__scs_overlays_trampoline_lowered:
0x8: {  	[smem:$0x3F9A] =	sst s0  }
0x9: {  	[smem:$0x3F9B] =	sst s1  }
0xa: {  	[smem:$0x3F9C] =	sst s2  }
0xb: {  	[smem:$0x3F9D] =	sst s3  }
0xc: {  	[smem:$0x3F9E] =	sst s4  }
0xd: {  	[smem:$0x3F9F] =	sst s5  }
0xe: {  	[smem:$0x3FA0] =	sst s6  }
0xf: {  	[smem:$0x3FA1] =	sst s7  }
0x10: {  	[smem:$0x3FA2] =	sst s8  }
0x11: {  	[smem:$0x3FA3] =	sst s9;
	s0 =	simm.s32 @!p0 $0x0  }
0x12: {  	s1 =	sld [smem:$0x3F89];
	s0 =	simm.s32 @p0 $0x1  }
0x13: {  	[smem:$0x3FA4] =	sst s0;
	s0 =	simm.s32 @!p1 $0x0  }
0x14: {  	s2 =	sld [smem:$0x3F88];
	s0 =	simm.s32 @p1 $0x1  }
0x15: {  	[smem:$0x3FA5] =	sst s0;
	s0 =	simm.s32 @!p2 $0x0  }
0x16: {  	s3 =	sld [smem:$0x3FDB];
	s0 =	simm.s32 @p2 $0x1  }
0x17: {  	s4 =	simm.s32 $0x1BF5;
	[smem:$0x3FA7] =	sst s0  }
0x18: {  	s0 =	sld [smem:$0x3F8A];
	_ =	swait.ge [sflag:s4], $0x0  }
0x19: {  	s7 =	sld [smem:$0x3F8B]  }
0x1a: {  	s8 =	sadd.s32 $0xFFFFE003, lr  }
0x1b: {  	s9 =	sadd.s32 $0xFFFFFEF7, lr;
	s5 =	simm.s32 $0xFFFFFFFF;
	p2 =	slt.u32 s8, $0xFFFFF086  }
0x1c: {  	p1 =	slt.u32 s9, $0xF7A;
	s5 =	simm.s32 @!p2 $0x0  }
0x1d: {  	s5 =	simm.s32 @p1 $0x1;
	p0 =	seq.s32 s7, s2  }
0x1e: {  	s7 =	smul.u32 @!p0 $0xF7A, s2;
	p2 =	seq.s32 @!p0 s5, $0x0  }
0x1f: {  	s9 =	smul.u32 $0xF7A, s1;
	s8 =	simm.s32 @!p0 $0x1BF5;
	p2 =	por !p2, p0  }
0x20: {  	[sflag:s8] =	ssyncset.s32 @!p0 $0xFFFFF086;
	s6 =	sadd.s32 @!p0 s3, s7;
	s7 =	simm.s32 @!p0 $0x108  }
0x21: {  	s3 =	sadd.s32 s3, s9;
	s6 =	sadd.s32 @!p0 $0x88, s6;
	s7 =	simm.s32 @p2 $0x1082  }
0x22: {  	[simem:s7], [sflag:s8] =	dma.local @!p0 [hbm:s6], $0xF7A  }
0x23: {  	s9 =	sor.u32 $0xD0000000, s2;
	s6 =	simm.s32 $0x108;
	_ =	swait.ge @!p0 [sflag:s8], $0x0  }
0x24: {  	s3 =	sadd.s32 $0x88, s3;
	s6 =	simm.s32 @!p1 $0x1082;
	[sflag:s4] =	ssyncset.s32 $0xFFFFF086  }
0x25: {  	[simem:s6], [sflag:s4] =	dma.local [hbm:s3], $0xF7A  }
0x26: {  	[smem:$0x3F8B] =	sst s1;
	(tag) =	ssettag s2;
	_ =	strace s9  }
0x27: {  	s1 =	sld [smem:$0x3F9B]  }
0x28: {  	s2 =	sld [smem:$0x3F9C]  }
0x29: {  	s4 =	sld [smem:$0x3F9E]  }
0x2a: {  	p0 =	seq.s32 s5, $0x0;
	s5 =	sld [smem:$0x3F9F]  }
0x2b: {  	s6 =	sld [smem:$0x3FA0]  }
0x2c: {  	s7 =	sld [smem:$0x3FA1]  }
0x2d: {  	s3 =	simm.s32 $0x108;
	s8 =	sld [smem:$0x3FA2]  }
0x2e: {  	s3 =	simm.s32 @!p0 $0x1082;
	s9 =	sld [smem:$0x3FA3]  }
0x2f: {  	lr =	sadd.s32 s0, s3;
	s0 =	sld [smem:$0x3F9A]  }
0x30: {  	s3 =	sld [smem:$0x3F9D]  }
0x31: {  	[smem:$0x3FA6] =	sst s10  }
0x32: {  	s10 =	sld [smem:$0x3FA4];
	_ =	sdelay $0x3  }
0x33: {  	p0 =	seq.s32 s10, $0x1;
	s10 =	sld [smem:$0x3FA6];
	_ =	sdelay $0x3  }
0x34: {  	[smem:$0x3FA6] =	sst s10  }
0x35: {  	s10 =	sld [smem:$0x3FA5];
	_ =	sdelay $0x3  }
0x36: {  	p1 =	seq.s32 s10, $0x1;
	s10 =	sld [smem:$0x3FA6];
	_ =	sdelay $0x3  }
0x37: {  	[smem:$0x3FA6] =	sst s10  }
0x38: {  	s10 =	sld [smem:$0x3FA7]  }
0x39: {  	_ = 	snop;
	(pc) =	sbr.ind lr, $3  }
0x3a: {  	_ = 	snop  }
0x3b: {  	_ = 	snop  }
0x3c: {  	p2 =	seq.s32 s10, $0x1;
	s10 =	sld [smem:$0x3FA6]  }
0x3d: {  	_ =	shalt  }
0x3e: {  	_ =	shalt  }
0x3f: {  	_ =	shalt  }
0x40: {  	_ =	shalt  }
0x41: {  	_ =	shalt  }
0x42: {  	_ =	shalt  }
0x43: {  	_ =	shalt  }
0x44: {  	_ =	shalt  }
0x45: {  	_ =	shalt  }
0x46: {  	_ =	shalt  }
0x47: {  	_ =	shalt  }
0x48: {  	_ =	shalt  }
0x49: {  	_ =	shalt  }
0x4a: {  	_ =	shalt  }
0x4b: {  	_ =	shalt  }
0x4c: {  	_ =	shalt  }
0x4d: {  	_ =	shalt  }
0x4e: {  	_ =	shalt  }
0x4f: {  	_ =	shalt  }
0x50: {  	_ =	shalt  }
0x51: {  	_ =	shalt  }
0x52: {  	_ =	shalt  }
0x53: {  	_ =	shalt  }
0x54: {  	_ =	shalt  }
0x55: {  	_ =	shalt  }
0x56: {  	_ =	shalt  }
0x57: {  	_ =	shalt  }
0x58: {  	_ =	shalt  }
0x59: {  	_ =	shalt  }
0x5a: {  	_ =	shalt  }
0x5b: {  	_ =	shalt  }
0x5c: {  	_ =	shalt  }
0x5d: {  	_ =	shalt  }
0x5e: {  	_ =	shalt  }
0x5f: {  	_ =	shalt  }
0x60: {  	_ =	shalt  }
0x61: {  	_ =	shalt  }
0x62: {  	_ =	shalt  }
0x63: {  	_ =	shalt  }
0x64: {  	_ =	shalt  }
0x65: {  	_ =	shalt  }
0x66: {  	_ =	shalt  }
0x67: {  	_ =	shalt  }
0x68: {  	_ =	shalt  }
0x69: {  	_ =	shalt  }
0x6a: {  	_ =	shalt  }
0x6b: {  	_ =	shalt  }
0x6c: {  	_ =	shalt  }
0x6d: {  	_ =	shalt  }
0x6e: {  	_ =	shalt  }
0x6f: {  	_ =	shalt  }
0x70: {  	_ =	shalt  }
0x71: {  	_ =	shalt  }
0x72: {  	_ =	shalt  }
0x73: {  	_ =	shalt  }
0x74: {  	_ =	shalt  }
0x75: {  	_ =	shalt  }
0x76: {  	_ =	shalt  }
0x77: {  	_ =	shalt  }
0x78: {  	_ =	shalt  }
0x79: {  	_ =	shalt  }
0x7a: {  	_ =	shalt  }
0x7b: {  	_ =	shalt  }
0x7c: {  	_ =	shalt  }
0x7d: {  	_ =	shalt  }
0x7e: {  	_ =	shalt  }
0x7f: {  	_ =	shalt  }
0x80: {  	_ =	shalt  }
0x81: {  	_ =	shalt  }
0x82: {  	_ =	shalt  }
0x83: {  	_ =	shalt  }
0x84: {  	_ =	shalt  }
0x85: {  	_ =	shalt  }
0x86: {  	_ =	shalt  }
0x87: {  	_ =	shalt  }
.Lfunc_end0:
.L_simem_size_0:
called_computation_lowered:
.L_overlay_start_0:
0x88: {  	s2 =	sld [smem:$0x3FD9]  }
0x89: {  	s3 =	sld [smem:$0x3FFE];
	_ =	sdelay $0x1  }
0x8a: {  	s1 =	srdreg.scid  }
0x8b: {  	s0 =	sand.u32 $0x1, s1  }
0x8c: {  	s16 =	sshll.u32 s0, $0xA;
	s2 =	sadd.s32 s3, s2  }
0x8d: {  	s2 =	sadd.s32 s2, s16  }
0x8e: {  	[smem:$0x3FB2] =	sst s2  }
0x8f: {  	_ = 	snop  }
0x90: {  	(tm) =	ssettm $0x1  }
0x91: {  	s17 =	sld [smem:$0x3FFB];
	_ =	sdelay $0x3  }
0x92: {  	_ =	strace s17  }
0x93: {  	s2 =	sld [smem:$0x3FFC];
	_ =	sdelay $0x3  }
0x94: {  	_ =	strace s2  }
0x95: {  	s2 =	sld [smem:$0x3FFD];
	_ =	sdelay $0x3  }
0x96: {  	_ =	strace s2  }
0x97: {  	_ =	strace $0x8FFFFFFF  }
0x98: {  	s18 =	sld [smem:$0x3FDB];
	_ =	sdelay $0x1  }
0x99: {  	s19 =	simm.s32 $_scs_section_size  }
0x9a: {  	s4 =	simm.s32 $_size__tile_overlayer_lowered;
	s5 =	simm.s32 $_tile_overlayer_lowered  }
0x9b: {  	s22 =	simm.s32 $0x1BFF;
	s21 =	sshll.u32 s5, $0x1;
	s2 =	sadd.s32 s19, s18  }
0x9c: {  	s6 =	simm.s32 $0x0;
	s20 =	sshll.u32 s4, $0x1;
	s4 =	sadd.s32 s21, s2  }
0x9d: {  	[timem:s6], [sflag:s22] =	dma.local [hbm:s4], s20  }
0x9e: {  	_ =	swait.ge [sflag:s22], s20  }
0x9f: {  	s3 =	ssub.s32 $0x0, s20;
	[sflag:s22] =	ssyncset.done $0x0  }
0xa0: {  	[sflag:s22] =	ssyncadd.s32 s3;
	_ =	sdelay $0x1  }
0xa1: {  	s23 =	simm.s32 $0x1B8B  }
0xa2: {  	_ =	swait.ge [sflag:s23], $0x1  }
0xa3: {  	[sflag:s23] =	ssyncset.done $0x0  }
0xa4: {  	s25 =	simm.s32 $0x1B8E;
	s24 =	sld [smem:$0x3FFE];
	[sflag:s23] =	ssyncadd.s32 $0xFFFFFFFF  }
0xa5: {  	s26 =	simm.s32 $execute0_lowered;
	[smem:$0x3FD2] =	sst s25  }
0xa6: {  	s4 =	sshll.u32 s26, $0x1;
	_ =	strace $0x80000046;
	[dreg:$0x1] =	wrdreg $0xFFFFFFFF  }
0xa7: {  	s28 =	simm.s32 $_size_execute0_lowered;
	s2 =	sadd.s32 s2, s4;
	[dreg:$0x0] =	wrdreg $0x0  }
0xa8: {  	s4 =	sshll.u32 s28, $0x1;
	[dreg:$0x2] =	wrdreg s2  }
0xa9: {  	[dreg:$0x3] =	wrdreg s4  }
0xaa: {  	[dreg:$0x4] =	wrdreg $0xC0  }
0xab: {  	_ =	task [dreg:s6], $0x5FFFF  }
0xac: {  	[dreg:$0x1] =	wrdreg $0xFFFFFFFF  }
0xad: {  	[dreg:$0x0] =	wrdreg $0x60  }
0xae: {  	[dreg:$0x2] =	wrdreg s24  }
0xaf: {  	[dreg:$0x3] =	wrdreg $0x30000  }
0xb0: {  	[dreg:$0x4] =	wrdreg $0x9  }
0xb1: {  	_ =	task.clear_ibuf [dreg:s6], $0x5FFFF;
	_ =	strace $0x90000046  }
0xb2: {  	s29 =	simm.s32 $0x9;
	_ =	strace $0x80000048  }
0xb3: {  	_ =	swait.ge [sflag:s29], $0x1  }
0xb4: {  	[sflag:s29] =	ssyncadd.s32 $0xFFFFFFFF  }
0xb5: {  	_ =	strace $0x90000048  }
0xb6: {  	_ =	sfence  }
0xb7: {  	s30 =	sld [smem:$0x0];
	_ =	sdelay $0x2  }
0xb8: {  	s31 =	sshll.u32 s1, $0xD;
	s1 =	sshrl.u32 s1, $0x2  }
0xb9: {  	s3 =	sand.u32 $0x4000, s31;
	s1 =	sadd.s32 s1, s30  }
0xba: {  	s0 =	sor.u32 s3, s0;
	s1 =	sshll.u32 s1, $0x11  }
0xbb: {  	s0 =	sor.u32 s1, s0  }
0xbc: {  	s0 =	sadd.s32 $0x8F2B, s0  }
0xbd: {  	[sflag:s0] =	ssyncadd.remote.s32 $0x1  }
0xbe: {  	_ =	sfence.sel $0xFFFF  }
0xbf: {  	[dreg:$0x0] =	wrdreg $0xFFFFFFFF;
	(pc) =	sbr.abs _section_cstart, $3  }
0xc0: {  	[dreg:$0x1] =	wrdreg $0xFFFFFFFF  }
0xc1: {  	_ =	task.clear_ibuf [dreg:s6], $0x2FFFF;
	_ =	strace $0x9FFFFFFF  }
0xc2: {  	(tm) =	ssettm $0x7FFFFFFF  }
0xc3: {  	_ =	shalt  }
tec
execute0_lowered:
.L_overlay_start_1:
0x0: {  	(tag) =	ssettag $0x1  }
0x1: {  	s6 =	rddreg [dreg:$0x0]  }
0x2: {  	s0 =	srdreg.scid;
	s2 =	rddreg [dreg:$0x1];
	s3 =	simm.s32 $0x0  }
0x3: {  	s13 =	simm.s32 $0x80;
	s14 =	simm.s32 $0x100;
	s15 =	simm.s32 $0x180  }
0x4: {  	s16 =	simm.s32 $0x1;
	s17 =	simm.s32 $0x2;
	s18 =	simm.s32 $0x3  }
0x5: {  	s19 =	simm.s32 $0x4;
	s5 =	sand.u32 $0x1, s0;
	s0 =	stileid.u32  }
0x6: {  	s20 =	simm.s32 $0x0;
	[smem:$0x7FF] =	sst s3;
	s7 =	smul.u32 $0x2710, s0  }
0x7: {  	s1 =	sshll.u32 s5, $0x4;
	s8 =	smul.u32 $0x27100, s5;
	s5 =	ssub.s32 $0x2, s5  }
0x8: {  	s31 =	sshll.u32 s0, $0x6;
	s1 =	sor.u32 s0, s1;
	s11 =	sshrl.u32 s5, $0x1  }
0x9: {  	s4 =	smul.u32 $0x500, s1;
	s1 =	rddreg [dreg:$0x2];
	s7 =	sand.u32 $0x3FF80, s7  }
0xa: {  	_ =	strace $0x80000047;
	s11 =	ssub.s32 s5, s11;
	s8 =	sadd.s32 s8, s7  }
0xb: {  	s10 =	sshrl.u32 s7, $0x3;
	s12 =	sadd.s32 s7, s2;
	s9 =	sadd.s32 s4, s6  }
0xc: {  	s4 =	sadd.s32 $0x13000, s6;
	s8 =	sshrl.u32 s8, $0x3;
	s10 =	sadd.s32 s10, s6  }
0xd: {  	s12 =	sshrl.u32 s12, $0x3;
	s8 =	sadd.s32 s8, s6;
	s5 =	sadd.s32 $0x4000, s9  }
0xe: {  	s6 =	sadd.s32 $0xE000, s10;
	s9 =	simm.s32 $0x2800;
	s10 =	simm.s32 $0x5  }
0xf: {  	s7 =	sadd.s32 $0x13200, s8;
	s8 =	smax.u32 s11, $0x1;
	s11 =	sor.u32 $0x1C05, s31  }
.LBB2_1:
0x10: {  	[tilespmem:s9], [sflag:$0x5] =	stream.linear.gather [hbm4b:s4+s3], $0x800, $0x38;
	[tilespmem:$0x5790] =	vst v63  }
0x11: {  	_ =	swait.ge [sflag:s10], $0x800  }
0x12: {  	[sflag:s10] =	ssyncset.done $0x0  }
0x13: {  	[sflag:s10] =	ssyncadd.s32 $0xFFFFF800  }
0x14: {  	[tilespmem:s3], [sflag:$0x5] =	stream.linear.gather [hbm4b:s5+s3], $0x2800, $0x38;
	[tilespmem:$0x5790] =	vst v63  }
0x15: {  	_ =	swait.ge [sflag:s10], $0x2800  }
0x16: {  	[sflag:s10] =	ssyncset.done $0x0  }
0x17: {  	[sflag:s10] =	ssyncadd.s32 $0xFFFFD800  }
0x18: {  	[spmem:s12], [sflag:s11] =	dma.local [hbm:s6], $0x4F0  }
0x19: {  	_ =	swait.ge [sflag:s10], $0x4F0  }
0x1a: {  	[sflag:s10] =	ssyncset.done $0x0  }
0x1b: {  	[sflag:s10] =	ssyncadd.s32 $0xFFFFFB10  }
0x1c: {  	[bflag:$0x0] =	sbarrier.arrive $0xFFFF  }
0x1d: {  	[spmem:s2] =	stream.indirect.scatter.add.f32 [tilespmem:s9], [sflag:$0x1], $0x10, s3, s13, $0xb8;
	[tilespmem:$0x5790] =	vst v63  }
0x1e: {  	_ = 	snop  }
0x1f: {  	[spmem:s2] =	stream.indirect.scatter.add.f32 [tilespmem:s9], [sflag:$0x2], $0x10, s13, s13, $0xb8;
	[tilespmem:$0x5790] =	vst v63  }
0x20: {  	_ = 	snop  }
0x21: {  	[spmem:s2] =	stream.indirect.scatter.add.f32 [tilespmem:s9], [sflag:$0x3], $0x10, s14, s13, $0xb8;
	[tilespmem:$0x5790] =	vst v63  }
0x22: {  	_ = 	snop  }
0x23: {  	[spmem:s2] =	stream.indirect.scatter.add.f32 [tilespmem:s9], [sflag:$0x4], $0x10, s15, s13, $0xb8;
	[tilespmem:$0x5790] =	vst v63  }
0x24: {  	_ =	swait.ge [sflag:s16], $0x800  }
0x25: {  	[sflag:s16] =	ssyncset.done $0x0  }
0x26: {  	s21 =	simm.s32 $0x200;
	[sflag:s16] =	ssyncadd.s32 $0xFFFFF800  }
0x27: {  	[spmem:s2] =	stream.indirect.scatter.add.f32 [tilespmem:s9], [sflag:$0x1], $0x10, s21, s13, $0xb8;
	[tilespmem:$0x5790] =	vst v63  }
0x28: {  	_ =	swait.ge [sflag:s17], $0x800  }
0x29: {  	[sflag:s17] =	ssyncset.done $0x0  }
0x2a: {  	s30 =	simm.s32 $0x280;
	[sflag:s17] =	ssyncadd.s32 $0xFFFFF800  }
0x2b: {  	[spmem:s2] =	stream.indirect.scatter.add.f32 [tilespmem:s9], [sflag:$0x2], $0x10, s30, s13, $0xb8;
	[tilespmem:$0x5790] =	vst v63  }
0x2c: {  	_ =	swait.ge [sflag:s18], $0x800  }
0x2d: {  	[sflag:s18] =	ssyncset.done $0x0  }
0x2e: {  	s31 =	simm.s32 $0x300;
	[sflag:s18] =	ssyncadd.s32 $0xFFFFF800  }
0x2f: {  	[spmem:s2] =	stream.indirect.scatter.add.f32 [tilespmem:s9], [sflag:$0x3], $0x10, s31, s13, $0xb8;
	[tilespmem:$0x5790] =	vst v63  }
0x30: {  	_ =	swait.ge [sflag:s19], $0x800  }
0x31: {  	[sflag:s19] =	ssyncset.done $0x0  }
0x32: {  	s22 =	simm.s32 $0x380;
	s21 =	simm.s32 $0xFFFF7000;
	[sflag:s19] =	ssyncadd.s32 $0xFFFFF800  }
.LBB2_2:
0x33: {  	[spmem:s2] =	stream.indirect.scatter.add.f32 [tilespmem:s9], [sflag:$0x4], $0x10, s22, s13, $0xb8;
	[tilespmem:$0x5790] =	vst v63  }
0x34: {  	s22 =	smov.u32 s21  }
0x35: {  	p0 =	sne.s32 s21, $0xFFFFF800;
	s21 =	sadd.s32 $0x800, s21;
	_ =	swait.ge [sflag:s16], $0x800  }
0x36: {  	s22 =	sshra.s32 s22, $0x2;
	[sflag:s16] =	ssyncset.done $0x0  }
0x37: {  	s23 =	sadd.s32 $0x2800, s22;
	[sflag:s16] =	ssyncadd.s32 $0xFFFFF800  }
0x38: {  	[spmem:s2] =	stream.indirect.scatter.add.f32 [tilespmem:s9], [sflag:$0x1], $0x10, s23, s13, $0xb8;
	[tilespmem:$0x5790] =	vst v63  }
0x39: {  	_ =	swait.ge [sflag:s17], $0x800  }
0x3a: {  	[sflag:s17] =	ssyncset.done $0x0  }
0x3b: {  	s23 =	sadd.s32 $0x2880, s22;
	[sflag:s17] =	ssyncadd.s32 $0xFFFFF800  }
0x3c: {  	[spmem:s2] =	stream.indirect.scatter.add.f32 [tilespmem:s9], [sflag:$0x2], $0x10, s23, s13, $0xb8;
	[tilespmem:$0x5790] =	vst v63  }
0x3d: {  	_ =	swait.ge [sflag:s18], $0x800  }
0x3e: {  	[sflag:s18] =	ssyncset.done $0x0  }
.Ltmp0:
0x3f: {  	s23 =	sadd.s32 $0x2900, s22;
	[sflag:s18] =	ssyncadd.s32 $0xFFFFF800;
	(pc) =	sbr.rel @p0 .LBB2_2-.Ltmp0, $4  }
0x40: {  	[spmem:s2] =	stream.indirect.scatter.add.f32 [tilespmem:s9], [sflag:$0x3], $0x10, s23, s13, $0xb8;
	[tilespmem:$0x5790] =	vst v63  }
0x41: {  	_ =	swait.ge [sflag:s19], $0x800  }
0x42: {  	[sflag:s19] =	ssyncset.done $0x0  }
0x43: {  	s22 =	sadd.s32 $0x2980, s22;
	[sflag:s19] =	ssyncadd.s32 $0xFFFFF800  }
0x44: {  	[spmem:s2] =	stream.indirect.scatter.add.f32 [tilespmem:s9], [sflag:$0x4], $0x10, s22, s13, $0xb8;
	[tilespmem:$0x5790] =	vst v63  }
0x45: {  	_ =	swait.ge [sflag:s16], $0x800  }
0x46: {  	[sflag:s16] =	ssyncset.done $0x0  }
0x47: {  	[sflag:s16] =	ssyncadd.s32 $0xFFFFF800  }
0x48: {  	_ =	swait.ge [sflag:s17], $0x800  }
0x49: {  	[sflag:s17] =	ssyncset.done $0x0  }
0x4a: {  	[sflag:s17] =	ssyncadd.s32 $0xFFFFF800  }
0x4b: {  	_ =	swait.ge [sflag:s18], $0x800  }
0x4c: {  	[sflag:s18] =	ssyncset.done $0x0  }
0x4d: {  	[sflag:s18] =	ssyncadd.s32 $0xFFFFF800  }
0x4e: {  	_ =	swait.ge [sflag:s19], $0x800  }
0x4f: {  	s20 =	sadd.s32 $0x1, s20;
	[sflag:s19] =	ssyncset.done $0x0  }
0x50: {  	p0 =	sne.s32 s20, s8;
	[sflag:s19] =	ssyncadd.s32 $0xFFFFF800  }
.Ltmp1:
0x51: {  	[bflag:$0x0] =	sbarrier.arrive $0xFFFF;
	(pc) =	sbr.rel @p0 .LBB2_1-.Ltmp1, $4  }
0x52: {  	[hbm:s7], [sflag:s11] =	dma.local [spmem:s12], $0x4F0  }
0x53: {  	_ =	swait.ge [sflag:s10], $0x4F0  }
0x54: {  	[sflag:s10] =	ssyncset.done $0x0  }
0x55: {  	[sflag:s10] =	ssyncadd.s32 $0xFFFFFB10  }
0x56: {  	_ =	sfence.sel $0x180000  }
0x57: {  	[bflag:$0x0] =	sbarrier.arrive $0xFFFF  }
0x58: {  	p0 =	sne.s32 s0, $0x0;
	_ =	strace $0x90000047  }
0x59: {  	s0 =	sadd.s32 @!p0 $0x100000, s1;
	[bflag:$0x2] =	sbarrier.arrive $0xFFFF  }
0x5a: {  	[sflag:s0] =	ssyncadd.tile.s32 @!p0 $0x1;
	_ =	shalt  }
.Lfunc_end2:
_tile_overlayer_lowered:
.L_overlay_start_2:
0x5b: {  	(tag) =	ssettag $0x2  }
0x5c: {  	s0 =	rddreg [dreg:$0x0];
	s2 =	stileid.u32  }
0x5d: {  	s1 =	rddreg [dreg:$0x1];
	p0 =	sne.s32 s2, $0x0  }
0x5e: {  	s3 =	rddreg [dreg:$0x2];
	[bflag:$0x3] =	sbarrier.arrive $0xFFFF;
	s2 =	simm.s32 @!p0 $0x1C05  }
0x5f: {  	[timem:s3], [sflag:s2] =	dma.local @!p0 [hbm:s0], s1  }
0x60: {  	s0 =	simm.s32 @!p0 $0x5  }
0x61: {  	_ =	swait.ge @!p0 [sflag:s0], s1  }
0x62: {  	s1 =	ssub.s32 @!p0 $0x0, s1;
	[sflag:s0] =	ssyncset.done @!p0 $0x0  }
0x63: {  	[sflag:s0] =	ssyncadd.s32 @!p0 s1  }
0x64: {  	[bflag:$0x3] =	sbarrier.arrive $0xFFFF  }
0x65: {  	_ =	shalt  }

// kernel: kernel.13.cloned.1.call-start
scs
__scs_entry_jumppad:
0x0: {  	(pc) =	sbr.rel $0x88, $3  }
0x1: {  	(tag) =	ssettag $0x0;
	lr =	simm.s32 $0x1  }
0x2: {  	[smem:$0x3F8B] =	sst lr;
	_ =	strace $0xD0000000  }
0x3: {  	_ = 	snop  }
0x4: {  	_ = 	snop  }
0x5: {  	_ = 	snop  }
0x6: {  	_ = 	snop  }
0x7: {  	_ = 	snop  }
__scs_overlays_trampoline_lowered:
0x8: {  	[smem:$0x3F9A] =	sst s0  }
0x9: {  	[smem:$0x3F9B] =	sst s1  }
0xa: {  	[smem:$0x3F9C] =	sst s2  }
0xb: {  	[smem:$0x3F9D] =	sst s3  }
0xc: {  	[smem:$0x3F9E] =	sst s4  }
0xd: {  	[smem:$0x3F9F] =	sst s5  }
0xe: {  	[smem:$0x3FA0] =	sst s6  }
0xf: {  	[smem:$0x3FA1] =	sst s7  }
0x10: {  	[smem:$0x3FA2] =	sst s8  }
0x11: {  	[smem:$0x3FA3] =	sst s9;
	s0 =	simm.s32 @!p0 $0x0  }
0x12: {  	s1 =	sld [smem:$0x3F89];
	s0 =	simm.s32 @p0 $0x1  }
0x13: {  	[smem:$0x3FA4] =	sst s0;
	s0 =	simm.s32 @!p1 $0x0  }
0x14: {  	s2 =	sld [smem:$0x3F88];
	s0 =	simm.s32 @p1 $0x1  }
0x15: {  	[smem:$0x3FA5] =	sst s0;
	s0 =	simm.s32 @!p2 $0x0  }
0x16: {  	s3 =	sld [smem:$0x3FDB];
	s0 =	simm.s32 @p2 $0x1  }
0x17: {  	s4 =	simm.s32 $0x1BF5;
	[smem:$0x3FA7] =	sst s0  }
0x18: {  	s0 =	sld [smem:$0x3F8A];
	_ =	swait.ge [sflag:s4], $0x0  }
0x19: {  	s7 =	sld [smem:$0x3F8B]  }
0x1a: {  	s8 =	sadd.s32 $0xFFFFE003, lr  }
0x1b: {  	s9 =	sadd.s32 $0xFFFFFEF7, lr;
	s5 =	simm.s32 $0xFFFFFFFF;
	p2 =	slt.u32 s8, $0xFFFFF086  }
0x1c: {  	p1 =	slt.u32 s9, $0xF7A;
	s5 =	simm.s32 @!p2 $0x0  }
0x1d: {  	s5 =	simm.s32 @p1 $0x1;
	p0 =	seq.s32 s7, s2  }
0x1e: {  	s7 =	smul.u32 @!p0 $0xF7A, s2;
	p2 =	seq.s32 @!p0 s5, $0x0  }
0x1f: {  	s9 =	smul.u32 $0xF7A, s1;
	s8 =	simm.s32 @!p0 $0x1BF5;
	p2 =	por !p2, p0  }
0x20: {  	[sflag:s8] =	ssyncset.s32 @!p0 $0xFFFFF086;
	s6 =	sadd.s32 @!p0 s3, s7;
	s7 =	simm.s32 @!p0 $0x108  }
0x21: {  	s3 =	sadd.s32 s3, s9;
	s6 =	sadd.s32 @!p0 $0x88, s6;
	s7 =	simm.s32 @p2 $0x1082  }
0x22: {  	[simem:s7], [sflag:s8] =	dma.local @!p0 [hbm:s6], $0xF7A  }
0x23: {  	s9 =	sor.u32 $0xD0000000, s2;
	s6 =	simm.s32 $0x108;
	_ =	swait.ge @!p0 [sflag:s8], $0x0  }
0x24: {  	s3 =	sadd.s32 $0x88, s3;
	s6 =	simm.s32 @!p1 $0x1082;
	[sflag:s4] =	ssyncset.s32 $0xFFFFF086  }
0x25: {  	[simem:s6], [sflag:s4] =	dma.local [hbm:s3], $0xF7A  }
0x26: {  	[smem:$0x3F8B] =	sst s1;
	(tag) =	ssettag s2;
	_ =	strace s9  }
0x27: {  	s1 =	sld [smem:$0x3F9B]  }
0x28: {  	s2 =	sld [smem:$0x3F9C]  }
0x29: {  	s4 =	sld [smem:$0x3F9E]  }
0x2a: {  	p0 =	seq.s32 s5, $0x0;
	s5 =	sld [smem:$0x3F9F]  }
0x2b: {  	s6 =	sld [smem:$0x3FA0]  }
0x2c: {  	s7 =	sld [smem:$0x3FA1]  }
0x2d: {  	s3 =	simm.s32 $0x108;
	s8 =	sld [smem:$0x3FA2]  }
0x2e: {  	s3 =	simm.s32 @!p0 $0x1082;
	s9 =	sld [smem:$0x3FA3]  }
0x2f: {  	lr =	sadd.s32 s0, s3;
	s0 =	sld [smem:$0x3F9A]  }
0x30: {  	s3 =	sld [smem:$0x3F9D]  }
0x31: {  	[smem:$0x3FA6] =	sst s10  }
0x32: {  	s10 =	sld [smem:$0x3FA4];
	_ =	sdelay $0x3  }
0x33: {  	p0 =	seq.s32 s10, $0x1;
	s10 =	sld [smem:$0x3FA6];
	_ =	sdelay $0x3  }
0x34: {  	[smem:$0x3FA6] =	sst s10  }
0x35: {  	s10 =	sld [smem:$0x3FA5];
	_ =	sdelay $0x3  }
0x36: {  	p1 =	seq.s32 s10, $0x1;
	s10 =	sld [smem:$0x3FA6];
	_ =	sdelay $0x3  }
0x37: {  	[smem:$0x3FA6] =	sst s10  }
0x38: {  	s10 =	sld [smem:$0x3FA7]  }
0x39: {  	_ = 	snop;
	(pc) =	sbr.ind lr, $3  }
0x3a: {  	_ = 	snop  }
0x3b: {  	_ = 	snop  }
0x3c: {  	p2 =	seq.s32 s10, $0x1;
	s10 =	sld [smem:$0x3FA6]  }
0x3d: {  	_ =	shalt  }
0x3e: {  	_ =	shalt  }
0x3f: {  	_ =	shalt  }
0x40: {  	_ =	shalt  }
0x41: {  	_ =	shalt  }
0x42: {  	_ =	shalt  }
0x43: {  	_ =	shalt  }
0x44: {  	_ =	shalt  }
0x45: {  	_ =	shalt  }
0x46: {  	_ =	shalt  }
0x47: {  	_ =	shalt  }
0x48: {  	_ =	shalt  }
0x49: {  	_ =	shalt  }
0x4a: {  	_ =	shalt  }
0x4b: {  	_ =	shalt  }
0x4c: {  	_ =	shalt  }
0x4d: {  	_ =	shalt  }
0x4e: {  	_ =	shalt  }
0x4f: {  	_ =	shalt  }
0x50: {  	_ =	shalt  }
0x51: {  	_ =	shalt  }
0x52: {  	_ =	shalt  }
0x53: {  	_ =	shalt  }
0x54: {  	_ =	shalt  }
0x55: {  	_ =	shalt  }
0x56: {  	_ =	shalt  }
0x57: {  	_ =	shalt  }
0x58: {  	_ =	shalt  }
0x59: {  	_ =	shalt  }
0x5a: {  	_ =	shalt  }
0x5b: {  	_ =	shalt  }
0x5c: {  	_ =	shalt  }
0x5d: {  	_ =	shalt  }
0x5e: {  	_ =	shalt  }
0x5f: {  	_ =	shalt  }
0x60: {  	_ =	shalt  }
0x61: {  	_ =	shalt  }
0x62: {  	_ =	shalt  }
0x63: {  	_ =	shalt  }
0x64: {  	_ =	shalt  }
0x65: {  	_ =	shalt  }
0x66: {  	_ =	shalt  }
0x67: {  	_ =	shalt  }
0x68: {  	_ =	shalt  }
0x69: {  	_ =	shalt  }
0x6a: {  	_ =	shalt  }
0x6b: {  	_ =	shalt  }
0x6c: {  	_ =	shalt  }
0x6d: {  	_ =	shalt  }
0x6e: {  	_ =	shalt  }
0x6f: {  	_ =	shalt  }
0x70: {  	_ =	shalt  }
0x71: {  	_ =	shalt  }
0x72: {  	_ =	shalt  }
0x73: {  	_ =	shalt  }
0x74: {  	_ =	shalt  }
0x75: {  	_ =	shalt  }
0x76: {  	_ =	shalt  }
0x77: {  	_ =	shalt  }
0x78: {  	_ =	shalt  }
0x79: {  	_ =	shalt  }
0x7a: {  	_ =	shalt  }
0x7b: {  	_ =	shalt  }
0x7c: {  	_ =	shalt  }
0x7d: {  	_ =	shalt  }
0x7e: {  	_ =	shalt  }
0x7f: {  	_ =	shalt  }
0x80: {  	_ =	shalt  }
0x81: {  	_ =	shalt  }
0x82: {  	_ =	shalt  }
0x83: {  	_ =	shalt  }
0x84: {  	_ =	shalt  }
0x85: {  	_ =	shalt  }
0x86: {  	_ =	shalt  }
0x87: {  	_ =	shalt  }
.Lfunc_end0:
.L_simem_size_0:
called_computation.1_lowered:
.L_overlay_start_0:
0x88: {  	s2 =	sld [smem:$0x3FD9]  }
0x89: {  	s3 =	sld [smem:$0x3FFE];
	_ =	sdelay $0x1  }
0x8a: {  	s1 =	srdreg.scid  }
0x8b: {  	s0 =	sand.u32 $0x1, s1  }
0x8c: {  	s16 =	sshll.u32 s0, $0xA;
	s2 =	sadd.s32 s3, s2  }
0x8d: {  	s2 =	sadd.s32 s2, s16  }
0x8e: {  	[smem:$0x3FB2] =	sst s2  }
0x8f: {  	_ = 	snop  }
0x90: {  	(tm) =	ssettm $0x1  }
0x91: {  	s17 =	sld [smem:$0x3FFB];
	_ =	sdelay $0x3  }
0x92: {  	_ =	strace s17  }
0x93: {  	s2 =	sld [smem:$0x3FFC];
	_ =	sdelay $0x3  }
0x94: {  	_ =	strace s2  }
0x95: {  	s2 =	sld [smem:$0x3FFD];
	_ =	sdelay $0x3  }
0x96: {  	_ =	strace s2  }
0x97: {  	_ =	strace $0x8FFFFFFF  }
0x98: {  	s18 =	sld [smem:$0x3FDB];
	_ =	sdelay $0x1  }
0x99: {  	s19 =	simm.s32 $_scs_section_size  }
0x9a: {  	s4 =	simm.s32 $_size__tile_overlayer_lowered;
	s5 =	simm.s32 $_tile_overlayer_lowered  }
0x9b: {  	s22 =	simm.s32 $0x1BFF;
	s21 =	sshll.u32 s5, $0x1;
	s2 =	sadd.s32 s19, s18  }
0x9c: {  	s6 =	simm.s32 $0x0;
	s20 =	sshll.u32 s4, $0x1;
	s4 =	sadd.s32 s21, s2  }
0x9d: {  	[timem:s6], [sflag:s22] =	dma.local [hbm:s4], s20  }
0x9e: {  	_ =	swait.ge [sflag:s22], s20  }
0x9f: {  	s3 =	ssub.s32 $0x0, s20;
	[sflag:s22] =	ssyncset.done $0x0  }
0xa0: {  	[sflag:s22] =	ssyncadd.s32 s3;
	_ =	sdelay $0x1  }
0xa1: {  	s23 =	simm.s32 $0x1B8B  }
0xa2: {  	_ =	swait.ge [sflag:s23], $0x1  }
0xa3: {  	[sflag:s23] =	ssyncset.done $0x0  }
0xa4: {  	s25 =	simm.s32 $0x1B8E;
	s24 =	sld [smem:$0x3FFE];
	[sflag:s23] =	ssyncadd.s32 $0xFFFFFFFF  }
0xa5: {  	s26 =	simm.s32 $execute0_lowered;
	[smem:$0x3FD2] =	sst s25  }
0xa6: {  	s4 =	sshll.u32 s26, $0x1;
	_ =	strace $0x80000049;
	[dreg:$0x1] =	wrdreg $0xFFFFFFFF  }
0xa7: {  	s28 =	simm.s32 $_size_execute0_lowered;
	s2 =	sadd.s32 s2, s4;
	[dreg:$0x0] =	wrdreg $0x0  }
0xa8: {  	s4 =	sshll.u32 s28, $0x1;
	[dreg:$0x2] =	wrdreg s2  }
0xa9: {  	[dreg:$0x3] =	wrdreg s4  }
0xaa: {  	[dreg:$0x4] =	wrdreg $0xC0  }
0xab: {  	_ =	task [dreg:s6], $0x5FFFF  }
0xac: {  	[dreg:$0x1] =	wrdreg $0xFFFFFFFF  }
0xad: {  	[dreg:$0x0] =	wrdreg $0x60  }
0xae: {  	[dreg:$0x2] =	wrdreg s24  }
0xaf: {  	[dreg:$0x3] =	wrdreg $0x140000  }
0xb0: {  	[dreg:$0x4] =	wrdreg $0x18F200  }
0xb1: {  	[dreg:$0x5] =	wrdreg $0x9  }
0xb2: {  	_ =	task.clear_ibuf [dreg:s6], $0x6FFFF;
	_ =	strace $0x90000049  }
0xb3: {  	s29 =	simm.s32 $0x9;
	_ =	strace $0x8000004B  }
0xb4: {  	_ =	swait.ge [sflag:s29], $0x1  }
0xb5: {  	[sflag:s29] =	ssyncadd.s32 $0xFFFFFFFF  }
0xb6: {  	_ =	strace $0x9000004B  }
0xb7: {  	_ =	sfence  }
0xb8: {  	s30 =	sld [smem:$0x0];
	_ =	sdelay $0x2  }
0xb9: {  	s31 =	sshll.u32 s1, $0xD;
	s1 =	sshrl.u32 s1, $0x2  }
0xba: {  	s3 =	sand.u32 $0x4000, s31;
	s1 =	sadd.s32 s1, s30  }
0xbb: {  	s0 =	sor.u32 s3, s0;
	s1 =	sshll.u32 s1, $0x11  }
0xbc: {  	s0 =	sor.u32 s1, s0  }
0xbd: {  	s0 =	sadd.s32 $0x8F2B, s0  }
0xbe: {  	[sflag:s0] =	ssyncadd.remote.s32 $0x1  }
0xbf: {  	_ =	sfence.sel $0xFFFF  }
0xc0: {  	[dreg:$0x0] =	wrdreg $0xFFFFFFFF;
	(pc) =	sbr.abs _section_cstart, $3  }
0xc1: {  	[dreg:$0x1] =	wrdreg $0xFFFFFFFF  }
0xc2: {  	_ =	task.clear_ibuf [dreg:s6], $0x2FFFF;
	_ =	strace $0x9FFFFFFF  }
0xc3: {  	(tm) =	ssettm $0x7FFFFFFF  }
tec
execute0_lowered:
.L_overlay_start_1:
0x0: {  	(tag) =	ssettag $0x1  }
0x1: {  	s0 =	rddreg [dreg:$0x0]  }
0x2: {  	s2 =	rddreg [dreg:$0x1]  }
0x3: {  	s3 =	rddreg [dreg:$0x2]  }
0x4: {  	s8 =	stileid.u32;
	s4 =	simm.s32 $0x0;
	s22 =	srdreg.scid  }
0x5: {  	s18 =	simm.s32 $0x80;
	s11 =	simm.s32 $0x6;
	s9 =	simm.s32 $0xC  }
0x6: {  	s17 =	simm.s32 $0xD;
	s13 =	simm.s32 $0xF;
	s12 =	simm.s32 $0x10  }
0x7: {  	s10 =	simm.s32 $0x12;
	s19 =	simm.s32 $0x13;
	s1 =	smul.u32 $0x271, s8  }
0x8: {  	s20 =	simm.s32 $0x14;
	[smem:$0x7FF] =	sst s4;
	s5 =	smul.u32 $0xA00, s8  }
0x9: {  	s4 =	sand.u32 $0x1, s22;
	s30 =	sshll.u32 s8, $0x6;
	s8 =	simm.s32 $0xB  }
0xa: {  	s7 =	sshll.u32 s4, $0x2;
	s4 =	ssub.s32 $0x2, s4;
	_ =	strace $0x8000004A  }
0xb: {  	s1 =	sshrl.u32 s1, $0x3;
	s23 =	sshrl.u32 s4, $0x1;
	s5 =	sadd.s32 s5, s0  }
0xc: {  	s6 =	sshll.u32 s1, $0x6;
	s4 =	ssub.s32 s4, s23;
	s24 =	sadd.s32 $0x1D000, s5  }
0xd: {  	s5 =	sadd.s32 $0x4000, s5;
	s1 =	sshll.u32 s1, $0x8;
	[dreg:$0x4] =	wrdreg s24  }
0xe: {  	s23 =	simm.s32 $0x7;
	s6 =	sor.u32 s7, s6;
	[dreg:$0x5] =	wrdreg s5  }
0xf: {  	s25 =	sadd.s32 s1, s2;
	s1 =	sadd.s32 s1, s3;
	s28 =	smax.u32 s4, $0x1  }
0x10: {  	s24 =	sor.u32 $0x1C15, s30;
	s5 =	simm.s32 $0x9;
	[dreg:$0x8] =	wrdreg s28  }
0x11: {  	s7 =	simm.s32 $0xE;
	s31 =	sshrl.u32 s1, $0x3;
	[dreg:$0x9] =	wrdreg s24  }
0x12: {  	s0 =	sadd.s32 s6, s0;
	s29 =	sshrl.u32 s25, $0x3;
	[dreg:$0xb] =	wrdreg s31  }
0x13: {  	s4 =	simm.s32 $0x11;
	s26 =	sadd.s32 $0x4E200, s0;
	[dreg:$0xa] =	wrdreg s29  }
0x14: {  	s6 =	simm.s32 $0xA;
	s0 =	sadd.s32 $0x61C00, s0;
	[dreg:$0x6] =	wrdreg s26  }
0x15: {  	s1 =	simm.s32 $0x0;
	[dreg:$0x7] =	wrdreg s0;
	s26 =	simm.s32 $0x15  }
.LBB2_1:
0x16: {  	[dreg:$0xc] =	wrdreg s1  }
0x17: {  	s0 =	simm.s32 $0x0;
	s22 =	rddreg [dreg:$0x4]  }
0x18: {  	[tilespmem:s0], [sflag:$0x15] =	stream.linear.gather [hbm4b:s22+s0], $0x5000, $0x38;
	[tilespmem:$0x1DD40] =	vst v63  }
0x19: {  	_ =	swait.ge [sflag:s26], $0x5000  }
0x1a: {  	[sflag:s26] =	ssyncset.done $0x0  }
0x1b: {  	s16 =	simm.s32 $0x5000;
	s1 =	rddreg [dreg:$0x5];
	[sflag:s26] =	ssyncadd.s32 $0xFFFFB000  }
0x1c: {  	[tilespmem:s16], [sflag:$0x15] =	stream.linear.gather [hbm4b:s1+s0], $0x5000, $0x38;
	[tilespmem:$0x1DD40] =	vst v63  }
0x1d: {  	s14 =	smov.u32 s29;
	_ =	swait.ge [sflag:s26], $0x5000  }
0x1e: {  	s31 =	simm.s32 $0x1;
	s15 =	simm.s32 $0x4;
	[sflag:s26] =	ssyncset.done $0x0  }
0x1f: {  	s16 =	simm.s32 $0x8;
	s21 =	rddreg [dreg:$0x6];
	[sflag:s26] =	ssyncadd.s32 $0xFFFFB000  }
0x20: {  	[spmem:s14@s15], [sflag:s24] =	dma.strided [hbm:s21@s16], $0x9E0, s31, $0x4   }
0x21: {  	_ =	swait.ge [sflag:s26], $0x9E0  }
0x22: {  	[sflag:s26] =	ssyncset.done $0x0  }
0x23: {  	s25 =	rddreg [dreg:$0xb];
	[sflag:s26] =	ssyncadd.s32 $0xFFFFF620  }
0x24: {  	[spmem:s25@s15], [sflag:s24] =	dma.strided [hbm:s21@s16], $0x9E0, s31, $0x4   }
0x25: {  	_ =	swait.ge [sflag:s26], $0x9E0  }
0x26: {  	[sflag:s26] =	ssyncset.done $0x0  }
0x27: {  	[sflag:s26] =	ssyncadd.s32 $0xFFFFF620  }
0x28: {  	s21 =	simm.s32 $0xA000;
	[bflag:$0x0] =	sbarrier.arrive $0xFFFF  }
0x29: {  	[tilespmem:s21], [sflag:$0x1] =	stream.indirect.gather [spmem:s3], $0x20, s0, s18, $0xb8;
	[tilespmem:$0x1DD40] =	vst v63  }
0x2a: {  	s24 =	simm.s32 $0xB000  }
0x2b: {  	[tilespmem:s24], [sflag:$0x2] =	stream.indirect.gather [spmem:s3], $0x20, s18, s18, $0xb8;
	[tilespmem:$0x1DD40] =	vst v63  }
0x2c: {  	s25 =	simm.s32 $0xC000;
	s26 =	simm.s32 $0x100  }
0x2d: {  	[tilespmem:s25], [sflag:$0x3] =	stream.indirect.gather [spmem:s3], $0x20, s26, s18, $0xb8;
	[tilespmem:$0x1DD40] =	vst v63  }
0x2e: {  	s28 =	simm.s32 $0x180;
	s14 =	simm.s32 $0xD000  }
0x2f: {  	[tilespmem:s14], [sflag:$0x4] =	stream.indirect.gather [spmem:s3], $0x20, s28, s18, $0xb8;
	[tilespmem:$0x1DD40] =	vst v63  }
0x30: {  	s29 =	simm.s32 $0x200;
	s26 =	simm.s32 $0xE000  }
0x31: {  	[tilespmem:s26], [sflag:$0x5] =	stream.indirect.gather [spmem:s3], $0x20, s29, s18, $0xb8;
	[tilespmem:$0x1DD40] =	vst v63  }
0x32: {  	s30 =	simm.s32 $0x280;
	s29 =	simm.s32 $0xF000  }
0x33: {  	[tilespmem:s29], [sflag:$0x6] =	stream.indirect.gather [spmem:s3], $0x20, s30, s18, $0xb8;
	[tilespmem:$0x1DD40] =	vst v63  }
0x34: {  	s0 =	simm.s32 $0x300;
	s28 =	simm.s32 $0x10000  }
0x35: {  	[tilespmem:s28], [sflag:$0x7] =	stream.indirect.gather [spmem:s3], $0x20, s0, s18, $0xb8;
	[tilespmem:$0x1DD40] =	vst v63  }
0x36: {  	s1 =	simm.s32 $0x380;
	s30 =	simm.s32 $0x11000  }
0x37: {  	[tilespmem:s30], [sflag:$0x8] =	stream.indirect.gather [spmem:s3], $0x20, s1, s18, $0xb8;
	[tilespmem:$0x1DD40] =	vst v63  }
0x38: {  	s1 =	simm.s32 $0x400;
	s30 =	simm.s32 $0x12000  }
0x39: {  	[tilespmem:s30], [sflag:$0x9] =	stream.indirect.gather [spmem:s3], $0x20, s1, s18, $0xb8;
	[tilespmem:$0x1DD40] =	vst v63  }
0x3a: {  	s0 =	simm.s32 $0x480;
	s1 =	simm.s32 $0x13000  }
0x3b: {  	[tilespmem:s1], [sflag:$0xA] =	stream.indirect.gather [spmem:s3], $0x20, s0, s18, $0xb8;
	[tilespmem:$0x1DD40] =	vst v63  }
0x3c: {  	_ =	swait.ge [sflag:s31], $0x1000  }
0x3d: {  	[sflag:s31] =	ssyncset.done $0x0  }
0x3e: {  	s0 =	simm.s32 $0x5000;
	[sflag:s31] =	ssyncadd.s32 $0xFFFFF000;
	s31 =	simm.s32 $0x2  }
0x3f: {  	[spmem:s2] =	stream.indirect.scatter.add.f32 [tilespmem:s21], [sflag:$0xB], $0x20, s0, s18, $0xb8;
	[tilespmem:$0x1DD40] =	vst v63  }
0x40: {  	_ =	swait.ge [sflag:s31], $0x1000  }
0x41: {  	[sflag:s31] =	ssyncset.done $0x0  }
0x42: {  	s0 =	simm.s32 $0x5080;
	[sflag:s31] =	ssyncadd.s32 $0xFFFFF000;
	s31 =	simm.s32 $0x3  }
0x43: {  	[spmem:s2] =	stream.indirect.scatter.add.f32 [tilespmem:s24], [sflag:$0xC], $0x20, s0, s18, $0xb8;
	[tilespmem:$0x1DD40] =	vst v63  }
0x44: {  	_ =	swait.ge [sflag:s31], $0x1000  }
0x45: {  	[sflag:s31] =	ssyncset.done $0x0  }
0x46: {  	s0 =	simm.s32 $0x5100;
	[sflag:s31] =	ssyncadd.s32 $0xFFFFF000  }
0x47: {  	[spmem:s2] =	stream.indirect.scatter.add.f32 [tilespmem:s25], [sflag:$0xD], $0x20, s0, s18, $0xb8;
	[tilespmem:$0x1DD40] =	vst v63  }
0x48: {  	_ =	swait.ge [sflag:s15], $0x1000  }
0x49: {  	[sflag:s15] =	ssyncset.done $0x0  }
0x4a: {  	s22 =	simm.s32 $0x5;
	[sflag:s15] =	ssyncadd.s32 $0xFFFFF000;
	s15 =	simm.s32 $0x5180  }
0x4b: {  	[spmem:s2] =	stream.indirect.scatter.add.f32 [tilespmem:s14], [sflag:$0xE], $0x20, s15, s18, $0xb8;
	[tilespmem:$0x1DD40] =	vst v63  }
0x4c: {  	_ =	swait.ge [sflag:s22], $0x1000  }
0x4d: {  	[sflag:s22] =	ssyncset.done $0x0  }
0x4e: {  	s31 =	simm.s32 $0x5200;
	[sflag:s22] =	ssyncadd.s32 $0xFFFFF000  }
0x4f: {  	[spmem:s2] =	stream.indirect.scatter.add.f32 [tilespmem:s26], [sflag:$0xF], $0x20, s31, s18, $0xb8;
	[tilespmem:$0x1DD40] =	vst v63  }
0x50: {  	_ =	swait.ge [sflag:s11], $0x1000  }
0x51: {  	[sflag:s11] =	ssyncset.done $0x0  }
0x52: {  	s0 =	simm.s32 $0x5280;
	[sflag:s11] =	ssyncadd.s32 $0xFFFFF000  }
0x53: {  	[spmem:s2] =	stream.indirect.scatter.add.f32 [tilespmem:s29], [sflag:$0x10], $0x20, s0, s18, $0xb8;
	[tilespmem:$0x1DD40] =	vst v63  }
0x54: {  	_ =	swait.ge [sflag:s23], $0x1000  }
0x55: {  	[sflag:s23] =	ssyncset.done $0x0  }
0x56: {  	s15 =	simm.s32 $0x5300;
	[sflag:s23] =	ssyncadd.s32 $0xFFFFF000  }
0x57: {  	[spmem:s2] =	stream.indirect.scatter.add.f32 [tilespmem:s28], [sflag:$0x11], $0x20, s15, s18, $0xb8;
	[tilespmem:$0x1DD40] =	vst v63  }
0x58: {  	_ =	swait.ge [sflag:s16], $0x1000  }
0x59: {  	[sflag:s16] =	ssyncset.done $0x0  }
0x5a: {  	s15 =	simm.s32 $0x11000;
	[sflag:s16] =	ssyncadd.s32 $0xFFFFF000;
	s16 =	simm.s32 $0x5380  }
0x5b: {  	[spmem:s2] =	stream.indirect.scatter.add.f32 [tilespmem:s15], [sflag:$0x12], $0x20, s16, s18, $0xb8;
	[tilespmem:$0x1DD40] =	vst v63  }
0x5c: {  	_ =	swait.ge [sflag:s5], $0x1000  }
0x5d: {  	[sflag:s5] =	ssyncset.done $0x0  }
0x5e: {  	s31 =	simm.s32 $0x5400;
	[sflag:s5] =	ssyncadd.s32 $0xFFFFF000  }
0x5f: {  	[spmem:s2] =	stream.indirect.scatter.add.f32 [tilespmem:s30], [sflag:$0x13], $0x20, s31, s18, $0xb8;
	[tilespmem:$0x1DD40] =	vst v63  }
0x60: {  	_ =	swait.ge [sflag:s6], $0x1000  }
0x61: {  	[sflag:s6] =	ssyncset.done $0x0  }
0x62: {  	s0 =	simm.s32 $0x5480;
	[sflag:s6] =	ssyncadd.s32 $0xFFFFF000  }
0x63: {  	[spmem:s2] =	stream.indirect.scatter.add.f32 [tilespmem:s1], [sflag:$0x14], $0x20, s0, s18, $0xb8;
	[tilespmem:$0x1DD40] =	vst v63  }
0x64: {  	s0 =	simm.s32 $0x0  }
0x65: {  	s16 =	smin.u32 s0, $0x95;
	_ =	swait.ge [sflag:s8], $0x1000  }
0x66: {  	[sflag:s8] =	ssyncset.done $0x0;
	s22 =	sshll.u32 s16, $0x7  }
0x67: {  	[sflag:s8] =	ssyncadd.s32 $0xFFFFF000;
	s22 =	sadd.s32 $0x500, s22  }
0x68: {  	[tilespmem:s21], [sflag:$0x1] =	stream.indirect.gather [spmem:s3], $0x20, s22, s18, $0xb8;
	[tilespmem:$0x1DD40] =	vst v63  }
0x69: {  	s31 =	smin.u32 s0, $0x94;
	_ =	swait.ge [sflag:s9], $0x1000  }
0x6a: {  	s22 =	sshll.u32 s31, $0x7;
	[sflag:s9] =	ssyncset.done $0x0  }
0x6b: {  	s22 =	sadd.s32 $0x580, s22;
	[sflag:s9] =	ssyncadd.s32 $0xFFFFF000  }
0x6c: {  	[tilespmem:s24], [sflag:$0x2] =	stream.indirect.gather [spmem:s3], $0x20, s22, s18, $0xb8;
	[tilespmem:$0x1DD40] =	vst v63  }
0x6d: {  	s1 =	smin.u32 s0, $0x93;
	_ =	swait.ge [sflag:s17], $0x1000  }
0x6e: {  	s22 =	sshll.u32 s1, $0x7;
	[sflag:s17] =	ssyncset.done $0x0  }
0x6f: {  	s22 =	sadd.s32 $0x600, s22;
	[sflag:s17] =	ssyncadd.s32 $0xFFFFF000  }
0x70: {  	[tilespmem:s25], [sflag:$0x3] =	stream.indirect.gather [spmem:s3], $0x20, s22, s18, $0xb8;
	[tilespmem:$0x1DD40] =	vst v63  }
0x71: {  	s16 =	smin.u32 s0, $0x92;
	_ =	swait.ge [sflag:s7], $0x1000  }
0x72: {  	s22 =	sshll.u32 s16, $0x7;
	[sflag:s7] =	ssyncset.done $0x0  }
0x73: {  	s22 =	sadd.s32 $0x680, s22;
	[sflag:s7] =	ssyncadd.s32 $0xFFFFF000  }
0x74: {  	[tilespmem:s14], [sflag:$0x4] =	stream.indirect.gather [spmem:s3], $0x20, s22, s18, $0xb8;
	[tilespmem:$0x1DD40] =	vst v63  }
0x75: {  	s21 =	smin.u32 s0, $0x91;
	_ =	swait.ge [sflag:s13], $0x1000  }
0x76: {  	s22 =	sshll.u32 s21, $0x7;
	[sflag:s13] =	ssyncset.done $0x0  }
0x77: {  	s22 =	sadd.s32 $0x700, s22;
	[sflag:s13] =	ssyncadd.s32 $0xFFFFF000  }
0x78: {  	[tilespmem:s26], [sflag:$0x5] =	stream.indirect.gather [spmem:s3], $0x20, s22, s18, $0xb8;
	[tilespmem:$0x1DD40] =	vst v63  }
0x79: {  	s24 =	smin.u32 s0, $0x90;
	_ =	swait.ge [sflag:s12], $0x1000  }
0x7a: {  	s22 =	sshll.u32 s24, $0x7;
	[sflag:s12] =	ssyncset.done $0x0  }
0x7b: {  	s22 =	sadd.s32 $0x780, s22;
	[sflag:s12] =	ssyncadd.s32 $0xFFFFF000  }
0x7c: {  	[tilespmem:s29], [sflag:$0x6] =	stream.indirect.gather [spmem:s3], $0x20, s22, s18, $0xb8;
	[tilespmem:$0x1DD40] =	vst v63  }
0x7d: {  	s25 =	smin.u32 s0, $0x8F;
	_ =	swait.ge [sflag:s4], $0x1000  }
0x7e: {  	s22 =	sshll.u32 s25, $0x7;
	[sflag:s4] =	ssyncset.done $0x0  }
0x7f: {  	s22 =	sadd.s32 $0x800, s22;
	[sflag:s4] =	ssyncadd.s32 $0xFFFFF000  }
0x80: {  	[tilespmem:s28], [sflag:$0x7] =	stream.indirect.gather [spmem:s3], $0x20, s22, s18, $0xb8;
	[tilespmem:$0x1DD40] =	vst v63  }
0x81: {  	s26 =	smin.u32 s0, $0x8E;
	_ =	swait.ge [sflag:s10], $0x1000  }
0x82: {  	s22 =	sshll.u32 s26, $0x7;
	[sflag:s10] =	ssyncset.done $0x0  }
0x83: {  	s22 =	sadd.s32 $0x880, s22;
	[sflag:s10] =	ssyncadd.s32 $0xFFFFF000  }
0x84: {  	[tilespmem:s15], [sflag:$0x8] =	stream.indirect.gather [spmem:s3], $0x20, s22, s18, $0xb8;
	[tilespmem:$0x1DD40] =	vst v63  }
0x85: {  	s28 =	smin.u32 s0, $0x8D;
	_ =	swait.ge [sflag:s19], $0x1000  }
0x86: {  	s29 =	simm.s32 $0x0;
	s22 =	sshll.u32 s28, $0x7;
	[sflag:s19] =	ssyncset.done $0x0  }
0x87: {  	s31 =	smin.u32 s29, $0x8C;
	s22 =	sadd.s32 $0x900, s22;
	[sflag:s19] =	ssyncadd.s32 $0xFFFFF000  }
0x88: {  	[tilespmem:s30], [sflag:$0x9] =	stream.indirect.gather [spmem:s3], $0x20, s22, s18, $0xb8;
	[tilespmem:$0x1DD40] =	vst v63  }
0x89: {  	s24 =	sshll.u32 s31, $0x7;
	_ =	swait.ge [sflag:s20], $0x1000  }
0x8a: {  	s26 =	sadd.s32 $0x980, s24;
	[sflag:s20] =	ssyncset.done $0x0  }
0x8b: {  	s24 =	simm.s32 $0xA;
	s22 =	simm.s32 $0x1400;
	[sflag:s20] =	ssyncadd.s32 $0xFFFFF000  }
.LBB2_2:
0x8c: {  	s1 =	simm.s32 $0x13000  }
0x8d: {  	[tilespmem:s1], [sflag:$0xA] =	stream.indirect.gather [spmem:s3], $0x20, s26, s18, $0xb8;
	[tilespmem:$0x1DD40] =	vst v63  }
0x8e: {  	s14 =	simm.s32 $0x1;
	s26 =	smov.u32 s22  }
0x8f: {  	p0 =	sne.s32 s22, $0x12C00;
	s22 =	sadd.s32 $0x1400, s22;
	_ =	swait.ge [sflag:s14], $0x1000  }
0x90: {  	s21 =	simm.s32 $0xA000;
	s26 =	sshra.s32 s26, $0x2;
	[sflag:s14] =	ssyncset.done $0x0  }
0x91: {  	s29 =	sadd.s32 $0x5000, s26;
	[sflag:s14] =	ssyncadd.s32 $0xFFFFF000;
	s14 =	simm.s32 $0x2  }
0x92: {  	[spmem:s2] =	stream.indirect.scatter.add.f32 [tilespmem:s21], [sflag:$0xB], $0x20, s29, s18, $0xb8;
	[tilespmem:$0x1DD40] =	vst v63  }
0x93: {  	_ =	swait.ge [sflag:s14], $0x1000  }
0x94: {  	s25 =	simm.s32 $0xB000;
	[sflag:s14] =	ssyncset.done $0x0  }
0x95: {  	s29 =	sadd.s32 $0x5080, s26;
	[sflag:s14] =	ssyncadd.s32 $0xFFFFF000;
	s14 =	simm.s32 $0x3  }
0x96: {  	[spmem:s2] =	stream.indirect.scatter.add.f32 [tilespmem:s25], [sflag:$0xC], $0x20, s29, s18, $0xb8;
	[tilespmem:$0x1DD40] =	vst v63  }
0x97: {  	_ =	swait.ge [sflag:s14], $0x1000  }
0x98: {  	s31 =	simm.s32 $0xC000;
	[sflag:s14] =	ssyncset.done $0x0  }
0x99: {  	s29 =	sadd.s32 $0x5100, s26;
	[sflag:s14] =	ssyncadd.s32 $0xFFFFF000;
	s14 =	simm.s32 $0x4  }
0x9a: {  	[spmem:s2] =	stream.indirect.scatter.add.f32 [tilespmem:s31], [sflag:$0xD], $0x20, s29, s18, $0xb8;
	[tilespmem:$0x1DD40] =	vst v63  }
0x9b: {  	_ =	swait.ge [sflag:s14], $0x1000  }
0x9c: {  	s0 =	simm.s32 $0x5;
	[sflag:s14] =	ssyncset.done $0x0  }
0x9d: {  	s29 =	sadd.s32 $0x5180, s26;
	[sflag:s14] =	ssyncadd.s32 $0xFFFFF000;
	s14 =	simm.s32 $0xD000  }
0x9e: {  	[spmem:s2] =	stream.indirect.scatter.add.f32 [tilespmem:s14], [sflag:$0xE], $0x20, s29, s18, $0xb8;
	[tilespmem:$0x1DD40] =	vst v63  }
0x9f: {  	_ =	swait.ge [sflag:s0], $0x1000  }
0xa0: {  	[sflag:s0] =	ssyncset.done $0x0  }
0xa1: {  	s15 =	simm.s32 $0xE000;
	s29 =	sadd.s32 $0x5200, s26;
	[sflag:s0] =	ssyncadd.s32 $0xFFFFF000  }
0xa2: {  	[spmem:s2] =	stream.indirect.scatter.add.f32 [tilespmem:s15], [sflag:$0xF], $0x20, s29, s18, $0xb8;
	[tilespmem:$0x1DD40] =	vst v63  }
0xa3: {  	_ =	swait.ge [sflag:s11], $0x1000  }
0xa4: {  	[sflag:s11] =	ssyncset.done $0x0  }
0xa5: {  	s16 =	simm.s32 $0xF000;
	s29 =	sadd.s32 $0x5280, s26;
	[sflag:s11] =	ssyncadd.s32 $0xFFFFF000  }
0xa6: {  	[spmem:s2] =	stream.indirect.scatter.add.f32 [tilespmem:s16], [sflag:$0x10], $0x20, s29, s18, $0xb8;
	[tilespmem:$0x1DD40] =	vst v63  }
0xa7: {  	_ =	swait.ge [sflag:s23], $0x1000  }
0xa8: {  	[sflag:s23] =	ssyncset.done $0x0  }
0xa9: {  	s28 =	simm.s32 $0x10000;
	s29 =	sadd.s32 $0x5300, s26;
	[sflag:s23] =	ssyncadd.s32 $0xFFFFF000  }
0xaa: {  	[spmem:s2] =	stream.indirect.scatter.add.f32 [tilespmem:s28], [sflag:$0x11], $0x20, s29, s18, $0xb8;
	[tilespmem:$0x1DD40] =	vst v63  }
0xab: {  	s29 =	simm.s32 $0x8  }
0xac: {  	_ =	swait.ge [sflag:s29], $0x1000  }
0xad: {  	[sflag:s29] =	ssyncset.done $0x0  }
0xae: {  	s30 =	simm.s32 $0x11000;
	[sflag:s29] =	ssyncadd.s32 $0xFFFFF000;
	s29 =	sadd.s32 $0x5380, s26  }
0xaf: {  	[spmem:s2] =	stream.indirect.scatter.add.f32 [tilespmem:s30], [sflag:$0x12], $0x20, s29, s18, $0xb8;
	[tilespmem:$0x1DD40] =	vst v63  }
0xb0: {  	_ =	swait.ge [sflag:s5], $0x1000  }
0xb1: {  	[sflag:s5] =	ssyncset.done $0x0  }
0xb2: {  	s0 =	simm.s32 $0x12000;
	s29 =	sadd.s32 $0x5400, s26;
	[sflag:s5] =	ssyncadd.s32 $0xFFFFF000  }
0xb3: {  	[spmem:s2] =	stream.indirect.scatter.add.f32 [tilespmem:s0], [sflag:$0x13], $0x20, s29, s18, $0xb8;
	[tilespmem:$0x1DD40] =	vst v63  }
0xb4: {  	_ =	swait.ge [sflag:s6], $0x1000  }
0xb5: {  	[sflag:s6] =	ssyncset.done $0x0  }
0xb6: {  	s26 =	sadd.s32 $0x5480, s26;
	s29 =	simm.s32 $0x13000;
	[sflag:s6] =	ssyncadd.s32 $0xFFFFF000  }
0xb7: {  	[spmem:s2] =	stream.indirect.scatter.add.f32 [tilespmem:s1], [sflag:$0x14], $0x20, s26, s18, $0xb8;
	[tilespmem:$0x1DD40] =	vst v63  }
0xb8: {  	s26 =	smin.u32 s24, $0x95;
	_ =	swait.ge [sflag:s8], $0x1000  }
0xb9: {  	s26 =	sshll.u32 s26, $0x7;
	[sflag:s8] =	ssyncset.done $0x0  }
0xba: {  	s26 =	sadd.s32 $0x500, s26;
	[sflag:s8] =	ssyncadd.s32 $0xFFFFF000  }
0xbb: {  	[tilespmem:s21], [sflag:$0x1] =	stream.indirect.gather [spmem:s3], $0x20, s26, s18, $0xb8;
	[tilespmem:$0x1DD40] =	vst v63  }
0xbc: {  	s26 =	smin.u32 s24, $0x94;
	_ =	swait.ge [sflag:s9], $0x1000  }
0xbd: {  	s26 =	sshll.u32 s26, $0x7;
	[sflag:s9] =	ssyncset.done $0x0  }
0xbe: {  	s26 =	sadd.s32 $0x580, s26;
	[sflag:s9] =	ssyncadd.s32 $0xFFFFF000  }
0xbf: {  	[tilespmem:s25], [sflag:$0x2] =	stream.indirect.gather [spmem:s3], $0x20, s26, s18, $0xb8;
	[tilespmem:$0x1DD40] =	vst v63  }
0xc0: {  	s26 =	smin.u32 s24, $0x93;
	_ =	swait.ge [sflag:s17], $0x1000  }
0xc1: {  	s26 =	sshll.u32 s26, $0x7;
	[sflag:s17] =	ssyncset.done $0x0  }
0xc2: {  	s26 =	sadd.s32 $0x600, s26;
	[sflag:s17] =	ssyncadd.s32 $0xFFFFF000  }
0xc3: {  	[tilespmem:s31], [sflag:$0x3] =	stream.indirect.gather [spmem:s3], $0x20, s26, s18, $0xb8;
	[tilespmem:$0x1DD40] =	vst v63  }
0xc4: {  	s26 =	smin.u32 s24, $0x92;
	_ =	swait.ge [sflag:s7], $0x1000  }
0xc5: {  	s26 =	sshll.u32 s26, $0x7;
	[sflag:s7] =	ssyncset.done $0x0  }
0xc6: {  	s26 =	sadd.s32 $0x680, s26;
	[sflag:s7] =	ssyncadd.s32 $0xFFFFF000  }
0xc7: {  	[tilespmem:s14], [sflag:$0x4] =	stream.indirect.gather [spmem:s3], $0x20, s26, s18, $0xb8;
	[tilespmem:$0x1DD40] =	vst v63  }
0xc8: {  	s26 =	smin.u32 s24, $0x91;
	_ =	swait.ge [sflag:s13], $0x1000  }
0xc9: {  	s26 =	sshll.u32 s26, $0x7;
	[sflag:s13] =	ssyncset.done $0x0  }
0xca: {  	s26 =	sadd.s32 $0x700, s26;
	[sflag:s13] =	ssyncadd.s32 $0xFFFFF000  }
0xcb: {  	[tilespmem:s15], [sflag:$0x5] =	stream.indirect.gather [spmem:s3], $0x20, s26, s18, $0xb8;
	[tilespmem:$0x1DD40] =	vst v63  }
0xcc: {  	s26 =	smin.u32 s24, $0x90;
	_ =	swait.ge [sflag:s12], $0x1000  }
0xcd: {  	s26 =	sshll.u32 s26, $0x7;
	[sflag:s12] =	ssyncset.done $0x0  }
0xce: {  	s26 =	sadd.s32 $0x780, s26;
	[sflag:s12] =	ssyncadd.s32 $0xFFFFF000  }
0xcf: {  	[tilespmem:s16], [sflag:$0x6] =	stream.indirect.gather [spmem:s3], $0x20, s26, s18, $0xb8;
	[tilespmem:$0x1DD40] =	vst v63  }
0xd0: {  	s26 =	smin.u32 s24, $0x8F;
	_ =	swait.ge [sflag:s4], $0x1000  }
0xd1: {  	s26 =	sshll.u32 s26, $0x7;
	[sflag:s4] =	ssyncset.done $0x0  }
0xd2: {  	s26 =	sadd.s32 $0x800, s26;
	[sflag:s4] =	ssyncadd.s32 $0xFFFFF000  }
0xd3: {  	[tilespmem:s28], [sflag:$0x7] =	stream.indirect.gather [spmem:s3], $0x20, s26, s18, $0xb8;
	[tilespmem:$0x1DD40] =	vst v63  }
0xd4: {  	s26 =	smin.u32 s24, $0x8E;
	_ =	swait.ge [sflag:s10], $0x1000  }
0xd5: {  	s26 =	sshll.u32 s26, $0x7;
	[sflag:s10] =	ssyncset.done $0x0  }
0xd6: {  	s26 =	sadd.s32 $0x880, s26;
	[sflag:s10] =	ssyncadd.s32 $0xFFFFF000  }
0xd7: {  	[tilespmem:s30], [sflag:$0x8] =	stream.indirect.gather [spmem:s3], $0x20, s26, s18, $0xb8;
	[tilespmem:$0x1DD40] =	vst v63  }
0xd8: {  	s26 =	smin.u32 s24, $0x8D;
	_ =	swait.ge [sflag:s19], $0x1000  }
0xd9: {  	s26 =	sshll.u32 s26, $0x7;
	[sflag:s19] =	ssyncset.done $0x0  }
.Ltmp0:
0xda: {  	s26 =	sadd.s32 $0x900, s26;
	[sflag:s19] =	ssyncadd.s32 $0xFFFFF000;
	(pc) =	sbr.rel @p0 .LBB2_2-.Ltmp0, $4  }
0xdb: {  	[tilespmem:s0], [sflag:$0x9] =	stream.indirect.gather [spmem:s3], $0x20, s26, s18, $0xb8;
	[tilespmem:$0x1DD40] =	vst v63  }
0xdc: {  	s26 =	smin.u32 s24, $0x8C;
	_ =	swait.ge [sflag:s20], $0x1000  }
0xdd: {  	s26 =	sshll.u32 s26, $0x7;
	[sflag:s20] =	ssyncset.done $0x0  }
0xde: {  	s24 =	sadd.s32 $0xA, s24;
	s26 =	sadd.s32 $0x980, s26;
	[sflag:s20] =	ssyncadd.s32 $0xFFFFF000  }
0xdf: {  	[tilespmem:s29], [sflag:$0xA] =	stream.indirect.gather [spmem:s3], $0x20, s26, s18, $0xb8;
	[tilespmem:$0x1DD40] =	vst v63  }
0xe0: {  	s1 =	simm.s32 $0x1  }
0xe1: {  	_ =	swait.ge [sflag:s1], $0x1000  }
0xe2: {  	[sflag:s1] =	ssyncset.done $0x0  }
0xe3: {  	s14 =	simm.s32 $0x2;
	[sflag:s1] =	ssyncadd.s32 $0xFFFFF000  }
0xe4: {  	_ =	swait.ge [sflag:s14], $0x1000  }
0xe5: {  	[sflag:s14] =	ssyncset.done $0x0  }
0xe6: {  	s26 =	simm.s32 $0x3;
	[sflag:s14] =	ssyncadd.s32 $0xFFFFF000  }
0xe7: {  	_ =	swait.ge [sflag:s26], $0x1000  }
0xe8: {  	[sflag:s26] =	ssyncset.done $0x0  }
0xe9: {  	s28 =	simm.s32 $0x4;
	[sflag:s26] =	ssyncadd.s32 $0xFFFFF000  }
0xea: {  	_ =	swait.ge [sflag:s28], $0x1000  }
0xeb: {  	[sflag:s28] =	ssyncset.done $0x0  }
0xec: {  	s0 =	simm.s32 $0x5;
	[sflag:s28] =	ssyncadd.s32 $0xFFFFF000  }
0xed: {  	_ =	swait.ge [sflag:s0], $0x1000  }
0xee: {  	[sflag:s0] =	ssyncset.done $0x0  }
0xef: {  	[sflag:s0] =	ssyncadd.s32 $0xFFFFF000  }
0xf0: {  	_ =	swait.ge [sflag:s11], $0x1000  }
0xf1: {  	[sflag:s11] =	ssyncset.done $0x0  }
0xf2: {  	[sflag:s11] =	ssyncadd.s32 $0xFFFFF000  }
0xf3: {  	_ =	swait.ge [sflag:s23], $0x1000  }
0xf4: {  	[sflag:s23] =	ssyncset.done $0x0  }
0xf5: {  	s15 =	simm.s32 $0x8;
	[sflag:s23] =	ssyncadd.s32 $0xFFFFF000  }
0xf6: {  	_ =	swait.ge [sflag:s15], $0x1000  }
0xf7: {  	[sflag:s15] =	ssyncset.done $0x0  }
0xf8: {  	[sflag:s15] =	ssyncadd.s32 $0xFFFFF000  }
0xf9: {  	_ =	swait.ge [sflag:s5], $0x1000  }
0xfa: {  	[sflag:s5] =	ssyncset.done $0x0  }
0xfb: {  	[sflag:s5] =	ssyncadd.s32 $0xFFFFF000  }
0xfc: {  	_ =	swait.ge [sflag:s6], $0x1000  }
0xfd: {  	[sflag:s6] =	ssyncset.done $0x0  }
0xfe: {  	[sflag:s6] =	ssyncadd.s32 $0xFFFFF000  }
0xff: {  	[bflag:$0x0] =	sbarrier.arrive $0xFFFF  }
0x100: {  	s22 =	rddreg [dreg:$0x7]  }
0x101: {  	s24 =	rddreg [dreg:$0x9]  }
0x102: {  	s26 =	simm.s32 $0x15;
	s29 =	rddreg [dreg:$0xa]  }
0x103: {  	[hbm:s22@s15], [sflag:s24] =	dma.strided [spmem:s29@s28], $0x9E0, s1, $0x4   }
0x104: {  	_ =	swait.ge [sflag:s26], $0x9E0  }
0x105: {  	s30 =	rddreg [dreg:$0xc]  }
0x106: {  	s31 =	rddreg [dreg:$0x8];
	s1 =	sadd.s32 $0x1, s30  }
0x107: {  	p0 =	sne.s32 s1, s31  }
.Ltmp1:
0x108: {  	_ = 	snop;
	(pc) =	sbr.rel @p0 .LBB2_1-.Ltmp1, $3  }
0x109: {  	_ =	sdelay $0x1  }
0x10a: {  	[sflag:s26] =	ssyncset.done $0x0  }
0x10b: {  	[sflag:s26] =	ssyncadd.s32 $0xFFFFF620  }
0x10c: {  	_ =	sfence.sel $0x180000  }
0x10d: {  	[bflag:$0x0] =	sbarrier.arrive $0xFFFF  }
0x10e: {  	_ =	strace $0x9000004A  }
0x10f: {  	s0 =	stileid.u32;
	[bflag:$0x2] =	sbarrier.arrive $0xFFFF  }
0x110: {  	p0 =	sne.s32 s0, $0x0;
	s0 =	rddreg [dreg:$0x3]  }
0x111: {  	s0 =	sadd.s32 @!p0 $0x100000, s0  }
0x112: {  	[sflag:s0] =	ssyncadd.tile.s32 @!p0 $0x1;
	_ =	shalt  }
.Lfunc_end2:
_tile_overlayer_lowered:
.L_overlay_start_2:
0x113: {  	(tag) =	ssettag $0x2  }
0x114: {  	s0 =	rddreg [dreg:$0x0];
	s2 =	stileid.u32  }
0x115: {  	s1 =	rddreg [dreg:$0x1];
	p0 =	sne.s32 s2, $0x0  }
0x116: {  	s3 =	rddreg [dreg:$0x2];
	[bflag:$0x3] =	sbarrier.arrive $0xFFFF;
	s2 =	simm.s32 @!p0 $0x1C15  }
0x117: {  	[timem:s3], [sflag:s2] =	dma.local @!p0 [hbm:s0], s1  }
0x118: {  	s0 =	simm.s32 @!p0 $0x15  }
0x119: {  	_ =	swait.ge @!p0 [sflag:s0], s1  }
0x11a: {  	s1 =	ssub.s32 @!p0 $0x0, s1;
	[sflag:s0] =	ssyncset.done @!p0 $0x0  }
0x11b: {  	[sflag:s0] =	ssyncadd.s32 @!p0 s1  }
0x11c: {  	[bflag:$0x3] =	sbarrier.arrive $0xFFFF  }
0x11d: {  	_ =	shalt  }

// kernel: kernel.16.cloned.1.call-start
scs
__scs_entry_jumppad:
0x0: {  	(pc) =	sbr.rel $0x88, $3  }
0x1: {  	(tag) =	ssettag $0x0;
	lr =	simm.s32 $0x1  }
0x2: {  	[smem:$0x3F8B] =	sst lr;
	_ =	strace $0xD0000000  }
0x3: {  	_ = 	snop  }
0x4: {  	_ = 	snop  }
0x5: {  	_ = 	snop  }
0x6: {  	_ = 	snop  }
0x7: {  	_ = 	snop  }
__scs_overlays_trampoline_lowered:
0x8: {  	[smem:$0x3F9A] =	sst s0  }
0x9: {  	[smem:$0x3F9B] =	sst s1  }
0xa: {  	[smem:$0x3F9C] =	sst s2  }
0xb: {  	[smem:$0x3F9D] =	sst s3  }
0xc: {  	[smem:$0x3F9E] =	sst s4  }
0xd: {  	[smem:$0x3F9F] =	sst s5  }
0xe: {  	[smem:$0x3FA0] =	sst s6  }
0xf: {  	[smem:$0x3FA1] =	sst s7  }
0x10: {  	[smem:$0x3FA2] =	sst s8  }
0x11: {  	[smem:$0x3FA3] =	sst s9;
	s0 =	simm.s32 @!p0 $0x0  }
0x12: {  	s1 =	sld [smem:$0x3F89];
	s0 =	simm.s32 @p0 $0x1  }
0x13: {  	[smem:$0x3FA4] =	sst s0;
	s0 =	simm.s32 @!p1 $0x0  }
0x14: {  	s2 =	sld [smem:$0x3F88];
	s0 =	simm.s32 @p1 $0x1  }
0x15: {  	[smem:$0x3FA5] =	sst s0;
	s0 =	simm.s32 @!p2 $0x0  }
0x16: {  	s3 =	sld [smem:$0x3FDB];
	s0 =	simm.s32 @p2 $0x1  }
0x17: {  	s4 =	simm.s32 $0x1BF5;
	[smem:$0x3FA7] =	sst s0  }
0x18: {  	s0 =	sld [smem:$0x3F8A];
	_ =	swait.ge [sflag:s4], $0x0  }
0x19: {  	s7 =	sld [smem:$0x3F8B]  }
0x1a: {  	s8 =	sadd.s32 $0xFFFFE003, lr  }
0x1b: {  	s9 =	sadd.s32 $0xFFFFFEF7, lr;
	s5 =	simm.s32 $0xFFFFFFFF;
	p2 =	slt.u32 s8, $0xFFFFF086  }
0x1c: {  	p1 =	slt.u32 s9, $0xF7A;
	s5 =	simm.s32 @!p2 $0x0  }
0x1d: {  	s5 =	simm.s32 @p1 $0x1;
	p0 =	seq.s32 s7, s2  }
0x1e: {  	s7 =	smul.u32 @!p0 $0xF7A, s2;
	p2 =	seq.s32 @!p0 s5, $0x0  }
0x1f: {  	s9 =	smul.u32 $0xF7A, s1;
	s8 =	simm.s32 @!p0 $0x1BF5;
	p2 =	por !p2, p0  }
0x20: {  	[sflag:s8] =	ssyncset.s32 @!p0 $0xFFFFF086;
	s6 =	sadd.s32 @!p0 s3, s7;
	s7 =	simm.s32 @!p0 $0x108  }
0x21: {  	s3 =	sadd.s32 s3, s9;
	s6 =	sadd.s32 @!p0 $0x88, s6;
	s7 =	simm.s32 @p2 $0x1082  }
0x22: {  	[simem:s7], [sflag:s8] =	dma.local @!p0 [hbm:s6], $0xF7A  }
0x23: {  	s9 =	sor.u32 $0xD0000000, s2;
	s6 =	simm.s32 $0x108;
	_ =	swait.ge @!p0 [sflag:s8], $0x0  }
0x24: {  	s3 =	sadd.s32 $0x88, s3;
	s6 =	simm.s32 @!p1 $0x1082;
	[sflag:s4] =	ssyncset.s32 $0xFFFFF086  }
0x25: {  	[simem:s6], [sflag:s4] =	dma.local [hbm:s3], $0xF7A  }
0x26: {  	[smem:$0x3F8B] =	sst s1;
	(tag) =	ssettag s2;
	_ =	strace s9  }
0x27: {  	s1 =	sld [smem:$0x3F9B]  }
0x28: {  	s2 =	sld [smem:$0x3F9C]  }
0x29: {  	s4 =	sld [smem:$0x3F9E]  }
0x2a: {  	p0 =	seq.s32 s5, $0x0;
	s5 =	sld [smem:$0x3F9F]  }
0x2b: {  	s6 =	sld [smem:$0x3FA0]  }
0x2c: {  	s7 =	sld [smem:$0x3FA1]  }
0x2d: {  	s3 =	simm.s32 $0x108;
	s8 =	sld [smem:$0x3FA2]  }
0x2e: {  	s3 =	simm.s32 @!p0 $0x1082;
	s9 =	sld [smem:$0x3FA3]  }
0x2f: {  	lr =	sadd.s32 s0, s3;
	s0 =	sld [smem:$0x3F9A]  }
0x30: {  	s3 =	sld [smem:$0x3F9D]  }
0x31: {  	[smem:$0x3FA6] =	sst s10  }
0x32: {  	s10 =	sld [smem:$0x3FA4];
	_ =	sdelay $0x3  }
0x33: {  	p0 =	seq.s32 s10, $0x1;
	s10 =	sld [smem:$0x3FA6];
	_ =	sdelay $0x3  }
0x34: {  	[smem:$0x3FA6] =	sst s10  }
0x35: {  	s10 =	sld [smem:$0x3FA5];
	_ =	sdelay $0x3  }
0x36: {  	p1 =	seq.s32 s10, $0x1;
	s10 =	sld [smem:$0x3FA6];
	_ =	sdelay $0x3  }
0x37: {  	[smem:$0x3FA6] =	sst s10  }
0x38: {  	s10 =	sld [smem:$0x3FA7]  }
0x39: {  	_ = 	snop;
	(pc) =	sbr.ind lr, $3  }
0x3a: {  	_ = 	snop  }
0x3b: {  	_ = 	snop  }
0x3c: {  	p2 =	seq.s32 s10, $0x1;
	s10 =	sld [smem:$0x3FA6]  }
0x3d: {  	_ =	shalt  }
0x3e: {  	_ =	shalt  }
0x3f: {  	_ =	shalt  }
0x40: {  	_ =	shalt  }
0x41: {  	_ =	shalt  }
0x42: {  	_ =	shalt  }
0x43: {  	_ =	shalt  }
0x44: {  	_ =	shalt  }
0x45: {  	_ =	shalt  }
0x46: {  	_ =	shalt  }
0x47: {  	_ =	shalt  }
0x48: {  	_ =	shalt  }
0x49: {  	_ =	shalt  }
0x4a: {  	_ =	shalt  }
0x4b: {  	_ =	shalt  }
0x4c: {  	_ =	shalt  }
0x4d: {  	_ =	shalt  }
0x4e: {  	_ =	shalt  }
0x4f: {  	_ =	shalt  }
0x50: {  	_ =	shalt  }
0x51: {  	_ =	shalt  }
0x52: {  	_ =	shalt  }
0x53: {  	_ =	shalt  }
0x54: {  	_ =	shalt  }
0x55: {  	_ =	shalt  }
0x56: {  	_ =	shalt  }
0x57: {  	_ =	shalt  }
0x58: {  	_ =	shalt  }
0x59: {  	_ =	shalt  }
0x5a: {  	_ =	shalt  }
0x5b: {  	_ =	shalt  }
0x5c: {  	_ =	shalt  }
0x5d: {  	_ =	shalt  }
0x5e: {  	_ =	shalt  }
0x5f: {  	_ =	shalt  }
0x60: {  	_ =	shalt  }
0x61: {  	_ =	shalt  }
0x62: {  	_ =	shalt  }
0x63: {  	_ =	shalt  }
0x64: {  	_ =	shalt  }
0x65: {  	_ =	shalt  }
0x66: {  	_ =	shalt  }
0x67: {  	_ =	shalt  }
0x68: {  	_ =	shalt  }
0x69: {  	_ =	shalt  }
0x6a: {  	_ =	shalt  }
0x6b: {  	_ =	shalt  }
0x6c: {  	_ =	shalt  }
0x6d: {  	_ =	shalt  }
0x6e: {  	_ =	shalt  }
0x6f: {  	_ =	shalt  }
0x70: {  	_ =	shalt  }
0x71: {  	_ =	shalt  }
0x72: {  	_ =	shalt  }
0x73: {  	_ =	shalt  }
0x74: {  	_ =	shalt  }
0x75: {  	_ =	shalt  }
0x76: {  	_ =	shalt  }
0x77: {  	_ =	shalt  }
0x78: {  	_ =	shalt  }
0x79: {  	_ =	shalt  }
0x7a: {  	_ =	shalt  }
0x7b: {  	_ =	shalt  }
0x7c: {  	_ =	shalt  }
0x7d: {  	_ =	shalt  }
0x7e: {  	_ =	shalt  }
0x7f: {  	_ =	shalt  }
0x80: {  	_ =	shalt  }
0x81: {  	_ =	shalt  }
0x82: {  	_ =	shalt  }
0x83: {  	_ =	shalt  }
0x84: {  	_ =	shalt  }
0x85: {  	_ =	shalt  }
0x86: {  	_ =	shalt  }
0x87: {  	_ =	shalt  }
.Lfunc_end0:
.L_simem_size_0:
called_computation.2_lowered:
.L_overlay_start_0:
0x88: {  	s2 =	sld [smem:$0x3FD9]  }
0x89: {  	s3 =	sld [smem:$0x3FFE];
	_ =	sdelay $0x1  }
0x8a: {  	s1 =	srdreg.scid  }
0x8b: {  	s0 =	sand.u32 $0x1, s1  }
0x8c: {  	s16 =	sshll.u32 s0, $0xA;
	s2 =	sadd.s32 s3, s2  }
0x8d: {  	s2 =	sadd.s32 s2, s16  }
0x8e: {  	[smem:$0x3FB2] =	sst s2  }
0x8f: {  	_ = 	snop  }
0x90: {  	(tm) =	ssettm $0x1  }
0x91: {  	s17 =	sld [smem:$0x3FFB];
	_ =	sdelay $0x3  }
0x92: {  	_ =	strace s17  }
0x93: {  	s2 =	sld [smem:$0x3FFC];
	_ =	sdelay $0x3  }
0x94: {  	_ =	strace s2  }
0x95: {  	s2 =	sld [smem:$0x3FFD];
	_ =	sdelay $0x3  }
0x96: {  	_ =	strace s2  }
0x97: {  	_ =	strace $0x8FFFFFFF  }
0x98: {  	s18 =	sld [smem:$0x3FDB];
	_ =	sdelay $0x1  }
0x99: {  	s19 =	simm.s32 $_scs_section_size  }
0x9a: {  	s4 =	simm.s32 $_size__tile_overlayer_lowered;
	s5 =	simm.s32 $_tile_overlayer_lowered  }
0x9b: {  	s22 =	simm.s32 $0x1BFF;
	s21 =	sshll.u32 s5, $0x1;
	s2 =	sadd.s32 s19, s18  }
0x9c: {  	s6 =	simm.s32 $0x0;
	s20 =	sshll.u32 s4, $0x1;
	s4 =	sadd.s32 s21, s2  }
0x9d: {  	[timem:s6], [sflag:s22] =	dma.local [hbm:s4], s20  }
0x9e: {  	_ =	swait.ge [sflag:s22], s20  }
0x9f: {  	s3 =	ssub.s32 $0x0, s20;
	[sflag:s22] =	ssyncset.done $0x0  }
0xa0: {  	[sflag:s22] =	ssyncadd.s32 s3;
	_ =	sdelay $0x1  }
0xa1: {  	s23 =	simm.s32 $0x1B8B  }
0xa2: {  	_ =	swait.ge [sflag:s23], $0x1  }
0xa3: {  	[sflag:s23] =	ssyncset.done $0x0  }
0xa4: {  	s25 =	simm.s32 $0x1B8E;
	s24 =	sld [smem:$0x3FFE];
	[sflag:s23] =	ssyncadd.s32 $0xFFFFFFFF  }
0xa5: {  	s26 =	simm.s32 $execute0_lowered;
	[smem:$0x3FD2] =	sst s25  }
0xa6: {  	s4 =	sshll.u32 s26, $0x1;
	_ =	strace $0x8000004C;
	[dreg:$0x1] =	wrdreg $0xFFFFFFFF  }
0xa7: {  	s28 =	simm.s32 $_size_execute0_lowered;
	s2 =	sadd.s32 s2, s4;
	[dreg:$0x0] =	wrdreg $0x0  }
0xa8: {  	s4 =	sshll.u32 s28, $0x1;
	[dreg:$0x2] =	wrdreg s2  }
0xa9: {  	[dreg:$0x3] =	wrdreg s4  }
0xaa: {  	[dreg:$0x4] =	wrdreg $0xC0  }
0xab: {  	_ =	task [dreg:s6], $0x5FFFF  }
0xac: {  	[dreg:$0x1] =	wrdreg $0xFFFFFFFF  }
0xad: {  	[dreg:$0x0] =	wrdreg $0x60  }
0xae: {  	[dreg:$0x2] =	wrdreg s24  }
0xaf: {  	[dreg:$0x3] =	wrdreg $0x140000  }
0xb0: {  	[dreg:$0x4] =	wrdreg $0x18F200  }
0xb1: {  	[dreg:$0x5] =	wrdreg $0x9  }
0xb2: {  	_ =	task.clear_ibuf [dreg:s6], $0x6FFFF;
	_ =	strace $0x9000004C  }
0xb3: {  	s29 =	simm.s32 $0x9;
	_ =	strace $0x8000004E  }
0xb4: {  	_ =	swait.ge [sflag:s29], $0x1  }
0xb5: {  	[sflag:s29] =	ssyncadd.s32 $0xFFFFFFFF  }
0xb6: {  	_ =	strace $0x9000004E  }
0xb7: {  	_ =	sfence  }
0xb8: {  	s30 =	sld [smem:$0x0];
	_ =	sdelay $0x2  }
0xb9: {  	s31 =	sshll.u32 s1, $0xD;
	s1 =	sshrl.u32 s1, $0x2  }
0xba: {  	s3 =	sand.u32 $0x4000, s31;
	s1 =	sadd.s32 s1, s30  }
0xbb: {  	s0 =	sor.u32 s3, s0;
	s1 =	sshll.u32 s1, $0x11  }
0xbc: {  	s0 =	sor.u32 s1, s0  }
0xbd: {  	s0 =	sadd.s32 $0x8F2B, s0  }
0xbe: {  	[sflag:s0] =	ssyncadd.remote.s32 $0x1  }
0xbf: {  	_ =	sfence.sel $0xFFFF  }
0xc0: {  	[dreg:$0x0] =	wrdreg $0xFFFFFFFF;
	(pc) =	sbr.abs _section_cstart, $3  }
0xc1: {  	[dreg:$0x1] =	wrdreg $0xFFFFFFFF  }
0xc2: {  	_ =	task.clear_ibuf [dreg:s6], $0x2FFFF;
	_ =	strace $0x9FFFFFFF  }
0xc3: {  	(tm) =	ssettm $0x7FFFFFFF  }
tec
execute0_lowered:
.L_overlay_start_1:
0x0: {  	(tag) =	ssettag $0x1  }
0x1: {  	s0 =	rddreg [dreg:$0x0]  }
0x2: {  	s2 =	rddreg [dreg:$0x1]  }
0x3: {  	s3 =	rddreg [dreg:$0x2]  }
0x4: {  	s8 =	stileid.u32;
	s4 =	simm.s32 $0x0;
	s22 =	srdreg.scid  }
0x5: {  	s18 =	simm.s32 $0x80;
	s11 =	simm.s32 $0x6;
	s9 =	simm.s32 $0xC  }
0x6: {  	s17 =	simm.s32 $0xD;
	s13 =	simm.s32 $0xF;
	s12 =	simm.s32 $0x10  }
0x7: {  	s10 =	simm.s32 $0x12;
	s19 =	simm.s32 $0x13;
	s1 =	smul.u32 $0x271, s8  }
0x8: {  	s20 =	simm.s32 $0x14;
	[smem:$0x7FF] =	sst s4;
	s5 =	smul.u32 $0xA00, s8  }
0x9: {  	s4 =	sand.u32 $0x1, s22;
	s30 =	sshll.u32 s8, $0x6;
	s8 =	simm.s32 $0xB  }
0xa: {  	s7 =	sshll.u32 s4, $0x2;
	s4 =	ssub.s32 $0x2, s4;
	_ =	strace $0x8000004D  }
0xb: {  	s1 =	sshrl.u32 s1, $0x3;
	s23 =	sshrl.u32 s4, $0x1;
	s5 =	sadd.s32 s5, s0  }
0xc: {  	s6 =	sshll.u32 s1, $0x6;
	s4 =	ssub.s32 s4, s23;
	s24 =	sadd.s32 $0x1D000, s5  }
0xd: {  	s5 =	sadd.s32 $0x4000, s5;
	s1 =	sshll.u32 s1, $0x8;
	[dreg:$0x4] =	wrdreg s24  }
0xe: {  	s23 =	simm.s32 $0x7;
	s6 =	sor.u32 s7, s6;
	[dreg:$0x5] =	wrdreg s5  }
0xf: {  	s25 =	sadd.s32 s1, s2;
	s1 =	sadd.s32 s1, s3;
	s28 =	smax.u32 s4, $0x1  }
0x10: {  	s24 =	sor.u32 $0x1C15, s30;
	s5 =	simm.s32 $0x9;
	[dreg:$0x8] =	wrdreg s28  }
0x11: {  	s7 =	simm.s32 $0xE;
	s31 =	sshrl.u32 s1, $0x3;
	[dreg:$0x9] =	wrdreg s24  }
0x12: {  	s0 =	sadd.s32 s6, s0;
	s29 =	sshrl.u32 s25, $0x3;
	[dreg:$0xb] =	wrdreg s31  }
0x13: {  	s4 =	simm.s32 $0x11;
	s26 =	sadd.s32 $0x75400, s0;
	[dreg:$0xa] =	wrdreg s29  }
0x14: {  	s6 =	simm.s32 $0xA;
	s0 =	sadd.s32 $0x88E00, s0;
	[dreg:$0x6] =	wrdreg s26  }
0x15: {  	s1 =	simm.s32 $0x0;
	[dreg:$0x7] =	wrdreg s0;
	s26 =	simm.s32 $0x15  }
.LBB2_1:
0x16: {  	[dreg:$0xc] =	wrdreg s1  }
0x17: {  	s0 =	simm.s32 $0x0;
	s22 =	rddreg [dreg:$0x4]  }
0x18: {  	[tilespmem:s0], [sflag:$0x15] =	stream.linear.gather [hbm4b:s22+s0], $0x5000, $0x38;
	[tilespmem:$0x1DD40] =	vst v63  }
0x19: {  	_ =	swait.ge [sflag:s26], $0x5000  }
0x1a: {  	[sflag:s26] =	ssyncset.done $0x0  }
0x1b: {  	s16 =	simm.s32 $0x5000;
	s1 =	rddreg [dreg:$0x5];
	[sflag:s26] =	ssyncadd.s32 $0xFFFFB000  }
0x1c: {  	[tilespmem:s16], [sflag:$0x15] =	stream.linear.gather [hbm4b:s1+s0], $0x5000, $0x38;
	[tilespmem:$0x1DD40] =	vst v63  }
0x1d: {  	s14 =	smov.u32 s29;
	_ =	swait.ge [sflag:s26], $0x5000  }
0x1e: {  	s31 =	simm.s32 $0x1;
	s15 =	simm.s32 $0x4;
	[sflag:s26] =	ssyncset.done $0x0  }
0x1f: {  	s16 =	simm.s32 $0x8;
	s21 =	rddreg [dreg:$0x6];
	[sflag:s26] =	ssyncadd.s32 $0xFFFFB000  }
0x20: {  	[spmem:s14@s15], [sflag:s24] =	dma.strided [hbm:s21@s16], $0x9E0, s31, $0x4   }
0x21: {  	_ =	swait.ge [sflag:s26], $0x9E0  }
0x22: {  	[sflag:s26] =	ssyncset.done $0x0  }
0x23: {  	s25 =	rddreg [dreg:$0xb];
	[sflag:s26] =	ssyncadd.s32 $0xFFFFF620  }
0x24: {  	[spmem:s25@s15], [sflag:s24] =	dma.strided [hbm:s21@s16], $0x9E0, s31, $0x4   }
0x25: {  	_ =	swait.ge [sflag:s26], $0x9E0  }
0x26: {  	[sflag:s26] =	ssyncset.done $0x0  }
0x27: {  	[sflag:s26] =	ssyncadd.s32 $0xFFFFF620  }
0x28: {  	s21 =	simm.s32 $0xA000;
	[bflag:$0x0] =	sbarrier.arrive $0xFFFF  }
0x29: {  	[tilespmem:s21], [sflag:$0x1] =	stream.indirect.gather [spmem:s3], $0x20, s0, s18, $0xb8;
	[tilespmem:$0x1DD40] =	vst v63  }
0x2a: {  	s24 =	simm.s32 $0xB000  }
0x2b: {  	[tilespmem:s24], [sflag:$0x2] =	stream.indirect.gather [spmem:s3], $0x20, s18, s18, $0xb8;
	[tilespmem:$0x1DD40] =	vst v63  }
0x2c: {  	s25 =	simm.s32 $0xC000;
	s26 =	simm.s32 $0x100  }
0x2d: {  	[tilespmem:s25], [sflag:$0x3] =	stream.indirect.gather [spmem:s3], $0x20, s26, s18, $0xb8;
	[tilespmem:$0x1DD40] =	vst v63  }
0x2e: {  	s28 =	simm.s32 $0x180;
	s14 =	simm.s32 $0xD000  }
0x2f: {  	[tilespmem:s14], [sflag:$0x4] =	stream.indirect.gather [spmem:s3], $0x20, s28, s18, $0xb8;
	[tilespmem:$0x1DD40] =	vst v63  }
0x30: {  	s29 =	simm.s32 $0x200;
	s26 =	simm.s32 $0xE000  }
0x31: {  	[tilespmem:s26], [sflag:$0x5] =	stream.indirect.gather [spmem:s3], $0x20, s29, s18, $0xb8;
	[tilespmem:$0x1DD40] =	vst v63  }
0x32: {  	s30 =	simm.s32 $0x280;
	s29 =	simm.s32 $0xF000  }
0x33: {  	[tilespmem:s29], [sflag:$0x6] =	stream.indirect.gather [spmem:s3], $0x20, s30, s18, $0xb8;
	[tilespmem:$0x1DD40] =	vst v63  }
0x34: {  	s0 =	simm.s32 $0x300;
	s28 =	simm.s32 $0x10000  }
0x35: {  	[tilespmem:s28], [sflag:$0x7] =	stream.indirect.gather [spmem:s3], $0x20, s0, s18, $0xb8;
	[tilespmem:$0x1DD40] =	vst v63  }
0x36: {  	s1 =	simm.s32 $0x380;
	s30 =	simm.s32 $0x11000  }
0x37: {  	[tilespmem:s30], [sflag:$0x8] =	stream.indirect.gather [spmem:s3], $0x20, s1, s18, $0xb8;
	[tilespmem:$0x1DD40] =	vst v63  }
0x38: {  	s1 =	simm.s32 $0x400;
	s30 =	simm.s32 $0x12000  }
0x39: {  	[tilespmem:s30], [sflag:$0x9] =	stream.indirect.gather [spmem:s3], $0x20, s1, s18, $0xb8;
	[tilespmem:$0x1DD40] =	vst v63  }
0x3a: {  	s0 =	simm.s32 $0x480;
	s1 =	simm.s32 $0x13000  }
0x3b: {  	[tilespmem:s1], [sflag:$0xA] =	stream.indirect.gather [spmem:s3], $0x20, s0, s18, $0xb8;
	[tilespmem:$0x1DD40] =	vst v63  }
0x3c: {  	_ =	swait.ge [sflag:s31], $0x1000  }
0x3d: {  	[sflag:s31] =	ssyncset.done $0x0  }
0x3e: {  	s0 =	simm.s32 $0x5000;
	[sflag:s31] =	ssyncadd.s32 $0xFFFFF000;
	s31 =	simm.s32 $0x2  }
0x3f: {  	[spmem:s2] =	stream.indirect.scatter.add.f32 [tilespmem:s21], [sflag:$0xB], $0x20, s0, s18, $0xb8;
	[tilespmem:$0x1DD40] =	vst v63  }
0x40: {  	_ =	swait.ge [sflag:s31], $0x1000  }
0x41: {  	[sflag:s31] =	ssyncset.done $0x0  }
0x42: {  	s0 =	simm.s32 $0x5080;
	[sflag:s31] =	ssyncadd.s32 $0xFFFFF000;
	s31 =	simm.s32 $0x3  }
0x43: {  	[spmem:s2] =	stream.indirect.scatter.add.f32 [tilespmem:s24], [sflag:$0xC], $0x20, s0, s18, $0xb8;
	[tilespmem:$0x1DD40] =	vst v63  }
0x44: {  	_ =	swait.ge [sflag:s31], $0x1000  }
0x45: {  	[sflag:s31] =	ssyncset.done $0x0  }
0x46: {  	s0 =	simm.s32 $0x5100;
	[sflag:s31] =	ssyncadd.s32 $0xFFFFF000  }
0x47: {  	[spmem:s2] =	stream.indirect.scatter.add.f32 [tilespmem:s25], [sflag:$0xD], $0x20, s0, s18, $0xb8;
	[tilespmem:$0x1DD40] =	vst v63  }
0x48: {  	_ =	swait.ge [sflag:s15], $0x1000  }
0x49: {  	[sflag:s15] =	ssyncset.done $0x0  }
0x4a: {  	s22 =	simm.s32 $0x5;
	[sflag:s15] =	ssyncadd.s32 $0xFFFFF000;
	s15 =	simm.s32 $0x5180  }
0x4b: {  	[spmem:s2] =	stream.indirect.scatter.add.f32 [tilespmem:s14], [sflag:$0xE], $0x20, s15, s18, $0xb8;
	[tilespmem:$0x1DD40] =	vst v63  }
0x4c: {  	_ =	swait.ge [sflag:s22], $0x1000  }
0x4d: {  	[sflag:s22] =	ssyncset.done $0x0  }
0x4e: {  	s31 =	simm.s32 $0x5200;
	[sflag:s22] =	ssyncadd.s32 $0xFFFFF000  }
0x4f: {  	[spmem:s2] =	stream.indirect.scatter.add.f32 [tilespmem:s26], [sflag:$0xF], $0x20, s31, s18, $0xb8;
	[tilespmem:$0x1DD40] =	vst v63  }
0x50: {  	_ =	swait.ge [sflag:s11], $0x1000  }
0x51: {  	[sflag:s11] =	ssyncset.done $0x0  }
0x52: {  	s0 =	simm.s32 $0x5280;
	[sflag:s11] =	ssyncadd.s32 $0xFFFFF000  }
0x53: {  	[spmem:s2] =	stream.indirect.scatter.add.f32 [tilespmem:s29], [sflag:$0x10], $0x20, s0, s18, $0xb8;
	[tilespmem:$0x1DD40] =	vst v63  }
0x54: {  	_ =	swait.ge [sflag:s23], $0x1000  }
0x55: {  	[sflag:s23] =	ssyncset.done $0x0  }
0x56: {  	s15 =	simm.s32 $0x5300;
	[sflag:s23] =	ssyncadd.s32 $0xFFFFF000  }
0x57: {  	[spmem:s2] =	stream.indirect.scatter.add.f32 [tilespmem:s28], [sflag:$0x11], $0x20, s15, s18, $0xb8;
	[tilespmem:$0x1DD40] =	vst v63  }
0x58: {  	_ =	swait.ge [sflag:s16], $0x1000  }
0x59: {  	[sflag:s16] =	ssyncset.done $0x0  }
0x5a: {  	s15 =	simm.s32 $0x11000;
	[sflag:s16] =	ssyncadd.s32 $0xFFFFF000;
	s16 =	simm.s32 $0x5380  }
0x5b: {  	[spmem:s2] =	stream.indirect.scatter.add.f32 [tilespmem:s15], [sflag:$0x12], $0x20, s16, s18, $0xb8;
	[tilespmem:$0x1DD40] =	vst v63  }
0x5c: {  	_ =	swait.ge [sflag:s5], $0x1000  }
0x5d: {  	[sflag:s5] =	ssyncset.done $0x0  }
0x5e: {  	s31 =	simm.s32 $0x5400;
	[sflag:s5] =	ssyncadd.s32 $0xFFFFF000  }
0x5f: {  	[spmem:s2] =	stream.indirect.scatter.add.f32 [tilespmem:s30], [sflag:$0x13], $0x20, s31, s18, $0xb8;
	[tilespmem:$0x1DD40] =	vst v63  }
0x60: {  	_ =	swait.ge [sflag:s6], $0x1000  }
0x61: {  	[sflag:s6] =	ssyncset.done $0x0  }
0x62: {  	s0 =	simm.s32 $0x5480;
	[sflag:s6] =	ssyncadd.s32 $0xFFFFF000  }
0x63: {  	[spmem:s2] =	stream.indirect.scatter.add.f32 [tilespmem:s1], [sflag:$0x14], $0x20, s0, s18, $0xb8;
	[tilespmem:$0x1DD40] =	vst v63  }
0x64: {  	s0 =	simm.s32 $0x0  }
0x65: {  	s16 =	smin.u32 s0, $0x95;
	_ =	swait.ge [sflag:s8], $0x1000  }
0x66: {  	[sflag:s8] =	ssyncset.done $0x0;
	s22 =	sshll.u32 s16, $0x7  }
0x67: {  	[sflag:s8] =	ssyncadd.s32 $0xFFFFF000;
	s22 =	sadd.s32 $0x500, s22  }
0x68: {  	[tilespmem:s21], [sflag:$0x1] =	stream.indirect.gather [spmem:s3], $0x20, s22, s18, $0xb8;
	[tilespmem:$0x1DD40] =	vst v63  }
0x69: {  	s31 =	smin.u32 s0, $0x94;
	_ =	swait.ge [sflag:s9], $0x1000  }
0x6a: {  	s22 =	sshll.u32 s31, $0x7;
	[sflag:s9] =	ssyncset.done $0x0  }
0x6b: {  	s22 =	sadd.s32 $0x580, s22;
	[sflag:s9] =	ssyncadd.s32 $0xFFFFF000  }
0x6c: {  	[tilespmem:s24], [sflag:$0x2] =	stream.indirect.gather [spmem:s3], $0x20, s22, s18, $0xb8;
	[tilespmem:$0x1DD40] =	vst v63  }
0x6d: {  	s1 =	smin.u32 s0, $0x93;
	_ =	swait.ge [sflag:s17], $0x1000  }
0x6e: {  	s22 =	sshll.u32 s1, $0x7;
	[sflag:s17] =	ssyncset.done $0x0  }
0x6f: {  	s22 =	sadd.s32 $0x600, s22;
	[sflag:s17] =	ssyncadd.s32 $0xFFFFF000  }
0x70: {  	[tilespmem:s25], [sflag:$0x3] =	stream.indirect.gather [spmem:s3], $0x20, s22, s18, $0xb8;
	[tilespmem:$0x1DD40] =	vst v63  }
0x71: {  	s16 =	smin.u32 s0, $0x92;
	_ =	swait.ge [sflag:s7], $0x1000  }
0x72: {  	s22 =	sshll.u32 s16, $0x7;
	[sflag:s7] =	ssyncset.done $0x0  }
0x73: {  	s22 =	sadd.s32 $0x680, s22;
	[sflag:s7] =	ssyncadd.s32 $0xFFFFF000  }
0x74: {  	[tilespmem:s14], [sflag:$0x4] =	stream.indirect.gather [spmem:s3], $0x20, s22, s18, $0xb8;
	[tilespmem:$0x1DD40] =	vst v63  }
0x75: {  	s21 =	smin.u32 s0, $0x91;
	_ =	swait.ge [sflag:s13], $0x1000  }
0x76: {  	s22 =	sshll.u32 s21, $0x7;
	[sflag:s13] =	ssyncset.done $0x0  }
0x77: {  	s22 =	sadd.s32 $0x700, s22;
	[sflag:s13] =	ssyncadd.s32 $0xFFFFF000  }
0x78: {  	[tilespmem:s26], [sflag:$0x5] =	stream.indirect.gather [spmem:s3], $0x20, s22, s18, $0xb8;
	[tilespmem:$0x1DD40] =	vst v63  }
0x79: {  	s24 =	smin.u32 s0, $0x90;
	_ =	swait.ge [sflag:s12], $0x1000  }
0x7a: {  	s22 =	sshll.u32 s24, $0x7;
	[sflag:s12] =	ssyncset.done $0x0  }
0x7b: {  	s22 =	sadd.s32 $0x780, s22;
	[sflag:s12] =	ssyncadd.s32 $0xFFFFF000  }
0x7c: {  	[tilespmem:s29], [sflag:$0x6] =	stream.indirect.gather [spmem:s3], $0x20, s22, s18, $0xb8;
	[tilespmem:$0x1DD40] =	vst v63  }
0x7d: {  	s25 =	smin.u32 s0, $0x8F;
	_ =	swait.ge [sflag:s4], $0x1000  }
0x7e: {  	s22 =	sshll.u32 s25, $0x7;
	[sflag:s4] =	ssyncset.done $0x0  }
0x7f: {  	s22 =	sadd.s32 $0x800, s22;
	[sflag:s4] =	ssyncadd.s32 $0xFFFFF000  }
0x80: {  	[tilespmem:s28], [sflag:$0x7] =	stream.indirect.gather [spmem:s3], $0x20, s22, s18, $0xb8;
	[tilespmem:$0x1DD40] =	vst v63  }
0x81: {  	s26 =	smin.u32 s0, $0x8E;
	_ =	swait.ge [sflag:s10], $0x1000  }
0x82: {  	s22 =	sshll.u32 s26, $0x7;
	[sflag:s10] =	ssyncset.done $0x0  }
0x83: {  	s22 =	sadd.s32 $0x880, s22;
	[sflag:s10] =	ssyncadd.s32 $0xFFFFF000  }
0x84: {  	[tilespmem:s15], [sflag:$0x8] =	stream.indirect.gather [spmem:s3], $0x20, s22, s18, $0xb8;
	[tilespmem:$0x1DD40] =	vst v63  }
0x85: {  	s28 =	smin.u32 s0, $0x8D;
	_ =	swait.ge [sflag:s19], $0x1000  }
0x86: {  	s29 =	simm.s32 $0x0;
	s22 =	sshll.u32 s28, $0x7;
	[sflag:s19] =	ssyncset.done $0x0  }
0x87: {  	s31 =	smin.u32 s29, $0x8C;
	s22 =	sadd.s32 $0x900, s22;
	[sflag:s19] =	ssyncadd.s32 $0xFFFFF000  }
0x88: {  	[tilespmem:s30], [sflag:$0x9] =	stream.indirect.gather [spmem:s3], $0x20, s22, s18, $0xb8;
	[tilespmem:$0x1DD40] =	vst v63  }
0x89: {  	s24 =	sshll.u32 s31, $0x7;
	_ =	swait.ge [sflag:s20], $0x1000  }
0x8a: {  	s26 =	sadd.s32 $0x980, s24;
	[sflag:s20] =	ssyncset.done $0x0  }
0x8b: {  	s24 =	simm.s32 $0xA;
	s22 =	simm.s32 $0x1400;
	[sflag:s20] =	ssyncadd.s32 $0xFFFFF000  }
.LBB2_2:
0x8c: {  	s1 =	simm.s32 $0x13000  }
0x8d: {  	[tilespmem:s1], [sflag:$0xA] =	stream.indirect.gather [spmem:s3], $0x20, s26, s18, $0xb8;
	[tilespmem:$0x1DD40] =	vst v63  }
0x8e: {  	s14 =	simm.s32 $0x1;
	s26 =	smov.u32 s22  }
0x8f: {  	p0 =	sne.s32 s22, $0x12C00;
	s22 =	sadd.s32 $0x1400, s22;
	_ =	swait.ge [sflag:s14], $0x1000  }
0x90: {  	s21 =	simm.s32 $0xA000;
	s26 =	sshra.s32 s26, $0x2;
	[sflag:s14] =	ssyncset.done $0x0  }
0x91: {  	s29 =	sadd.s32 $0x5000, s26;
	[sflag:s14] =	ssyncadd.s32 $0xFFFFF000;
	s14 =	simm.s32 $0x2  }
0x92: {  	[spmem:s2] =	stream.indirect.scatter.add.f32 [tilespmem:s21], [sflag:$0xB], $0x20, s29, s18, $0xb8;
	[tilespmem:$0x1DD40] =	vst v63  }
0x93: {  	_ =	swait.ge [sflag:s14], $0x1000  }
0x94: {  	s25 =	simm.s32 $0xB000;
	[sflag:s14] =	ssyncset.done $0x0  }
0x95: {  	s29 =	sadd.s32 $0x5080, s26;
	[sflag:s14] =	ssyncadd.s32 $0xFFFFF000;
	s14 =	simm.s32 $0x3  }
0x96: {  	[spmem:s2] =	stream.indirect.scatter.add.f32 [tilespmem:s25], [sflag:$0xC], $0x20, s29, s18, $0xb8;
	[tilespmem:$0x1DD40] =	vst v63  }
0x97: {  	_ =	swait.ge [sflag:s14], $0x1000  }
0x98: {  	s31 =	simm.s32 $0xC000;
	[sflag:s14] =	ssyncset.done $0x0  }
0x99: {  	s29 =	sadd.s32 $0x5100, s26;
	[sflag:s14] =	ssyncadd.s32 $0xFFFFF000;
	s14 =	simm.s32 $0x4  }
0x9a: {  	[spmem:s2] =	stream.indirect.scatter.add.f32 [tilespmem:s31], [sflag:$0xD], $0x20, s29, s18, $0xb8;
	[tilespmem:$0x1DD40] =	vst v63  }
0x9b: {  	_ =	swait.ge [sflag:s14], $0x1000  }
0x9c: {  	s0 =	simm.s32 $0x5;
	[sflag:s14] =	ssyncset.done $0x0  }
0x9d: {  	s29 =	sadd.s32 $0x5180, s26;
	[sflag:s14] =	ssyncadd.s32 $0xFFFFF000;
	s14 =	simm.s32 $0xD000  }
0x9e: {  	[spmem:s2] =	stream.indirect.scatter.add.f32 [tilespmem:s14], [sflag:$0xE], $0x20, s29, s18, $0xb8;
	[tilespmem:$0x1DD40] =	vst v63  }
0x9f: {  	_ =	swait.ge [sflag:s0], $0x1000  }
0xa0: {  	[sflag:s0] =	ssyncset.done $0x0  }
0xa1: {  	s15 =	simm.s32 $0xE000;
	s29 =	sadd.s32 $0x5200, s26;
	[sflag:s0] =	ssyncadd.s32 $0xFFFFF000  }
0xa2: {  	[spmem:s2] =	stream.indirect.scatter.add.f32 [tilespmem:s15], [sflag:$0xF], $0x20, s29, s18, $0xb8;
	[tilespmem:$0x1DD40] =	vst v63  }
0xa3: {  	_ =	swait.ge [sflag:s11], $0x1000  }
0xa4: {  	[sflag:s11] =	ssyncset.done $0x0  }
0xa5: {  	s16 =	simm.s32 $0xF000;
	s29 =	sadd.s32 $0x5280, s26;
	[sflag:s11] =	ssyncadd.s32 $0xFFFFF000  }
0xa6: {  	[spmem:s2] =	stream.indirect.scatter.add.f32 [tilespmem:s16], [sflag:$0x10], $0x20, s29, s18, $0xb8;
	[tilespmem:$0x1DD40] =	vst v63  }
0xa7: {  	_ =	swait.ge [sflag:s23], $0x1000  }
0xa8: {  	[sflag:s23] =	ssyncset.done $0x0  }
0xa9: {  	s28 =	simm.s32 $0x10000;
	s29 =	sadd.s32 $0x5300, s26;
	[sflag:s23] =	ssyncadd.s32 $0xFFFFF000  }
0xaa: {  	[spmem:s2] =	stream.indirect.scatter.add.f32 [tilespmem:s28], [sflag:$0x11], $0x20, s29, s18, $0xb8;
	[tilespmem:$0x1DD40] =	vst v63  }
0xab: {  	s29 =	simm.s32 $0x8  }
0xac: {  	_ =	swait.ge [sflag:s29], $0x1000  }
0xad: {  	[sflag:s29] =	ssyncset.done $0x0  }
0xae: {  	s30 =	simm.s32 $0x11000;
	[sflag:s29] =	ssyncadd.s32 $0xFFFFF000;
	s29 =	sadd.s32 $0x5380, s26  }
0xaf: {  	[spmem:s2] =	stream.indirect.scatter.add.f32 [tilespmem:s30], [sflag:$0x12], $0x20, s29, s18, $0xb8;
	[tilespmem:$0x1DD40] =	vst v63  }
0xb0: {  	_ =	swait.ge [sflag:s5], $0x1000  }
0xb1: {  	[sflag:s5] =	ssyncset.done $0x0  }
0xb2: {  	s0 =	simm.s32 $0x12000;
	s29 =	sadd.s32 $0x5400, s26;
	[sflag:s5] =	ssyncadd.s32 $0xFFFFF000  }
0xb3: {  	[spmem:s2] =	stream.indirect.scatter.add.f32 [tilespmem:s0], [sflag:$0x13], $0x20, s29, s18, $0xb8;
	[tilespmem:$0x1DD40] =	vst v63  }
0xb4: {  	_ =	swait.ge [sflag:s6], $0x1000  }
0xb5: {  	[sflag:s6] =	ssyncset.done $0x0  }
0xb6: {  	s26 =	sadd.s32 $0x5480, s26;
	s29 =	simm.s32 $0x13000;
	[sflag:s6] =	ssyncadd.s32 $0xFFFFF000  }
0xb7: {  	[spmem:s2] =	stream.indirect.scatter.add.f32 [tilespmem:s1], [sflag:$0x14], $0x20, s26, s18, $0xb8;
	[tilespmem:$0x1DD40] =	vst v63  }
0xb8: {  	s26 =	smin.u32 s24, $0x95;
	_ =	swait.ge [sflag:s8], $0x1000  }
0xb9: {  	s26 =	sshll.u32 s26, $0x7;
	[sflag:s8] =	ssyncset.done $0x0  }
0xba: {  	s26 =	sadd.s32 $0x500, s26;
	[sflag:s8] =	ssyncadd.s32 $0xFFFFF000  }
0xbb: {  	[tilespmem:s21], [sflag:$0x1] =	stream.indirect.gather [spmem:s3], $0x20, s26, s18, $0xb8;
	[tilespmem:$0x1DD40] =	vst v63  }
0xbc: {  	s26 =	smin.u32 s24, $0x94;
	_ =	swait.ge [sflag:s9], $0x1000  }
0xbd: {  	s26 =	sshll.u32 s26, $0x7;
	[sflag:s9] =	ssyncset.done $0x0  }
0xbe: {  	s26 =	sadd.s32 $0x580, s26;
	[sflag:s9] =	ssyncadd.s32 $0xFFFFF000  }
0xbf: {  	[tilespmem:s25], [sflag:$0x2] =	stream.indirect.gather [spmem:s3], $0x20, s26, s18, $0xb8;
	[tilespmem:$0x1DD40] =	vst v63  }
0xc0: {  	s26 =	smin.u32 s24, $0x93;
	_ =	swait.ge [sflag:s17], $0x1000  }
0xc1: {  	s26 =	sshll.u32 s26, $0x7;
	[sflag:s17] =	ssyncset.done $0x0  }
0xc2: {  	s26 =	sadd.s32 $0x600, s26;
	[sflag:s17] =	ssyncadd.s32 $0xFFFFF000  }
0xc3: {  	[tilespmem:s31], [sflag:$0x3] =	stream.indirect.gather [spmem:s3], $0x20, s26, s18, $0xb8;
	[tilespmem:$0x1DD40] =	vst v63  }
0xc4: {  	s26 =	smin.u32 s24, $0x92;
	_ =	swait.ge [sflag:s7], $0x1000  }
0xc5: {  	s26 =	sshll.u32 s26, $0x7;
	[sflag:s7] =	ssyncset.done $0x0  }
0xc6: {  	s26 =	sadd.s32 $0x680, s26;
	[sflag:s7] =	ssyncadd.s32 $0xFFFFF000  }
0xc7: {  	[tilespmem:s14], [sflag:$0x4] =	stream.indirect.gather [spmem:s3], $0x20, s26, s18, $0xb8;
	[tilespmem:$0x1DD40] =	vst v63  }
0xc8: {  	s26 =	smin.u32 s24, $0x91;
	_ =	swait.ge [sflag:s13], $0x1000  }
0xc9: {  	s26 =	sshll.u32 s26, $0x7;
	[sflag:s13] =	ssyncset.done $0x0  }
0xca: {  	s26 =	sadd.s32 $0x700, s26;
	[sflag:s13] =	ssyncadd.s32 $0xFFFFF000  }
0xcb: {  	[tilespmem:s15], [sflag:$0x5] =	stream.indirect.gather [spmem:s3], $0x20, s26, s18, $0xb8;
	[tilespmem:$0x1DD40] =	vst v63  }
0xcc: {  	s26 =	smin.u32 s24, $0x90;
	_ =	swait.ge [sflag:s12], $0x1000  }
0xcd: {  	s26 =	sshll.u32 s26, $0x7;
	[sflag:s12] =	ssyncset.done $0x0  }
0xce: {  	s26 =	sadd.s32 $0x780, s26;
	[sflag:s12] =	ssyncadd.s32 $0xFFFFF000  }
0xcf: {  	[tilespmem:s16], [sflag:$0x6] =	stream.indirect.gather [spmem:s3], $0x20, s26, s18, $0xb8;
	[tilespmem:$0x1DD40] =	vst v63  }
0xd0: {  	s26 =	smin.u32 s24, $0x8F;
	_ =	swait.ge [sflag:s4], $0x1000  }
0xd1: {  	s26 =	sshll.u32 s26, $0x7;
	[sflag:s4] =	ssyncset.done $0x0  }
0xd2: {  	s26 =	sadd.s32 $0x800, s26;
	[sflag:s4] =	ssyncadd.s32 $0xFFFFF000  }
0xd3: {  	[tilespmem:s28], [sflag:$0x7] =	stream.indirect.gather [spmem:s3], $0x20, s26, s18, $0xb8;
	[tilespmem:$0x1DD40] =	vst v63  }
0xd4: {  	s26 =	smin.u32 s24, $0x8E;
	_ =	swait.ge [sflag:s10], $0x1000  }
0xd5: {  	s26 =	sshll.u32 s26, $0x7;
	[sflag:s10] =	ssyncset.done $0x0  }
0xd6: {  	s26 =	sadd.s32 $0x880, s26;
	[sflag:s10] =	ssyncadd.s32 $0xFFFFF000  }
0xd7: {  	[tilespmem:s30], [sflag:$0x8] =	stream.indirect.gather [spmem:s3], $0x20, s26, s18, $0xb8;
	[tilespmem:$0x1DD40] =	vst v63  }
0xd8: {  	s26 =	smin.u32 s24, $0x8D;
	_ =	swait.ge [sflag:s19], $0x1000  }
0xd9: {  	s26 =	sshll.u32 s26, $0x7;
	[sflag:s19] =	ssyncset.done $0x0  }
.Ltmp0:
0xda: {  	s26 =	sadd.s32 $0x900, s26;
	[sflag:s19] =	ssyncadd.s32 $0xFFFFF000;
	(pc) =	sbr.rel @p0 .LBB2_2-.Ltmp0, $4  }
0xdb: {  	[tilespmem:s0], [sflag:$0x9] =	stream.indirect.gather [spmem:s3], $0x20, s26, s18, $0xb8;
	[tilespmem:$0x1DD40] =	vst v63  }
0xdc: {  	s26 =	smin.u32 s24, $0x8C;
	_ =	swait.ge [sflag:s20], $0x1000  }
0xdd: {  	s26 =	sshll.u32 s26, $0x7;
	[sflag:s20] =	ssyncset.done $0x0  }
0xde: {  	s24 =	sadd.s32 $0xA, s24;
	s26 =	sadd.s32 $0x980, s26;
	[sflag:s20] =	ssyncadd.s32 $0xFFFFF000  }
0xdf: {  	[tilespmem:s29], [sflag:$0xA] =	stream.indirect.gather [spmem:s3], $0x20, s26, s18, $0xb8;
	[tilespmem:$0x1DD40] =	vst v63  }
0xe0: {  	s1 =	simm.s32 $0x1  }
0xe1: {  	_ =	swait.ge [sflag:s1], $0x1000  }
0xe2: {  	[sflag:s1] =	ssyncset.done $0x0  }
0xe3: {  	s14 =	simm.s32 $0x2;
	[sflag:s1] =	ssyncadd.s32 $0xFFFFF000  }
0xe4: {  	_ =	swait.ge [sflag:s14], $0x1000  }
0xe5: {  	[sflag:s14] =	ssyncset.done $0x0  }
0xe6: {  	s26 =	simm.s32 $0x3;
	[sflag:s14] =	ssyncadd.s32 $0xFFFFF000  }
0xe7: {  	_ =	swait.ge [sflag:s26], $0x1000  }
0xe8: {  	[sflag:s26] =	ssyncset.done $0x0  }
0xe9: {  	s28 =	simm.s32 $0x4;
	[sflag:s26] =	ssyncadd.s32 $0xFFFFF000  }
0xea: {  	_ =	swait.ge [sflag:s28], $0x1000  }
0xeb: {  	[sflag:s28] =	ssyncset.done $0x0  }
0xec: {  	s0 =	simm.s32 $0x5;
	[sflag:s28] =	ssyncadd.s32 $0xFFFFF000  }
0xed: {  	_ =	swait.ge [sflag:s0], $0x1000  }
0xee: {  	[sflag:s0] =	ssyncset.done $0x0  }
0xef: {  	[sflag:s0] =	ssyncadd.s32 $0xFFFFF000  }
0xf0: {  	_ =	swait.ge [sflag:s11], $0x1000  }
0xf1: {  	[sflag:s11] =	ssyncset.done $0x0  }
0xf2: {  	[sflag:s11] =	ssyncadd.s32 $0xFFFFF000  }
0xf3: {  	_ =	swait.ge [sflag:s23], $0x1000  }
0xf4: {  	[sflag:s23] =	ssyncset.done $0x0  }
0xf5: {  	s15 =	simm.s32 $0x8;
	[sflag:s23] =	ssyncadd.s32 $0xFFFFF000  }
0xf6: {  	_ =	swait.ge [sflag:s15], $0x1000  }
0xf7: {  	[sflag:s15] =	ssyncset.done $0x0  }
0xf8: {  	[sflag:s15] =	ssyncadd.s32 $0xFFFFF000  }
0xf9: {  	_ =	swait.ge [sflag:s5], $0x1000  }
0xfa: {  	[sflag:s5] =	ssyncset.done $0x0  }
0xfb: {  	[sflag:s5] =	ssyncadd.s32 $0xFFFFF000  }
0xfc: {  	_ =	swait.ge [sflag:s6], $0x1000  }
0xfd: {  	[sflag:s6] =	ssyncset.done $0x0  }
0xfe: {  	[sflag:s6] =	ssyncadd.s32 $0xFFFFF000  }
0xff: {  	[bflag:$0x0] =	sbarrier.arrive $0xFFFF  }
0x100: {  	s22 =	rddreg [dreg:$0x7]  }
0x101: {  	s24 =	rddreg [dreg:$0x9]  }
0x102: {  	s26 =	simm.s32 $0x15;
	s29 =	rddreg [dreg:$0xa]  }
0x103: {  	[hbm:s22@s15], [sflag:s24] =	dma.strided [spmem:s29@s28], $0x9E0, s1, $0x4   }
0x104: {  	_ =	swait.ge [sflag:s26], $0x9E0  }
0x105: {  	s30 =	rddreg [dreg:$0xc]  }
0x106: {  	s31 =	rddreg [dreg:$0x8];
	s1 =	sadd.s32 $0x1, s30  }
0x107: {  	p0 =	sne.s32 s1, s31  }
.Ltmp1:
0x108: {  	_ = 	snop;
	(pc) =	sbr.rel @p0 .LBB2_1-.Ltmp1, $3  }
0x109: {  	_ =	sdelay $0x1  }
0x10a: {  	[sflag:s26] =	ssyncset.done $0x0  }
0x10b: {  	[sflag:s26] =	ssyncadd.s32 $0xFFFFF620  }
0x10c: {  	_ =	sfence.sel $0x180000  }
0x10d: {  	[bflag:$0x0] =	sbarrier.arrive $0xFFFF  }
0x10e: {  	_ =	strace $0x9000004D  }
0x10f: {  	s0 =	stileid.u32;
	[bflag:$0x2] =	sbarrier.arrive $0xFFFF  }
0x110: {  	p0 =	sne.s32 s0, $0x0;
	s0 =	rddreg [dreg:$0x3]  }
0x111: {  	s0 =	sadd.s32 @!p0 $0x100000, s0  }
0x112: {  	[sflag:s0] =	ssyncadd.tile.s32 @!p0 $0x1;
	_ =	shalt  }
.Lfunc_end2:
_tile_overlayer_lowered:
.L_overlay_start_2:
0x113: {  	(tag) =	ssettag $0x2  }
0x114: {  	s0 =	rddreg [dreg:$0x0];
	s2 =	stileid.u32  }
0x115: {  	s1 =	rddreg [dreg:$0x1];
	p0 =	sne.s32 s2, $0x0  }
0x116: {  	s3 =	rddreg [dreg:$0x2];
	[bflag:$0x3] =	sbarrier.arrive $0xFFFF;
	s2 =	simm.s32 @!p0 $0x1C15  }
0x117: {  	[timem:s3], [sflag:s2] =	dma.local @!p0 [hbm:s0], s1  }
0x118: {  	s0 =	simm.s32 @!p0 $0x15  }
0x119: {  	_ =	swait.ge @!p0 [sflag:s0], s1  }
0x11a: {  	s1 =	ssub.s32 @!p0 $0x0, s1;
	[sflag:s0] =	ssyncset.done @!p0 $0x0  }
0x11b: {  	[sflag:s0] =	ssyncadd.s32 @!p0 s1  }
0x11c: {  	[bflag:$0x3] =	sbarrier.arrive $0xFFFF  }
0x11d: {  	_ =	shalt  }

// kernel: kernel.19.cloned.1.call-start
scs
__scs_entry_jumppad:
0x0: {  	(pc) =	sbr.rel $0x88, $3  }
0x1: {  	(tag) =	ssettag $0x0;
	lr =	simm.s32 $0x1  }
0x2: {  	[smem:$0x3F8B] =	sst lr;
	_ =	strace $0xD0000000  }
0x3: {  	_ = 	snop  }
0x4: {  	_ = 	snop  }
0x5: {  	_ = 	snop  }
0x6: {  	_ = 	snop  }
0x7: {  	_ = 	snop  }
__scs_overlays_trampoline_lowered:
0x8: {  	[smem:$0x3F9A] =	sst s0  }
0x9: {  	[smem:$0x3F9B] =	sst s1  }
0xa: {  	[smem:$0x3F9C] =	sst s2  }
0xb: {  	[smem:$0x3F9D] =	sst s3  }
0xc: {  	[smem:$0x3F9E] =	sst s4  }
0xd: {  	[smem:$0x3F9F] =	sst s5  }
0xe: {  	[smem:$0x3FA0] =	sst s6  }
0xf: {  	[smem:$0x3FA1] =	sst s7  }
0x10: {  	[smem:$0x3FA2] =	sst s8  }
0x11: {  	[smem:$0x3FA3] =	sst s9;
	s0 =	simm.s32 @!p0 $0x0  }
0x12: {  	s1 =	sld [smem:$0x3F89];
	s0 =	simm.s32 @p0 $0x1  }
0x13: {  	[smem:$0x3FA4] =	sst s0;
	s0 =	simm.s32 @!p1 $0x0  }
0x14: {  	s2 =	sld [smem:$0x3F88];
	s0 =	simm.s32 @p1 $0x1  }
0x15: {  	[smem:$0x3FA5] =	sst s0;
	s0 =	simm.s32 @!p2 $0x0  }
0x16: {  	s3 =	sld [smem:$0x3FDB];
	s0 =	simm.s32 @p2 $0x1  }
0x17: {  	s4 =	simm.s32 $0x1BF5;
	[smem:$0x3FA7] =	sst s0  }
0x18: {  	s0 =	sld [smem:$0x3F8A];
	_ =	swait.ge [sflag:s4], $0x0  }
0x19: {  	s7 =	sld [smem:$0x3F8B]  }
0x1a: {  	s8 =	sadd.s32 $0xFFFFE003, lr  }
0x1b: {  	s9 =	sadd.s32 $0xFFFFFEF7, lr;
	s5 =	simm.s32 $0xFFFFFFFF;
	p2 =	slt.u32 s8, $0xFFFFF086  }
0x1c: {  	p1 =	slt.u32 s9, $0xF7A;
	s5 =	simm.s32 @!p2 $0x0  }
0x1d: {  	s5 =	simm.s32 @p1 $0x1;
	p0 =	seq.s32 s7, s2  }
0x1e: {  	s7 =	smul.u32 @!p0 $0xF7A, s2;
	p2 =	seq.s32 @!p0 s5, $0x0  }
0x1f: {  	s9 =	smul.u32 $0xF7A, s1;
	s8 =	simm.s32 @!p0 $0x1BF5;
	p2 =	por !p2, p0  }
0x20: {  	[sflag:s8] =	ssyncset.s32 @!p0 $0xFFFFF086;
	s6 =	sadd.s32 @!p0 s3, s7;
	s7 =	simm.s32 @!p0 $0x108  }
0x21: {  	s3 =	sadd.s32 s3, s9;
	s6 =	sadd.s32 @!p0 $0x88, s6;
	s7 =	simm.s32 @p2 $0x1082  }
0x22: {  	[simem:s7], [sflag:s8] =	dma.local @!p0 [hbm:s6], $0xF7A  }
0x23: {  	s9 =	sor.u32 $0xD0000000, s2;
	s6 =	simm.s32 $0x108;
	_ =	swait.ge @!p0 [sflag:s8], $0x0  }
0x24: {  	s3 =	sadd.s32 $0x88, s3;
	s6 =	simm.s32 @!p1 $0x1082;
	[sflag:s4] =	ssyncset.s32 $0xFFFFF086  }
0x25: {  	[simem:s6], [sflag:s4] =	dma.local [hbm:s3], $0xF7A  }
0x26: {  	[smem:$0x3F8B] =	sst s1;
	(tag) =	ssettag s2;
	_ =	strace s9  }
0x27: {  	s1 =	sld [smem:$0x3F9B]  }
0x28: {  	s2 =	sld [smem:$0x3F9C]  }
0x29: {  	s4 =	sld [smem:$0x3F9E]  }
0x2a: {  	p0 =	seq.s32 s5, $0x0;
	s5 =	sld [smem:$0x3F9F]  }
0x2b: {  	s6 =	sld [smem:$0x3FA0]  }
0x2c: {  	s7 =	sld [smem:$0x3FA1]  }
0x2d: {  	s3 =	simm.s32 $0x108;
	s8 =	sld [smem:$0x3FA2]  }
0x2e: {  	s3 =	simm.s32 @!p0 $0x1082;
	s9 =	sld [smem:$0x3FA3]  }
0x2f: {  	lr =	sadd.s32 s0, s3;
	s0 =	sld [smem:$0x3F9A]  }
0x30: {  	s3 =	sld [smem:$0x3F9D]  }
0x31: {  	[smem:$0x3FA6] =	sst s10  }
0x32: {  	s10 =	sld [smem:$0x3FA4];
	_ =	sdelay $0x3  }
0x33: {  	p0 =	seq.s32 s10, $0x1;
	s10 =	sld [smem:$0x3FA6];
	_ =	sdelay $0x3  }
0x34: {  	[smem:$0x3FA6] =	sst s10  }
0x35: {  	s10 =	sld [smem:$0x3FA5];
	_ =	sdelay $0x3  }
0x36: {  	p1 =	seq.s32 s10, $0x1;
	s10 =	sld [smem:$0x3FA6];
	_ =	sdelay $0x3  }
0x37: {  	[smem:$0x3FA6] =	sst s10  }
0x38: {  	s10 =	sld [smem:$0x3FA7]  }
0x39: {  	_ = 	snop;
	(pc) =	sbr.ind lr, $3  }
0x3a: {  	_ = 	snop  }
0x3b: {  	_ = 	snop  }
0x3c: {  	p2 =	seq.s32 s10, $0x1;
	s10 =	sld [smem:$0x3FA6]  }
0x3d: {  	_ =	shalt  }
0x3e: {  	_ =	shalt  }
0x3f: {  	_ =	shalt  }
0x40: {  	_ =	shalt  }
0x41: {  	_ =	shalt  }
0x42: {  	_ =	shalt  }
0x43: {  	_ =	shalt  }
0x44: {  	_ =	shalt  }
0x45: {  	_ =	shalt  }
0x46: {  	_ =	shalt  }
0x47: {  	_ =	shalt  }
0x48: {  	_ =	shalt  }
0x49: {  	_ =	shalt  }
0x4a: {  	_ =	shalt  }
0x4b: {  	_ =	shalt  }
0x4c: {  	_ =	shalt  }
0x4d: {  	_ =	shalt  }
0x4e: {  	_ =	shalt  }
0x4f: {  	_ =	shalt  }
0x50: {  	_ =	shalt  }
0x51: {  	_ =	shalt  }
0x52: {  	_ =	shalt  }
0x53: {  	_ =	shalt  }
0x54: {  	_ =	shalt  }
0x55: {  	_ =	shalt  }
0x56: {  	_ =	shalt  }
0x57: {  	_ =	shalt  }
0x58: {  	_ =	shalt  }
0x59: {  	_ =	shalt  }
0x5a: {  	_ =	shalt  }
0x5b: {  	_ =	shalt  }
0x5c: {  	_ =	shalt  }
0x5d: {  	_ =	shalt  }
0x5e: {  	_ =	shalt  }
0x5f: {  	_ =	shalt  }
0x60: {  	_ =	shalt  }
0x61: {  	_ =	shalt  }
0x62: {  	_ =	shalt  }
0x63: {  	_ =	shalt  }
0x64: {  	_ =	shalt  }
0x65: {  	_ =	shalt  }
0x66: {  	_ =	shalt  }
0x67: {  	_ =	shalt  }
0x68: {  	_ =	shalt  }
0x69: {  	_ =	shalt  }
0x6a: {  	_ =	shalt  }
0x6b: {  	_ =	shalt  }
0x6c: {  	_ =	shalt  }
0x6d: {  	_ =	shalt  }
0x6e: {  	_ =	shalt  }
0x6f: {  	_ =	shalt  }
0x70: {  	_ =	shalt  }
0x71: {  	_ =	shalt  }
0x72: {  	_ =	shalt  }
0x73: {  	_ =	shalt  }
0x74: {  	_ =	shalt  }
0x75: {  	_ =	shalt  }
0x76: {  	_ =	shalt  }
0x77: {  	_ =	shalt  }
0x78: {  	_ =	shalt  }
0x79: {  	_ =	shalt  }
0x7a: {  	_ =	shalt  }
0x7b: {  	_ =	shalt  }
0x7c: {  	_ =	shalt  }
0x7d: {  	_ =	shalt  }
0x7e: {  	_ =	shalt  }
0x7f: {  	_ =	shalt  }
0x80: {  	_ =	shalt  }
0x81: {  	_ =	shalt  }
0x82: {  	_ =	shalt  }
0x83: {  	_ =	shalt  }
0x84: {  	_ =	shalt  }
0x85: {  	_ =	shalt  }
0x86: {  	_ =	shalt  }
0x87: {  	_ =	shalt  }
.Lfunc_end0:
.L_simem_size_0:
called_computation.3_lowered:
.L_overlay_start_0:
0x88: {  	s2 =	sld [smem:$0x3FD9]  }
0x89: {  	s3 =	sld [smem:$0x3FFE];
	_ =	sdelay $0x1  }
0x8a: {  	s1 =	srdreg.scid  }
0x8b: {  	s0 =	sand.u32 $0x1, s1  }
0x8c: {  	s16 =	sshll.u32 s0, $0xA;
	s2 =	sadd.s32 s3, s2  }
0x8d: {  	s2 =	sadd.s32 s2, s16  }
0x8e: {  	[smem:$0x3FB2] =	sst s2  }
0x8f: {  	_ = 	snop  }
0x90: {  	(tm) =	ssettm $0x1  }
0x91: {  	s17 =	sld [smem:$0x3FFB];
	_ =	sdelay $0x3  }
0x92: {  	_ =	strace s17  }
0x93: {  	s2 =	sld [smem:$0x3FFC];
	_ =	sdelay $0x3  }
0x94: {  	_ =	strace s2  }
0x95: {  	s2 =	sld [smem:$0x3FFD];
	_ =	sdelay $0x3  }
0x96: {  	_ =	strace s2  }
0x97: {  	_ =	strace $0x8FFFFFFF  }
0x98: {  	s18 =	sld [smem:$0x3FDB];
	_ =	sdelay $0x1  }
0x99: {  	s19 =	simm.s32 $_scs_section_size  }
0x9a: {  	s4 =	simm.s32 $_size__tile_overlayer_lowered;
	s5 =	simm.s32 $_tile_overlayer_lowered  }
0x9b: {  	s22 =	simm.s32 $0x1BFF;
	s21 =	sshll.u32 s5, $0x1;
	s2 =	sadd.s32 s19, s18  }
0x9c: {  	s6 =	simm.s32 $0x0;
	s20 =	sshll.u32 s4, $0x1;
	s4 =	sadd.s32 s21, s2  }
0x9d: {  	[timem:s6], [sflag:s22] =	dma.local [hbm:s4], s20  }
0x9e: {  	_ =	swait.ge [sflag:s22], s20  }
0x9f: {  	s3 =	ssub.s32 $0x0, s20;
	[sflag:s22] =	ssyncset.done $0x0  }
0xa0: {  	[sflag:s22] =	ssyncadd.s32 s3;
	_ =	sdelay $0x1  }
0xa1: {  	s23 =	simm.s32 $0x1B8B  }
0xa2: {  	_ =	swait.ge [sflag:s23], $0x1  }
0xa3: {  	[sflag:s23] =	ssyncset.done $0x0  }
0xa4: {  	s25 =	simm.s32 $0x1B8E;
	s24 =	sld [smem:$0x3FFE];
	[sflag:s23] =	ssyncadd.s32 $0xFFFFFFFF  }
0xa5: {  	s26 =	simm.s32 $execute0_lowered;
	[smem:$0x3FD2] =	sst s25  }
0xa6: {  	s4 =	sshll.u32 s26, $0x1;
	_ =	strace $0x8000004F;
	[dreg:$0x1] =	wrdreg $0xFFFFFFFF  }
0xa7: {  	s28 =	simm.s32 $_size_execute0_lowered;
	s2 =	sadd.s32 s2, s4;
	[dreg:$0x0] =	wrdreg $0x0  }
0xa8: {  	s4 =	sshll.u32 s28, $0x1;
	[dreg:$0x2] =	wrdreg s2  }
0xa9: {  	[dreg:$0x3] =	wrdreg s4  }
0xaa: {  	[dreg:$0x4] =	wrdreg $0xC0  }
0xab: {  	_ =	task [dreg:s6], $0x5FFFF  }
0xac: {  	[dreg:$0x1] =	wrdreg $0xFFFFFFFF  }
0xad: {  	[dreg:$0x0] =	wrdreg $0x60  }
0xae: {  	[dreg:$0x2] =	wrdreg s24  }
0xaf: {  	[dreg:$0x3] =	wrdreg $0x140000  }
0xb0: {  	[dreg:$0x4] =	wrdreg $0x18F200  }
0xb1: {  	[dreg:$0x5] =	wrdreg $0x9  }
0xb2: {  	_ =	task.clear_ibuf [dreg:s6], $0x6FFFF;
	_ =	strace $0x9000004F  }
0xb3: {  	s29 =	simm.s32 $0x9;
	_ =	strace $0x80000051  }
0xb4: {  	_ =	swait.ge [sflag:s29], $0x1  }
0xb5: {  	[sflag:s29] =	ssyncadd.s32 $0xFFFFFFFF  }
0xb6: {  	_ =	strace $0x90000051  }
0xb7: {  	_ =	sfence  }
0xb8: {  	s30 =	sld [smem:$0x0];
	_ =	sdelay $0x2  }
0xb9: {  	s31 =	sshll.u32 s1, $0xD;
	s1 =	sshrl.u32 s1, $0x2  }
0xba: {  	s3 =	sand.u32 $0x4000, s31;
	s1 =	sadd.s32 s1, s30  }
0xbb: {  	s0 =	sor.u32 s3, s0;
	s1 =	sshll.u32 s1, $0x11  }
0xbc: {  	s0 =	sor.u32 s1, s0  }
0xbd: {  	s0 =	sadd.s32 $0x8F2B, s0  }
0xbe: {  	[sflag:s0] =	ssyncadd.remote.s32 $0x1  }
0xbf: {  	_ =	sfence.sel $0xFFFF  }
0xc0: {  	[dreg:$0x0] =	wrdreg $0xFFFFFFFF;
	(pc) =	sbr.abs _section_cstart, $3  }
0xc1: {  	[dreg:$0x1] =	wrdreg $0xFFFFFFFF  }
0xc2: {  	_ =	task.clear_ibuf [dreg:s6], $0x2FFFF;
	_ =	strace $0x9FFFFFFF  }
0xc3: {  	(tm) =	ssettm $0x7FFFFFFF  }
tec
execute0_lowered:
.L_overlay_start_1:
0x0: {  	(tag) =	ssettag $0x1  }
0x1: {  	s0 =	rddreg [dreg:$0x0]  }
0x2: {  	s2 =	rddreg [dreg:$0x1]  }
0x3: {  	s3 =	rddreg [dreg:$0x2]  }
0x4: {  	s8 =	stileid.u32;
	s4 =	simm.s32 $0x0;
	s22 =	srdreg.scid  }
0x5: {  	s18 =	simm.s32 $0x80;
	s11 =	simm.s32 $0x6;
	s9 =	simm.s32 $0xC  }
0x6: {  	s17 =	simm.s32 $0xD;
	s13 =	simm.s32 $0xF;
	s12 =	simm.s32 $0x10  }
0x7: {  	s10 =	simm.s32 $0x12;
	s19 =	simm.s32 $0x13;
	s1 =	smul.u32 $0x271, s8  }
0x8: {  	s20 =	simm.s32 $0x14;
	[smem:$0x7FF] =	sst s4;
	s5 =	smul.u32 $0xA00, s8  }
0x9: {  	s4 =	sand.u32 $0x1, s22;
	s30 =	sshll.u32 s8, $0x6;
	s8 =	simm.s32 $0xB  }
0xa: {  	s7 =	sshll.u32 s4, $0x2;
	s4 =	ssub.s32 $0x2, s4;
	_ =	strace $0x80000050  }
0xb: {  	s1 =	sshrl.u32 s1, $0x3;
	s23 =	sshrl.u32 s4, $0x1;
	s5 =	sadd.s32 s5, s0  }
0xc: {  	s6 =	sshll.u32 s1, $0x6;
	s4 =	ssub.s32 s4, s23;
	s24 =	sadd.s32 $0x1D000, s5  }
0xd: {  	s5 =	sadd.s32 $0x4000, s5;
	s1 =	sshll.u32 s1, $0x8;
	[dreg:$0x4] =	wrdreg s24  }
0xe: {  	s23 =	simm.s32 $0x7;
	s6 =	sor.u32 s7, s6;
	[dreg:$0x5] =	wrdreg s5  }
0xf: {  	s25 =	sadd.s32 s1, s2;
	s1 =	sadd.s32 s1, s3;
	s28 =	smax.u32 s4, $0x1  }
0x10: {  	s24 =	sor.u32 $0x1C15, s30;
	s5 =	simm.s32 $0x9;
	[dreg:$0x8] =	wrdreg s28  }
0x11: {  	s7 =	simm.s32 $0xE;
	s31 =	sshrl.u32 s1, $0x3;
	[dreg:$0x9] =	wrdreg s24  }
0x12: {  	s0 =	sadd.s32 s6, s0;
	s29 =	sshrl.u32 s25, $0x3;
	[dreg:$0xb] =	wrdreg s31  }
0x13: {  	s4 =	simm.s32 $0x11;
	s26 =	sadd.s32 $0x27000, s0;
	[dreg:$0xa] =	wrdreg s29  }
0x14: {  	s6 =	simm.s32 $0xA;
	s0 =	sadd.s32 $0x3AA00, s0;
	[dreg:$0x6] =	wrdreg s26  }
0x15: {  	s1 =	simm.s32 $0x0;
	[dreg:$0x7] =	wrdreg s0;
	s26 =	simm.s32 $0x15  }
.LBB2_1:
0x16: {  	[dreg:$0xc] =	wrdreg s1  }
0x17: {  	s0 =	simm.s32 $0x0;
	s22 =	rddreg [dreg:$0x4]  }
0x18: {  	[tilespmem:s0], [sflag:$0x15] =	stream.linear.gather [hbm4b:s22+s0], $0x5000, $0x38;
	[tilespmem:$0x1DD40] =	vst v63  }
0x19: {  	_ =	swait.ge [sflag:s26], $0x5000  }
0x1a: {  	[sflag:s26] =	ssyncset.done $0x0  }
0x1b: {  	s16 =	simm.s32 $0x5000;
	s1 =	rddreg [dreg:$0x5];
	[sflag:s26] =	ssyncadd.s32 $0xFFFFB000  }
0x1c: {  	[tilespmem:s16], [sflag:$0x15] =	stream.linear.gather [hbm4b:s1+s0], $0x5000, $0x38;
	[tilespmem:$0x1DD40] =	vst v63  }
0x1d: {  	s14 =	smov.u32 s29;
	_ =	swait.ge [sflag:s26], $0x5000  }
0x1e: {  	s31 =	simm.s32 $0x1;
	s15 =	simm.s32 $0x4;
	[sflag:s26] =	ssyncset.done $0x0  }
0x1f: {  	s16 =	simm.s32 $0x8;
	s21 =	rddreg [dreg:$0x6];
	[sflag:s26] =	ssyncadd.s32 $0xFFFFB000  }
0x20: {  	[spmem:s14@s15], [sflag:s24] =	dma.strided [hbm:s21@s16], $0x9E0, s31, $0x4   }
0x21: {  	_ =	swait.ge [sflag:s26], $0x9E0  }
0x22: {  	[sflag:s26] =	ssyncset.done $0x0  }
0x23: {  	s25 =	rddreg [dreg:$0xb];
	[sflag:s26] =	ssyncadd.s32 $0xFFFFF620  }
0x24: {  	[spmem:s25@s15], [sflag:s24] =	dma.strided [hbm:s21@s16], $0x9E0, s31, $0x4   }
0x25: {  	_ =	swait.ge [sflag:s26], $0x9E0  }
0x26: {  	[sflag:s26] =	ssyncset.done $0x0  }
0x27: {  	[sflag:s26] =	ssyncadd.s32 $0xFFFFF620  }
0x28: {  	s21 =	simm.s32 $0xA000;
	[bflag:$0x0] =	sbarrier.arrive $0xFFFF  }
0x29: {  	[tilespmem:s21], [sflag:$0x1] =	stream.indirect.gather [spmem:s3], $0x20, s0, s18, $0xb8;
	[tilespmem:$0x1DD40] =	vst v63  }
0x2a: {  	s24 =	simm.s32 $0xB000  }
0x2b: {  	[tilespmem:s24], [sflag:$0x2] =	stream.indirect.gather [spmem:s3], $0x20, s18, s18, $0xb8;
	[tilespmem:$0x1DD40] =	vst v63  }
0x2c: {  	s25 =	simm.s32 $0xC000;
	s26 =	simm.s32 $0x100  }
0x2d: {  	[tilespmem:s25], [sflag:$0x3] =	stream.indirect.gather [spmem:s3], $0x20, s26, s18, $0xb8;
	[tilespmem:$0x1DD40] =	vst v63  }
0x2e: {  	s28 =	simm.s32 $0x180;
	s14 =	simm.s32 $0xD000  }
0x2f: {  	[tilespmem:s14], [sflag:$0x4] =	stream.indirect.gather [spmem:s3], $0x20, s28, s18, $0xb8;
	[tilespmem:$0x1DD40] =	vst v63  }
0x30: {  	s29 =	simm.s32 $0x200;
	s26 =	simm.s32 $0xE000  }
0x31: {  	[tilespmem:s26], [sflag:$0x5] =	stream.indirect.gather [spmem:s3], $0x20, s29, s18, $0xb8;
	[tilespmem:$0x1DD40] =	vst v63  }
0x32: {  	s30 =	simm.s32 $0x280;
	s29 =	simm.s32 $0xF000  }
0x33: {  	[tilespmem:s29], [sflag:$0x6] =	stream.indirect.gather [spmem:s3], $0x20, s30, s18, $0xb8;
	[tilespmem:$0x1DD40] =	vst v63  }
0x34: {  	s0 =	simm.s32 $0x300;
	s28 =	simm.s32 $0x10000  }
0x35: {  	[tilespmem:s28], [sflag:$0x7] =	stream.indirect.gather [spmem:s3], $0x20, s0, s18, $0xb8;
	[tilespmem:$0x1DD40] =	vst v63  }
0x36: {  	s1 =	simm.s32 $0x380;
	s30 =	simm.s32 $0x11000  }
0x37: {  	[tilespmem:s30], [sflag:$0x8] =	stream.indirect.gather [spmem:s3], $0x20, s1, s18, $0xb8;
	[tilespmem:$0x1DD40] =	vst v63  }
0x38: {  	s1 =	simm.s32 $0x400;
	s30 =	simm.s32 $0x12000  }
0x39: {  	[tilespmem:s30], [sflag:$0x9] =	stream.indirect.gather [spmem:s3], $0x20, s1, s18, $0xb8;
	[tilespmem:$0x1DD40] =	vst v63  }
0x3a: {  	s0 =	simm.s32 $0x480;
	s1 =	simm.s32 $0x13000  }
0x3b: {  	[tilespmem:s1], [sflag:$0xA] =	stream.indirect.gather [spmem:s3], $0x20, s0, s18, $0xb8;
	[tilespmem:$0x1DD40] =	vst v63  }
0x3c: {  	_ =	swait.ge [sflag:s31], $0x1000  }
0x3d: {  	[sflag:s31] =	ssyncset.done $0x0  }
0x3e: {  	s0 =	simm.s32 $0x5000;
	[sflag:s31] =	ssyncadd.s32 $0xFFFFF000;
	s31 =	simm.s32 $0x2  }
0x3f: {  	[spmem:s2] =	stream.indirect.scatter.add.f32 [tilespmem:s21], [sflag:$0xB], $0x20, s0, s18, $0xb8;
	[tilespmem:$0x1DD40] =	vst v63  }
0x40: {  	_ =	swait.ge [sflag:s31], $0x1000  }
0x41: {  	[sflag:s31] =	ssyncset.done $0x0  }
0x42: {  	s0 =	simm.s32 $0x5080;
	[sflag:s31] =	ssyncadd.s32 $0xFFFFF000;
	s31 =	simm.s32 $0x3  }
0x43: {  	[spmem:s2] =	stream.indirect.scatter.add.f32 [tilespmem:s24], [sflag:$0xC], $0x20, s0, s18, $0xb8;
	[tilespmem:$0x1DD40] =	vst v63  }
0x44: {  	_ =	swait.ge [sflag:s31], $0x1000  }
0x45: {  	[sflag:s31] =	ssyncset.done $0x0  }
0x46: {  	s0 =	simm.s32 $0x5100;
	[sflag:s31] =	ssyncadd.s32 $0xFFFFF000  }
0x47: {  	[spmem:s2] =	stream.indirect.scatter.add.f32 [tilespmem:s25], [sflag:$0xD], $0x20, s0, s18, $0xb8;
	[tilespmem:$0x1DD40] =	vst v63  }
0x48: {  	_ =	swait.ge [sflag:s15], $0x1000  }
0x49: {  	[sflag:s15] =	ssyncset.done $0x0  }
0x4a: {  	s22 =	simm.s32 $0x5;
	[sflag:s15] =	ssyncadd.s32 $0xFFFFF000;
	s15 =	simm.s32 $0x5180  }
0x4b: {  	[spmem:s2] =	stream.indirect.scatter.add.f32 [tilespmem:s14], [sflag:$0xE], $0x20, s15, s18, $0xb8;
	[tilespmem:$0x1DD40] =	vst v63  }
0x4c: {  	_ =	swait.ge [sflag:s22], $0x1000  }
0x4d: {  	[sflag:s22] =	ssyncset.done $0x0  }
0x4e: {  	s31 =	simm.s32 $0x5200;
	[sflag:s22] =	ssyncadd.s32 $0xFFFFF000  }
0x4f: {  	[spmem:s2] =	stream.indirect.scatter.add.f32 [tilespmem:s26], [sflag:$0xF], $0x20, s31, s18, $0xb8;
	[tilespmem:$0x1DD40] =	vst v63  }
0x50: {  	_ =	swait.ge [sflag:s11], $0x1000  }
0x51: {  	[sflag:s11] =	ssyncset.done $0x0  }
0x52: {  	s0 =	simm.s32 $0x5280;
	[sflag:s11] =	ssyncadd.s32 $0xFFFFF000  }
0x53: {  	[spmem:s2] =	stream.indirect.scatter.add.f32 [tilespmem:s29], [sflag:$0x10], $0x20, s0, s18, $0xb8;
	[tilespmem:$0x1DD40] =	vst v63  }
0x54: {  	_ =	swait.ge [sflag:s23], $0x1000  }
0x55: {  	[sflag:s23] =	ssyncset.done $0x0  }
0x56: {  	s15 =	simm.s32 $0x5300;
	[sflag:s23] =	ssyncadd.s32 $0xFFFFF000  }
0x57: {  	[spmem:s2] =	stream.indirect.scatter.add.f32 [tilespmem:s28], [sflag:$0x11], $0x20, s15, s18, $0xb8;
	[tilespmem:$0x1DD40] =	vst v63  }
0x58: {  	_ =	swait.ge [sflag:s16], $0x1000  }
0x59: {  	[sflag:s16] =	ssyncset.done $0x0  }
0x5a: {  	s15 =	simm.s32 $0x11000;
	[sflag:s16] =	ssyncadd.s32 $0xFFFFF000;
	s16 =	simm.s32 $0x5380  }
0x5b: {  	[spmem:s2] =	stream.indirect.scatter.add.f32 [tilespmem:s15], [sflag:$0x12], $0x20, s16, s18, $0xb8;
	[tilespmem:$0x1DD40] =	vst v63  }
0x5c: {  	_ =	swait.ge [sflag:s5], $0x1000  }
0x5d: {  	[sflag:s5] =	ssyncset.done $0x0  }
0x5e: {  	s31 =	simm.s32 $0x5400;
	[sflag:s5] =	ssyncadd.s32 $0xFFFFF000  }
0x5f: {  	[spmem:s2] =	stream.indirect.scatter.add.f32 [tilespmem:s30], [sflag:$0x13], $0x20, s31, s18, $0xb8;
	[tilespmem:$0x1DD40] =	vst v63  }
0x60: {  	_ =	swait.ge [sflag:s6], $0x1000  }
0x61: {  	[sflag:s6] =	ssyncset.done $0x0  }
0x62: {  	s0 =	simm.s32 $0x5480;
	[sflag:s6] =	ssyncadd.s32 $0xFFFFF000  }
0x63: {  	[spmem:s2] =	stream.indirect.scatter.add.f32 [tilespmem:s1], [sflag:$0x14], $0x20, s0, s18, $0xb8;
	[tilespmem:$0x1DD40] =	vst v63  }
0x64: {  	s0 =	simm.s32 $0x0  }
0x65: {  	s16 =	smin.u32 s0, $0x95;
	_ =	swait.ge [sflag:s8], $0x1000  }
0x66: {  	[sflag:s8] =	ssyncset.done $0x0;
	s22 =	sshll.u32 s16, $0x7  }
0x67: {  	[sflag:s8] =	ssyncadd.s32 $0xFFFFF000;
	s22 =	sadd.s32 $0x500, s22  }
0x68: {  	[tilespmem:s21], [sflag:$0x1] =	stream.indirect.gather [spmem:s3], $0x20, s22, s18, $0xb8;
	[tilespmem:$0x1DD40] =	vst v63  }
0x69: {  	s31 =	smin.u32 s0, $0x94;
	_ =	swait.ge [sflag:s9], $0x1000  }
0x6a: {  	s22 =	sshll.u32 s31, $0x7;
	[sflag:s9] =	ssyncset.done $0x0  }
0x6b: {  	s22 =	sadd.s32 $0x580, s22;
	[sflag:s9] =	ssyncadd.s32 $0xFFFFF000  }
0x6c: {  	[tilespmem:s24], [sflag:$0x2] =	stream.indirect.gather [spmem:s3], $0x20, s22, s18, $0xb8;
	[tilespmem:$0x1DD40] =	vst v63  }
0x6d: {  	s1 =	smin.u32 s0, $0x93;
	_ =	swait.ge [sflag:s17], $0x1000  }
0x6e: {  	s22 =	sshll.u32 s1, $0x7;
	[sflag:s17] =	ssyncset.done $0x0  }
0x6f: {  	s22 =	sadd.s32 $0x600, s22;
	[sflag:s17] =	ssyncadd.s32 $0xFFFFF000  }
0x70: {  	[tilespmem:s25], [sflag:$0x3] =	stream.indirect.gather [spmem:s3], $0x20, s22, s18, $0xb8;
	[tilespmem:$0x1DD40] =	vst v63  }
0x71: {  	s16 =	smin.u32 s0, $0x92;
	_ =	swait.ge [sflag:s7], $0x1000  }
0x72: {  	s22 =	sshll.u32 s16, $0x7;
	[sflag:s7] =	ssyncset.done $0x0  }
0x73: {  	s22 =	sadd.s32 $0x680, s22;
	[sflag:s7] =	ssyncadd.s32 $0xFFFFF000  }
0x74: {  	[tilespmem:s14], [sflag:$0x4] =	stream.indirect.gather [spmem:s3], $0x20, s22, s18, $0xb8;
	[tilespmem:$0x1DD40] =	vst v63  }
0x75: {  	s21 =	smin.u32 s0, $0x91;
	_ =	swait.ge [sflag:s13], $0x1000  }
0x76: {  	s22 =	sshll.u32 s21, $0x7;
	[sflag:s13] =	ssyncset.done $0x0  }
0x77: {  	s22 =	sadd.s32 $0x700, s22;
	[sflag:s13] =	ssyncadd.s32 $0xFFFFF000  }
0x78: {  	[tilespmem:s26], [sflag:$0x5] =	stream.indirect.gather [spmem:s3], $0x20, s22, s18, $0xb8;
	[tilespmem:$0x1DD40] =	vst v63  }
0x79: {  	s24 =	smin.u32 s0, $0x90;
	_ =	swait.ge [sflag:s12], $0x1000  }
0x7a: {  	s22 =	sshll.u32 s24, $0x7;
	[sflag:s12] =	ssyncset.done $0x0  }
0x7b: {  	s22 =	sadd.s32 $0x780, s22;
	[sflag:s12] =	ssyncadd.s32 $0xFFFFF000  }
0x7c: {  	[tilespmem:s29], [sflag:$0x6] =	stream.indirect.gather [spmem:s3], $0x20, s22, s18, $0xb8;
	[tilespmem:$0x1DD40] =	vst v63  }
0x7d: {  	s25 =	smin.u32 s0, $0x8F;
	_ =	swait.ge [sflag:s4], $0x1000  }
0x7e: {  	s22 =	sshll.u32 s25, $0x7;
	[sflag:s4] =	ssyncset.done $0x0  }
0x7f: {  	s22 =	sadd.s32 $0x800, s22;
	[sflag:s4] =	ssyncadd.s32 $0xFFFFF000  }
0x80: {  	[tilespmem:s28], [sflag:$0x7] =	stream.indirect.gather [spmem:s3], $0x20, s22, s18, $0xb8;
	[tilespmem:$0x1DD40] =	vst v63  }
0x81: {  	s26 =	smin.u32 s0, $0x8E;
	_ =	swait.ge [sflag:s10], $0x1000  }
0x82: {  	s22 =	sshll.u32 s26, $0x7;
	[sflag:s10] =	ssyncset.done $0x0  }
0x83: {  	s22 =	sadd.s32 $0x880, s22;
	[sflag:s10] =	ssyncadd.s32 $0xFFFFF000  }
0x84: {  	[tilespmem:s15], [sflag:$0x8] =	stream.indirect.gather [spmem:s3], $0x20, s22, s18, $0xb8;
	[tilespmem:$0x1DD40] =	vst v63  }
0x85: {  	s28 =	smin.u32 s0, $0x8D;
	_ =	swait.ge [sflag:s19], $0x1000  }
0x86: {  	s29 =	simm.s32 $0x0;
	s22 =	sshll.u32 s28, $0x7;
	[sflag:s19] =	ssyncset.done $0x0  }
0x87: {  	s31 =	smin.u32 s29, $0x8C;
	s22 =	sadd.s32 $0x900, s22;
	[sflag:s19] =	ssyncadd.s32 $0xFFFFF000  }
0x88: {  	[tilespmem:s30], [sflag:$0x9] =	stream.indirect.gather [spmem:s3], $0x20, s22, s18, $0xb8;
	[tilespmem:$0x1DD40] =	vst v63  }
0x89: {  	s24 =	sshll.u32 s31, $0x7;
	_ =	swait.ge [sflag:s20], $0x1000  }
0x8a: {  	s26 =	sadd.s32 $0x980, s24;
	[sflag:s20] =	ssyncset.done $0x0  }
0x8b: {  	s24 =	simm.s32 $0xA;
	s22 =	simm.s32 $0x1400;
	[sflag:s20] =	ssyncadd.s32 $0xFFFFF000  }
.LBB2_2:
0x8c: {  	s1 =	simm.s32 $0x13000  }
0x8d: {  	[tilespmem:s1], [sflag:$0xA] =	stream.indirect.gather [spmem:s3], $0x20, s26, s18, $0xb8;
	[tilespmem:$0x1DD40] =	vst v63  }
0x8e: {  	s14 =	simm.s32 $0x1;
	s26 =	smov.u32 s22  }
0x8f: {  	p0 =	sne.s32 s22, $0x12C00;
	s22 =	sadd.s32 $0x1400, s22;
	_ =	swait.ge [sflag:s14], $0x1000  }
0x90: {  	s21 =	simm.s32 $0xA000;
	s26 =	sshra.s32 s26, $0x2;
	[sflag:s14] =	ssyncset.done $0x0  }
0x91: {  	s29 =	sadd.s32 $0x5000, s26;
	[sflag:s14] =	ssyncadd.s32 $0xFFFFF000;
	s14 =	simm.s32 $0x2  }
0x92: {  	[spmem:s2] =	stream.indirect.scatter.add.f32 [tilespmem:s21], [sflag:$0xB], $0x20, s29, s18, $0xb8;
	[tilespmem:$0x1DD40] =	vst v63  }
0x93: {  	_ =	swait.ge [sflag:s14], $0x1000  }
0x94: {  	s25 =	simm.s32 $0xB000;
	[sflag:s14] =	ssyncset.done $0x0  }
0x95: {  	s29 =	sadd.s32 $0x5080, s26;
	[sflag:s14] =	ssyncadd.s32 $0xFFFFF000;
	s14 =	simm.s32 $0x3  }
0x96: {  	[spmem:s2] =	stream.indirect.scatter.add.f32 [tilespmem:s25], [sflag:$0xC], $0x20, s29, s18, $0xb8;
	[tilespmem:$0x1DD40] =	vst v63  }
0x97: {  	_ =	swait.ge [sflag:s14], $0x1000  }
0x98: {  	s31 =	simm.s32 $0xC000;
	[sflag:s14] =	ssyncset.done $0x0  }
0x99: {  	s29 =	sadd.s32 $0x5100, s26;
	[sflag:s14] =	ssyncadd.s32 $0xFFFFF000;
	s14 =	simm.s32 $0x4  }
0x9a: {  	[spmem:s2] =	stream.indirect.scatter.add.f32 [tilespmem:s31], [sflag:$0xD], $0x20, s29, s18, $0xb8;
	[tilespmem:$0x1DD40] =	vst v63  }
0x9b: {  	_ =	swait.ge [sflag:s14], $0x1000  }
0x9c: {  	s0 =	simm.s32 $0x5;
	[sflag:s14] =	ssyncset.done $0x0  }
0x9d: {  	s29 =	sadd.s32 $0x5180, s26;
	[sflag:s14] =	ssyncadd.s32 $0xFFFFF000;
	s14 =	simm.s32 $0xD000  }
0x9e: {  	[spmem:s2] =	stream.indirect.scatter.add.f32 [tilespmem:s14], [sflag:$0xE], $0x20, s29, s18, $0xb8;
	[tilespmem:$0x1DD40] =	vst v63  }
0x9f: {  	_ =	swait.ge [sflag:s0], $0x1000  }
0xa0: {  	[sflag:s0] =	ssyncset.done $0x0  }
0xa1: {  	s15 =	simm.s32 $0xE000;
	s29 =	sadd.s32 $0x5200, s26;
	[sflag:s0] =	ssyncadd.s32 $0xFFFFF000  }
0xa2: {  	[spmem:s2] =	stream.indirect.scatter.add.f32 [tilespmem:s15], [sflag:$0xF], $0x20, s29, s18, $0xb8;
	[tilespmem:$0x1DD40] =	vst v63  }
0xa3: {  	_ =	swait.ge [sflag:s11], $0x1000  }
0xa4: {  	[sflag:s11] =	ssyncset.done $0x0  }
0xa5: {  	s16 =	simm.s32 $0xF000;
	s29 =	sadd.s32 $0x5280, s26;
	[sflag:s11] =	ssyncadd.s32 $0xFFFFF000  }
0xa6: {  	[spmem:s2] =	stream.indirect.scatter.add.f32 [tilespmem:s16], [sflag:$0x10], $0x20, s29, s18, $0xb8;
	[tilespmem:$0x1DD40] =	vst v63  }
0xa7: {  	_ =	swait.ge [sflag:s23], $0x1000  }
0xa8: {  	[sflag:s23] =	ssyncset.done $0x0  }
0xa9: {  	s28 =	simm.s32 $0x10000;
	s29 =	sadd.s32 $0x5300, s26;
	[sflag:s23] =	ssyncadd.s32 $0xFFFFF000  }
0xaa: {  	[spmem:s2] =	stream.indirect.scatter.add.f32 [tilespmem:s28], [sflag:$0x11], $0x20, s29, s18, $0xb8;
	[tilespmem:$0x1DD40] =	vst v63  }
0xab: {  	s29 =	simm.s32 $0x8  }
0xac: {  	_ =	swait.ge [sflag:s29], $0x1000  }
0xad: {  	[sflag:s29] =	ssyncset.done $0x0  }
0xae: {  	s30 =	simm.s32 $0x11000;
	[sflag:s29] =	ssyncadd.s32 $0xFFFFF000;
	s29 =	sadd.s32 $0x5380, s26  }
0xaf: {  	[spmem:s2] =	stream.indirect.scatter.add.f32 [tilespmem:s30], [sflag:$0x12], $0x20, s29, s18, $0xb8;
	[tilespmem:$0x1DD40] =	vst v63  }
0xb0: {  	_ =	swait.ge [sflag:s5], $0x1000  }
0xb1: {  	[sflag:s5] =	ssyncset.done $0x0  }
0xb2: {  	s0 =	simm.s32 $0x12000;
	s29 =	sadd.s32 $0x5400, s26;
	[sflag:s5] =	ssyncadd.s32 $0xFFFFF000  }
0xb3: {  	[spmem:s2] =	stream.indirect.scatter.add.f32 [tilespmem:s0], [sflag:$0x13], $0x20, s29, s18, $0xb8;
	[tilespmem:$0x1DD40] =	vst v63  }
0xb4: {  	_ =	swait.ge [sflag:s6], $0x1000  }
0xb5: {  	[sflag:s6] =	ssyncset.done $0x0  }
0xb6: {  	s26 =	sadd.s32 $0x5480, s26;
	s29 =	simm.s32 $0x13000;
	[sflag:s6] =	ssyncadd.s32 $0xFFFFF000  }
0xb7: {  	[spmem:s2] =	stream.indirect.scatter.add.f32 [tilespmem:s1], [sflag:$0x14], $0x20, s26, s18, $0xb8;
	[tilespmem:$0x1DD40] =	vst v63  }
0xb8: {  	s26 =	smin.u32 s24, $0x95;
	_ =	swait.ge [sflag:s8], $0x1000  }
0xb9: {  	s26 =	sshll.u32 s26, $0x7;
	[sflag:s8] =	ssyncset.done $0x0  }
0xba: {  	s26 =	sadd.s32 $0x500, s26;
	[sflag:s8] =	ssyncadd.s32 $0xFFFFF000  }
0xbb: {  	[tilespmem:s21], [sflag:$0x1] =	stream.indirect.gather [spmem:s3], $0x20, s26, s18, $0xb8;
	[tilespmem:$0x1DD40] =	vst v63  }
0xbc: {  	s26 =	smin.u32 s24, $0x94;
	_ =	swait.ge [sflag:s9], $0x1000  }
0xbd: {  	s26 =	sshll.u32 s26, $0x7;
	[sflag:s9] =	ssyncset.done $0x0  }
0xbe: {  	s26 =	sadd.s32 $0x580, s26;
	[sflag:s9] =	ssyncadd.s32 $0xFFFFF000  }
0xbf: {  	[tilespmem:s25], [sflag:$0x2] =	stream.indirect.gather [spmem:s3], $0x20, s26, s18, $0xb8;
	[tilespmem:$0x1DD40] =	vst v63  }
0xc0: {  	s26 =	smin.u32 s24, $0x93;
	_ =	swait.ge [sflag:s17], $0x1000  }
0xc1: {  	s26 =	sshll.u32 s26, $0x7;
	[sflag:s17] =	ssyncset.done $0x0  }
0xc2: {  	s26 =	sadd.s32 $0x600, s26;
	[sflag:s17] =	ssyncadd.s32 $0xFFFFF000  }
0xc3: {  	[tilespmem:s31], [sflag:$0x3] =	stream.indirect.gather [spmem:s3], $0x20, s26, s18, $0xb8;
	[tilespmem:$0x1DD40] =	vst v63  }
0xc4: {  	s26 =	smin.u32 s24, $0x92;
	_ =	swait.ge [sflag:s7], $0x1000  }
0xc5: {  	s26 =	sshll.u32 s26, $0x7;
	[sflag:s7] =	ssyncset.done $0x0  }
0xc6: {  	s26 =	sadd.s32 $0x680, s26;
	[sflag:s7] =	ssyncadd.s32 $0xFFFFF000  }
0xc7: {  	[tilespmem:s14], [sflag:$0x4] =	stream.indirect.gather [spmem:s3], $0x20, s26, s18, $0xb8;
	[tilespmem:$0x1DD40] =	vst v63  }
0xc8: {  	s26 =	smin.u32 s24, $0x91;
	_ =	swait.ge [sflag:s13], $0x1000  }
0xc9: {  	s26 =	sshll.u32 s26, $0x7;
	[sflag:s13] =	ssyncset.done $0x0  }
0xca: {  	s26 =	sadd.s32 $0x700, s26;
	[sflag:s13] =	ssyncadd.s32 $0xFFFFF000  }
0xcb: {  	[tilespmem:s15], [sflag:$0x5] =	stream.indirect.gather [spmem:s3], $0x20, s26, s18, $0xb8;
	[tilespmem:$0x1DD40] =	vst v63  }
0xcc: {  	s26 =	smin.u32 s24, $0x90;
	_ =	swait.ge [sflag:s12], $0x1000  }
0xcd: {  	s26 =	sshll.u32 s26, $0x7;
	[sflag:s12] =	ssyncset.done $0x0  }
0xce: {  	s26 =	sadd.s32 $0x780, s26;
	[sflag:s12] =	ssyncadd.s32 $0xFFFFF000  }
0xcf: {  	[tilespmem:s16], [sflag:$0x6] =	stream.indirect.gather [spmem:s3], $0x20, s26, s18, $0xb8;
	[tilespmem:$0x1DD40] =	vst v63  }
0xd0: {  	s26 =	smin.u32 s24, $0x8F;
	_ =	swait.ge [sflag:s4], $0x1000  }
0xd1: {  	s26 =	sshll.u32 s26, $0x7;
	[sflag:s4] =	ssyncset.done $0x0  }
0xd2: {  	s26 =	sadd.s32 $0x800, s26;
	[sflag:s4] =	ssyncadd.s32 $0xFFFFF000  }
0xd3: {  	[tilespmem:s28], [sflag:$0x7] =	stream.indirect.gather [spmem:s3], $0x20, s26, s18, $0xb8;
	[tilespmem:$0x1DD40] =	vst v63  }
0xd4: {  	s26 =	smin.u32 s24, $0x8E;
	_ =	swait.ge [sflag:s10], $0x1000  }
0xd5: {  	s26 =	sshll.u32 s26, $0x7;
	[sflag:s10] =	ssyncset.done $0x0  }
0xd6: {  	s26 =	sadd.s32 $0x880, s26;
	[sflag:s10] =	ssyncadd.s32 $0xFFFFF000  }
0xd7: {  	[tilespmem:s30], [sflag:$0x8] =	stream.indirect.gather [spmem:s3], $0x20, s26, s18, $0xb8;
	[tilespmem:$0x1DD40] =	vst v63  }
0xd8: {  	s26 =	smin.u32 s24, $0x8D;
	_ =	swait.ge [sflag:s19], $0x1000  }
0xd9: {  	s26 =	sshll.u32 s26, $0x7;
	[sflag:s19] =	ssyncset.done $0x0  }
.Ltmp0:
0xda: {  	s26 =	sadd.s32 $0x900, s26;
	[sflag:s19] =	ssyncadd.s32 $0xFFFFF000;
	(pc) =	sbr.rel @p0 .LBB2_2-.Ltmp0, $4  }
0xdb: {  	[tilespmem:s0], [sflag:$0x9] =	stream.indirect.gather [spmem:s3], $0x20, s26, s18, $0xb8;
	[tilespmem:$0x1DD40] =	vst v63  }
0xdc: {  	s26 =	smin.u32 s24, $0x8C;
	_ =	swait.ge [sflag:s20], $0x1000  }
0xdd: {  	s26 =	sshll.u32 s26, $0x7;
	[sflag:s20] =	ssyncset.done $0x0  }
0xde: {  	s24 =	sadd.s32 $0xA, s24;
	s26 =	sadd.s32 $0x980, s26;
	[sflag:s20] =	ssyncadd.s32 $0xFFFFF000  }
0xdf: {  	[tilespmem:s29], [sflag:$0xA] =	stream.indirect.gather [spmem:s3], $0x20, s26, s18, $0xb8;
	[tilespmem:$0x1DD40] =	vst v63  }
0xe0: {  	s1 =	simm.s32 $0x1  }
0xe1: {  	_ =	swait.ge [sflag:s1], $0x1000  }
0xe2: {  	[sflag:s1] =	ssyncset.done $0x0  }
0xe3: {  	s14 =	simm.s32 $0x2;
	[sflag:s1] =	ssyncadd.s32 $0xFFFFF000  }
0xe4: {  	_ =	swait.ge [sflag:s14], $0x1000  }
0xe5: {  	[sflag:s14] =	ssyncset.done $0x0  }
0xe6: {  	s26 =	simm.s32 $0x3;
	[sflag:s14] =	ssyncadd.s32 $0xFFFFF000  }
0xe7: {  	_ =	swait.ge [sflag:s26], $0x1000  }
0xe8: {  	[sflag:s26] =	ssyncset.done $0x0  }
0xe9: {  	s28 =	simm.s32 $0x4;
	[sflag:s26] =	ssyncadd.s32 $0xFFFFF000  }
0xea: {  	_ =	swait.ge [sflag:s28], $0x1000  }
0xeb: {  	[sflag:s28] =	ssyncset.done $0x0  }
0xec: {  	s0 =	simm.s32 $0x5;
	[sflag:s28] =	ssyncadd.s32 $0xFFFFF000  }
0xed: {  	_ =	swait.ge [sflag:s0], $0x1000  }
0xee: {  	[sflag:s0] =	ssyncset.done $0x0  }
0xef: {  	[sflag:s0] =	ssyncadd.s32 $0xFFFFF000  }
0xf0: {  	_ =	swait.ge [sflag:s11], $0x1000  }
0xf1: {  	[sflag:s11] =	ssyncset.done $0x0  }
0xf2: {  	[sflag:s11] =	ssyncadd.s32 $0xFFFFF000  }
0xf3: {  	_ =	swait.ge [sflag:s23], $0x1000  }
0xf4: {  	[sflag:s23] =	ssyncset.done $0x0  }
0xf5: {  	s15 =	simm.s32 $0x8;
	[sflag:s23] =	ssyncadd.s32 $0xFFFFF000  }
0xf6: {  	_ =	swait.ge [sflag:s15], $0x1000  }
0xf7: {  	[sflag:s15] =	ssyncset.done $0x0  }
0xf8: {  	[sflag:s15] =	ssyncadd.s32 $0xFFFFF000  }
0xf9: {  	_ =	swait.ge [sflag:s5], $0x1000  }
0xfa: {  	[sflag:s5] =	ssyncset.done $0x0  }
0xfb: {  	[sflag:s5] =	ssyncadd.s32 $0xFFFFF000  }
0xfc: {  	_ =	swait.ge [sflag:s6], $0x1000  }
0xfd: {  	[sflag:s6] =	ssyncset.done $0x0  }
0xfe: {  	[sflag:s6] =	ssyncadd.s32 $0xFFFFF000  }
0xff: {  	[bflag:$0x0] =	sbarrier.arrive $0xFFFF  }
0x100: {  	s22 =	rddreg [dreg:$0x7]  }
0x101: {  	s24 =	rddreg [dreg:$0x9]  }
0x102: {  	s26 =	simm.s32 $0x15;
	s29 =	rddreg [dreg:$0xa]  }
0x103: {  	[hbm:s22@s15], [sflag:s24] =	dma.strided [spmem:s29@s28], $0x9E0, s1, $0x4   }
0x104: {  	_ =	swait.ge [sflag:s26], $0x9E0  }
0x105: {  	s30 =	rddreg [dreg:$0xc]  }
0x106: {  	s31 =	rddreg [dreg:$0x8];
	s1 =	sadd.s32 $0x1, s30  }
0x107: {  	p0 =	sne.s32 s1, s31  }
.Ltmp1:
0x108: {  	_ = 	snop;
	(pc) =	sbr.rel @p0 .LBB2_1-.Ltmp1, $3  }
0x109: {  	_ =	sdelay $0x1  }
0x10a: {  	[sflag:s26] =	ssyncset.done $0x0  }
0x10b: {  	[sflag:s26] =	ssyncadd.s32 $0xFFFFF620  }
0x10c: {  	_ =	sfence.sel $0x180000  }
0x10d: {  	[bflag:$0x0] =	sbarrier.arrive $0xFFFF  }
0x10e: {  	_ =	strace $0x90000050  }
0x10f: {  	s0 =	stileid.u32;
	[bflag:$0x2] =	sbarrier.arrive $0xFFFF  }
0x110: {  	p0 =	sne.s32 s0, $0x0;
	s0 =	rddreg [dreg:$0x3]  }
0x111: {  	s0 =	sadd.s32 @!p0 $0x100000, s0  }
0x112: {  	[sflag:s0] =	ssyncadd.tile.s32 @!p0 $0x1;
	_ =	shalt  }
.Lfunc_end2:
_tile_overlayer_lowered:
.L_overlay_start_2:
0x113: {  	(tag) =	ssettag $0x2  }
0x114: {  	s0 =	rddreg [dreg:$0x0];
	s2 =	stileid.u32  }
0x115: {  	s1 =	rddreg [dreg:$0x1];
	p0 =	sne.s32 s2, $0x0  }
0x116: {  	s3 =	rddreg [dreg:$0x2];
	[bflag:$0x3] =	sbarrier.arrive $0xFFFF;
	s2 =	simm.s32 @!p0 $0x1C15  }
0x117: {  	[timem:s3], [sflag:s2] =	dma.local @!p0 [hbm:s0], s1  }
0x118: {  	s0 =	simm.s32 @!p0 $0x15  }
0x119: {  	_ =	swait.ge @!p0 [sflag:s0], s1  }
0x11a: {  	s1 =	ssub.s32 @!p0 $0x0, s1;
	[sflag:s0] =	ssyncset.done @!p0 $0x0  }
0x11b: {  	[sflag:s0] =	ssyncadd.s32 @!p0 s1  }
0x11c: {  	[bflag:$0x3] =	sbarrier.arrive $0xFFFF  }
0x11d: {  	_ =	shalt  }

</sc_bundles>
